<compile_context>
chip_gen: v7x
topology: tpu7x:2x2x1
jax: 0.10.2.dev20260603
libtpu: 0.0.44.dev20260713+nightly
codegen_flags: <defaults>
</compile_context>

<pallas_src>
import functools

import jax
import jax.numpy as jnp
from jax import lax
from jax.experimental import pallas as pl
from jax.experimental.pallas import tpu as pltpu
from jax.experimental.pallas import tpu_sc as plsc

N = 10000
E = 320000
D = 128
H = 128
O = 64
L = 3

N_PAD = 10240
SINK = N_PAD - 1
N_TILES = 16
CHUNK = 128
TOT_CHUNKS = E // CHUNK
N_CHUNKS = -(-TOT_CHUNKS // N_TILES)
SLICE = N_PAD // N_TILES

XBLK = 1000
N_XBLK = N // XBLK


def _sc_body(ei0, ei1, u_hbm, src_v, dst_v, vals_v, ones_v, zeros_v,
             tmp_v, dinv_v, r_v, r_s, acc_s, sem_g, sem_s):
    c = lax.axis_index("c")
    s = lax.axis_index("s")
    off = s * SLICE
    nc = N_CHUNKS

    for i in range(CHUNK // 16):
        ones_v[pl.ds(i * 16, 16)] = jnp.full((16,), 1.0, jnp.float32)
    for i in range(SLICE // 16):
        zeros_v[pl.ds(i * 16, 16)] = jnp.zeros((16,), jnp.float32)

    def load_slabs(ei):
        pltpu.sync_copy(ei.at[0, s], src_v)
        pltpu.sync_copy(ei.at[1, s], dst_v)

    @pl.when(c == 0)
    def _():
        load_slabs(ei0)

    @pl.when(c == 1)
    def _():
        load_slabs(ei1)

    pltpu.sync_copy(zeros_v, acc_s.at[pl.ds(off, SLICE)])
    plsc.subcore_barrier()

    def fire_deg(j, carry):
        pltpu.async_copy(ones_v, acc_s.at[dst_v.at[j]], sem_s, add=True)
        return carry

    def drain_deg(j, carry):
        pltpu.make_async_copy(ones_v, acc_s.at[dst_v.at[j]], sem_s).wait()
        return carry

    lax.fori_loop(0, nc, fire_deg, 0)
    lax.fori_loop(0, nc, drain_deg, 0)
    plsc.subcore_barrier()

    pltpu.sync_copy(acc_s.at[pl.ds(off, SLICE)], tmp_v)
    for i in range(SLICE // 16):
        sl = pl.ds(i * 16, 16)
        deg = tmp_v[sl]
        dinv = 1.0 / jnp.maximum(deg, 1.0)
        dinv_v[sl] = dinv
        gidx = off + i * 16 + lax.iota(jnp.int32, 16)
        u0 = jnp.where(gidx < N, 1.0, 0.0).astype(jnp.float32)
        tmp_v[sl] = u0
        r_v[sl] = u0 * dinv
    pltpu.sync_copy(tmp_v, u_hbm.at[c, 0, pl.ds(off, SLICE)])
    pltpu.sync_copy(r_v, r_s.at[pl.ds(off, SLICE)])
    pltpu.sync_copy(zeros_v, acc_s.at[pl.ds(off, SLICE)])
    plsc.subcore_barrier()

    for p in (1, 2, 3):
        def fire_g(j, carry):
            pltpu.async_copy(r_s.at[dst_v.at[j]], vals_v.at[j], sem_g)
            return carry

        def drain_g(j, carry):
            pltpu.make_async_copy(r_s.at[dst_v.at[j]], vals_v.at[j], sem_g).wait()
            return carry

        def fire_s(j, carry):
            pltpu.async_copy(vals_v.at[j], acc_s.at[src_v.at[j]], sem_s, add=True)
            return carry

        def drain_s(j, carry):
            pltpu.make_async_copy(vals_v.at[j], acc_s.at[src_v.at[j]], sem_s).wait()
            return carry

        lax.fori_loop(0, nc, fire_g, 0)
        lax.fori_loop(0, nc, drain_g, 0)
        lax.fori_loop(0, nc, fire_s, 0)
        lax.fori_loop(0, nc, drain_s, 0)
        plsc.subcore_barrier()

        pltpu.sync_copy(acc_s.at[pl.ds(off, SLICE)], tmp_v)
        pltpu.sync_copy(tmp_v, u_hbm.at[c, p, pl.ds(off, SLICE)])
        if p < 3:
            for i in range(SLICE // 16):
                sl = pl.ds(i * 16, 16)
                r_v[sl] = tmp_v[sl] * dinv_v[sl]
            pltpu.sync_copy(r_v, r_s.at[pl.ds(off, SLICE)])
            pltpu.sync_copy(zeros_v, acc_s.at[pl.ds(off, SLICE)])
            plsc.subcore_barrier()


@functools.cache
def _sc_adjoint():
    return pl.kernel(
        _sc_body,
        out_type=jax.ShapeDtypeStruct((2, 8, N_PAD), jnp.float32),
        mesh=plsc.VectorSubcoreMesh(core_axis_name="c", subcore_axis_name="s"),
        scratch_types=[
            pltpu.VMEM((N_CHUNKS, CHUNK), jnp.int32),
            pltpu.VMEM((N_CHUNKS, CHUNK), jnp.int32),
            pltpu.VMEM((N_CHUNKS, CHUNK), jnp.float32),
            pltpu.VMEM((CHUNK,), jnp.float32),
            pltpu.VMEM((SLICE,), jnp.float32),
            pltpu.VMEM((SLICE,), jnp.float32),
            pltpu.VMEM((SLICE,), jnp.float32),
            pltpu.VMEM((SLICE,), jnp.float32),
            pltpu.VMEM_SHARED((N_PAD,), jnp.float32),
            pltpu.VMEM_SHARED((N_PAD,), jnp.float32),
            pltpu.SemaphoreType.DMA,
            pltpu.SemaphoreType.DMA,
        ],
    )


def _rbf_body(x0_ref, x1_ref, wr0_ref, wr1_ref, br0_ref, br1_ref,
              h0_ref, h1_ref):
    scale = jnp.float32(jnp.sqrt(2.0 / H))
    h0_ref[...] = jnp.cos(jnp.dot(x0_ref[...], wr0_ref[...],
                                  preferred_element_type=jnp.float32,
                                  precision=lax.Precision.DEFAULT)
                          + br0_ref[...]) * scale
    h1_ref[...] = jnp.cos(jnp.dot(x1_ref[...], wr1_ref[...],
                                  preferred_element_type=jnp.float32,
                                  precision=lax.Precision.DEFAULT)
                          + br1_ref[...]) * scale


def _full(shape):
    return pl.BlockSpec(shape, lambda b: tuple(0 for _ in shape))


_tc_rbf = pl.pallas_call(
    _rbf_body,
    grid=(N_XBLK,),
    in_specs=[
        pl.BlockSpec((XBLK, D), lambda b: (b, 0)),
        pl.BlockSpec((XBLK, D), lambda b: (b, 0)),
        _full((D, H)), _full((D, H)),
        _full((1, H)), _full((1, H)),
    ],
    out_specs=[
        pl.BlockSpec((XBLK, H), lambda b: (b, 0)),
        pl.BlockSpec((XBLK, H), lambda b: (b, 0)),
    ],
    out_shape=[
        jax.ShapeDtypeStruct((N, H), jnp.float32),
        jax.ShapeDtypeStruct((N, H), jnp.float32),
    ],
)


def _head_body(h0_ref, h1_ref, u_ref,
               ws0_ref, wn0_ref, bc0_ref, ws1_ref, wn1_ref, bc1_ref,
               wfc_ref, bfc_ref, wout_ref, bout_ref, wreadt_ref, bread_ref,
               out_ref):
    zpad = jnp.zeros((N_PAD - N, H), jnp.float32)

    def moments(h_ref, g):
        hp = jnp.concatenate([h_ref[...], zpad], axis=0)
        u = u_ref[g]
        m = jnp.dot(u, hp, preferred_element_type=jnp.float32, precision=lax.Precision.HIGHEST)
        s = jnp.broadcast_to(jnp.sum(u, axis=1, keepdims=True), (8, H))
        return m, s

    m0, s0 = moments(h0_ref, 0)
    m1, s1 = moments(h1_ref, 1)

    def recurse(m, s, ws_ref, wn_ref, bc_ref):
        q = [m[k:k + 1, :] for k in range(L + 1)]
        sr = [s[k:k + 1, :] for k in range(L + 1)]
        for i in range(L):
            q = [jnp.dot(q[k], ws_ref[i], preferred_element_type=jnp.float32, precision=lax.Precision.HIGHEST)
                 + jnp.dot(q[k + 1], wn_ref[i], preferred_element_type=jnp.float32, precision=lax.Precision.HIGHEST)
                 + sr[k] * bc_ref[i]
                 for k in range(L - i)]
        return q[0]

    inv_n = jnp.float32(1.0 / N)
    y2 = recurse(m0, s0, ws0_ref, wn0_ref, bc0_ref) * inv_n
    y1 = recurse(m1, s1, ws1_ref, wn1_ref, bc1_ref) * inv_n
    y = jnp.concatenate([y2, y1], axis=1)
    h = jnp.dot(y, wfc_ref[...], preferred_element_type=jnp.float32,
                precision=lax.Precision.DEFAULT) + bfc_ref[...]
    h = jnp.maximum(h, 0.0)
    g = jnp.dot(h, wout_ref[...], preferred_element_type=jnp.float32,
                precision=lax.Precision.DEFAULT) + bout_ref[...]
    g = jnp.where(g > 0, g, 0.01 * g)
    o = jnp.sum(g * wreadt_ref[...], axis=1, keepdims=True) + bread_ref[...]
    out_ref[...] = jnp.broadcast_to(o, (1, H))


_tc_head = pl.pallas_call(
    _head_body,
    out_shape=jax.ShapeDtypeStruct((1, H), jnp.float32),
)


def kernel(x0, x1, edge_index0, edge_index1, W_rbf0, b_rbf0, W_rbf1, b_rbf1,
           Wself1, Wneigh1, bconv1, Wself2, Wneigh2, bconv2,
           W_fc1, b_fc1, W_out, b_out, W_read, b_read):
    def prep(ei):
        a = jnp.pad(ei, ((0, 0), (0, (N_TILES * N_CHUNKS - TOT_CHUNKS) * CHUNK)),
                    constant_values=SINK)
        return a.reshape(2, N_TILES, N_CHUNKS, CHUNK)

    U = _sc_adjoint()(prep(edge_index0), prep(edge_index1))
    h0, h1 = _tc_rbf(x0, x1, W_rbf0, W_rbf1,
                     b_rbf0.reshape(1, H), b_rbf1.reshape(1, H))

    out = _tc_head(
        h0, h1, U,
        Wself2, Wneigh2, bconv2.reshape(L, 1, H),
        Wself1, Wneigh1, bconv1.reshape(L, 1, H),
        W_fc1, b_fc1.reshape(1, H), W_out, b_out.reshape(1, O),
        W_read.reshape(1, O), b_read.reshape(1, 1),
    )
    return out[0, 0:1]

# --- scband reference (transcript-rebuilt; emitter-appended) ---
"""Pipeline reference for scband-sage-78151224918249 (READ-ONLY COPY).

The authoritative reference and input builder live on the scoring server;
editing this copy changes nothing except your own understanding.
"""

import jax, jax.numpy as jnp
import numpy as np

N = 10000
E = 320000
D = 128
H = 128
O = 64
L = 3
GAMMA = 0.1


def setup_inputs(seed: int = 0) -> dict:
    key = jax.random.key(seed)
    ks = jax.random.split(key, 20)
    inp = {}
    inp['x0'] = jax.random.normal(ks[0], (N, D), dtype=jnp.float32)
    inp['x1'] = jax.random.normal(ks[1], (N, D), dtype=jnp.float32)
    inp['edge_index0'] = jax.random.randint(ks[2], (2, E), 0, N, dtype=jnp.int32)
    inp['edge_index1'] = jax.random.randint(ks[3], (2, E), 0, N, dtype=jnp.int32)
    # RBFSampler random projections (fixed, non-learned but materialized):
    # random_weights_ = sqrt(2*gamma) * N(0,1), random_offset_ = U(0, 2pi)
    inp['W_rbf0'] = np.sqrt(2.0 * GAMMA) * jax.random.normal(ks[4], (D, H), dtype=jnp.float32)
    inp['b_rbf0'] = jax.random.uniform(ks[5], (H,), minval=0.0, maxval=2.0 * np.pi, dtype=jnp.float32)
    inp['W_rbf1'] = np.sqrt(2.0 * GAMMA) * jax.random.normal(ks[6], (D, H), dtype=jnp.float32)
    inp['b_rbf1'] = jax.random.uniform(ks[7], (H,), minval=0.0, maxval=2.0 * np.pi, dtype=jnp.float32)
    # SAGEConv (mean aggregator) weights, stacked over layers: path 1 (g1), path 2 (g0)
    inp['Wself1'] = 0.05 * jax.random.normal(ks[8], (L, H, H), dtype=jnp.float32)
    inp['Wneigh1'] = 0.05 * jax.random.normal(ks[9], (L, H, H), dtype=jnp.float32)
    inp['bconv1'] = jnp.zeros((L, H), dtype=jnp.float32)
    inp['Wself2'] = 0.05 * jax.random.normal(ks[10], (L, H, H), dtype=jnp.float32)
    inp['Wneigh2'] = 0.05 * jax.random.normal(ks[11], (L, H, H), dtype=jnp.float32)
    inp['bconv2'] = jnp.zeros((L, H), dtype=jnp.float32)
    # MLP head
    inp['W_fc1'] = 0.05 * jax.random.normal(ks[12], (2 * H, H), dtype=jnp.float32)
    inp['b_fc1'] = jnp.zeros((H,), dtype=jnp.float32)
    inp['W_out'] = 0.05 * jax.random.normal(ks[13], (H, O), dtype=jnp.float32)
    inp['b_out'] = jnp.zeros((O,), dtype=jnp.float32)
    inp['W_read'] = 0.05 * jax.random.normal(ks[14], (O, 1), dtype=jnp.float32)
    inp['b_read'] = jnp.zeros((1,), dtype=jnp.float32)
    return inp


def rbf_map(x, W, b):
    # sklearn RBFSampler.transform: cos(X @ W + b) * sqrt(2 / n_components)
    return jnp.cos(x @ W + b) * jnp.sqrt(2.0 / H)


def sage_conv(x, src, dst, W_self, W_neigh, b):
    # DGL SAGEConv with aggregator_type='mean':
    # h_neigh = mean over incoming edges of src features; out = x @ W_self + h_neigh @ W_neigh + b
    msg = jnp.take(x, src, axis=0)
    agg = jax.ops.segment_sum(msg, dst, num_segments=N)
    deg = jax.ops.segment_sum(jnp.ones((src.shape[0],), dtype=x.dtype), dst, num_segments=N)
    agg = agg / jnp.clip(deg, 1.0, None)[:, None]
    return x @ W_self + agg @ W_neigh + b


def reference(x0, x1, edge_index0, edge_index1, W_rbf0, b_rbf0, W_rbf1, b_rbf1, Wself1, Wneigh1, bconv1, Wself2, Wneigh2, bconv2, W_fc1, b_fc1, W_out, b_out, W_read, b_read):
    # Path 1: graph g1 -> node_rbf_layer_1_path -> graphsage_1_layers
    h1 = rbf_map(x1, W_rbf1, b_rbf1)
    for i in range(L):
        h1 = sage_conv(h1, edge_index1[0], edge_index1[1], Wself1[i], Wneigh1[i], bconv1[i])
    y1 = h1
    # Path 2: graph g0 -> node_rbf_layer -> graphsage_2_layers
    h0 = rbf_map(x0, W_rbf0, b_rbf0)
    for i in range(L):
        h0 = sage_conv(h0, edge_index0[0], edge_index0[1], Wself2[i], Wneigh2[i], bconv2[i])
    y2 = h0
    # adaptive_avg_pool1d over nodes -> mean over node axis
    y2_pooled = jnp.mean(y2, axis=0)
    y1_pooled = jnp.mean(y1, axis=0)
    y = jnp.concatenate([y2_pooled, y1_pooled], axis=0)
    h = y @ W_fc1 + b_fc1
    h = jax.nn.relu(h)
    # dropout: identity in eval/deterministic reference
    h = h @ W_out + b_out
    h = jnp.where(h > 0, h, 0.01 * h)  # LeakyReLU
    out = h @ W_read + b_read
    return out

if __name__ == "__main__":
    import jax
    _d = setup_inputs()
    print(jax.jit(kernel)(*tuple(_d.values())))

</pallas_src>

<mosaic_0001>
#map = affine_map<(d0, d1) -> (0, 0, 0, 0)>
#map1 = affine_map<(d0, d1) -> (0, 0, 0)>
module attributes {stable_mosaic.version = 14 : i64} {
  func.func @_sc_body(%arg0: i32, %arg1: i32, %arg2: memref<2x16x157x128xi32, #tpu.memory_space<hbm>>, %arg3: memref<2x16x157x128xi32, #tpu.memory_space<hbm>>, %arg4: memref<2x8x10240xf32, #tpu.memory_space<hbm>>, %arg5: memref<157x128xi32, #tpu.memory_space<vmem>>, %arg6: memref<157x128xi32, #tpu.memory_space<vmem>>, %arg7: memref<157x128xf32, #tpu.memory_space<vmem>>, %arg8: memref<128xf32, #tpu.memory_space<vmem>>, %arg9: memref<640xf32, #tpu.memory_space<vmem>>, %arg10: memref<640xf32, #tpu.memory_space<vmem>>, %arg11: memref<640xf32, #tpu.memory_space<vmem>>, %arg12: memref<640xf32, #tpu.memory_space<vmem>>, %arg13: memref<10240xf32, #tpu.memory_space<vmem_shared>>, %arg14: memref<10240xf32, #tpu.memory_space<vmem_shared>>, %arg15: memref<!tpu.dma_semaphore, #tpu.memory_space<semaphore_mem>>, %arg16: memref<!tpu.dma_semaphore, #tpu.memory_space<semaphore_mem>>) attributes {dimension_semantics = [#tpu.dimension_semantics<core_parallel>, #tpu.dimension_semantics<subcore_parallel>], iteration_bounds = array<i64: 2, 16>, scalar_prefetch = 0 : i64, scratch_operands = 12 : i64, tpu.core_type = #tpu.core_type<sc_vector_subcore>, window_params = [{transform_indices = #map}, {transform_indices = #map}, {transform_indices = #map1}]} {
    %mul3A = arith.constant 640 : i32
    %mul3A_0 = arith.muli %arg1, %mul3A : i32
    %broadcast_in_dim3A = arith.constant 1.000000e+00 : f32
    %broadcast_in_dim3A_1 = vector.broadcast %broadcast_in_dim3A : f32 to vector<16xf32>
    %swap3A = arith.constant 0 : index
    %swap3A_2 = tpu.vector_load %arg8[%swap3A] {strides = array<i32>} : memref<128xf32, #tpu.memory_space<vmem>>, vector<16xf32>,
    %swap3A_3 = vector.shape_cast %swap3A_2 : vector<16xf32> to vector<16xf32>
    %swap3A_4 = vector.shape_cast %broadcast_in_dim3A_1 : vector<16xf32> to vector<16xf32>
    tpu.vector_store %arg8[%swap3A], %swap3A_4 {strides = array<i32>} : memref<128xf32, #tpu.memory_space<vmem>>, vector<16xf32>,
    %broadcast_in_dim3A_5 = arith.constant 1.000000e+00 : f32
    %broadcast_in_dim3A_6 = vector.broadcast %broadcast_in_dim3A_5 : f32 to vector<16xf32>
    %swap3A_7 = arith.constant 16 : index
    %swap3A_8 = tpu.vector_load %arg8[%swap3A_7] {strides = array<i32>} : memref<128xf32, #tpu.memory_space<vmem>>, vector<16xf32>,
    %swap3A_9 = vector.shape_cast %swap3A_8 : vector<16xf32> to vector<16xf32>
    %swap3A_10 = vector.shape_cast %broadcast_in_dim3A_6 : vector<16xf32> to vector<16xf32>
    tpu.vector_store %arg8[%swap3A_7], %swap3A_10 {strides = array<i32>} : memref<128xf32, #tpu.memory_space<vmem>>, vector<16xf32>,
    %broadcast_in_dim3A_11 = arith.constant 1.000000e+00 : f32
    %broadcast_in_dim3A_12 = vector.broadcast %broadcast_in_dim3A_11 : f32 to vector<16xf32>
    %swap3A_13 = arith.constant 32 : index
    %swap3A_14 = tpu.vector_load %arg8[%swap3A_13] {strides = array<i32>} : memref<128xf32, #tpu.memory_space<vmem>>, vector<16xf32>,
    %swap3A_15 = vector.shape_cast %swap3A_14 : vector<16xf32> to vector<16xf32>
    %swap3A_16 = vector.shape_cast %broadcast_in_dim3A_12 : vector<16xf32> to vector<16xf32>
    tpu.vector_store %arg8[%swap3A_13], %swap3A_16 {strides = array<i32>} : memref<128xf32, #tpu.memory_space<vmem>>, vector<16xf32>,
    %broadcast_in_dim3A_17 = arith.constant 1.000000e+00 : f32
    %broadcast_in_dim3A_18 = vector.broadcast %broadcast_in_dim3A_17 : f32 to vector<16xf32>
    %swap3A_19 = arith.constant 48 : index
    %swap3A_20 = tpu.vector_load %arg8[%swap3A_19] {strides = array<i32>} : memref<128xf32, #tpu.memory_space<vmem>>, vector<16xf32>,
    %swap3A_21 = vector.shape_cast %swap3A_20 : vector<16xf32> to vector<16xf32>
    %swap3A_22 = vector.shape_cast %broadcast_in_dim3A_18 : vector<16xf32> to vector<16xf32>
    tpu.vector_store %arg8[%swap3A_19], %swap3A_22 {strides = array<i32>} : memref<128xf32, #tpu.memory_space<vmem>>, vector<16xf32>,
    %broadcast_in_dim3A_23 = arith.constant 1.000000e+00 : f32
    %broadcast_in_dim3A_24 = vector.broadcast %broadcast_in_dim3A_23 : f32 to vector<16xf32>
    %swap3A_25 = arith.constant 64 : index
    %swap3A_26 = tpu.vector_load %arg8[%swap3A_25] {strides = array<i32>} : memref<128xf32, #tpu.memory_space<vmem>>, vector<16xf32>,
    %swap3A_27 = vector.shape_cast %swap3A_26 : vector<16xf32> to vector<16xf32>
    %swap3A_28 = vector.shape_cast %broadcast_in_dim3A_24 : vector<16xf32> to vector<16xf32>
    tpu.vector_store %arg8[%swap3A_25], %swap3A_28 {strides = array<i32>} : memref<128xf32, #tpu.memory_space<vmem>>, vector<16xf32>,
    %broadcast_in_dim3A_29 = arith.constant 1.000000e+00 : f32
    %broadcast_in_dim3A_30 = vector.broadcast %broadcast_in_dim3A_29 : f32 to vector<16xf32>
    %swap3A_31 = arith.constant 80 : index
    %swap3A_32 = tpu.vector_load %arg8[%swap3A_31] {strides = array<i32>} : memref<128xf32, #tpu.memory_space<vmem>>, vector<16xf32>,
    %swap3A_33 = vector.shape_cast %swap3A_32 : vector<16xf32> to vector<16xf32>
    %swap3A_34 = vector.shape_cast %broadcast_in_dim3A_30 : vector<16xf32> to vector<16xf32>
    tpu.vector_store %arg8[%swap3A_31], %swap3A_34 {strides = array<i32>} : memref<128xf32, #tpu.memory_space<vmem>>, vector<16xf32>,
    %broadcast_in_dim3A_35 = arith.constant 1.000000e+00 : f32
    %broadcast_in_dim3A_36 = vector.broadcast %broadcast_in_dim3A_35 : f32 to vector<16xf32>
    %swap3A_37 = arith.constant 96 : index
    %swap3A_38 = tpu.vector_load %arg8[%swap3A_37] {strides = array<i32>} : memref<128xf32, #tpu.memory_space<vmem>>, vector<16xf32>,
    %swap3A_39 = vector.shape_cast %swap3A_38 : vector<16xf32> to vector<16xf32>
    %swap3A_40 = vector.shape_cast %broadcast_in_dim3A_36 : vector<16xf32> to vector<16xf32>
    tpu.vector_store %arg8[%swap3A_37], %swap3A_40 {strides = array<i32>} : memref<128xf32, #tpu.memory_space<vmem>>, vector<16xf32>,
    %broadcast_in_dim3A_41 = arith.constant 1.000000e+00 : f32
    %broadcast_in_dim3A_42 = vector.broadcast %broadcast_in_dim3A_41 : f32 to vector<16xf32>
    %swap3A_43 = arith.constant 112 : index
    %swap3A_44 = tpu.vector_load %arg8[%swap3A_43] {strides = array<i32>} : memref<128xf32, #tpu.memory_space<vmem>>, vector<16xf32>,
    %swap3A_45 = vector.shape_cast %swap3A_44 : vector<16xf32> to vector<16xf32>
    %swap3A_46 = vector.shape_cast %broadcast_in_dim3A_42 : vector<16xf32> to vector<16xf32>
    tpu.vector_store %arg8[%swap3A_43], %swap3A_46 {strides = array<i32>} : memref<128xf32, #tpu.memory_space<vmem>>, vector<16xf32>,
    %broadcast_in_dim3A_47 = arith.constant 0.000000e+00 : f32
    %broadcast_in_dim3A_48 = vector.broadcast %broadcast_in_dim3A_47 : f32 to vector<16xf32>
    %swap3A_49 = arith.constant 0 : index
    %swap3A_50 = tpu.vector_load %arg9[%swap3A_49] {strides = array<i32>} : memref<640xf32, #tpu.memory_space<vmem>>, vector<16xf32>,
    %swap3A_51 = vector.shape_cast %swap3A_50 : vector<16xf32> to vector<16xf32>
    %swap3A_52 = vector.shape_cast %broadcast_in_dim3A_48 : vector<16xf32> to vector<16xf32>
    tpu.vector_store %arg9[%swap3A_49], %swap3A_52 {strides = array<i32>} : memref<640xf32, #tpu.memory_space<vmem>>, vector<16xf32>,
    %broadcast_in_dim3A_53 = arith.constant 0.000000e+00 : f32
    %broadcast_in_dim3A_54 = vector.broadcast %broadcast_in_dim3A_53 : f32 to vector<16xf32>
    %swap3A_55 = arith.constant 16 : index
    %swap3A_56 = tpu.vector_load %arg9[%swap3A_55] {strides = array<i32>} : memref<640xf32, #tpu.memory_space<vmem>>, vector<16xf32>,
    %swap3A_57 = vector.shape_cast %swap3A_56 : vector<16xf32> to vector<16xf32>
    %swap3A_58 = vector.shape_cast %broadcast_in_dim3A_54 : vector<16xf32> to vector<16xf32>
    tpu.vector_store %arg9[%swap3A_55], %swap3A_58 {strides = array<i32>} : memref<640xf32, #tpu.memory_space<vmem>>, vector<16xf32>,
    %broadcast_in_dim3A_59 = arith.constant 0.000000e+00 : f32
    %broadcast_in_dim3A_60 = vector.broadcast %broadcast_in_dim3A_59 : f32 to vector<16xf32>
    %swap3A_61 = arith.constant 32 : index
    %swap3A_62 = tpu.vector_load %arg9[%swap3A_61] {strides = array<i32>} : memref<640xf32, #tpu.memory_space<vmem>>, vector<16xf32>,
    %swap3A_63 = vector.shape_cast %swap3A_62 : vector<16xf32> to vector<16xf32>
    %swap3A_64 = vector.shape_cast %broadcast_in_dim3A_60 : vector<16xf32> to vector<16xf32>
    tpu.vector_store %arg9[%swap3A_61], %swap3A_64 {strides = array<i32>} : memref<640xf32, #tpu.memory_space<vmem>>, vector<16xf32>,
    %broadcast_in_dim3A_65 = arith.constant 0.000000e+00 : f32
    %broadcast_in_dim3A_66 = vector.broadcast %broadcast_in_dim3A_65 : f32 to vector<16xf32>
    %swap3A_67 = arith.constant 48 : index
    %swap3A_68 = tpu.vector_load %arg9[%swap3A_67] {strides = array<i32>} : memref<640xf32, #tpu.memory_space<vmem>>, vector<16xf32>,
    %swap3A_69 = vector.shape_cast %swap3A_68 : vector<16xf32> to vector<16xf32>
    %swap3A_70 = vector.shape_cast %broadcast_in_dim3A_66 : vector<16xf32> to vector<16xf32>
    tpu.vector_store %arg9[%swap3A_67], %swap3A_70 {strides = array<i32>} : memref<640xf32, #tpu.memory_space<vmem>>, vector<16xf32>,
    %broadcast_in_dim3A_71 = arith.constant 0.000000e+00 : f32
    %broadcast_in_dim3A_72 = vector.broadcast %broadcast_in_dim3A_71 : f32 to vector<16xf32>
    %swap3A_73 = arith.constant 64 : index
    %swap3A_74 = tpu.vector_load %arg9[%swap3A_73] {strides = array<i32>} : memref<640xf32, #tpu.memory_space<vmem>>, vector<16xf32>,
    %swap3A_75 = vector.shape_cast %swap3A_74 : vector<16xf32> to vector<16xf32>
    %swap3A_76 = vector.shape_cast %broadcast_in_dim3A_72 : vector<16xf32> to vector<16xf32>
    tpu.vector_store %arg9[%swap3A_73], %swap3A_76 {strides = array<i32>} : memref<640xf32, #tpu.memory_space<vmem>>, vector<16xf32>,
    %broadcast_in_dim3A_77 = arith.constant 0.000000e+00 : f32
    %broadcast_in_dim3A_78 = vector.broadcast %broadcast_in_dim3A_77 : f32 to vector<16xf32>
    %swap3A_79 = arith.constant 80 : index
    %swap3A_80 = tpu.vector_load %arg9[%swap3A_79] {strides = array<i32>} : memref<640xf32, #tpu.memory_space<vmem>>, vector<16xf32>,
    %swap3A_81 = vector.shape_cast %swap3A_80 : vector<16xf32> to vector<16xf32>
    %swap3A_82 = vector.shape_cast %broadcast_in_dim3A_78 : vector<16xf32> to vector<16xf32>
    tpu.vector_store %arg9[%swap3A_79], %swap3A_82 {strides = array<i32>} : memref<640xf32, #tpu.memory_space<vmem>>, vector<16xf32>,
    %broadcast_in_dim3A_83 = arith.constant 0.000000e+00 : f32
    %broadcast_in_dim3A_84 = vector.broadcast %broadcast_in_dim3A_83 : f32 to vector<16xf32>
    %swap3A_85 = arith.constant 96 : index
    %swap3A_86 = tpu.vector_load %arg9[%swap3A_85] {strides = array<i32>} : memref<640xf32, #tpu.memory_space<vmem>>, vector<16xf32>,
    %swap3A_87 = vector.shape_cast %swap3A_86 : vector<16xf32> to vector<16xf32>
    %swap3A_88 = vector.shape_cast %broadcast_in_dim3A_84 : vector<16xf32> to vector<16xf32>
    tpu.vector_store %arg9[%swap3A_85], %swap3A_88 {strides = array<i32>} : memref<640xf32, #tpu.memory_space<vmem>>, vector<16xf32>,
    %broadcast_in_dim3A_89 = arith.constant 0.000000e+00 : f32
    %broadcast_in_dim3A_90 = vector.broadcast %broadcast_in_dim3A_89 : f32 to vector<16xf32>
    %swap3A_91 = arith.constant 112 : index
    %swap3A_92 = tpu.vector_load %arg9[%swap3A_91] {strides = array<i32>} : memref<640xf32, #tpu.memory_space<vmem>>, vector<16xf32>,
    %swap3A_93 = vector.shape_cast %swap3A_92 : vector<16xf32> to vector<16xf32>
    %swap3A_94 = vector.shape_cast %broadcast_in_dim3A_90 : vector<16xf32> to vector<16xf32>
    tpu.vector_store %arg9[%swap3A_91], %swap3A_94 {strides = array<i32>} : memref<640xf32, #tpu.memory_space<vmem>>, vector<16xf32>,
    %broadcast_in_dim3A_95 = arith.constant 0.000000e+00 : f32
    %broadcast_in_dim3A_96 = vector.broadcast %broadcast_in_dim3A_95 : f32 to vector<16xf32>
    %swap3A_97 = arith.constant 128 : index
    %swap3A_98 = tpu.vector_load %arg9[%swap3A_97] {strides = array<i32>} : memref<640xf32, #tpu.memory_space<vmem>>, vector<16xf32>,
    %swap3A_99 = vector.shape_cast %swap3A_98 : vector<16xf32> to vector<16xf32>
    %swap3A_100 = vector.shape_cast %broadcast_in_dim3A_96 : vector<16xf32> to vector<16xf32>
    tpu.vector_store %arg9[%swap3A_97], %swap3A_100 {strides = array<i32>} : memref<640xf32, #tpu.memory_space<vmem>>, vector<16xf32>,
    %broadcast_in_dim3A_101 = arith.constant 0.000000e+00 : f32
    %broadcast_in_dim3A_102 = vector.broadcast %broadcast_in_dim3A_101 : f32 to vector<16xf32>
    %swap3A_103 = arith.constant 144 : index
    %swap3A_104 = tpu.vector_load %arg9[%swap3A_103] {strides = array<i32>} : memref<640xf32, #tpu.memory_space<vmem>>, vector<16xf32>,
    %swap3A_105 = vector.shape_cast %swap3A_104 : vector<16xf32> to vector<16xf32>
    %swap3A_106 = vector.shape_cast %broadcast_in_dim3A_102 : vector<16xf32> to vector<16xf32>
    tpu.vector_store %arg9[%swap3A_103], %swap3A_106 {strides = array<i32>} : memref<640xf32, #tpu.memory_space<vmem>>, vector<16xf32>,
    %broadcast_in_dim3A_107 = arith.constant 0.000000e+00 : f32
    %broadcast_in_dim3A_108 = vector.broadcast %broadcast_in_dim3A_107 : f32 to vector<16xf32>
    %swap3A_109 = arith.constant 160 : index
    %swap3A_110 = tpu.vector_load %arg9[%swap3A_109] {strides = array<i32>} : memref<640xf32, #tpu.memory_space<vmem>>, vector<16xf32>,
    %swap3A_111 = vector.shape_cast %swap3A_110 : vector<16xf32> to vector<16xf32>
    %swap3A_112 = vector.shape_cast %broadcast_in_dim3A_108 : vector<16xf32> to vector<16xf32>
    tpu.vector_store %arg9[%swap3A_109], %swap3A_112 {strides = array<i32>} : memref<640xf32, #tpu.memory_space<vmem>>, vector<16xf32>,
    %broadcast_in_dim3A_113 = arith.constant 0.000000e+00 : f32
    %broadcast_in_dim3A_114 = vector.broadcast %broadcast_in_dim3A_113 : f32 to vector<16xf32>
    %swap3A_115 = arith.constant 176 : index
    %swap3A_116 = tpu.vector_load %arg9[%swap3A_115] {strides = array<i32>} : memref<640xf32, #tpu.memory_space<vmem>>, vector<16xf32>,
    %swap3A_117 = vector.shape_cast %swap3A_116 : vector<16xf32> to vector<16xf32>
    %swap3A_118 = vector.shape_cast %broadcast_in_dim3A_114 : vector<16xf32> to vector<16xf32>
    tpu.vector_store %arg9[%swap3A_115], %swap3A_118 {strides = array<i32>} : memref<640xf32, #tpu.memory_space<vmem>>, vector<16xf32>,
    %broadcast_in_dim3A_119 = arith.constant 0.000000e+00 : f32
    %broadcast_in_dim3A_120 = vector.broadcast %broadcast_in_dim3A_119 : f32 to vector<16xf32>
    %swap3A_121 = arith.constant 192 : index
    %swap3A_122 = tpu.vector_load %arg9[%swap3A_121] {strides = array<i32>} : memref<640xf32, #tpu.memory_space<vmem>>, vector<16xf32>,
    %swap3A_123 = vector.shape_cast %swap3A_122 : vector<16xf32> to vector<16xf32>
    %swap3A_124 = vector.shape_cast %broadcast_in_dim3A_120 : vector<16xf32> to vector<16xf32>
    tpu.vector_store %arg9[%swap3A_121], %swap3A_124 {strides = array<i32>} : memref<640xf32, #tpu.memory_space<vmem>>, vector<16xf32>,
    %broadcast_in_dim3A_125 = arith.constant 0.000000e+00 : f32
    %broadcast_in_dim3A_126 = vector.broadcast %broadcast_in_dim3A_125 : f32 to vector<16xf32>
    %swap3A_127 = arith.constant 208 : index
    %swap3A_128 = tpu.vector_load %arg9[%swap3A_127] {strides = array<i32>} : memref<640xf32, #tpu.memory_space<vmem>>, vector<16xf32>,
    %swap3A_129 = vector.shape_cast %swap3A_128 : vector<16xf32> to vector<16xf32>
    %swap3A_130 = vector.shape_cast %broadcast_in_dim3A_126 : vector<16xf32> to vector<16xf32>
    tpu.vector_store %arg9[%swap3A_127], %swap3A_130 {strides = array<i32>} : memref<640xf32, #tpu.memory_space<vmem>>, vector<16xf32>,
    %broadcast_in_dim3A_131 = arith.constant 0.000000e+00 : f32
    %broadcast_in_dim3A_132 = vector.broadcast %broadcast_in_dim3A_131 : f32 to vector<16xf32>
    %swap3A_133 = arith.constant 224 : index
    %swap3A_134 = tpu.vector_load %arg9[%swap3A_133] {strides = array<i32>} : memref<640xf32, #tpu.memory_space<vmem>>, vector<16xf32>,
    %swap3A_135 = vector.shape_cast %swap3A_134 : vector<16xf32> to vector<16xf32>
    %swap3A_136 = vector.shape_cast %broadcast_in_dim3A_132 : vector<16xf32> to vector<16xf32>
    tpu.vector_store %arg9[%swap3A_133], %swap3A_136 {strides = array<i32>} : memref<640xf32, #tpu.memory_space<vmem>>, vector<16xf32>,
    %broadcast_in_dim3A_137 = arith.constant 0.000000e+00 : f32
    %broadcast_in_dim3A_138 = vector.broadcast %broadcast_in_dim3A_137 : f32 to vector<16xf32>
    %swap3A_139 = arith.constant 240 : index
    %swap3A_140 = tpu.vector_load %arg9[%swap3A_139] {strides = array<i32>} : memref<640xf32, #tpu.memory_space<vmem>>, vector<16xf32>,
    %swap3A_141 = vector.shape_cast %swap3A_140 : vector<16xf32> to vector<16xf32>
    %swap3A_142 = vector.shape_cast %broadcast_in_dim3A_138 : vector<16xf32> to vector<16xf32>
    tpu.vector_store %arg9[%swap3A_139], %swap3A_142 {strides = array<i32>} : memref<640xf32, #tpu.memory_space<vmem>>, vector<16xf32>,
    %broadcast_in_dim3A_143 = arith.constant 0.000000e+00 : f32
    %broadcast_in_dim3A_144 = vector.broadcast %broadcast_in_dim3A_143 : f32 to vector<16xf32>
    %swap3A_145 = arith.constant 256 : index
    %swap3A_146 = tpu.vector_load %arg9[%swap3A_145] {strides = array<i32>} : memref<640xf32, #tpu.memory_space<vmem>>, vector<16xf32>,
    %swap3A_147 = vector.shape_cast %swap3A_146 : vector<16xf32> to vector<16xf32>
    %swap3A_148 = vector.shape_cast %broadcast_in_dim3A_144 : vector<16xf32> to vector<16xf32>
    tpu.vector_store %arg9[%swap3A_145], %swap3A_148 {strides = array<i32>} : memref<640xf32, #tpu.memory_space<vmem>>, vector<16xf32>,
    %broadcast_in_dim3A_149 = arith.constant 0.000000e+00 : f32
    %broadcast_in_dim3A_150 = vector.broadcast %broadcast_in_dim3A_149 : f32 to vector<16xf32>
    %swap3A_151 = arith.constant 272 : index
    %swap3A_152 = tpu.vector_load %arg9[%swap3A_151] {strides = array<i32>} : memref<640xf32, #tpu.memory_space<vmem>>, vector<16xf32>,
    %swap3A_153 = vector.shape_cast %swap3A_152 : vector<16xf32> to vector<16xf32>
    %swap3A_154 = vector.shape_cast %broadcast_in_dim3A_150 : vector<16xf32> to vector<16xf32>
    tpu.vector_store %arg9[%swap3A_151], %swap3A_154 {strides = array<i32>} : memref<640xf32, #tpu.memory_space<vmem>>, vector<16xf32>,
    %broadcast_in_dim3A_155 = arith.constant 0.000000e+00 : f32
    %broadcast_in_dim3A_156 = vector.broadcast %broadcast_in_dim3A_155 : f32 to vector<16xf32>
    %swap3A_157 = arith.constant 288 : index
    %swap3A_158 = tpu.vector_load %arg9[%swap3A_157] {strides = array<i32>} : memref<640xf32, #tpu.memory_space<vmem>>, vector<16xf32>,
    %swap3A_159 = vector.shape_cast %swap3A_158 : vector<16xf32> to vector<16xf32>
    %swap3A_160 = vector.shape_cast %broadcast_in_dim3A_156 : vector<16xf32> to vector<16xf32>
    tpu.vector_store %arg9[%swap3A_157], %swap3A_160 {strides = array<i32>} : memref<640xf32, #tpu.memory_space<vmem>>, vector<16xf32>,
    %broadcast_in_dim3A_161 = arith.constant 0.000000e+00 : f32
    %broadcast_in_dim3A_162 = vector.broadcast %broadcast_in_dim3A_161 : f32 to vector<16xf32>
    %swap3A_163 = arith.constant 304 : index
    %swap3A_164 = tpu.vector_load %arg9[%swap3A_163] {strides = array<i32>} : memref<640xf32, #tpu.memory_space<vmem>>, vector<16xf32>,
    %swap3A_165 = vector.shape_cast %swap3A_164 : vector<16xf32> to vector<16xf32>
    %swap3A_166 = vector.shape_cast %broadcast_in_dim3A_162 : vector<16xf32> to vector<16xf32>
    tpu.vector_store %arg9[%swap3A_163], %swap3A_166 {strides = array<i32>} : memref<640xf32, #tpu.memory_space<vmem>>, vector<16xf32>,
    %broadcast_in_dim3A_167 = arith.constant 0.000000e+00 : f32
    %broadcast_in_dim3A_168 = vector.broadcast %broadcast_in_dim3A_167 : f32 to vector<16xf32>
    %swap3A_169 = arith.constant 320 : index
    %swap3A_170 = tpu.vector_load %arg9[%swap3A_169] {strides = array<i32>} : memref<640xf32, #tpu.memory_space<vmem>>, vector<16xf32>,
    %swap3A_171 = vector.shape_cast %swap3A_170 : vector<16xf32> to vector<16xf32>
    %swap3A_172 = vector.shape_cast %broadcast_in_dim3A_168 : vector<16xf32> to vector<16xf32>
    tpu.vector_store %arg9[%swap3A_169], %swap3A_172 {strides = array<i32>} : memref<640xf32, #tpu.memory_space<vmem>>, vector<16xf32>,
    %broadcast_in_dim3A_173 = arith.constant 0.000000e+00 : f32
    %broadcast_in_dim3A_174 = vector.broadcast %broadcast_in_dim3A_173 : f32 to vector<16xf32>
    %swap3A_175 = arith.constant 336 : index
    %swap3A_176 = tpu.vector_load %arg9[%swap3A_175] {strides = array<i32>} : memref<640xf32, #tpu.memory_space<vmem>>, vector<16xf32>,
    %swap3A_177 = vector.shape_cast %swap3A_176 : vector<16xf32> to vector<16xf32>
    %swap3A_178 = vector.shape_cast %broadcast_in_dim3A_174 : vector<16xf32> to vector<16xf32>
    tpu.vector_store %arg9[%swap3A_175], %swap3A_178 {strides = array<i32>} : memref<640xf32, #tpu.memory_space<vmem>>, vector<16xf32>,
    %broadcast_in_dim3A_179 = arith.constant 0.000000e+00 : f32
    %broadcast_in_dim3A_180 = vector.broadcast %broadcast_in_dim3A_179 : f32 to vector<16xf32>
    %swap3A_181 = arith.constant 352 : index
    %swap3A_182 = tpu.vector_load %arg9[%swap3A_181] {strides = array<i32>} : memref<640xf32, #tpu.memory_space<vmem>>, vector<16xf32>,
    %swap3A_183 = vector.shape_cast %swap3A_182 : vector<16xf32> to vector<16xf32>
    %swap3A_184 = vector.shape_cast %broadcast_in_dim3A_180 : vector<16xf32> to vector<16xf32>
    tpu.vector_store %arg9[%swap3A_181], %swap3A_184 {strides = array<i32>} : memref<640xf32, #tpu.memory_space<vmem>>, vector<16xf32>,
    %broadcast_in_dim3A_185 = arith.constant 0.000000e+00 : f32
    %broadcast_in_dim3A_186 = vector.broadcast %broadcast_in_dim3A_185 : f32 to vector<16xf32>
    %swap3A_187 = arith.constant 368 : index
    %swap3A_188 = tpu.vector_load %arg9[%swap3A_187] {strides = array<i32>} : memref<640xf32, #tpu.memory_space<vmem>>, vector<16xf32>,
    %swap3A_189 = vector.shape_cast %swap3A_188 : vector<16xf32> to vector<16xf32>
    %swap3A_190 = vector.shape_cast %broadcast_in_dim3A_186 : vector<16xf32> to vector<16xf32>
    tpu.vector_store %arg9[%swap3A_187], %swap3A_190 {strides = array<i32>} : memref<640xf32, #tpu.memory_space<vmem>>, vector<16xf32>,
    %broadcast_in_dim3A_191 = arith.constant 0.000000e+00 : f32
    %broadcast_in_dim3A_192 = vector.broadcast %broadcast_in_dim3A_191 : f32 to vector<16xf32>
    %swap3A_193 = arith.constant 384 : index
    %swap3A_194 = tpu.vector_load %arg9[%swap3A_193] {strides = array<i32>} : memref<640xf32, #tpu.memory_space<vmem>>, vector<16xf32>,
    %swap3A_195 = vector.shape_cast %swap3A_194 : vector<16xf32> to vector<16xf32>
    %swap3A_196 = vector.shape_cast %broadcast_in_dim3A_192 : vector<16xf32> to vector<16xf32>
    tpu.vector_store %arg9[%swap3A_193], %swap3A_196 {strides = array<i32>} : memref<640xf32, #tpu.memory_space<vmem>>, vector<16xf32>,
    %broadcast_in_dim3A_197 = arith.constant 0.000000e+00 : f32
    %broadcast_in_dim3A_198 = vector.broadcast %broadcast_in_dim3A_197 : f32 to vector<16xf32>
    %swap3A_199 = arith.constant 400 : index
    %swap3A_200 = tpu.vector_load %arg9[%swap3A_199] {strides = array<i32>} : memref<640xf32, #tpu.memory_space<vmem>>, vector<16xf32>,
    %swap3A_201 = vector.shape_cast %swap3A_200 : vector<16xf32> to vector<16xf32>
    %swap3A_202 = vector.shape_cast %broadcast_in_dim3A_198 : vector<16xf32> to vector<16xf32>
    tpu.vector_store %arg9[%swap3A_199], %swap3A_202 {strides = array<i32>} : memref<640xf32, #tpu.memory_space<vmem>>, vector<16xf32>,
    %broadcast_in_dim3A_203 = arith.constant 0.000000e+00 : f32
    %broadcast_in_dim3A_204 = vector.broadcast %broadcast_in_dim3A_203 : f32 to vector<16xf32>
    %swap3A_205 = arith.constant 416 : index
    %swap3A_206 = tpu.vector_load %arg9[%swap3A_205] {strides = array<i32>} : memref<640xf32, #tpu.memory_space<vmem>>, vector<16xf32>,
    %swap3A_207 = vector.shape_cast %swap3A_206 : vector<16xf32> to vector<16xf32>
    %swap3A_208 = vector.shape_cast %broadcast_in_dim3A_204 : vector<16xf32> to vector<16xf32>
    tpu.vector_store %arg9[%swap3A_205], %swap3A_208 {strides = array<i32>} : memref<640xf32, #tpu.memory_space<vmem>>, vector<16xf32>,
    %broadcast_in_dim3A_209 = arith.constant 0.000000e+00 : f32
    %broadcast_in_dim3A_210 = vector.broadcast %broadcast_in_dim3A_209 : f32 to vector<16xf32>
    %swap3A_211 = arith.constant 432 : index
    %swap3A_212 = tpu.vector_load %arg9[%swap3A_211] {strides = array<i32>} : memref<640xf32, #tpu.memory_space<vmem>>, vector<16xf32>,
    %swap3A_213 = vector.shape_cast %swap3A_212 : vector<16xf32> to vector<16xf32>
    %swap3A_214 = vector.shape_cast %broadcast_in_dim3A_210 : vector<16xf32> to vector<16xf32>
    tpu.vector_store %arg9[%swap3A_211], %swap3A_214 {strides = array<i32>} : memref<640xf32, #tpu.memory_space<vmem>>, vector<16xf32>,
    %broadcast_in_dim3A_215 = arith.constant 0.000000e+00 : f32
    %broadcast_in_dim3A_216 = vector.broadcast %broadcast_in_dim3A_215 : f32 to vector<16xf32>
    %swap3A_217 = arith.constant 448 : index
    %swap3A_218 = tpu.vector_load %arg9[%swap3A_217] {strides = array<i32>} : memref<640xf32, #tpu.memory_space<vmem>>, vector<16xf32>,
    %swap3A_219 = vector.shape_cast %swap3A_218 : vector<16xf32> to vector<16xf32>
    %swap3A_220 = vector.shape_cast %broadcast_in_dim3A_216 : vector<16xf32> to vector<16xf32>
    tpu.vector_store %arg9[%swap3A_217], %swap3A_220 {strides = array<i32>} : memref<640xf32, #tpu.memory_space<vmem>>, vector<16xf32>,
    %broadcast_in_dim3A_221 = arith.constant 0.000000e+00 : f32
    %broadcast_in_dim3A_222 = vector.broadcast %broadcast_in_dim3A_221 : f32 to vector<16xf32>
    %swap3A_223 = arith.constant 464 : index
    %swap3A_224 = tpu.vector_load %arg9[%swap3A_223] {strides = array<i32>} : memref<640xf32, #tpu.memory_space<vmem>>, vector<16xf32>,
    %swap3A_225 = vector.shape_cast %swap3A_224 : vector<16xf32> to vector<16xf32>
    %swap3A_226 = vector.shape_cast %broadcast_in_dim3A_222 : vector<16xf32> to vector<16xf32>
    tpu.vector_store %arg9[%swap3A_223], %swap3A_226 {strides = array<i32>} : memref<640xf32, #tpu.memory_space<vmem>>, vector<16xf32>,
    %broadcast_in_dim3A_227 = arith.constant 0.000000e+00 : f32
    %broadcast_in_dim3A_228 = vector.broadcast %broadcast_in_dim3A_227 : f32 to vector<16xf32>
    %swap3A_229 = arith.constant 480 : index
    %swap3A_230 = tpu.vector_load %arg9[%swap3A_229] {strides = array<i32>} : memref<640xf32, #tpu.memory_space<vmem>>, vector<16xf32>,
    %swap3A_231 = vector.shape_cast %swap3A_230 : vector<16xf32> to vector<16xf32>
    %swap3A_232 = vector.shape_cast %broadcast_in_dim3A_228 : vector<16xf32> to vector<16xf32>
    tpu.vector_store %arg9[%swap3A_229], %swap3A_232 {strides = array<i32>} : memref<640xf32, #tpu.memory_space<vmem>>, vector<16xf32>,
    %broadcast_in_dim3A_233 = arith.constant 0.000000e+00 : f32
    %broadcast_in_dim3A_234 = vector.broadcast %broadcast_in_dim3A_233 : f32 to vector<16xf32>
    %swap3A_235 = arith.constant 496 : index
    %swap3A_236 = tpu.vector_load %arg9[%swap3A_235] {strides = array<i32>} : memref<640xf32, #tpu.memory_space<vmem>>, vector<16xf32>,
    %swap3A_237 = vector.shape_cast %swap3A_236 : vector<16xf32> to vector<16xf32>
    %swap3A_238 = vector.shape_cast %broadcast_in_dim3A_234 : vector<16xf32> to vector<16xf32>
    tpu.vector_store %arg9[%swap3A_235], %swap3A_238 {strides = array<i32>} : memref<640xf32, #tpu.memory_space<vmem>>, vector<16xf32>,
    %broadcast_in_dim3A_239 = arith.constant 0.000000e+00 : f32
    %broadcast_in_dim3A_240 = vector.broadcast %broadcast_in_dim3A_239 : f32 to vector<16xf32>
    %swap3A_241 = arith.constant 512 : index
    %swap3A_242 = tpu.vector_load %arg9[%swap3A_241] {strides = array<i32>} : memref<640xf32, #tpu.memory_space<vmem>>, vector<16xf32>,
    %swap3A_243 = vector.shape_cast %swap3A_242 : vector<16xf32> to vector<16xf32>
    %swap3A_244 = vector.shape_cast %broadcast_in_dim3A_240 : vector<16xf32> to vector<16xf32>
    tpu.vector_store %arg9[%swap3A_241], %swap3A_244 {strides = array<i32>} : memref<640xf32, #tpu.memory_space<vmem>>, vector<16xf32>,
    %broadcast_in_dim3A_245 = arith.constant 0.000000e+00 : f32
    %broadcast_in_dim3A_246 = vector.broadcast %broadcast_in_dim3A_245 : f32 to vector<16xf32>
    %swap3A_247 = arith.constant 528 : index
    %swap3A_248 = tpu.vector_load %arg9[%swap3A_247] {strides = array<i32>} : memref<640xf32, #tpu.memory_space<vmem>>, vector<16xf32>,
    %swap3A_249 = vector.shape_cast %swap3A_248 : vector<16xf32> to vector<16xf32>
    %swap3A_250 = vector.shape_cast %broadcast_in_dim3A_246 : vector<16xf32> to vector<16xf32>
    tpu.vector_store %arg9[%swap3A_247], %swap3A_250 {strides = array<i32>} : memref<640xf32, #tpu.memory_space<vmem>>, vector<16xf32>,
    %broadcast_in_dim3A_251 = arith.constant 0.000000e+00 : f32
    %broadcast_in_dim3A_252 = vector.broadcast %broadcast_in_dim3A_251 : f32 to vector<16xf32>
    %swap3A_253 = arith.constant 544 : index
    %swap3A_254 = tpu.vector_load %arg9[%swap3A_253] {strides = array<i32>} : memref<640xf32, #tpu.memory_space<vmem>>, vector<16xf32>,
    %swap3A_255 = vector.shape_cast %swap3A_254 : vector<16xf32> to vector<16xf32>
    %swap3A_256 = vector.shape_cast %broadcast_in_dim3A_252 : vector<16xf32> to vector<16xf32>
    tpu.vector_store %arg9[%swap3A_253], %swap3A_256 {strides = array<i32>} : memref<640xf32, #tpu.memory_space<vmem>>, vector<16xf32>,
    %broadcast_in_dim3A_257 = arith.constant 0.000000e+00 : f32
    %broadcast_in_dim3A_258 = vector.broadcast %broadcast_in_dim3A_257 : f32 to vector<16xf32>
    %swap3A_259 = arith.constant 560 : index
    %swap3A_260 = tpu.vector_load %arg9[%swap3A_259] {strides = array<i32>} : memref<640xf32, #tpu.memory_space<vmem>>, vector<16xf32>,
    %swap3A_261 = vector.shape_cast %swap3A_260 : vector<16xf32> to vector<16xf32>
    %swap3A_262 = vector.shape_cast %broadcast_in_dim3A_258 : vector<16xf32> to vector<16xf32>
    tpu.vector_store %arg9[%swap3A_259], %swap3A_262 {strides = array<i32>} : memref<640xf32, #tpu.memory_space<vmem>>, vector<16xf32>,
    %broadcast_in_dim3A_263 = arith.constant 0.000000e+00 : f32
    %broadcast_in_dim3A_264 = vector.broadcast %broadcast_in_dim3A_263 : f32 to vector<16xf32>
    %swap3A_265 = arith.constant 576 : index
    %swap3A_266 = tpu.vector_load %arg9[%swap3A_265] {strides = array<i32>} : memref<640xf32, #tpu.memory_space<vmem>>, vector<16xf32>,
    %swap3A_267 = vector.shape_cast %swap3A_266 : vector<16xf32> to vector<16xf32>
    %swap3A_268 = vector.shape_cast %broadcast_in_dim3A_264 : vector<16xf32> to vector<16xf32>
    tpu.vector_store %arg9[%swap3A_265], %swap3A_268 {strides = array<i32>} : memref<640xf32, #tpu.memory_space<vmem>>, vector<16xf32>,
    %broadcast_in_dim3A_269 = arith.constant 0.000000e+00 : f32
    %broadcast_in_dim3A_270 = vector.broadcast %broadcast_in_dim3A_269 : f32 to vector<16xf32>
    %swap3A_271 = arith.constant 592 : index
    %swap3A_272 = tpu.vector_load %arg9[%swap3A_271] {strides = array<i32>} : memref<640xf32, #tpu.memory_space<vmem>>, vector<16xf32>,
    %swap3A_273 = vector.shape_cast %swap3A_272 : vector<16xf32> to vector<16xf32>
    %swap3A_274 = vector.shape_cast %broadcast_in_dim3A_270 : vector<16xf32> to vector<16xf32>
    tpu.vector_store %arg9[%swap3A_271], %swap3A_274 {strides = array<i32>} : memref<640xf32, #tpu.memory_space<vmem>>, vector<16xf32>,
    %broadcast_in_dim3A_275 = arith.constant 0.000000e+00 : f32
    %broadcast_in_dim3A_276 = vector.broadcast %broadcast_in_dim3A_275 : f32 to vector<16xf32>
    %swap3A_277 = arith.constant 608 : index
    %swap3A_278 = tpu.vector_load %arg9[%swap3A_277] {strides = array<i32>} : memref<640xf32, #tpu.memory_space<vmem>>, vector<16xf32>,
    %swap3A_279 = vector.shape_cast %swap3A_278 : vector<16xf32> to vector<16xf32>
    %swap3A_280 = vector.shape_cast %broadcast_in_dim3A_276 : vector<16xf32> to vector<16xf32>
    tpu.vector_store %arg9[%swap3A_277], %swap3A_280 {strides = array<i32>} : memref<640xf32, #tpu.memory_space<vmem>>, vector<16xf32>,
    %broadcast_in_dim3A_281 = arith.constant 0.000000e+00 : f32
    %broadcast_in_dim3A_282 = vector.broadcast %broadcast_in_dim3A_281 : f32 to vector<16xf32>
    %swap3A_283 = arith.constant 624 : index
    %swap3A_284 = tpu.vector_load %arg9[%swap3A_283] {strides = array<i32>} : memref<640xf32, #tpu.memory_space<vmem>>, vector<16xf32>,
    %swap3A_285 = vector.shape_cast %swap3A_284 : vector<16xf32> to vector<16xf32>
    %swap3A_286 = vector.shape_cast %broadcast_in_dim3A_282 : vector<16xf32> to vector<16xf32>
    tpu.vector_store %arg9[%swap3A_283], %swap3A_286 {strides = array<i32>} : memref<640xf32, #tpu.memory_space<vmem>>, vector<16xf32>,
    %eq3A = arith.constant 0 : i32
    %eq3A_287 = arith.cmpi eq, %arg0, %eq3A : i32
    %convert_element_type3A = arith.extui %eq3A_287 : i1 to i32
    %cond3A = arith.constant 0 : i32
    %cond3A_288 = arith.cmpi ne, %convert_element_type3A, %cond3A : i32
    scf.if %cond3A_288 {
      %run_scoped3A_2659 = arith.constant 0 : i32
      "tpu.region"() ({
        %run_scoped3A_2661 = tpu.sem_alloc : memref<!tpu.dma_semaphore, #tpu.memory_space<semaphore_mem>>
        %dma_start3A = arith.constant 0 : i32
        %dma_start3A_2662 = arith.constant 0 : i32
        %dma_start3A_2663 = tpu.memref_slice %arg2[%run_scoped3A_2659, %arg1, %dma_start3A, %dma_start3A_2662] : memref<2x16x157x128xi32, #tpu.memory_space<hbm>> -> memref<1x1x157x128xi32, #tpu.memory_space<hbm>>
        %dma_start3A_2664 = tpu.memref_squeeze %dma_start3A_2663 : memref<1x1x157x128xi32, #tpu.memory_space<hbm>> -> memref<157x128xi32, #tpu.memory_space<hbm>>
        %dma_start3A_2665 = arith.constant 0 : i32
        %dma_start3A_2666 = arith.constant 0 : i32
        %dma_start3A_2667 = tpu.memref_slice %arg2[%run_scoped3A_2659, %arg1, %dma_start3A_2665, %dma_start3A_2666] : memref<2x16x157x128xi32, #tpu.memory_space<hbm>> -> memref<1x1x157x128xi32, #tpu.memory_space<hbm>>
        %dma_start3A_2668 = tpu.memref_squeeze %dma_start3A_2667 : memref<1x1x157x128xi32, #tpu.memory_space<hbm>> -> memref<157x128xi32, #tpu.memory_space<hbm>>
        tpu.enqueue_dma source(%dma_start3A_2668 : memref<157x128xi32, #tpu.memory_space<hbm>>) target(%arg5 : memref<157x128xi32, #tpu.memory_space<vmem>>) target_semaphore(%run_scoped3A_2661 : memref<!tpu.dma_semaphore, #tpu.memory_space<semaphore_mem>>)
        %dma_wait3A = arith.constant 0 : i32
        %dma_wait3A_2669 = arith.constant 0 : i32
        %dma_wait3A_2670 = tpu.memref_slice %arg2[%run_scoped3A_2659, %arg1, %dma_wait3A, %dma_wait3A_2669] : memref<2x16x157x128xi32, #tpu.memory_space<hbm>> -> memref<1x1x157x128xi32, #tpu.memory_space<hbm>>
        %dma_wait3A_2671 = tpu.memref_squeeze %dma_wait3A_2670 : memref<1x1x157x128xi32, #tpu.memory_space<hbm>> -> memref<157x128xi32, #tpu.memory_space<hbm>>
        %dma_wait3A_2672 = arith.constant 0 : i32
        %dma_wait3A_2673 = arith.constant 0 : i32
        %dma_wait3A_2674 = tpu.memref_slice %arg2[%run_scoped3A_2659, %arg1, %dma_wait3A_2672, %dma_wait3A_2673] : memref<2x16x157x128xi32, #tpu.memory_space<hbm>> -> memref<1x1x157x128xi32, #tpu.memory_space<hbm>>
        %dma_wait3A_2675 = tpu.memref_squeeze %dma_wait3A_2674 : memref<1x1x157x128xi32, #tpu.memory_space<hbm>> -> memref<157x128xi32, #tpu.memory_space<hbm>>
        tpu.wait_dma2 semaphore(%run_scoped3A_2661 : memref<!tpu.dma_semaphore, #tpu.memory_space<semaphore_mem>>) src(%dma_wait3A_2675 : memref<157x128xi32, #tpu.memory_space<hbm>>) dst(%arg5 : memref<157x128xi32, #tpu.memory_space<vmem>>)
        tpu.yield
      }) : () -> ()
      %run_scoped3A_2660 = arith.constant 1 : i32
      "tpu.region"() ({
        %run_scoped3A_2661 = tpu.sem_alloc : memref<!tpu.dma_semaphore, #tpu.memory_space<semaphore_mem>>
        %dma_start3A = arith.constant 0 : i32
        %dma_start3A_2662 = arith.constant 0 : i32
        %dma_start3A_2663 = tpu.memref_slice %arg2[%run_scoped3A_2660, %arg1, %dma_start3A, %dma_start3A_2662] : memref<2x16x157x128xi32, #tpu.memory_space<hbm>> -> memref<1x1x157x128xi32, #tpu.memory_space<hbm>>
        %dma_start3A_2664 = tpu.memref_squeeze %dma_start3A_2663 : memref<1x1x157x128xi32, #tpu.memory_space<hbm>> -> memref<157x128xi32, #tpu.memory_space<hbm>>
        %dma_start3A_2665 = arith.constant 0 : i32
        %dma_start3A_2666 = arith.constant 0 : i32
        %dma_start3A_2667 = tpu.memref_slice %arg2[%run_scoped3A_2660, %arg1, %dma_start3A_2665, %dma_start3A_2666] : memref<2x16x157x128xi32, #tpu.memory_space<hbm>> -> memref<1x1x157x128xi32, #tpu.memory_space<hbm>>
        %dma_start3A_2668 = tpu.memref_squeeze %dma_start3A_2667 : memref<1x1x157x128xi32, #tpu.memory_space<hbm>> -> memref<157x128xi32, #tpu.memory_space<hbm>>
        tpu.enqueue_dma source(%dma_start3A_2668 : memref<157x128xi32, #tpu.memory_space<hbm>>) target(%arg6 : memref<157x128xi32, #tpu.memory_space<vmem>>) target_semaphore(%run_scoped3A_2661 : memref<!tpu.dma_semaphore, #tpu.memory_space<semaphore_mem>>)
        %dma_wait3A = arith.constant 0 : i32
        %dma_wait3A_2669 = arith.constant 0 : i32
        %dma_wait3A_2670 = tpu.memref_slice %arg2[%run_scoped3A_2660, %arg1, %dma_wait3A, %dma_wait3A_2669] : memref<2x16x157x128xi32, #tpu.memory_space<hbm>> -> memref<1x1x157x128xi32, #tpu.memory_space<hbm>>
        %dma_wait3A_2671 = tpu.memref_squeeze %dma_wait3A_2670 : memref<1x1x157x128xi32, #tpu.memory_space<hbm>> -> memref<157x128xi32, #tpu.memory_space<hbm>>
        %dma_wait3A_2672 = arith.constant 0 : i32
        %dma_wait3A_2673 = arith.constant 0 : i32
        %dma_wait3A_2674 = tpu.memref_slice %arg2[%run_scoped3A_2660, %arg1, %dma_wait3A_2672, %dma_wait3A_2673] : memref<2x16x157x128xi32, #tpu.memory_space<hbm>> -> memref<1x1x157x128xi32, #tpu.memory_space<hbm>>
        %dma_wait3A_2675 = tpu.memref_squeeze %dma_wait3A_2674 : memref<1x1x157x128xi32, #tpu.memory_space<hbm>> -> memref<157x128xi32, #tpu.memory_space<hbm>>
        tpu.wait_dma2 semaphore(%run_scoped3A_2661 : memref<!tpu.dma_semaphore, #tpu.memory_space<semaphore_mem>>) src(%dma_wait3A_2675 : memref<157x128xi32, #tpu.memory_space<hbm>>) dst(%arg6 : memref<157x128xi32, #tpu.memory_space<vmem>>)
        tpu.yield
      }) : () -> ()
    } else {
    }
    %eq3A_289 = arith.constant 1 : i32
    %eq3A_290 = arith.cmpi eq, %arg0, %eq3A_289 : i32
    %convert_element_type3A_291 = arith.extui %eq3A_290 : i1 to i32
    %cond3A_292 = arith.constant 0 : i32
    %cond3A_293 = arith.cmpi ne, %convert_element_type3A_291, %cond3A_292 : i32
    scf.if %cond3A_293 {
      %run_scoped3A_2659 = arith.constant 0 : i32
      "tpu.region"() ({
        %run_scoped3A_2661 = tpu.sem_alloc : memref<!tpu.dma_semaphore, #tpu.memory_space<semaphore_mem>>
        %dma_start3A = arith.constant 0 : i32
        %dma_start3A_2662 = arith.constant 0 : i32
        %dma_start3A_2663 = tpu.memref_slice %arg3[%run_scoped3A_2659, %arg1, %dma_start3A, %dma_start3A_2662] : memref<2x16x157x128xi32, #tpu.memory_space<hbm>> -> memref<1x1x157x128xi32, #tpu.memory_space<hbm>>
        %dma_start3A_2664 = tpu.memref_squeeze %dma_start3A_2663 : memref<1x1x157x128xi32, #tpu.memory_space<hbm>> -> memref<157x128xi32, #tpu.memory_space<hbm>>
        %dma_start3A_2665 = arith.constant 0 : i32
        %dma_start3A_2666 = arith.constant 0 : i32
        %dma_start3A_2667 = tpu.memref_slice %arg3[%run_scoped3A_2659, %arg1, %dma_start3A_2665, %dma_start3A_2666] : memref<2x16x157x128xi32, #tpu.memory_space<hbm>> -> memref<1x1x157x128xi32, #tpu.memory_space<hbm>>
        %dma_start3A_2668 = tpu.memref_squeeze %dma_start3A_2667 : memref<1x1x157x128xi32, #tpu.memory_space<hbm>> -> memref<157x128xi32, #tpu.memory_space<hbm>>
        tpu.enqueue_dma source(%dma_start3A_2668 : memref<157x128xi32, #tpu.memory_space<hbm>>) target(%arg5 : memref<157x128xi32, #tpu.memory_space<vmem>>) target_semaphore(%run_scoped3A_2661 : memref<!tpu.dma_semaphore, #tpu.memory_space<semaphore_mem>>)
        %dma_wait3A = arith.constant 0 : i32
        %dma_wait3A_2669 = arith.constant 0 : i32
        %dma_wait3A_2670 = tpu.memref_slice %arg3[%run_scoped3A_2659, %arg1, %dma_wait3A, %dma_wait3A_2669] : memref<2x16x157x128xi32, #tpu.memory_space<hbm>> -> memref<1x1x157x128xi32, #tpu.memory_space<hbm>>
        %dma_wait3A_2671 = tpu.memref_squeeze %dma_wait3A_2670 : memref<1x1x157x128xi32, #tpu.memory_space<hbm>> -> memref<157x128xi32, #tpu.memory_space<hbm>>
        %dma_wait3A_2672 = arith.constant 0 : i32
        %dma_wait3A_2673 = arith.constant 0 : i32
        %dma_wait3A_2674 = tpu.memref_slice %arg3[%run_scoped3A_2659, %arg1, %dma_wait3A_2672, %dma_wait3A_2673] : memref<2x16x157x128xi32, #tpu.memory_space<hbm>> -> memref<1x1x157x128xi32, #tpu.memory_space<hbm>>
        %dma_wait3A_2675 = tpu.memref_squeeze %dma_wait3A_2674 : memref<1x1x157x128xi32, #tpu.memory_space<hbm>> -> memref<157x128xi32, #tpu.memory_space<hbm>>
        tpu.wait_dma2 semaphore(%run_scoped3A_2661 : memref<!tpu.dma_semaphore, #tpu.memory_space<semaphore_mem>>) src(%dma_wait3A_2675 : memref<157x128xi32, #tpu.memory_space<hbm>>) dst(%arg5 : memref<157x128xi32, #tpu.memory_space<vmem>>)
        tpu.yield
      }) : () -> ()
      %run_scoped3A_2660 = arith.constant 1 : i32
      "tpu.region"() ({
        %run_scoped3A_2661 = tpu.sem_alloc : memref<!tpu.dma_semaphore, #tpu.memory_space<semaphore_mem>>
        %dma_start3A = arith.constant 0 : i32
        %dma_start3A_2662 = arith.constant 0 : i32
        %dma_start3A_2663 = tpu.memref_slice %arg3[%run_scoped3A_2660, %arg1, %dma_start3A, %dma_start3A_2662] : memref<2x16x157x128xi32, #tpu.memory_space<hbm>> -> memref<1x1x157x128xi32, #tpu.memory_space<hbm>>
        %dma_start3A_2664 = tpu.memref_squeeze %dma_start3A_2663 : memref<1x1x157x128xi32, #tpu.memory_space<hbm>> -> memref<157x128xi32, #tpu.memory_space<hbm>>
        %dma_start3A_2665 = arith.constant 0 : i32
        %dma_start3A_2666 = arith.constant 0 : i32
        %dma_start3A_2667 = tpu.memref_slice %arg3[%run_scoped3A_2660, %arg1, %dma_start3A_2665, %dma_start3A_2666] : memref<2x16x157x128xi32, #tpu.memory_space<hbm>> -> memref<1x1x157x128xi32, #tpu.memory_space<hbm>>
        %dma_start3A_2668 = tpu.memref_squeeze %dma_start3A_2667 : memref<1x1x157x128xi32, #tpu.memory_space<hbm>> -> memref<157x128xi32, #tpu.memory_space<hbm>>
        tpu.enqueue_dma source(%dma_start3A_2668 : memref<157x128xi32, #tpu.memory_space<hbm>>) target(%arg6 : memref<157x128xi32, #tpu.memory_space<vmem>>) target_semaphore(%run_scoped3A_2661 : memref<!tpu.dma_semaphore, #tpu.memory_space<semaphore_mem>>)
        %dma_wait3A = arith.constant 0 : i32
        %dma_wait3A_2669 = arith.constant 0 : i32
        %dma_wait3A_2670 = tpu.memref_slice %arg3[%run_scoped3A_2660, %arg1, %dma_wait3A, %dma_wait3A_2669] : memref<2x16x157x128xi32, #tpu.memory_space<hbm>> -> memref<1x1x157x128xi32, #tpu.memory_space<hbm>>
        %dma_wait3A_2671 = tpu.memref_squeeze %dma_wait3A_2670 : memref<1x1x157x128xi32, #tpu.memory_space<hbm>> -> memref<157x128xi32, #tpu.memory_space<hbm>>
        %dma_wait3A_2672 = arith.constant 0 : i32
        %dma_wait3A_2673 = arith.constant 0 : i32
        %dma_wait3A_2674 = tpu.memref_slice %arg3[%run_scoped3A_2660, %arg1, %dma_wait3A_2672, %dma_wait3A_2673] : memref<2x16x157x128xi32, #tpu.memory_space<hbm>> -> memref<1x1x157x128xi32, #tpu.memory_space<hbm>>
        %dma_wait3A_2675 = tpu.memref_squeeze %dma_wait3A_2674 : memref<1x1x157x128xi32, #tpu.memory_space<hbm>> -> memref<157x128xi32, #tpu.memory_space<hbm>>
        tpu.wait_dma2 semaphore(%run_scoped3A_2661 : memref<!tpu.dma_semaphore, #tpu.memory_space<semaphore_mem>>) src(%dma_wait3A_2675 : memref<157x128xi32, #tpu.memory_space<hbm>>) dst(%arg6 : memref<157x128xi32, #tpu.memory_space<vmem>>)
        tpu.yield
      }) : () -> ()
    } else {
    }
    "tpu.region"() ({
      %run_scoped3A_2659 = tpu.sem_alloc : memref<!tpu.dma_semaphore, #tpu.memory_space<semaphore_mem>>
      %dma_start3A = tpu.memref_slice %arg14[%mul3A_0] : memref<10240xf32, #tpu.memory_space<vmem_shared>> -> memref<640xf32, #tpu.memory_space<vmem_shared>>
      %dma_start3A_2660 = tpu.memref_slice %arg14[%mul3A_0] : memref<10240xf32, #tpu.memory_space<vmem_shared>> -> memref<640xf32, #tpu.memory_space<vmem_shared>>
      tpu.enqueue_dma source(%arg9 : memref<640xf32, #tpu.memory_space<vmem>>) target(%dma_start3A_2660 : memref<640xf32, #tpu.memory_space<vmem_shared>>) target_semaphore(%run_scoped3A_2659 : memref<!tpu.dma_semaphore, #tpu.memory_space<semaphore_mem>>)
      %dma_wait3A = tpu.memref_slice %arg14[%mul3A_0] : memref<10240xf32, #tpu.memory_space<vmem_shared>> -> memref<640xf32, #tpu.memory_space<vmem_shared>>
      %dma_wait3A_2661 = tpu.memref_slice %arg14[%mul3A_0] : memref<10240xf32, #tpu.memory_space<vmem_shared>> -> memref<640xf32, #tpu.memory_space<vmem_shared>>
      tpu.wait_dma2 semaphore(%run_scoped3A_2659 : memref<!tpu.dma_semaphore, #tpu.memory_space<semaphore_mem>>) src(%arg9 : memref<640xf32, #tpu.memory_space<vmem>>) dst(%dma_wait3A_2661 : memref<640xf32, #tpu.memory_space<vmem_shared>>)
      tpu.yield
    }) : () -> ()
    %barrier3A = arith.constant 0 : index
    tpu.barrier barrier_id(%barrier3A)
    %scan3A = arith.constant 0 : i32
    %scan3A_294 = arith.constant 0 : i32
    %scan3A_295 = arith.constant 157 : i32
    %scan3A_296 = arith.addi %scan3A_294, %scan3A_295 : i32
    %scan3A_297 = arith.constant 1 : i32
    scf.for %scan3A_2659 = %scan3A_294 to %scan3A_296 step %scan3A_297  : i32 {
      %dma_start3A = arith.constant 0 : i32
      %dma_start3A_2660 = tpu.memref_slice %arg6[%scan3A_2659, %dma_start3A] : memref<157x128xi32, #tpu.memory_space<vmem>> -> memref<1x128xi32, #tpu.memory_space<vmem>>
      %dma_start3A_2661 = tpu.memref_squeeze %dma_start3A_2660 : memref<1x128xi32, #tpu.memory_space<vmem>> -> memref<128xi32, #tpu.memory_space<vmem>>
      %dma_start3A_2662 = arith.constant 0 : i32
      %dma_start3A_2663 = tpu.memref_slice %arg14[%dma_start3A_2662] : memref<10240xf32, #tpu.memory_space<vmem_shared>> -> memref<10240xf32, #tpu.memory_space<vmem_shared>>
      tpu.enqueue_indirect_dma source(%arg8 : memref<128xf32, #tpu.memory_space<vmem>>) target(%dma_start3A_2663 : memref<10240xf32, #tpu.memory_space<vmem_shared>>) offsets(%dma_start3A_2661 : memref<128xi32, #tpu.memory_space<vmem>>) semaphore(%arg16 : memref<!tpu.dma_semaphore, #tpu.memory_space<semaphore_mem>>) {add = true}
    }
    %scan3A_298 = arith.constant 157 : i32
    %scan3A_299 = arith.constant 0 : i32
    %scan3A_300 = arith.constant 0 : i32
    %scan3A_301 = arith.constant 157 : i32
    %scan3A_302 = arith.addi %scan3A_300, %scan3A_301 : i32
    %scan3A_303 = arith.constant 1 : i32
    scf.for %scan3A_2659 = %scan3A_300 to %scan3A_302 step %scan3A_303  : i32 {
      %dma_wait3A = arith.constant 0 : i32
      %dma_wait3A_2660 = tpu.memref_slice %arg6[%scan3A_2659, %dma_wait3A] : memref<157x128xi32, #tpu.memory_space<vmem>> -> memref<1x128xi32, #tpu.memory_space<vmem>>
      %dma_wait3A_2661 = tpu.memref_squeeze %dma_wait3A_2660 : memref<1x128xi32, #tpu.memory_space<vmem>> -> memref<128xi32, #tpu.memory_space<vmem>>
      %dma_wait3A_2662 = arith.constant 0 : i32
      %dma_wait3A_2663 = tpu.memref_slice %arg14[%dma_wait3A_2662] : memref<10240xf32, #tpu.memory_space<vmem_shared>> -> memref<10240xf32, #tpu.memory_space<vmem_shared>>
      tpu.wait_indirect_dma semaphore(%arg16 : memref<!tpu.dma_semaphore, #tpu.memory_space<semaphore_mem>>) src(%arg8 : memref<128xf32, #tpu.memory_space<vmem>>) dst(%dma_wait3A_2663 : memref<10240xf32, #tpu.memory_space<vmem_shared>>)
    }
    %scan3A_304 = arith.constant 157 : i32
    %barrier3A_305 = arith.constant 0 : index
    tpu.barrier barrier_id(%barrier3A_305)
    "tpu.region"() ({
      %run_scoped3A_2659 = tpu.sem_alloc : memref<!tpu.dma_semaphore, #tpu.memory_space<semaphore_mem>>
      %dma_start3A = tpu.memref_slice %arg14[%mul3A_0] : memref<10240xf32, #tpu.memory_space<vmem_shared>> -> memref<640xf32, #tpu.memory_space<vmem_shared>>
      %dma_start3A_2660 = tpu.memref_slice %arg14[%mul3A_0] : memref<10240xf32, #tpu.memory_space<vmem_shared>> -> memref<640xf32, #tpu.memory_space<vmem_shared>>
      tpu.enqueue_dma source(%dma_start3A_2660 : memref<640xf32, #tpu.memory_space<vmem_shared>>) target(%arg10 : memref<640xf32, #tpu.memory_space<vmem>>) target_semaphore(%run_scoped3A_2659 : memref<!tpu.dma_semaphore, #tpu.memory_space<semaphore_mem>>)
      %dma_wait3A = tpu.memref_slice %arg14[%mul3A_0] : memref<10240xf32, #tpu.memory_space<vmem_shared>> -> memref<640xf32, #tpu.memory_space<vmem_shared>>
      %dma_wait3A_2661 = tpu.memref_slice %arg14[%mul3A_0] : memref<10240xf32, #tpu.memory_space<vmem_shared>> -> memref<640xf32, #tpu.memory_space<vmem_shared>>
      tpu.wait_dma2 semaphore(%run_scoped3A_2659 : memref<!tpu.dma_semaphore, #tpu.memory_space<semaphore_mem>>) src(%dma_wait3A_2661 : memref<640xf32, #tpu.memory_space<vmem_shared>>) dst(%arg10 : memref<640xf32, #tpu.memory_space<vmem>>)
      tpu.yield
    }) : () -> ()
    %get3A = arith.constant 0 : index
    %get3A_306 = tpu.vector_load %arg10[%get3A] {strides = array<i32>} : memref<640xf32, #tpu.memory_space<vmem>>, vector<16xf32>,
    %get3A_307 = vector.shape_cast %get3A_306 : vector<16xf32> to vector<16xf32>
    %max3A = arith.constant 1.000000e+00 : f32
    %max3A_308 = vector.broadcast %max3A : f32 to vector<16xf32>
    %max3A_309 = arith.maximumf %get3A_307, %max3A_308 : vector<16xf32>
    %div3A = arith.constant 1.000000e+00 : f32
    %div3A_310 = vector.broadcast %div3A : f32 to vector<16xf32>
    %div3A_311 = arith.divf %div3A_310, %max3A_309 : vector<16xf32>
    %swap3A_312 = arith.constant 0 : index
    %swap3A_313 = tpu.vector_load %arg11[%swap3A_312] {strides = array<i32>} : memref<640xf32, #tpu.memory_space<vmem>>, vector<16xf32>,
    %swap3A_314 = vector.shape_cast %swap3A_313 : vector<16xf32> to vector<16xf32>
    %swap3A_315 = vector.shape_cast %div3A_311 : vector<16xf32> to vector<16xf32>
    tpu.vector_store %arg11[%swap3A_312], %swap3A_315 {strides = array<i32>} : memref<640xf32, #tpu.memory_space<vmem>>, vector<16xf32>,
    %add3A = arith.constant 0 : i32
    %add3A_316 = arith.addi %mul3A_0, %add3A : i32
    %iota3A = tpu.iota {dimensions = array<i32: 0>} : vector<16xi32>
    %add3A_317 = vector.broadcast %add3A_316 : i32 to vector<16xi32>
    %add3A_318 = arith.addi %add3A_317, %iota3A : vector<16xi32>
    %lt3A = arith.constant 10000 : i32
    %lt3A_319 = vector.broadcast %lt3A : i32 to vector<16xi32>
    %lt3A_320 = arith.cmpi slt, %add3A_318, %lt3A_319 : vector<16xi32>
    %jit3A = arith.constant 1.000000e+00 : f32
    %jit3A_321 = arith.constant 0.000000e+00 : f32
    %broadcast_in_dim3A_322 = vector.broadcast %jit3A : f32 to vector<16xf32>
    %broadcast_in_dim3A_323 = vector.broadcast %jit3A_321 : f32 to vector<16xf32>
    %select_n3A = arith.select %lt3A_320, %broadcast_in_dim3A_322, %broadcast_in_dim3A_323 : vector<16xi1>, vector<16xf32>
    %swap3A_324 = arith.constant 0 : index
    %swap3A_325 = tpu.vector_load %arg10[%swap3A_324] {strides = array<i32>} : memref<640xf32, #tpu.memory_space<vmem>>, vector<16xf32>,
    %swap3A_326 = vector.shape_cast %swap3A_325 : vector<16xf32> to vector<16xf32>
    %swap3A_327 = vector.shape_cast %select_n3A : vector<16xf32> to vector<16xf32>
    tpu.vector_store %arg10[%swap3A_324], %swap3A_327 {strides = array<i32>} : memref<640xf32, #tpu.memory_space<vmem>>, vector<16xf32>,
    %mul3A_328 = arith.mulf %select_n3A, %div3A_311 : vector<16xf32>
    %swap3A_329 = arith.constant 0 : index
    %swap3A_330 = tpu.vector_load %arg12[%swap3A_329] {strides = array<i32>} : memref<640xf32, #tpu.memory_space<vmem>>, vector<16xf32>,
    %swap3A_331 = vector.shape_cast %swap3A_330 : vector<16xf32> to vector<16xf32>
    %swap3A_332 = vector.shape_cast %mul3A_328 : vector<16xf32> to vector<16xf32>
    tpu.vector_store %arg12[%swap3A_329], %swap3A_332 {strides = array<i32>} : memref<640xf32, #tpu.memory_space<vmem>>, vector<16xf32>,
    %get3A_333 = arith.constant 16 : index
    %get3A_334 = tpu.vector_load %arg10[%get3A_333] {strides = array<i32>} : memref<640xf32, #tpu.memory_space<vmem>>, vector<16xf32>,
    %get3A_335 = vector.shape_cast %get3A_334 : vector<16xf32> to vector<16xf32>
    %max3A_336 = arith.constant 1.000000e+00 : f32
    %max3A_337 = vector.broadcast %max3A_336 : f32 to vector<16xf32>
    %max3A_338 = arith.maximumf %get3A_335, %max3A_337 : vector<16xf32>
    %div3A_339 = arith.constant 1.000000e+00 : f32
    %div3A_340 = vector.broadcast %div3A_339 : f32 to vector<16xf32>
    %div3A_341 = arith.divf %div3A_340, %max3A_338 : vector<16xf32>
    %swap3A_342 = arith.constant 16 : index
    %swap3A_343 = tpu.vector_load %arg11[%swap3A_342] {strides = array<i32>} : memref<640xf32, #tpu.memory_space<vmem>>, vector<16xf32>,
    %swap3A_344 = vector.shape_cast %swap3A_343 : vector<16xf32> to vector<16xf32>
    %swap3A_345 = vector.shape_cast %div3A_341 : vector<16xf32> to vector<16xf32>
    tpu.vector_store %arg11[%swap3A_342], %swap3A_345 {strides = array<i32>} : memref<640xf32, #tpu.memory_space<vmem>>, vector<16xf32>,
    %add3A_346 = arith.constant 16 : i32
    %add3A_347 = arith.addi %mul3A_0, %add3A_346 : i32
    %iota3A_348 = tpu.iota {dimensions = array<i32: 0>} : vector<16xi32>
    %add3A_349 = vector.broadcast %add3A_347 : i32 to vector<16xi32>
    %add3A_350 = arith.addi %add3A_349, %iota3A_348 : vector<16xi32>
    %lt3A_351 = arith.constant 10000 : i32
    %lt3A_352 = vector.broadcast %lt3A_351 : i32 to vector<16xi32>
    %lt3A_353 = arith.cmpi slt, %add3A_350, %lt3A_352 : vector<16xi32>
    %jit3A_354 = arith.constant 1.000000e+00 : f32
    %jit3A_355 = arith.constant 0.000000e+00 : f32
    %broadcast_in_dim3A_356 = vector.broadcast %jit3A_354 : f32 to vector<16xf32>
    %broadcast_in_dim3A_357 = vector.broadcast %jit3A_355 : f32 to vector<16xf32>
    %select_n3A_358 = arith.select %lt3A_353, %broadcast_in_dim3A_356, %broadcast_in_dim3A_357 : vector<16xi1>, vector<16xf32>
    %swap3A_359 = arith.constant 16 : index
    %swap3A_360 = tpu.vector_load %arg10[%swap3A_359] {strides = array<i32>} : memref<640xf32, #tpu.memory_space<vmem>>, vector<16xf32>,
    %swap3A_361 = vector.shape_cast %swap3A_360 : vector<16xf32> to vector<16xf32>
    %swap3A_362 = vector.shape_cast %select_n3A_358 : vector<16xf32> to vector<16xf32>
    tpu.vector_store %arg10[%swap3A_359], %swap3A_362 {strides = array<i32>} : memref<640xf32, #tpu.memory_space<vmem>>, vector<16xf32>,
    %mul3A_363 = arith.mulf %select_n3A_358, %div3A_341 : vector<16xf32>
    %swap3A_364 = arith.constant 16 : index
    %swap3A_365 = tpu.vector_load %arg12[%swap3A_364] {strides = array<i32>} : memref<640xf32, #tpu.memory_space<vmem>>, vector<16xf32>,
    %swap3A_366 = vector.shape_cast %swap3A_365 : vector<16xf32> to vector<16xf32>
    %swap3A_367 = vector.shape_cast %mul3A_363 : vector<16xf32> to vector<16xf32>
    tpu.vector_store %arg12[%swap3A_364], %swap3A_367 {strides = array<i32>} : memref<640xf32, #tpu.memory_space<vmem>>, vector<16xf32>,
    %get3A_368 = arith.constant 32 : index
    %get3A_369 = tpu.vector_load %arg10[%get3A_368] {strides = array<i32>} : memref<640xf32, #tpu.memory_space<vmem>>, vector<16xf32>,
    %get3A_370 = vector.shape_cast %get3A_369 : vector<16xf32> to vector<16xf32>
    %max3A_371 = arith.constant 1.000000e+00 : f32
    %max3A_372 = vector.broadcast %max3A_371 : f32 to vector<16xf32>
    %max3A_373 = arith.maximumf %get3A_370, %max3A_372 : vector<16xf32>
    %div3A_374 = arith.constant 1.000000e+00 : f32
    %div3A_375 = vector.broadcast %div3A_374 : f32 to vector<16xf32>
    %div3A_376 = arith.divf %div3A_375, %max3A_373 : vector<16xf32>
    %swap3A_377 = arith.constant 32 : index
    %swap3A_378 = tpu.vector_load %arg11[%swap3A_377] {strides = array<i32>} : memref<640xf32, #tpu.memory_space<vmem>>, vector<16xf32>,
    %swap3A_379 = vector.shape_cast %swap3A_378 : vector<16xf32> to vector<16xf32>
    %swap3A_380 = vector.shape_cast %div3A_376 : vector<16xf32> to vector<16xf32>
    tpu.vector_store %arg11[%swap3A_377], %swap3A_380 {strides = array<i32>} : memref<640xf32, #tpu.memory_space<vmem>>, vector<16xf32>,
    %add3A_381 = arith.constant 32 : i32
    %add3A_382 = arith.addi %mul3A_0, %add3A_381 : i32
    %iota3A_383 = tpu.iota {dimensions = array<i32: 0>} : vector<16xi32>
    %add3A_384 = vector.broadcast %add3A_382 : i32 to vector<16xi32>
    %add3A_385 = arith.addi %add3A_384, %iota3A_383 : vector<16xi32>
    %lt3A_386 = arith.constant 10000 : i32
    %lt3A_387 = vector.broadcast %lt3A_386 : i32 to vector<16xi32>
    %lt3A_388 = arith.cmpi slt, %add3A_385, %lt3A_387 : vector<16xi32>
    %jit3A_389 = arith.constant 1.000000e+00 : f32
    %jit3A_390 = arith.constant 0.000000e+00 : f32
    %broadcast_in_dim3A_391 = vector.broadcast %jit3A_389 : f32 to vector<16xf32>
    %broadcast_in_dim3A_392 = vector.broadcast %jit3A_390 : f32 to vector<16xf32>
    %select_n3A_393 = arith.select %lt3A_388, %broadcast_in_dim3A_391, %broadcast_in_dim3A_392 : vector<16xi1>, vector<16xf32>
    %swap3A_394 = arith.constant 32 : index
    %swap3A_395 = tpu.vector_load %arg10[%swap3A_394] {strides = array<i32>} : memref<640xf32, #tpu.memory_space<vmem>>, vector<16xf32>,
    %swap3A_396 = vector.shape_cast %swap3A_395 : vector<16xf32> to vector<16xf32>
    %swap3A_397 = vector.shape_cast %select_n3A_393 : vector<16xf32> to vector<16xf32>
    tpu.vector_store %arg10[%swap3A_394], %swap3A_397 {strides = array<i32>} : memref<640xf32, #tpu.memory_space<vmem>>, vector<16xf32>,
    %mul3A_398 = arith.mulf %select_n3A_393, %div3A_376 : vector<16xf32>
    %swap3A_399 = arith.constant 32 : index
    %swap3A_400 = tpu.vector_load %arg12[%swap3A_399] {strides = array<i32>} : memref<640xf32, #tpu.memory_space<vmem>>, vector<16xf32>,
    %swap3A_401 = vector.shape_cast %swap3A_400 : vector<16xf32> to vector<16xf32>
    %swap3A_402 = vector.shape_cast %mul3A_398 : vector<16xf32> to vector<16xf32>
    tpu.vector_store %arg12[%swap3A_399], %swap3A_402 {strides = array<i32>} : memref<640xf32, #tpu.memory_space<vmem>>, vector<16xf32>,
    %get3A_403 = arith.constant 48 : index
    %get3A_404 = tpu.vector_load %arg10[%get3A_403] {strides = array<i32>} : memref<640xf32, #tpu.memory_space<vmem>>, vector<16xf32>,
    %get3A_405 = vector.shape_cast %get3A_404 : vector<16xf32> to vector<16xf32>
    %max3A_406 = arith.constant 1.000000e+00 : f32
    %max3A_407 = vector.broadcast %max3A_406 : f32 to vector<16xf32>
    %max3A_408 = arith.maximumf %get3A_405, %max3A_407 : vector<16xf32>
    %div3A_409 = arith.constant 1.000000e+00 : f32
    %div3A_410 = vector.broadcast %div3A_409 : f32 to vector<16xf32>
    %div3A_411 = arith.divf %div3A_410, %max3A_408 : vector<16xf32>
    %swap3A_412 = arith.constant 48 : index
    %swap3A_413 = tpu.vector_load %arg11[%swap3A_412] {strides = array<i32>} : memref<640xf32, #tpu.memory_space<vmem>>, vector<16xf32>,
    %swap3A_414 = vector.shape_cast %swap3A_413 : vector<16xf32> to vector<16xf32>
    %swap3A_415 = vector.shape_cast %div3A_411 : vector<16xf32> to vector<16xf32>
    tpu.vector_store %arg11[%swap3A_412], %swap3A_415 {strides = array<i32>} : memref<640xf32, #tpu.memory_space<vmem>>, vector<16xf32>,
    %add3A_416 = arith.constant 48 : i32
    %add3A_417 = arith.addi %mul3A_0, %add3A_416 : i32
    %iota3A_418 = tpu.iota {dimensions = array<i32: 0>} : vector<16xi32>
    %add3A_419 = vector.broadcast %add3A_417 : i32 to vector<16xi32>
    %add3A_420 = arith.addi %add3A_419, %iota3A_418 : vector<16xi32>
    %lt3A_421 = arith.constant 10000 : i32
    %lt3A_422 = vector.broadcast %lt3A_421 : i32 to vector<16xi32>
    %lt3A_423 = arith.cmpi slt, %add3A_420, %lt3A_422 : vector<16xi32>
    %jit3A_424 = arith.constant 1.000000e+00 : f32
    %jit3A_425 = arith.constant 0.000000e+00 : f32
    %broadcast_in_dim3A_426 = vector.broadcast %jit3A_424 : f32 to vector<16xf32>
    %broadcast_in_dim3A_427 = vector.broadcast %jit3A_425 : f32 to vector<16xf32>
    %select_n3A_428 = arith.select %lt3A_423, %broadcast_in_dim3A_426, %broadcast_in_dim3A_427 : vector<16xi1>, vector<16xf32>
    %swap3A_429 = arith.constant 48 : index
    %swap3A_430 = tpu.vector_load %arg10[%swap3A_429] {strides = array<i32>} : memref<640xf32, #tpu.memory_space<vmem>>, vector<16xf32>,
    %swap3A_431 = vector.shape_cast %swap3A_430 : vector<16xf32> to vector<16xf32>
    %swap3A_432 = vector.shape_cast %select_n3A_428 : vector<16xf32> to vector<16xf32>
    tpu.vector_store %arg10[%swap3A_429], %swap3A_432 {strides = array<i32>} : memref<640xf32, #tpu.memory_space<vmem>>, vector<16xf32>,
    %mul3A_433 = arith.mulf %select_n3A_428, %div3A_411 : vector<16xf32>
    %swap3A_434 = arith.constant 48 : index
    %swap3A_435 = tpu.vector_load %arg12[%swap3A_434] {strides = array<i32>} : memref<640xf32, #tpu.memory_space<vmem>>, vector<16xf32>,
    %swap3A_436 = vector.shape_cast %swap3A_435 : vector<16xf32> to vector<16xf32>
    %swap3A_437 = vector.shape_cast %mul3A_433 : vector<16xf32> to vector<16xf32>
    tpu.vector_store %arg12[%swap3A_434], %swap3A_437 {strides = array<i32>} : memref<640xf32, #tpu.memory_space<vmem>>, vector<16xf32>,
    %get3A_438 = arith.constant 64 : index
    %get3A_439 = tpu.vector_load %arg10[%get3A_438] {strides = array<i32>} : memref<640xf32, #tpu.memory_space<vmem>>, vector<16xf32>,
    %get3A_440 = vector.shape_cast %get3A_439 : vector<16xf32> to vector<16xf32>
    %max3A_441 = arith.constant 1.000000e+00 : f32
    %max3A_442 = vector.broadcast %max3A_441 : f32 to vector<16xf32>
    %max3A_443 = arith.maximumf %get3A_440, %max3A_442 : vector<16xf32>
    %div3A_444 = arith.constant 1.000000e+00 : f32
    %div3A_445 = vector.broadcast %div3A_444 : f32 to vector<16xf32>
    %div3A_446 = arith.divf %div3A_445, %max3A_443 : vector<16xf32>
    %swap3A_447 = arith.constant 64 : index
    %swap3A_448 = tpu.vector_load %arg11[%swap3A_447] {strides = array<i32>} : memref<640xf32, #tpu.memory_space<vmem>>, vector<16xf32>,
    %swap3A_449 = vector.shape_cast %swap3A_448 : vector<16xf32> to vector<16xf32>
    %swap3A_450 = vector.shape_cast %div3A_446 : vector<16xf32> to vector<16xf32>
    tpu.vector_store %arg11[%swap3A_447], %swap3A_450 {strides = array<i32>} : memref<640xf32, #tpu.memory_space<vmem>>, vector<16xf32>,
    %add3A_451 = arith.constant 64 : i32
    %add3A_452 = arith.addi %mul3A_0, %add3A_451 : i32
    %iota3A_453 = tpu.iota {dimensions = array<i32: 0>} : vector<16xi32>
    %add3A_454 = vector.broadcast %add3A_452 : i32 to vector<16xi32>
    %add3A_455 = arith.addi %add3A_454, %iota3A_453 : vector<16xi32>
    %lt3A_456 = arith.constant 10000 : i32
    %lt3A_457 = vector.broadcast %lt3A_456 : i32 to vector<16xi32>
    %lt3A_458 = arith.cmpi slt, %add3A_455, %lt3A_457 : vector<16xi32>
    %jit3A_459 = arith.constant 1.000000e+00 : f32
    %jit3A_460 = arith.constant 0.000000e+00 : f32
    %broadcast_in_dim3A_461 = vector.broadcast %jit3A_459 : f32 to vector<16xf32>
    %broadcast_in_dim3A_462 = vector.broadcast %jit3A_460 : f32 to vector<16xf32>
    %select_n3A_463 = arith.select %lt3A_458, %broadcast_in_dim3A_461, %broadcast_in_dim3A_462 : vector<16xi1>, vector<16xf32>
    %swap3A_464 = arith.constant 64 : index
    %swap3A_465 = tpu.vector_load %arg10[%swap3A_464] {strides = array<i32>} : memref<640xf32, #tpu.memory_space<vmem>>, vector<16xf32>,
    %swap3A_466 = vector.shape_cast %swap3A_465 : vector<16xf32> to vector<16xf32>
    %swap3A_467 = vector.shape_cast %select_n3A_463 : vector<16xf32> to vector<16xf32>
    tpu.vector_store %arg10[%swap3A_464], %swap3A_467 {strides = array<i32>} : memref<640xf32, #tpu.memory_space<vmem>>, vector<16xf32>,
    %mul3A_468 = arith.mulf %select_n3A_463, %div3A_446 : vector<16xf32>
    %swap3A_469 = arith.constant 64 : index
    %swap3A_470 = tpu.vector_load %arg12[%swap3A_469] {strides = array<i32>} : memref<640xf32, #tpu.memory_space<vmem>>, vector<16xf32>,
    %swap3A_471 = vector.shape_cast %swap3A_470 : vector<16xf32> to vector<16xf32>
    %swap3A_472 = vector.shape_cast %mul3A_468 : vector<16xf32> to vector<16xf32>
    tpu.vector_store %arg12[%swap3A_469], %swap3A_472 {strides = array<i32>} : memref<640xf32, #tpu.memory_space<vmem>>, vector<16xf32>,
    %get3A_473 = arith.constant 80 : index
    %get3A_474 = tpu.vector_load %arg10[%get3A_473] {strides = array<i32>} : memref<640xf32, #tpu.memory_space<vmem>>, vector<16xf32>,
    %get3A_475 = vector.shape_cast %get3A_474 : vector<16xf32> to vector<16xf32>
    %max3A_476 = arith.constant 1.000000e+00 : f32
    %max3A_477 = vector.broadcast %max3A_476 : f32 to vector<16xf32>
    %max3A_478 = arith.maximumf %get3A_475, %max3A_477 : vector<16xf32>
    %div3A_479 = arith.constant 1.000000e+00 : f32
    %div3A_480 = vector.broadcast %div3A_479 : f32 to vector<16xf32>
    %div3A_481 = arith.divf %div3A_480, %max3A_478 : vector<16xf32>
    %swap3A_482 = arith.constant 80 : index
    %swap3A_483 = tpu.vector_load %arg11[%swap3A_482] {strides = array<i32>} : memref<640xf32, #tpu.memory_space<vmem>>, vector<16xf32>,
    %swap3A_484 = vector.shape_cast %swap3A_483 : vector<16xf32> to vector<16xf32>
    %swap3A_485 = vector.shape_cast %div3A_481 : vector<16xf32> to vector<16xf32>
    tpu.vector_store %arg11[%swap3A_482], %swap3A_485 {strides = array<i32>} : memref<640xf32, #tpu.memory_space<vmem>>, vector<16xf32>,
    %add3A_486 = arith.constant 80 : i32
    %add3A_487 = arith.addi %mul3A_0, %add3A_486 : i32
    %iota3A_488 = tpu.iota {dimensions = array<i32: 0>} : vector<16xi32>
    %add3A_489 = vector.broadcast %add3A_487 : i32 to vector<16xi32>
    %add3A_490 = arith.addi %add3A_489, %iota3A_488 : vector<16xi32>
    %lt3A_491 = arith.constant 10000 : i32
    %lt3A_492 = vector.broadcast %lt3A_491 : i32 to vector<16xi32>
    %lt3A_493 = arith.cmpi slt, %add3A_490, %lt3A_492 : vector<16xi32>
    %jit3A_494 = arith.constant 1.000000e+00 : f32
    %jit3A_495 = arith.constant 0.000000e+00 : f32
    %broadcast_in_dim3A_496 = vector.broadcast %jit3A_494 : f32 to vector<16xf32>
    %broadcast_in_dim3A_497 = vector.broadcast %jit3A_495 : f32 to vector<16xf32>
    %select_n3A_498 = arith.select %lt3A_493, %broadcast_in_dim3A_496, %broadcast_in_dim3A_497 : vector<16xi1>, vector<16xf32>
    %swap3A_499 = arith.constant 80 : index
    %swap3A_500 = tpu.vector_load %arg10[%swap3A_499] {strides = array<i32>} : memref<640xf32, #tpu.memory_space<vmem>>, vector<16xf32>,
    %swap3A_501 = vector.shape_cast %swap3A_500 : vector<16xf32> to vector<16xf32>
    %swap3A_502 = vector.shape_cast %select_n3A_498 : vector<16xf32> to vector<16xf32>
    tpu.vector_store %arg10[%swap3A_499], %swap3A_502 {strides = array<i32>} : memref<640xf32, #tpu.memory_space<vmem>>, vector<16xf32>,
    %mul3A_503 = arith.mulf %select_n3A_498, %div3A_481 : vector<16xf32>
    %swap3A_504 = arith.constant 80 : index
    %swap3A_505 = tpu.vector_load %arg12[%swap3A_504] {strides = array<i32>} : memref<640xf32, #tpu.memory_space<vmem>>, vector<16xf32>,
    %swap3A_506 = vector.shape_cast %swap3A_505 : vector<16xf32> to vector<16xf32>
    %swap3A_507 = vector.shape_cast %mul3A_503 : vector<16xf32> to vector<16xf32>
    tpu.vector_store %arg12[%swap3A_504], %swap3A_507 {strides = array<i32>} : memref<640xf32, #tpu.memory_space<vmem>>, vector<16xf32>,
    %get3A_508 = arith.constant 96 : index
    %get3A_509 = tpu.vector_load %arg10[%get3A_508] {strides = array<i32>} : memref<640xf32, #tpu.memory_space<vmem>>, vector<16xf32>,
    %get3A_510 = vector.shape_cast %get3A_509 : vector<16xf32> to vector<16xf32>
    %max3A_511 = arith.constant 1.000000e+00 : f32
    %max3A_512 = vector.broadcast %max3A_511 : f32 to vector<16xf32>
    %max3A_513 = arith.maximumf %get3A_510, %max3A_512 : vector<16xf32>
    %div3A_514 = arith.constant 1.000000e+00 : f32
    %div3A_515 = vector.broadcast %div3A_514 : f32 to vector<16xf32>
    %div3A_516 = arith.divf %div3A_515, %max3A_513 : vector<16xf32>
    %swap3A_517 = arith.constant 96 : index
    %swap3A_518 = tpu.vector_load %arg11[%swap3A_517] {strides = array<i32>} : memref<640xf32, #tpu.memory_space<vmem>>, vector<16xf32>,
    %swap3A_519 = vector.shape_cast %swap3A_518 : vector<16xf32> to vector<16xf32>
    %swap3A_520 = vector.shape_cast %div3A_516 : vector<16xf32> to vector<16xf32>
    tpu.vector_store %arg11[%swap3A_517], %swap3A_520 {strides = array<i32>} : memref<640xf32, #tpu.memory_space<vmem>>, vector<16xf32>,
    %add3A_521 = arith.constant 96 : i32
    %add3A_522 = arith.addi %mul3A_0, %add3A_521 : i32
    %iota3A_523 = tpu.iota {dimensions = array<i32: 0>} : vector<16xi32>
    %add3A_524 = vector.broadcast %add3A_522 : i32 to vector<16xi32>
    %add3A_525 = arith.addi %add3A_524, %iota3A_523 : vector<16xi32>
    %lt3A_526 = arith.constant 10000 : i32
    %lt3A_527 = vector.broadcast %lt3A_526 : i32 to vector<16xi32>
    %lt3A_528 = arith.cmpi slt, %add3A_525, %lt3A_527 : vector<16xi32>
    %jit3A_529 = arith.constant 1.000000e+00 : f32
    %jit3A_530 = arith.constant 0.000000e+00 : f32
    %broadcast_in_dim3A_531 = vector.broadcast %jit3A_529 : f32 to vector<16xf32>
    %broadcast_in_dim3A_532 = vector.broadcast %jit3A_530 : f32 to vector<16xf32>
    %select_n3A_533 = arith.select %lt3A_528, %broadcast_in_dim3A_531, %broadcast_in_dim3A_532 : vector<16xi1>, vector<16xf32>
    %swap3A_534 = arith.constant 96 : index
    %swap3A_535 = tpu.vector_load %arg10[%swap3A_534] {strides = array<i32>} : memref<640xf32, #tpu.memory_space<vmem>>, vector<16xf32>,
    %swap3A_536 = vector.shape_cast %swap3A_535 : vector<16xf32> to vector<16xf32>
    %swap3A_537 = vector.shape_cast %select_n3A_533 : vector<16xf32> to vector<16xf32>
    tpu.vector_store %arg10[%swap3A_534], %swap3A_537 {strides = array<i32>} : memref<640xf32, #tpu.memory_space<vmem>>, vector<16xf32>,
    %mul3A_538 = arith.mulf %select_n3A_533, %div3A_516 : vector<16xf32>
    %swap3A_539 = arith.constant 96 : index
    %swap3A_540 = tpu.vector_load %arg12[%swap3A_539] {strides = array<i32>} : memref<640xf32, #tpu.memory_space<vmem>>, vector<16xf32>,
    %swap3A_541 = vector.shape_cast %swap3A_540 : vector<16xf32> to vector<16xf32>
    %swap3A_542 = vector.shape_cast %mul3A_538 : vector<16xf32> to vector<16xf32>
    tpu.vector_store %arg12[%swap3A_539], %swap3A_542 {strides = array<i32>} : memref<640xf32, #tpu.memory_space<vmem>>, vector<16xf32>,
    %get3A_543 = arith.constant 112 : index
    %get3A_544 = tpu.vector_load %arg10[%get3A_543] {strides = array<i32>} : memref<640xf32, #tpu.memory_space<vmem>>, vector<16xf32>,
    %get3A_545 = vector.shape_cast %get3A_544 : vector<16xf32> to vector<16xf32>
    %max3A_546 = arith.constant 1.000000e+00 : f32
    %max3A_547 = vector.broadcast %max3A_546 : f32 to vector<16xf32>
    %max3A_548 = arith.maximumf %get3A_545, %max3A_547 : vector<16xf32>
    %div3A_549 = arith.constant 1.000000e+00 : f32
    %div3A_550 = vector.broadcast %div3A_549 : f32 to vector<16xf32>
    %div3A_551 = arith.divf %div3A_550, %max3A_548 : vector<16xf32>
    %swap3A_552 = arith.constant 112 : index
    %swap3A_553 = tpu.vector_load %arg11[%swap3A_552] {strides = array<i32>} : memref<640xf32, #tpu.memory_space<vmem>>, vector<16xf32>,
    %swap3A_554 = vector.shape_cast %swap3A_553 : vector<16xf32> to vector<16xf32>
    %swap3A_555 = vector.shape_cast %div3A_551 : vector<16xf32> to vector<16xf32>
    tpu.vector_store %arg11[%swap3A_552], %swap3A_555 {strides = array<i32>} : memref<640xf32, #tpu.memory_space<vmem>>, vector<16xf32>,
    %add3A_556 = arith.constant 112 : i32
    %add3A_557 = arith.addi %mul3A_0, %add3A_556 : i32
    %iota3A_558 = tpu.iota {dimensions = array<i32: 0>} : vector<16xi32>
    %add3A_559 = vector.broadcast %add3A_557 : i32 to vector<16xi32>
    %add3A_560 = arith.addi %add3A_559, %iota3A_558 : vector<16xi32>
    %lt3A_561 = arith.constant 10000 : i32
    %lt3A_562 = vector.broadcast %lt3A_561 : i32 to vector<16xi32>
    %lt3A_563 = arith.cmpi slt, %add3A_560, %lt3A_562 : vector<16xi32>
    %jit3A_564 = arith.constant 1.000000e+00 : f32
    %jit3A_565 = arith.constant 0.000000e+00 : f32
    %broadcast_in_dim3A_566 = vector.broadcast %jit3A_564 : f32 to vector<16xf32>
    %broadcast_in_dim3A_567 = vector.broadcast %jit3A_565 : f32 to vector<16xf32>
    %select_n3A_568 = arith.select %lt3A_563, %broadcast_in_dim3A_566, %broadcast_in_dim3A_567 : vector<16xi1>, vector<16xf32>
    %swap3A_569 = arith.constant 112 : index
    %swap3A_570 = tpu.vector_load %arg10[%swap3A_569] {strides = array<i32>} : memref<640xf32, #tpu.memory_space<vmem>>, vector<16xf32>,
    %swap3A_571 = vector.shape_cast %swap3A_570 : vector<16xf32> to vector<16xf32>
    %swap3A_572 = vector.shape_cast %select_n3A_568 : vector<16xf32> to vector<16xf32>
    tpu.vector_store %arg10[%swap3A_569], %swap3A_572 {strides = array<i32>} : memref<640xf32, #tpu.memory_space<vmem>>, vector<16xf32>,
    %mul3A_573 = arith.mulf %select_n3A_568, %div3A_551 : vector<16xf32>
    %swap3A_574 = arith.constant 112 : index
    %swap3A_575 = tpu.vector_load %arg12[%swap3A_574] {strides = array<i32>} : memref<640xf32, #tpu.memory_space<vmem>>, vector<16xf32>,
    %swap3A_576 = vector.shape_cast %swap3A_575 : vector<16xf32> to vector<16xf32>
    %swap3A_577 = vector.shape_cast %mul3A_573 : vector<16xf32> to vector<16xf32>
    tpu.vector_store %arg12[%swap3A_574], %swap3A_577 {strides = array<i32>} : memref<640xf32, #tpu.memory_space<vmem>>, vector<16xf32>,
    %get3A_578 = arith.constant 128 : index
    %get3A_579 = tpu.vector_load %arg10[%get3A_578] {strides = array<i32>} : memref<640xf32, #tpu.memory_space<vmem>>, vector<16xf32>,
    %get3A_580 = vector.shape_cast %get3A_579 : vector<16xf32> to vector<16xf32>
    %max3A_581 = arith.constant 1.000000e+00 : f32
    %max3A_582 = vector.broadcast %max3A_581 : f32 to vector<16xf32>
    %max3A_583 = arith.maximumf %get3A_580, %max3A_582 : vector<16xf32>
    %div3A_584 = arith.constant 1.000000e+00 : f32
    %div3A_585 = vector.broadcast %div3A_584 : f32 to vector<16xf32>
    %div3A_586 = arith.divf %div3A_585, %max3A_583 : vector<16xf32>
    %swap3A_587 = arith.constant 128 : index
    %swap3A_588 = tpu.vector_load %arg11[%swap3A_587] {strides = array<i32>} : memref<640xf32, #tpu.memory_space<vmem>>, vector<16xf32>,
    %swap3A_589 = vector.shape_cast %swap3A_588 : vector<16xf32> to vector<16xf32>
    %swap3A_590 = vector.shape_cast %div3A_586 : vector<16xf32> to vector<16xf32>
    tpu.vector_store %arg11[%swap3A_587], %swap3A_590 {strides = array<i32>} : memref<640xf32, #tpu.memory_space<vmem>>, vector<16xf32>,
    %add3A_591 = arith.constant 128 : i32
    %add3A_592 = arith.addi %mul3A_0, %add3A_591 : i32
    %iota3A_593 = tpu.iota {dimensions = array<i32: 0>} : vector<16xi32>
    %add3A_594 = vector.broadcast %add3A_592 : i32 to vector<16xi32>
    %add3A_595 = arith.addi %add3A_594, %iota3A_593 : vector<16xi32>
    %lt3A_596 = arith.constant 10000 : i32
    %lt3A_597 = vector.broadcast %lt3A_596 : i32 to vector<16xi32>
    %lt3A_598 = arith.cmpi slt, %add3A_595, %lt3A_597 : vector<16xi32>
    %jit3A_599 = arith.constant 1.000000e+00 : f32
    %jit3A_600 = arith.constant 0.000000e+00 : f32
    %broadcast_in_dim3A_601 = vector.broadcast %jit3A_599 : f32 to vector<16xf32>
    %broadcast_in_dim3A_602 = vector.broadcast %jit3A_600 : f32 to vector<16xf32>
    %select_n3A_603 = arith.select %lt3A_598, %broadcast_in_dim3A_601, %broadcast_in_dim3A_602 : vector<16xi1>, vector<16xf32>
    %swap3A_604 = arith.constant 128 : index
    %swap3A_605 = tpu.vector_load %arg10[%swap3A_604] {strides = array<i32>} : memref<640xf32, #tpu.memory_space<vmem>>, vector<16xf32>,
    %swap3A_606 = vector.shape_cast %swap3A_605 : vector<16xf32> to vector<16xf32>
    %swap3A_607 = vector.shape_cast %select_n3A_603 : vector<16xf32> to vector<16xf32>
    tpu.vector_store %arg10[%swap3A_604], %swap3A_607 {strides = array<i32>} : memref<640xf32, #tpu.memory_space<vmem>>, vector<16xf32>,
    %mul3A_608 = arith.mulf %select_n3A_603, %div3A_586 : vector<16xf32>
    %swap3A_609 = arith.constant 128 : index
    %swap3A_610 = tpu.vector_load %arg12[%swap3A_609] {strides = array<i32>} : memref<640xf32, #tpu.memory_space<vmem>>, vector<16xf32>,
    %swap3A_611 = vector.shape_cast %swap3A_610 : vector<16xf32> to vector<16xf32>
    %swap3A_612 = vector.shape_cast %mul3A_608 : vector<16xf32> to vector<16xf32>
    tpu.vector_store %arg12[%swap3A_609], %swap3A_612 {strides = array<i32>} : memref<640xf32, #tpu.memory_space<vmem>>, vector<16xf32>,
    %get3A_613 = arith.constant 144 : index
    %get3A_614 = tpu.vector_load %arg10[%get3A_613] {strides = array<i32>} : memref<640xf32, #tpu.memory_space<vmem>>, vector<16xf32>,
    %get3A_615 = vector.shape_cast %get3A_614 : vector<16xf32> to vector<16xf32>
    %max3A_616 = arith.constant 1.000000e+00 : f32
    %max3A_617 = vector.broadcast %max3A_616 : f32 to vector<16xf32>
    %max3A_618 = arith.maximumf %get3A_615, %max3A_617 : vector<16xf32>
    %div3A_619 = arith.constant 1.000000e+00 : f32
    %div3A_620 = vector.broadcast %div3A_619 : f32 to vector<16xf32>
    %div3A_621 = arith.divf %div3A_620, %max3A_618 : vector<16xf32>
    %swap3A_622 = arith.constant 144 : index
    %swap3A_623 = tpu.vector_load %arg11[%swap3A_622] {strides = array<i32>} : memref<640xf32, #tpu.memory_space<vmem>>, vector<16xf32>,
    %swap3A_624 = vector.shape_cast %swap3A_623 : vector<16xf32> to vector<16xf32>
    %swap3A_625 = vector.shape_cast %div3A_621 : vector<16xf32> to vector<16xf32>
    tpu.vector_store %arg11[%swap3A_622], %swap3A_625 {strides = array<i32>} : memref<640xf32, #tpu.memory_space<vmem>>, vector<16xf32>,
    %add3A_626 = arith.constant 144 : i32
    %add3A_627 = arith.addi %mul3A_0, %add3A_626 : i32
    %iota3A_628 = tpu.iota {dimensions = array<i32: 0>} : vector<16xi32>
    %add3A_629 = vector.broadcast %add3A_627 : i32 to vector<16xi32>
    %add3A_630 = arith.addi %add3A_629, %iota3A_628 : vector<16xi32>
    %lt3A_631 = arith.constant 10000 : i32
    %lt3A_632 = vector.broadcast %lt3A_631 : i32 to vector<16xi32>
    %lt3A_633 = arith.cmpi slt, %add3A_630, %lt3A_632 : vector<16xi32>
    %jit3A_634 = arith.constant 1.000000e+00 : f32
    %jit3A_635 = arith.constant 0.000000e+00 : f32
    %broadcast_in_dim3A_636 = vector.broadcast %jit3A_634 : f32 to vector<16xf32>
    %broadcast_in_dim3A_637 = vector.broadcast %jit3A_635 : f32 to vector<16xf32>
    %select_n3A_638 = arith.select %lt3A_633, %broadcast_in_dim3A_636, %broadcast_in_dim3A_637 : vector<16xi1>, vector<16xf32>
    %swap3A_639 = arith.constant 144 : index
    %swap3A_640 = tpu.vector_load %arg10[%swap3A_639] {strides = array<i32>} : memref<640xf32, #tpu.memory_space<vmem>>, vector<16xf32>,
    %swap3A_641 = vector.shape_cast %swap3A_640 : vector<16xf32> to vector<16xf32>
    %swap3A_642 = vector.shape_cast %select_n3A_638 : vector<16xf32> to vector<16xf32>
    tpu.vector_store %arg10[%swap3A_639], %swap3A_642 {strides = array<i32>} : memref<640xf32, #tpu.memory_space<vmem>>, vector<16xf32>,
    %mul3A_643 = arith.mulf %select_n3A_638, %div3A_621 : vector<16xf32>
    %swap3A_644 = arith.constant 144 : index
    %swap3A_645 = tpu.vector_load %arg12[%swap3A_644] {strides = array<i32>} : memref<640xf32, #tpu.memory_space<vmem>>, vector<16xf32>,
    %swap3A_646 = vector.shape_cast %swap3A_645 : vector<16xf32> to vector<16xf32>
    %swap3A_647 = vector.shape_cast %mul3A_643 : vector<16xf32> to vector<16xf32>
    tpu.vector_store %arg12[%swap3A_644], %swap3A_647 {strides = array<i32>} : memref<640xf32, #tpu.memory_space<vmem>>, vector<16xf32>,
    %get3A_648 = arith.constant 160 : index
    %get3A_649 = tpu.vector_load %arg10[%get3A_648] {strides = array<i32>} : memref<640xf32, #tpu.memory_space<vmem>>, vector<16xf32>,
    %get3A_650 = vector.shape_cast %get3A_649 : vector<16xf32> to vector<16xf32>
    %max3A_651 = arith.constant 1.000000e+00 : f32
    %max3A_652 = vector.broadcast %max3A_651 : f32 to vector<16xf32>
    %max3A_653 = arith.maximumf %get3A_650, %max3A_652 : vector<16xf32>
    %div3A_654 = arith.constant 1.000000e+00 : f32
    %div3A_655 = vector.broadcast %div3A_654 : f32 to vector<16xf32>
    %div3A_656 = arith.divf %div3A_655, %max3A_653 : vector<16xf32>
    %swap3A_657 = arith.constant 160 : index
    %swap3A_658 = tpu.vector_load %arg11[%swap3A_657] {strides = array<i32>} : memref<640xf32, #tpu.memory_space<vmem>>, vector<16xf32>,
    %swap3A_659 = vector.shape_cast %swap3A_658 : vector<16xf32> to vector<16xf32>
    %swap3A_660 = vector.shape_cast %div3A_656 : vector<16xf32> to vector<16xf32>
    tpu.vector_store %arg11[%swap3A_657], %swap3A_660 {strides = array<i32>} : memref<640xf32, #tpu.memory_space<vmem>>, vector<16xf32>,
    %add3A_661 = arith.constant 160 : i32
    %add3A_662 = arith.addi %mul3A_0, %add3A_661 : i32
    %iota3A_663 = tpu.iota {dimensions = array<i32: 0>} : vector<16xi32>
    %add3A_664 = vector.broadcast %add3A_662 : i32 to vector<16xi32>
    %add3A_665 = arith.addi %add3A_664, %iota3A_663 : vector<16xi32>
    %lt3A_666 = arith.constant 10000 : i32
    %lt3A_667 = vector.broadcast %lt3A_666 : i32 to vector<16xi32>
    %lt3A_668 = arith.cmpi slt, %add3A_665, %lt3A_667 : vector<16xi32>
    %jit3A_669 = arith.constant 1.000000e+00 : f32
    %jit3A_670 = arith.constant 0.000000e+00 : f32
    %broadcast_in_dim3A_671 = vector.broadcast %jit3A_669 : f32 to vector<16xf32>
    %broadcast_in_dim3A_672 = vector.broadcast %jit3A_670 : f32 to vector<16xf32>
    %select_n3A_673 = arith.select %lt3A_668, %broadcast_in_dim3A_671, %broadcast_in_dim3A_672 : vector<16xi1>, vector<16xf32>
    %swap3A_674 = arith.constant 160 : index
    %swap3A_675 = tpu.vector_load %arg10[%swap3A_674] {strides = array<i32>} : memref<640xf32, #tpu.memory_space<vmem>>, vector<16xf32>,
    %swap3A_676 = vector.shape_cast %swap3A_675 : vector<16xf32> to vector<16xf32>
    %swap3A_677 = vector.shape_cast %select_n3A_673 : vector<16xf32> to vector<16xf32>
    tpu.vector_store %arg10[%swap3A_674], %swap3A_677 {strides = array<i32>} : memref<640xf32, #tpu.memory_space<vmem>>, vector<16xf32>,
    %mul3A_678 = arith.mulf %select_n3A_673, %div3A_656 : vector<16xf32>
    %swap3A_679 = arith.constant 160 : index
    %swap3A_680 = tpu.vector_load %arg12[%swap3A_679] {strides = array<i32>} : memref<640xf32, #tpu.memory_space<vmem>>, vector<16xf32>,
    %swap3A_681 = vector.shape_cast %swap3A_680 : vector<16xf32> to vector<16xf32>
    %swap3A_682 = vector.shape_cast %mul3A_678 : vector<16xf32> to vector<16xf32>
    tpu.vector_store %arg12[%swap3A_679], %swap3A_682 {strides = array<i32>} : memref<640xf32, #tpu.memory_space<vmem>>, vector<16xf32>,
    %get3A_683 = arith.constant 176 : index
    %get3A_684 = tpu.vector_load %arg10[%get3A_683] {strides = array<i32>} : memref<640xf32, #tpu.memory_space<vmem>>, vector<16xf32>,
    %get3A_685 = vector.shape_cast %get3A_684 : vector<16xf32> to vector<16xf32>
    %max3A_686 = arith.constant 1.000000e+00 : f32
    %max3A_687 = vector.broadcast %max3A_686 : f32 to vector<16xf32>
    %max3A_688 = arith.maximumf %get3A_685, %max3A_687 : vector<16xf32>
    %div3A_689 = arith.constant 1.000000e+00 : f32
    %div3A_690 = vector.broadcast %div3A_689 : f32 to vector<16xf32>
    %div3A_691 = arith.divf %div3A_690, %max3A_688 : vector<16xf32>
    %swap3A_692 = arith.constant 176 : index
    %swap3A_693 = tpu.vector_load %arg11[%swap3A_692] {strides = array<i32>} : memref<640xf32, #tpu.memory_space<vmem>>, vector<16xf32>,
    %swap3A_694 = vector.shape_cast %swap3A_693 : vector<16xf32> to vector<16xf32>
    %swap3A_695 = vector.shape_cast %div3A_691 : vector<16xf32> to vector<16xf32>
    tpu.vector_store %arg11[%swap3A_692], %swap3A_695 {strides = array<i32>} : memref<640xf32, #tpu.memory_space<vmem>>, vector<16xf32>,
    %add3A_696 = arith.constant 176 : i32
    %add3A_697 = arith.addi %mul3A_0, %add3A_696 : i32
    %iota3A_698 = tpu.iota {dimensions = array<i32: 0>} : vector<16xi32>
    %add3A_699 = vector.broadcast %add3A_697 : i32 to vector<16xi32>
    %add3A_700 = arith.addi %add3A_699, %iota3A_698 : vector<16xi32>
    %lt3A_701 = arith.constant 10000 : i32
    %lt3A_702 = vector.broadcast %lt3A_701 : i32 to vector<16xi32>
    %lt3A_703 = arith.cmpi slt, %add3A_700, %lt3A_702 : vector<16xi32>
    %jit3A_704 = arith.constant 1.000000e+00 : f32
    %jit3A_705 = arith.constant 0.000000e+00 : f32
    %broadcast_in_dim3A_706 = vector.broadcast %jit3A_704 : f32 to vector<16xf32>
    %broadcast_in_dim3A_707 = vector.broadcast %jit3A_705 : f32 to vector<16xf32>
    %select_n3A_708 = arith.select %lt3A_703, %broadcast_in_dim3A_706, %broadcast_in_dim3A_707 : vector<16xi1>, vector<16xf32>
    %swap3A_709 = arith.constant 176 : index
    %swap3A_710 = tpu.vector_load %arg10[%swap3A_709] {strides = array<i32>} : memref<640xf32, #tpu.memory_space<vmem>>, vector<16xf32>,
    %swap3A_711 = vector.shape_cast %swap3A_710 : vector<16xf32> to vector<16xf32>
    %swap3A_712 = vector.shape_cast %select_n3A_708 : vector<16xf32> to vector<16xf32>
    tpu.vector_store %arg10[%swap3A_709], %swap3A_712 {strides = array<i32>} : memref<640xf32, #tpu.memory_space<vmem>>, vector<16xf32>,
    %mul3A_713 = arith.mulf %select_n3A_708, %div3A_691 : vector<16xf32>
    %swap3A_714 = arith.constant 176 : index
    %swap3A_715 = tpu.vector_load %arg12[%swap3A_714] {strides = array<i32>} : memref<640xf32, #tpu.memory_space<vmem>>, vector<16xf32>,
    %swap3A_716 = vector.shape_cast %swap3A_715 : vector<16xf32> to vector<16xf32>
    %swap3A_717 = vector.shape_cast %mul3A_713 : vector<16xf32> to vector<16xf32>
    tpu.vector_store %arg12[%swap3A_714], %swap3A_717 {strides = array<i32>} : memref<640xf32, #tpu.memory_space<vmem>>, vector<16xf32>,
    %get3A_718 = arith.constant 192 : index
    %get3A_719 = tpu.vector_load %arg10[%get3A_718] {strides = array<i32>} : memref<640xf32, #tpu.memory_space<vmem>>, vector<16xf32>,
    %get3A_720 = vector.shape_cast %get3A_719 : vector<16xf32> to vector<16xf32>
    %max3A_721 = arith.constant 1.000000e+00 : f32
    %max3A_722 = vector.broadcast %max3A_721 : f32 to vector<16xf32>
    %max3A_723 = arith.maximumf %get3A_720, %max3A_722 : vector<16xf32>
    %div3A_724 = arith.constant 1.000000e+00 : f32
    %div3A_725 = vector.broadcast %div3A_724 : f32 to vector<16xf32>
    %div3A_726 = arith.divf %div3A_725, %max3A_723 : vector<16xf32>
    %swap3A_727 = arith.constant 192 : index
    %swap3A_728 = tpu.vector_load %arg11[%swap3A_727] {strides = array<i32>} : memref<640xf32, #tpu.memory_space<vmem>>, vector<16xf32>,
    %swap3A_729 = vector.shape_cast %swap3A_728 : vector<16xf32> to vector<16xf32>
    %swap3A_730 = vector.shape_cast %div3A_726 : vector<16xf32> to vector<16xf32>
    tpu.vector_store %arg11[%swap3A_727], %swap3A_730 {strides = array<i32>} : memref<640xf32, #tpu.memory_space<vmem>>, vector<16xf32>,
    %add3A_731 = arith.constant 192 : i32
    %add3A_732 = arith.addi %mul3A_0, %add3A_731 : i32
    %iota3A_733 = tpu.iota {dimensions = array<i32: 0>} : vector<16xi32>
    %add3A_734 = vector.broadcast %add3A_732 : i32 to vector<16xi32>
    %add3A_735 = arith.addi %add3A_734, %iota3A_733 : vector<16xi32>
    %lt3A_736 = arith.constant 10000 : i32
    %lt3A_737 = vector.broadcast %lt3A_736 : i32 to vector<16xi32>
    %lt3A_738 = arith.cmpi slt, %add3A_735, %lt3A_737 : vector<16xi32>
    %jit3A_739 = arith.constant 1.000000e+00 : f32
    %jit3A_740 = arith.constant 0.000000e+00 : f32
    %broadcast_in_dim3A_741 = vector.broadcast %jit3A_739 : f32 to vector<16xf32>
    %broadcast_in_dim3A_742 = vector.broadcast %jit3A_740 : f32 to vector<16xf32>
    %select_n3A_743 = arith.select %lt3A_738, %broadcast_in_dim3A_741, %broadcast_in_dim3A_742 : vector<16xi1>, vector<16xf32>
    %swap3A_744 = arith.constant 192 : index
    %swap3A_745 = tpu.vector_load %arg10[%swap3A_744] {strides = array<i32>} : memref<640xf32, #tpu.memory_space<vmem>>, vector<16xf32>,
    %swap3A_746 = vector.shape_cast %swap3A_745 : vector<16xf32> to vector<16xf32>
    %swap3A_747 = vector.shape_cast %select_n3A_743 : vector<16xf32> to vector<16xf32>
    tpu.vector_store %arg10[%swap3A_744], %swap3A_747 {strides = array<i32>} : memref<640xf32, #tpu.memory_space<vmem>>, vector<16xf32>,
    %mul3A_748 = arith.mulf %select_n3A_743, %div3A_726 : vector<16xf32>
    %swap3A_749 = arith.constant 192 : index
    %swap3A_750 = tpu.vector_load %arg12[%swap3A_749] {strides = array<i32>} : memref<640xf32, #tpu.memory_space<vmem>>, vector<16xf32>,
    %swap3A_751 = vector.shape_cast %swap3A_750 : vector<16xf32> to vector<16xf32>
    %swap3A_752 = vector.shape_cast %mul3A_748 : vector<16xf32> to vector<16xf32>
    tpu.vector_store %arg12[%swap3A_749], %swap3A_752 {strides = array<i32>} : memref<640xf32, #tpu.memory_space<vmem>>, vector<16xf32>,
    %get3A_753 = arith.constant 208 : index
    %get3A_754 = tpu.vector_load %arg10[%get3A_753] {strides = array<i32>} : memref<640xf32, #tpu.memory_space<vmem>>, vector<16xf32>,
    %get3A_755 = vector.shape_cast %get3A_754 : vector<16xf32> to vector<16xf32>
    %max3A_756 = arith.constant 1.000000e+00 : f32
    %max3A_757 = vector.broadcast %max3A_756 : f32 to vector<16xf32>
    %max3A_758 = arith.maximumf %get3A_755, %max3A_757 : vector<16xf32>
    %div3A_759 = arith.constant 1.000000e+00 : f32
    %div3A_760 = vector.broadcast %div3A_759 : f32 to vector<16xf32>
    %div3A_761 = arith.divf %div3A_760, %max3A_758 : vector<16xf32>
    %swap3A_762 = arith.constant 208 : index
    %swap3A_763 = tpu.vector_load %arg11[%swap3A_762] {strides = array<i32>} : memref<640xf32, #tpu.memory_space<vmem>>, vector<16xf32>,
    %swap3A_764 = vector.shape_cast %swap3A_763 : vector<16xf32> to vector<16xf32>
    %swap3A_765 = vector.shape_cast %div3A_761 : vector<16xf32> to vector<16xf32>
    tpu.vector_store %arg11[%swap3A_762], %swap3A_765 {strides = array<i32>} : memref<640xf32, #tpu.memory_space<vmem>>, vector<16xf32>,
    %add3A_766 = arith.constant 208 : i32
    %add3A_767 = arith.addi %mul3A_0, %add3A_766 : i32
    %iota3A_768 = tpu.iota {dimensions = array<i32: 0>} : vector<16xi32>
    %add3A_769 = vector.broadcast %add3A_767 : i32 to vector<16xi32>
    %add3A_770 = arith.addi %add3A_769, %iota3A_768 : vector<16xi32>
    %lt3A_771 = arith.constant 10000 : i32
    %lt3A_772 = vector.broadcast %lt3A_771 : i32 to vector<16xi32>
    %lt3A_773 = arith.cmpi slt, %add3A_770, %lt3A_772 : vector<16xi32>
    %jit3A_774 = arith.constant 1.000000e+00 : f32
    %jit3A_775 = arith.constant 0.000000e+00 : f32
    %broadcast_in_dim3A_776 = vector.broadcast %jit3A_774 : f32 to vector<16xf32>
    %broadcast_in_dim3A_777 = vector.broadcast %jit3A_775 : f32 to vector<16xf32>
    %select_n3A_778 = arith.select %lt3A_773, %broadcast_in_dim3A_776, %broadcast_in_dim3A_777 : vector<16xi1>, vector<16xf32>
    %swap3A_779 = arith.constant 208 : index
    %swap3A_780 = tpu.vector_load %arg10[%swap3A_779] {strides = array<i32>} : memref<640xf32, #tpu.memory_space<vmem>>, vector<16xf32>,
    %swap3A_781 = vector.shape_cast %swap3A_780 : vector<16xf32> to vector<16xf32>
    %swap3A_782 = vector.shape_cast %select_n3A_778 : vector<16xf32> to vector<16xf32>
    tpu.vector_store %arg10[%swap3A_779], %swap3A_782 {strides = array<i32>} : memref<640xf32, #tpu.memory_space<vmem>>, vector<16xf32>,
    %mul3A_783 = arith.mulf %select_n3A_778, %div3A_761 : vector<16xf32>
    %swap3A_784 = arith.constant 208 : index
    %swap3A_785 = tpu.vector_load %arg12[%swap3A_784] {strides = array<i32>} : memref<640xf32, #tpu.memory_space<vmem>>, vector<16xf32>,
    %swap3A_786 = vector.shape_cast %swap3A_785 : vector<16xf32> to vector<16xf32>
    %swap3A_787 = vector.shape_cast %mul3A_783 : vector<16xf32> to vector<16xf32>
    tpu.vector_store %arg12[%swap3A_784], %swap3A_787 {strides = array<i32>} : memref<640xf32, #tpu.memory_space<vmem>>, vector<16xf32>,
    %get3A_788 = arith.constant 224 : index
    %get3A_789 = tpu.vector_load %arg10[%get3A_788] {strides = array<i32>} : memref<640xf32, #tpu.memory_space<vmem>>, vector<16xf32>,
    %get3A_790 = vector.shape_cast %get3A_789 : vector<16xf32> to vector<16xf32>
    %max3A_791 = arith.constant 1.000000e+00 : f32
    %max3A_792 = vector.broadcast %max3A_791 : f32 to vector<16xf32>
    %max3A_793 = arith.maximumf %get3A_790, %max3A_792 : vector<16xf32>
    %div3A_794 = arith.constant 1.000000e+00 : f32
    %div3A_795 = vector.broadcast %div3A_794 : f32 to vector<16xf32>
    %div3A_796 = arith.divf %div3A_795, %max3A_793 : vector<16xf32>
    %swap3A_797 = arith.constant 224 : index
    %swap3A_798 = tpu.vector_load %arg11[%swap3A_797] {strides = array<i32>} : memref<640xf32, #tpu.memory_space<vmem>>, vector<16xf32>,
    %swap3A_799 = vector.shape_cast %swap3A_798 : vector<16xf32> to vector<16xf32>
    %swap3A_800 = vector.shape_cast %div3A_796 : vector<16xf32> to vector<16xf32>
    tpu.vector_store %arg11[%swap3A_797], %swap3A_800 {strides = array<i32>} : memref<640xf32, #tpu.memory_space<vmem>>, vector<16xf32>,
    %add3A_801 = arith.constant 224 : i32
    %add3A_802 = arith.addi %mul3A_0, %add3A_801 : i32
    %iota3A_803 = tpu.iota {dimensions = array<i32: 0>} : vector<16xi32>
    %add3A_804 = vector.broadcast %add3A_802 : i32 to vector<16xi32>
    %add3A_805 = arith.addi %add3A_804, %iota3A_803 : vector<16xi32>
    %lt3A_806 = arith.constant 10000 : i32
    %lt3A_807 = vector.broadcast %lt3A_806 : i32 to vector<16xi32>
    %lt3A_808 = arith.cmpi slt, %add3A_805, %lt3A_807 : vector<16xi32>
    %jit3A_809 = arith.constant 1.000000e+00 : f32
    %jit3A_810 = arith.constant 0.000000e+00 : f32
    %broadcast_in_dim3A_811 = vector.broadcast %jit3A_809 : f32 to vector<16xf32>
    %broadcast_in_dim3A_812 = vector.broadcast %jit3A_810 : f32 to vector<16xf32>
    %select_n3A_813 = arith.select %lt3A_808, %broadcast_in_dim3A_811, %broadcast_in_dim3A_812 : vector<16xi1>, vector<16xf32>
    %swap3A_814 = arith.constant 224 : index
    %swap3A_815 = tpu.vector_load %arg10[%swap3A_814] {strides = array<i32>} : memref<640xf32, #tpu.memory_space<vmem>>, vector<16xf32>,
    %swap3A_816 = vector.shape_cast %swap3A_815 : vector<16xf32> to vector<16xf32>
    %swap3A_817 = vector.shape_cast %select_n3A_813 : vector<16xf32> to vector<16xf32>
    tpu.vector_store %arg10[%swap3A_814], %swap3A_817 {strides = array<i32>} : memref<640xf32, #tpu.memory_space<vmem>>, vector<16xf32>,
    %mul3A_818 = arith.mulf %select_n3A_813, %div3A_796 : vector<16xf32>
    %swap3A_819 = arith.constant 224 : index
    %swap3A_820 = tpu.vector_load %arg12[%swap3A_819] {strides = array<i32>} : memref<640xf32, #tpu.memory_space<vmem>>, vector<16xf32>,
    %swap3A_821 = vector.shape_cast %swap3A_820 : vector<16xf32> to vector<16xf32>
    %swap3A_822 = vector.shape_cast %mul3A_818 : vector<16xf32> to vector<16xf32>
    tpu.vector_store %arg12[%swap3A_819], %swap3A_822 {strides = array<i32>} : memref<640xf32, #tpu.memory_space<vmem>>, vector<16xf32>,
    %get3A_823 = arith.constant 240 : index
    %get3A_824 = tpu.vector_load %arg10[%get3A_823] {strides = array<i32>} : memref<640xf32, #tpu.memory_space<vmem>>, vector<16xf32>,
    %get3A_825 = vector.shape_cast %get3A_824 : vector<16xf32> to vector<16xf32>
    %max3A_826 = arith.constant 1.000000e+00 : f32
    %max3A_827 = vector.broadcast %max3A_826 : f32 to vector<16xf32>
    %max3A_828 = arith.maximumf %get3A_825, %max3A_827 : vector<16xf32>
    %div3A_829 = arith.constant 1.000000e+00 : f32
    %div3A_830 = vector.broadcast %div3A_829 : f32 to vector<16xf32>
    %div3A_831 = arith.divf %div3A_830, %max3A_828 : vector<16xf32>
    %swap3A_832 = arith.constant 240 : index
    %swap3A_833 = tpu.vector_load %arg11[%swap3A_832] {strides = array<i32>} : memref<640xf32, #tpu.memory_space<vmem>>, vector<16xf32>,
    %swap3A_834 = vector.shape_cast %swap3A_833 : vector<16xf32> to vector<16xf32>
    %swap3A_835 = vector.shape_cast %div3A_831 : vector<16xf32> to vector<16xf32>
    tpu.vector_store %arg11[%swap3A_832], %swap3A_835 {strides = array<i32>} : memref<640xf32, #tpu.memory_space<vmem>>, vector<16xf32>,
    %add3A_836 = arith.constant 240 : i32
    %add3A_837 = arith.addi %mul3A_0, %add3A_836 : i32
    %iota3A_838 = tpu.iota {dimensions = array<i32: 0>} : vector<16xi32>
    %add3A_839 = vector.broadcast %add3A_837 : i32 to vector<16xi32>
    %add3A_840 = arith.addi %add3A_839, %iota3A_838 : vector<16xi32>
    %lt3A_841 = arith.constant 10000 : i32
    %lt3A_842 = vector.broadcast %lt3A_841 : i32 to vector<16xi32>
    %lt3A_843 = arith.cmpi slt, %add3A_840, %lt3A_842 : vector<16xi32>
    %jit3A_844 = arith.constant 1.000000e+00 : f32
    %jit3A_845 = arith.constant 0.000000e+00 : f32
    %broadcast_in_dim3A_846 = vector.broadcast %jit3A_844 : f32 to vector<16xf32>
    %broadcast_in_dim3A_847 = vector.broadcast %jit3A_845 : f32 to vector<16xf32>
    %select_n3A_848 = arith.select %lt3A_843, %broadcast_in_dim3A_846, %broadcast_in_dim3A_847 : vector<16xi1>, vector<16xf32>
    %swap3A_849 = arith.constant 240 : index
    %swap3A_850 = tpu.vector_load %arg10[%swap3A_849] {strides = array<i32>} : memref<640xf32, #tpu.memory_space<vmem>>, vector<16xf32>,
    %swap3A_851 = vector.shape_cast %swap3A_850 : vector<16xf32> to vector<16xf32>
    %swap3A_852 = vector.shape_cast %select_n3A_848 : vector<16xf32> to vector<16xf32>
    tpu.vector_store %arg10[%swap3A_849], %swap3A_852 {strides = array<i32>} : memref<640xf32, #tpu.memory_space<vmem>>, vector<16xf32>,
    %mul3A_853 = arith.mulf %select_n3A_848, %div3A_831 : vector<16xf32>
    %swap3A_854 = arith.constant 240 : index
    %swap3A_855 = tpu.vector_load %arg12[%swap3A_854] {strides = array<i32>} : memref<640xf32, #tpu.memory_space<vmem>>, vector<16xf32>,
    %swap3A_856 = vector.shape_cast %swap3A_855 : vector<16xf32> to vector<16xf32>
    %swap3A_857 = vector.shape_cast %mul3A_853 : vector<16xf32> to vector<16xf32>
    tpu.vector_store %arg12[%swap3A_854], %swap3A_857 {strides = array<i32>} : memref<640xf32, #tpu.memory_space<vmem>>, vector<16xf32>,
    %get3A_858 = arith.constant 256 : index
    %get3A_859 = tpu.vector_load %arg10[%get3A_858] {strides = array<i32>} : memref<640xf32, #tpu.memory_space<vmem>>, vector<16xf32>,
    %get3A_860 = vector.shape_cast %get3A_859 : vector<16xf32> to vector<16xf32>
    %max3A_861 = arith.constant 1.000000e+00 : f32
    %max3A_862 = vector.broadcast %max3A_861 : f32 to vector<16xf32>
    %max3A_863 = arith.maximumf %get3A_860, %max3A_862 : vector<16xf32>
    %div3A_864 = arith.constant 1.000000e+00 : f32
    %div3A_865 = vector.broadcast %div3A_864 : f32 to vector<16xf32>
    %div3A_866 = arith.divf %div3A_865, %max3A_863 : vector<16xf32>
    %swap3A_867 = arith.constant 256 : index
    %swap3A_868 = tpu.vector_load %arg11[%swap3A_867] {strides = array<i32>} : memref<640xf32, #tpu.memory_space<vmem>>, vector<16xf32>,
    %swap3A_869 = vector.shape_cast %swap3A_868 : vector<16xf32> to vector<16xf32>
    %swap3A_870 = vector.shape_cast %div3A_866 : vector<16xf32> to vector<16xf32>
    tpu.vector_store %arg11[%swap3A_867], %swap3A_870 {strides = array<i32>} : memref<640xf32, #tpu.memory_space<vmem>>, vector<16xf32>,
    %add3A_871 = arith.constant 256 : i32
    %add3A_872 = arith.addi %mul3A_0, %add3A_871 : i32
    %iota3A_873 = tpu.iota {dimensions = array<i32: 0>} : vector<16xi32>
    %add3A_874 = vector.broadcast %add3A_872 : i32 to vector<16xi32>
    %add3A_875 = arith.addi %add3A_874, %iota3A_873 : vector<16xi32>
    %lt3A_876 = arith.constant 10000 : i32
    %lt3A_877 = vector.broadcast %lt3A_876 : i32 to vector<16xi32>
    %lt3A_878 = arith.cmpi slt, %add3A_875, %lt3A_877 : vector<16xi32>
    %jit3A_879 = arith.constant 1.000000e+00 : f32
    %jit3A_880 = arith.constant 0.000000e+00 : f32
    %broadcast_in_dim3A_881 = vector.broadcast %jit3A_879 : f32 to vector<16xf32>
    %broadcast_in_dim3A_882 = vector.broadcast %jit3A_880 : f32 to vector<16xf32>
    %select_n3A_883 = arith.select %lt3A_878, %broadcast_in_dim3A_881, %broadcast_in_dim3A_882 : vector<16xi1>, vector<16xf32>
    %swap3A_884 = arith.constant 256 : index
    %swap3A_885 = tpu.vector_load %arg10[%swap3A_884] {strides = array<i32>} : memref<640xf32, #tpu.memory_space<vmem>>, vector<16xf32>,
    %swap3A_886 = vector.shape_cast %swap3A_885 : vector<16xf32> to vector<16xf32>
    %swap3A_887 = vector.shape_cast %select_n3A_883 : vector<16xf32> to vector<16xf32>
    tpu.vector_store %arg10[%swap3A_884], %swap3A_887 {strides = array<i32>} : memref<640xf32, #tpu.memory_space<vmem>>, vector<16xf32>,
    %mul3A_888 = arith.mulf %select_n3A_883, %div3A_866 : vector<16xf32>
    %swap3A_889 = arith.constant 256 : index
    %swap3A_890 = tpu.vector_load %arg12[%swap3A_889] {strides = array<i32>} : memref<640xf32, #tpu.memory_space<vmem>>, vector<16xf32>,
    %swap3A_891 = vector.shape_cast %swap3A_890 : vector<16xf32> to vector<16xf32>
    %swap3A_892 = vector.shape_cast %mul3A_888 : vector<16xf32> to vector<16xf32>
    tpu.vector_store %arg12[%swap3A_889], %swap3A_892 {strides = array<i32>} : memref<640xf32, #tpu.memory_space<vmem>>, vector<16xf32>,
    %get3A_893 = arith.constant 272 : index
    %get3A_894 = tpu.vector_load %arg10[%get3A_893] {strides = array<i32>} : memref<640xf32, #tpu.memory_space<vmem>>, vector<16xf32>,
    %get3A_895 = vector.shape_cast %get3A_894 : vector<16xf32> to vector<16xf32>
    %max3A_896 = arith.constant 1.000000e+00 : f32
    %max3A_897 = vector.broadcast %max3A_896 : f32 to vector<16xf32>
    %max3A_898 = arith.maximumf %get3A_895, %max3A_897 : vector<16xf32>
    %div3A_899 = arith.constant 1.000000e+00 : f32
    %div3A_900 = vector.broadcast %div3A_899 : f32 to vector<16xf32>
    %div3A_901 = arith.divf %div3A_900, %max3A_898 : vector<16xf32>
    %swap3A_902 = arith.constant 272 : index
    %swap3A_903 = tpu.vector_load %arg11[%swap3A_902] {strides = array<i32>} : memref<640xf32, #tpu.memory_space<vmem>>, vector<16xf32>,
    %swap3A_904 = vector.shape_cast %swap3A_903 : vector<16xf32> to vector<16xf32>
    %swap3A_905 = vector.shape_cast %div3A_901 : vector<16xf32> to vector<16xf32>
    tpu.vector_store %arg11[%swap3A_902], %swap3A_905 {strides = array<i32>} : memref<640xf32, #tpu.memory_space<vmem>>, vector<16xf32>,
    %add3A_906 = arith.constant 272 : i32
    %add3A_907 = arith.addi %mul3A_0, %add3A_906 : i32
    %iota3A_908 = tpu.iota {dimensions = array<i32: 0>} : vector<16xi32>
    %add3A_909 = vector.broadcast %add3A_907 : i32 to vector<16xi32>
    %add3A_910 = arith.addi %add3A_909, %iota3A_908 : vector<16xi32>
    %lt3A_911 = arith.constant 10000 : i32
    %lt3A_912 = vector.broadcast %lt3A_911 : i32 to vector<16xi32>
    %lt3A_913 = arith.cmpi slt, %add3A_910, %lt3A_912 : vector<16xi32>
    %jit3A_914 = arith.constant 1.000000e+00 : f32
    %jit3A_915 = arith.constant 0.000000e+00 : f32
    %broadcast_in_dim3A_916 = vector.broadcast %jit3A_914 : f32 to vector<16xf32>
    %broadcast_in_dim3A_917 = vector.broadcast %jit3A_915 : f32 to vector<16xf32>
    %select_n3A_918 = arith.select %lt3A_913, %broadcast_in_dim3A_916, %broadcast_in_dim3A_917 : vector<16xi1>, vector<16xf32>
    %swap3A_919 = arith.constant 272 : index
    %swap3A_920 = tpu.vector_load %arg10[%swap3A_919] {strides = array<i32>} : memref<640xf32, #tpu.memory_space<vmem>>, vector<16xf32>,
    %swap3A_921 = vector.shape_cast %swap3A_920 : vector<16xf32> to vector<16xf32>
    %swap3A_922 = vector.shape_cast %select_n3A_918 : vector<16xf32> to vector<16xf32>
    tpu.vector_store %arg10[%swap3A_919], %swap3A_922 {strides = array<i32>} : memref<640xf32, #tpu.memory_space<vmem>>, vector<16xf32>,
    %mul3A_923 = arith.mulf %select_n3A_918, %div3A_901 : vector<16xf32>
    %swap3A_924 = arith.constant 272 : index
    %swap3A_925 = tpu.vector_load %arg12[%swap3A_924] {strides = array<i32>} : memref<640xf32, #tpu.memory_space<vmem>>, vector<16xf32>,
    %swap3A_926 = vector.shape_cast %swap3A_925 : vector<16xf32> to vector<16xf32>
    %swap3A_927 = vector.shape_cast %mul3A_923 : vector<16xf32> to vector<16xf32>
    tpu.vector_store %arg12[%swap3A_924], %swap3A_927 {strides = array<i32>} : memref<640xf32, #tpu.memory_space<vmem>>, vector<16xf32>,
    %get3A_928 = arith.constant 288 : index
    %get3A_929 = tpu.vector_load %arg10[%get3A_928] {strides = array<i32>} : memref<640xf32, #tpu.memory_space<vmem>>, vector<16xf32>,
    %get3A_930 = vector.shape_cast %get3A_929 : vector<16xf32> to vector<16xf32>
    %max3A_931 = arith.constant 1.000000e+00 : f32
    %max3A_932 = vector.broadcast %max3A_931 : f32 to vector<16xf32>
    %max3A_933 = arith.maximumf %get3A_930, %max3A_932 : vector<16xf32>
    %div3A_934 = arith.constant 1.000000e+00 : f32
    %div3A_935 = vector.broadcast %div3A_934 : f32 to vector<16xf32>
    %div3A_936 = arith.divf %div3A_935, %max3A_933 : vector<16xf32>
    %swap3A_937 = arith.constant 288 : index
    %swap3A_938 = tpu.vector_load %arg11[%swap3A_937] {strides = array<i32>} : memref<640xf32, #tpu.memory_space<vmem>>, vector<16xf32>,
    %swap3A_939 = vector.shape_cast %swap3A_938 : vector<16xf32> to vector<16xf32>
    %swap3A_940 = vector.shape_cast %div3A_936 : vector<16xf32> to vector<16xf32>
    tpu.vector_store %arg11[%swap3A_937], %swap3A_940 {strides = array<i32>} : memref<640xf32, #tpu.memory_space<vmem>>, vector<16xf32>,
    %add3A_941 = arith.constant 288 : i32
    %add3A_942 = arith.addi %mul3A_0, %add3A_941 : i32
    %iota3A_943 = tpu.iota {dimensions = array<i32: 0>} : vector<16xi32>
    %add3A_944 = vector.broadcast %add3A_942 : i32 to vector<16xi32>
    %add3A_945 = arith.addi %add3A_944, %iota3A_943 : vector<16xi32>
    %lt3A_946 = arith.constant 10000 : i32
    %lt3A_947 = vector.broadcast %lt3A_946 : i32 to vector<16xi32>
    %lt3A_948 = arith.cmpi slt, %add3A_945, %lt3A_947 : vector<16xi32>
    %jit3A_949 = arith.constant 1.000000e+00 : f32
    %jit3A_950 = arith.constant 0.000000e+00 : f32
    %broadcast_in_dim3A_951 = vector.broadcast %jit3A_949 : f32 to vector<16xf32>
    %broadcast_in_dim3A_952 = vector.broadcast %jit3A_950 : f32 to vector<16xf32>
    %select_n3A_953 = arith.select %lt3A_948, %broadcast_in_dim3A_951, %broadcast_in_dim3A_952 : vector<16xi1>, vector<16xf32>
    %swap3A_954 = arith.constant 288 : index
    %swap3A_955 = tpu.vector_load %arg10[%swap3A_954] {strides = array<i32>} : memref<640xf32, #tpu.memory_space<vmem>>, vector<16xf32>,
    %swap3A_956 = vector.shape_cast %swap3A_955 : vector<16xf32> to vector<16xf32>
    %swap3A_957 = vector.shape_cast %select_n3A_953 : vector<16xf32> to vector<16xf32>
    tpu.vector_store %arg10[%swap3A_954], %swap3A_957 {strides = array<i32>} : memref<640xf32, #tpu.memory_space<vmem>>, vector<16xf32>,
    %mul3A_958 = arith.mulf %select_n3A_953, %div3A_936 : vector<16xf32>
    %swap3A_959 = arith.constant 288 : index
    %swap3A_960 = tpu.vector_load %arg12[%swap3A_959] {strides = array<i32>} : memref<640xf32, #tpu.memory_space<vmem>>, vector<16xf32>,
    %swap3A_961 = vector.shape_cast %swap3A_960 : vector<16xf32> to vector<16xf32>
    %swap3A_962 = vector.shape_cast %mul3A_958 : vector<16xf32> to vector<16xf32>
    tpu.vector_store %arg12[%swap3A_959], %swap3A_962 {strides = array<i32>} : memref<640xf32, #tpu.memory_space<vmem>>, vector<16xf32>,
    %get3A_963 = arith.constant 304 : index
    %get3A_964 = tpu.vector_load %arg10[%get3A_963] {strides = array<i32>} : memref<640xf32, #tpu.memory_space<vmem>>, vector<16xf32>,
    %get3A_965 = vector.shape_cast %get3A_964 : vector<16xf32> to vector<16xf32>
    %max3A_966 = arith.constant 1.000000e+00 : f32
    %max3A_967 = vector.broadcast %max3A_966 : f32 to vector<16xf32>
    %max3A_968 = arith.maximumf %get3A_965, %max3A_967 : vector<16xf32>
    %div3A_969 = arith.constant 1.000000e+00 : f32
    %div3A_970 = vector.broadcast %div3A_969 : f32 to vector<16xf32>
    %div3A_971 = arith.divf %div3A_970, %max3A_968 : vector<16xf32>
    %swap3A_972 = arith.constant 304 : index
    %swap3A_973 = tpu.vector_load %arg11[%swap3A_972] {strides = array<i32>} : memref<640xf32, #tpu.memory_space<vmem>>, vector<16xf32>,
    %swap3A_974 = vector.shape_cast %swap3A_973 : vector<16xf32> to vector<16xf32>
    %swap3A_975 = vector.shape_cast %div3A_971 : vector<16xf32> to vector<16xf32>
    tpu.vector_store %arg11[%swap3A_972], %swap3A_975 {strides = array<i32>} : memref<640xf32, #tpu.memory_space<vmem>>, vector<16xf32>,
    %add3A_976 = arith.constant 304 : i32
    %add3A_977 = arith.addi %mul3A_0, %add3A_976 : i32
    %iota3A_978 = tpu.iota {dimensions = array<i32: 0>} : vector<16xi32>
    %add3A_979 = vector.broadcast %add3A_977 : i32 to vector<16xi32>
    %add3A_980 = arith.addi %add3A_979, %iota3A_978 : vector<16xi32>
    %lt3A_981 = arith.constant 10000 : i32
    %lt3A_982 = vector.broadcast %lt3A_981 : i32 to vector<16xi32>
    %lt3A_983 = arith.cmpi slt, %add3A_980, %lt3A_982 : vector<16xi32>
    %jit3A_984 = arith.constant 1.000000e+00 : f32
    %jit3A_985 = arith.constant 0.000000e+00 : f32
    %broadcast_in_dim3A_986 = vector.broadcast %jit3A_984 : f32 to vector<16xf32>
    %broadcast_in_dim3A_987 = vector.broadcast %jit3A_985 : f32 to vector<16xf32>
    %select_n3A_988 = arith.select %lt3A_983, %broadcast_in_dim3A_986, %broadcast_in_dim3A_987 : vector<16xi1>, vector<16xf32>
    %swap3A_989 = arith.constant 304 : index
    %swap3A_990 = tpu.vector_load %arg10[%swap3A_989] {strides = array<i32>} : memref<640xf32, #tpu.memory_space<vmem>>, vector<16xf32>,
    %swap3A_991 = vector.shape_cast %swap3A_990 : vector<16xf32> to vector<16xf32>
    %swap3A_992 = vector.shape_cast %select_n3A_988 : vector<16xf32> to vector<16xf32>
    tpu.vector_store %arg10[%swap3A_989], %swap3A_992 {strides = array<i32>} : memref<640xf32, #tpu.memory_space<vmem>>, vector<16xf32>,
    %mul3A_993 = arith.mulf %select_n3A_988, %div3A_971 : vector<16xf32>
    %swap3A_994 = arith.constant 304 : index
    %swap3A_995 = tpu.vector_load %arg12[%swap3A_994] {strides = array<i32>} : memref<640xf32, #tpu.memory_space<vmem>>, vector<16xf32>,
    %swap3A_996 = vector.shape_cast %swap3A_995 : vector<16xf32> to vector<16xf32>
    %swap3A_997 = vector.shape_cast %mul3A_993 : vector<16xf32> to vector<16xf32>
    tpu.vector_store %arg12[%swap3A_994], %swap3A_997 {strides = array<i32>} : memref<640xf32, #tpu.memory_space<vmem>>, vector<16xf32>,
    %get3A_998 = arith.constant 320 : index
    %get3A_999 = tpu.vector_load %arg10[%get3A_998] {strides = array<i32>} : memref<640xf32, #tpu.memory_space<vmem>>, vector<16xf32>,
    %get3A_1000 = vector.shape_cast %get3A_999 : vector<16xf32> to vector<16xf32>
    %max3A_1001 = arith.constant 1.000000e+00 : f32
    %max3A_1002 = vector.broadcast %max3A_1001 : f32 to vector<16xf32>
    %max3A_1003 = arith.maximumf %get3A_1000, %max3A_1002 : vector<16xf32>
    %div3A_1004 = arith.constant 1.000000e+00 : f32
    %div3A_1005 = vector.broadcast %div3A_1004 : f32 to vector<16xf32>
    %div3A_1006 = arith.divf %div3A_1005, %max3A_1003 : vector<16xf32>
    %swap3A_1007 = arith.constant 320 : index
    %swap3A_1008 = tpu.vector_load %arg11[%swap3A_1007] {strides = array<i32>} : memref<640xf32, #tpu.memory_space<vmem>>, vector<16xf32>,
    %swap3A_1009 = vector.shape_cast %swap3A_1008 : vector<16xf32> to vector<16xf32>
    %swap3A_1010 = vector.shape_cast %div3A_1006 : vector<16xf32> to vector<16xf32>
    tpu.vector_store %arg11[%swap3A_1007], %swap3A_1010 {strides = array<i32>} : memref<640xf32, #tpu.memory_space<vmem>>, vector<16xf32>,
    %add3A_1011 = arith.constant 320 : i32
    %add3A_1012 = arith.addi %mul3A_0, %add3A_1011 : i32
    %iota3A_1013 = tpu.iota {dimensions = array<i32: 0>} : vector<16xi32>
    %add3A_1014 = vector.broadcast %add3A_1012 : i32 to vector<16xi32>
    %add3A_1015 = arith.addi %add3A_1014, %iota3A_1013 : vector<16xi32>
    %lt3A_1016 = arith.constant 10000 : i32
    %lt3A_1017 = vector.broadcast %lt3A_1016 : i32 to vector<16xi32>
    %lt3A_1018 = arith.cmpi slt, %add3A_1015, %lt3A_1017 : vector<16xi32>
    %jit3A_1019 = arith.constant 1.000000e+00 : f32
    %jit3A_1020 = arith.constant 0.000000e+00 : f32
    %broadcast_in_dim3A_1021 = vector.broadcast %jit3A_1019 : f32 to vector<16xf32>
    %broadcast_in_dim3A_1022 = vector.broadcast %jit3A_1020 : f32 to vector<16xf32>
    %select_n3A_1023 = arith.select %lt3A_1018, %broadcast_in_dim3A_1021, %broadcast_in_dim3A_1022 : vector<16xi1>, vector<16xf32>
    %swap3A_1024 = arith.constant 320 : index
    %swap3A_1025 = tpu.vector_load %arg10[%swap3A_1024] {strides = array<i32>} : memref<640xf32, #tpu.memory_space<vmem>>, vector<16xf32>,
    %swap3A_1026 = vector.shape_cast %swap3A_1025 : vector<16xf32> to vector<16xf32>
    %swap3A_1027 = vector.shape_cast %select_n3A_1023 : vector<16xf32> to vector<16xf32>
    tpu.vector_store %arg10[%swap3A_1024], %swap3A_1027 {strides = array<i32>} : memref<640xf32, #tpu.memory_space<vmem>>, vector<16xf32>,
    %mul3A_1028 = arith.mulf %select_n3A_1023, %div3A_1006 : vector<16xf32>
    %swap3A_1029 = arith.constant 320 : index
    %swap3A_1030 = tpu.vector_load %arg12[%swap3A_1029] {strides = array<i32>} : memref<640xf32, #tpu.memory_space<vmem>>, vector<16xf32>,
    %swap3A_1031 = vector.shape_cast %swap3A_1030 : vector<16xf32> to vector<16xf32>
    %swap3A_1032 = vector.shape_cast %mul3A_1028 : vector<16xf32> to vector<16xf32>
    tpu.vector_store %arg12[%swap3A_1029], %swap3A_1032 {strides = array<i32>} : memref<640xf32, #tpu.memory_space<vmem>>, vector<16xf32>,
    %get3A_1033 = arith.constant 336 : index
    %get3A_1034 = tpu.vector_load %arg10[%get3A_1033] {strides = array<i32>} : memref<640xf32, #tpu.memory_space<vmem>>, vector<16xf32>,
    %get3A_1035 = vector.shape_cast %get3A_1034 : vector<16xf32> to vector<16xf32>
    %max3A_1036 = arith.constant 1.000000e+00 : f32
    %max3A_1037 = vector.broadcast %max3A_1036 : f32 to vector<16xf32>
    %max3A_1038 = arith.maximumf %get3A_1035, %max3A_1037 : vector<16xf32>
    %div3A_1039 = arith.constant 1.000000e+00 : f32
    %div3A_1040 = vector.broadcast %div3A_1039 : f32 to vector<16xf32>
    %div3A_1041 = arith.divf %div3A_1040, %max3A_1038 : vector<16xf32>
    %swap3A_1042 = arith.constant 336 : index
    %swap3A_1043 = tpu.vector_load %arg11[%swap3A_1042] {strides = array<i32>} : memref<640xf32, #tpu.memory_space<vmem>>, vector<16xf32>,
    %swap3A_1044 = vector.shape_cast %swap3A_1043 : vector<16xf32> to vector<16xf32>
    %swap3A_1045 = vector.shape_cast %div3A_1041 : vector<16xf32> to vector<16xf32>
    tpu.vector_store %arg11[%swap3A_1042], %swap3A_1045 {strides = array<i32>} : memref<640xf32, #tpu.memory_space<vmem>>, vector<16xf32>,
    %add3A_1046 = arith.constant 336 : i32
    %add3A_1047 = arith.addi %mul3A_0, %add3A_1046 : i32
    %iota3A_1048 = tpu.iota {dimensions = array<i32: 0>} : vector<16xi32>
    %add3A_1049 = vector.broadcast %add3A_1047 : i32 to vector<16xi32>
    %add3A_1050 = arith.addi %add3A_1049, %iota3A_1048 : vector<16xi32>
    %lt3A_1051 = arith.constant 10000 : i32
    %lt3A_1052 = vector.broadcast %lt3A_1051 : i32 to vector<16xi32>
    %lt3A_1053 = arith.cmpi slt, %add3A_1050, %lt3A_1052 : vector<16xi32>
    %jit3A_1054 = arith.constant 1.000000e+00 : f32
    %jit3A_1055 = arith.constant 0.000000e+00 : f32
    %broadcast_in_dim3A_1056 = vector.broadcast %jit3A_1054 : f32 to vector<16xf32>
    %broadcast_in_dim3A_1057 = vector.broadcast %jit3A_1055 : f32 to vector<16xf32>
    %select_n3A_1058 = arith.select %lt3A_1053, %broadcast_in_dim3A_1056, %broadcast_in_dim3A_1057 : vector<16xi1>, vector<16xf32>
    %swap3A_1059 = arith.constant 336 : index
    %swap3A_1060 = tpu.vector_load %arg10[%swap3A_1059] {strides = array<i32>} : memref<640xf32, #tpu.memory_space<vmem>>, vector<16xf32>,
    %swap3A_1061 = vector.shape_cast %swap3A_1060 : vector<16xf32> to vector<16xf32>
    %swap3A_1062 = vector.shape_cast %select_n3A_1058 : vector<16xf32> to vector<16xf32>
    tpu.vector_store %arg10[%swap3A_1059], %swap3A_1062 {strides = array<i32>} : memref<640xf32, #tpu.memory_space<vmem>>, vector<16xf32>,
    %mul3A_1063 = arith.mulf %select_n3A_1058, %div3A_1041 : vector<16xf32>
    %swap3A_1064 = arith.constant 336 : index
    %swap3A_1065 = tpu.vector_load %arg12[%swap3A_1064] {strides = array<i32>} : memref<640xf32, #tpu.memory_space<vmem>>, vector<16xf32>,
    %swap3A_1066 = vector.shape_cast %swap3A_1065 : vector<16xf32> to vector<16xf32>
    %swap3A_1067 = vector.shape_cast %mul3A_1063 : vector<16xf32> to vector<16xf32>
    tpu.vector_store %arg12[%swap3A_1064], %swap3A_1067 {strides = array<i32>} : memref<640xf32, #tpu.memory_space<vmem>>, vector<16xf32>,
    %get3A_1068 = arith.constant 352 : index
    %get3A_1069 = tpu.vector_load %arg10[%get3A_1068] {strides = array<i32>} : memref<640xf32, #tpu.memory_space<vmem>>, vector<16xf32>,
    %get3A_1070 = vector.shape_cast %get3A_1069 : vector<16xf32> to vector<16xf32>
    %max3A_1071 = arith.constant 1.000000e+00 : f32
    %max3A_1072 = vector.broadcast %max3A_1071 : f32 to vector<16xf32>
    %max3A_1073 = arith.maximumf %get3A_1070, %max3A_1072 : vector<16xf32>
    %div3A_1074 = arith.constant 1.000000e+00 : f32
    %div3A_1075 = vector.broadcast %div3A_1074 : f32 to vector<16xf32>
    %div3A_1076 = arith.divf %div3A_1075, %max3A_1073 : vector<16xf32>
    %swap3A_1077 = arith.constant 352 : index
    %swap3A_1078 = tpu.vector_load %arg11[%swap3A_1077] {strides = array<i32>} : memref<640xf32, #tpu.memory_space<vmem>>, vector<16xf32>,
    %swap3A_1079 = vector.shape_cast %swap3A_1078 : vector<16xf32> to vector<16xf32>
    %swap3A_1080 = vector.shape_cast %div3A_1076 : vector<16xf32> to vector<16xf32>
    tpu.vector_store %arg11[%swap3A_1077], %swap3A_1080 {strides = array<i32>} : memref<640xf32, #tpu.memory_space<vmem>>, vector<16xf32>,
    %add3A_1081 = arith.constant 352 : i32
    %add3A_1082 = arith.addi %mul3A_0, %add3A_1081 : i32
    %iota3A_1083 = tpu.iota {dimensions = array<i32: 0>} : vector<16xi32>
    %add3A_1084 = vector.broadcast %add3A_1082 : i32 to vector<16xi32>
    %add3A_1085 = arith.addi %add3A_1084, %iota3A_1083 : vector<16xi32>
    %lt3A_1086 = arith.constant 10000 : i32
    %lt3A_1087 = vector.broadcast %lt3A_1086 : i32 to vector<16xi32>
    %lt3A_1088 = arith.cmpi slt, %add3A_1085, %lt3A_1087 : vector<16xi32>
    %jit3A_1089 = arith.constant 1.000000e+00 : f32
    %jit3A_1090 = arith.constant 0.000000e+00 : f32
    %broadcast_in_dim3A_1091 = vector.broadcast %jit3A_1089 : f32 to vector<16xf32>
    %broadcast_in_dim3A_1092 = vector.broadcast %jit3A_1090 : f32 to vector<16xf32>
    %select_n3A_1093 = arith.select %lt3A_1088, %broadcast_in_dim3A_1091, %broadcast_in_dim3A_1092 : vector<16xi1>, vector<16xf32>
    %swap3A_1094 = arith.constant 352 : index
    %swap3A_1095 = tpu.vector_load %arg10[%swap3A_1094] {strides = array<i32>} : memref<640xf32, #tpu.memory_space<vmem>>, vector<16xf32>,
    %swap3A_1096 = vector.shape_cast %swap3A_1095 : vector<16xf32> to vector<16xf32>
    %swap3A_1097 = vector.shape_cast %select_n3A_1093 : vector<16xf32> to vector<16xf32>
    tpu.vector_store %arg10[%swap3A_1094], %swap3A_1097 {strides = array<i32>} : memref<640xf32, #tpu.memory_space<vmem>>, vector<16xf32>,
    %mul3A_1098 = arith.mulf %select_n3A_1093, %div3A_1076 : vector<16xf32>
    %swap3A_1099 = arith.constant 352 : index
    %swap3A_1100 = tpu.vector_load %arg12[%swap3A_1099] {strides = array<i32>} : memref<640xf32, #tpu.memory_space<vmem>>, vector<16xf32>,
    %swap3A_1101 = vector.shape_cast %swap3A_1100 : vector<16xf32> to vector<16xf32>
    %swap3A_1102 = vector.shape_cast %mul3A_1098 : vector<16xf32> to vector<16xf32>
    tpu.vector_store %arg12[%swap3A_1099], %swap3A_1102 {strides = array<i32>} : memref<640xf32, #tpu.memory_space<vmem>>, vector<16xf32>,
    %get3A_1103 = arith.constant 368 : index
    %get3A_1104 = tpu.vector_load %arg10[%get3A_1103] {strides = array<i32>} : memref<640xf32, #tpu.memory_space<vmem>>, vector<16xf32>,
    %get3A_1105 = vector.shape_cast %get3A_1104 : vector<16xf32> to vector<16xf32>
    %max3A_1106 = arith.constant 1.000000e+00 : f32
    %max3A_1107 = vector.broadcast %max3A_1106 : f32 to vector<16xf32>
    %max3A_1108 = arith.maximumf %get3A_1105, %max3A_1107 : vector<16xf32>
    %div3A_1109 = arith.constant 1.000000e+00 : f32
    %div3A_1110 = vector.broadcast %div3A_1109 : f32 to vector<16xf32>
    %div3A_1111 = arith.divf %div3A_1110, %max3A_1108 : vector<16xf32>
    %swap3A_1112 = arith.constant 368 : index
    %swap3A_1113 = tpu.vector_load %arg11[%swap3A_1112] {strides = array<i32>} : memref<640xf32, #tpu.memory_space<vmem>>, vector<16xf32>,
    %swap3A_1114 = vector.shape_cast %swap3A_1113 : vector<16xf32> to vector<16xf32>
    %swap3A_1115 = vector.shape_cast %div3A_1111 : vector<16xf32> to vector<16xf32>
    tpu.vector_store %arg11[%swap3A_1112], %swap3A_1115 {strides = array<i32>} : memref<640xf32, #tpu.memory_space<vmem>>, vector<16xf32>,
    %add3A_1116 = arith.constant 368 : i32
    %add3A_1117 = arith.addi %mul3A_0, %add3A_1116 : i32
    %iota3A_1118 = tpu.iota {dimensions = array<i32: 0>} : vector<16xi32>
    %add3A_1119 = vector.broadcast %add3A_1117 : i32 to vector<16xi32>
    %add3A_1120 = arith.addi %add3A_1119, %iota3A_1118 : vector<16xi32>
    %lt3A_1121 = arith.constant 10000 : i32
    %lt3A_1122 = vector.broadcast %lt3A_1121 : i32 to vector<16xi32>
    %lt3A_1123 = arith.cmpi slt, %add3A_1120, %lt3A_1122 : vector<16xi32>
    %jit3A_1124 = arith.constant 1.000000e+00 : f32
    %jit3A_1125 = arith.constant 0.000000e+00 : f32
    %broadcast_in_dim3A_1126 = vector.broadcast %jit3A_1124 : f32 to vector<16xf32>
    %broadcast_in_dim3A_1127 = vector.broadcast %jit3A_1125 : f32 to vector<16xf32>
    %select_n3A_1128 = arith.select %lt3A_1123, %broadcast_in_dim3A_1126, %broadcast_in_dim3A_1127 : vector<16xi1>, vector<16xf32>
    %swap3A_1129 = arith.constant 368 : index
    %swap3A_1130 = tpu.vector_load %arg10[%swap3A_1129] {strides = array<i32>} : memref<640xf32, #tpu.memory_space<vmem>>, vector<16xf32>,
    %swap3A_1131 = vector.shape_cast %swap3A_1130 : vector<16xf32> to vector<16xf32>
    %swap3A_1132 = vector.shape_cast %select_n3A_1128 : vector<16xf32> to vector<16xf32>
    tpu.vector_store %arg10[%swap3A_1129], %swap3A_1132 {strides = array<i32>} : memref<640xf32, #tpu.memory_space<vmem>>, vector<16xf32>,
    %mul3A_1133 = arith.mulf %select_n3A_1128, %div3A_1111 : vector<16xf32>
    %swap3A_1134 = arith.constant 368 : index
    %swap3A_1135 = tpu.vector_load %arg12[%swap3A_1134] {strides = array<i32>} : memref<640xf32, #tpu.memory_space<vmem>>, vector<16xf32>,
    %swap3A_1136 = vector.shape_cast %swap3A_1135 : vector<16xf32> to vector<16xf32>
    %swap3A_1137 = vector.shape_cast %mul3A_1133 : vector<16xf32> to vector<16xf32>
    tpu.vector_store %arg12[%swap3A_1134], %swap3A_1137 {strides = array<i32>} : memref<640xf32, #tpu.memory_space<vmem>>, vector<16xf32>,
    %get3A_1138 = arith.constant 384 : index
    %get3A_1139 = tpu.vector_load %arg10[%get3A_1138] {strides = array<i32>} : memref<640xf32, #tpu.memory_space<vmem>>, vector<16xf32>,
    %get3A_1140 = vector.shape_cast %get3A_1139 : vector<16xf32> to vector<16xf32>
    %max3A_1141 = arith.constant 1.000000e+00 : f32
    %max3A_1142 = vector.broadcast %max3A_1141 : f32 to vector<16xf32>
    %max3A_1143 = arith.maximumf %get3A_1140, %max3A_1142 : vector<16xf32>
    %div3A_1144 = arith.constant 1.000000e+00 : f32
    %div3A_1145 = vector.broadcast %div3A_1144 : f32 to vector<16xf32>
    %div3A_1146 = arith.divf %div3A_1145, %max3A_1143 : vector<16xf32>
    %swap3A_1147 = arith.constant 384 : index
    %swap3A_1148 = tpu.vector_load %arg11[%swap3A_1147] {strides = array<i32>} : memref<640xf32, #tpu.memory_space<vmem>>, vector<16xf32>,
    %swap3A_1149 = vector.shape_cast %swap3A_1148 : vector<16xf32> to vector<16xf32>
    %swap3A_1150 = vector.shape_cast %div3A_1146 : vector<16xf32> to vector<16xf32>
    tpu.vector_store %arg11[%swap3A_1147], %swap3A_1150 {strides = array<i32>} : memref<640xf32, #tpu.memory_space<vmem>>, vector<16xf32>,
    %add3A_1151 = arith.constant 384 : i32
    %add3A_1152 = arith.addi %mul3A_0, %add3A_1151 : i32
    %iota3A_1153 = tpu.iota {dimensions = array<i32: 0>} : vector<16xi32>
    %add3A_1154 = vector.broadcast %add3A_1152 : i32 to vector<16xi32>
    %add3A_1155 = arith.addi %add3A_1154, %iota3A_1153 : vector<16xi32>
    %lt3A_1156 = arith.constant 10000 : i32
    %lt3A_1157 = vector.broadcast %lt3A_1156 : i32 to vector<16xi32>
    %lt3A_1158 = arith.cmpi slt, %add3A_1155, %lt3A_1157 : vector<16xi32>
    %jit3A_1159 = arith.constant 1.000000e+00 : f32
    %jit3A_1160 = arith.constant 0.000000e+00 : f32
    %broadcast_in_dim3A_1161 = vector.broadcast %jit3A_1159 : f32 to vector<16xf32>
    %broadcast_in_dim3A_1162 = vector.broadcast %jit3A_1160 : f32 to vector<16xf32>
    %select_n3A_1163 = arith.select %lt3A_1158, %broadcast_in_dim3A_1161, %broadcast_in_dim3A_1162 : vector<16xi1>, vector<16xf32>
    %swap3A_1164 = arith.constant 384 : index
    %swap3A_1165 = tpu.vector_load %arg10[%swap3A_1164] {strides = array<i32>} : memref<640xf32, #tpu.memory_space<vmem>>, vector<16xf32>,
    %swap3A_1166 = vector.shape_cast %swap3A_1165 : vector<16xf32> to vector<16xf32>
    %swap3A_1167 = vector.shape_cast %select_n3A_1163 : vector<16xf32> to vector<16xf32>
    tpu.vector_store %arg10[%swap3A_1164], %swap3A_1167 {strides = array<i32>} : memref<640xf32, #tpu.memory_space<vmem>>, vector<16xf32>,
    %mul3A_1168 = arith.mulf %select_n3A_1163, %div3A_1146 : vector<16xf32>
    %swap3A_1169 = arith.constant 384 : index
    %swap3A_1170 = tpu.vector_load %arg12[%swap3A_1169] {strides = array<i32>} : memref<640xf32, #tpu.memory_space<vmem>>, vector<16xf32>,
    %swap3A_1171 = vector.shape_cast %swap3A_1170 : vector<16xf32> to vector<16xf32>
    %swap3A_1172 = vector.shape_cast %mul3A_1168 : vector<16xf32> to vector<16xf32>
    tpu.vector_store %arg12[%swap3A_1169], %swap3A_1172 {strides = array<i32>} : memref<640xf32, #tpu.memory_space<vmem>>, vector<16xf32>,
    %get3A_1173 = arith.constant 400 : index
    %get3A_1174 = tpu.vector_load %arg10[%get3A_1173] {strides = array<i32>} : memref<640xf32, #tpu.memory_space<vmem>>, vector<16xf32>,
    %get3A_1175 = vector.shape_cast %get3A_1174 : vector<16xf32> to vector<16xf32>
    %max3A_1176 = arith.constant 1.000000e+00 : f32
    %max3A_1177 = vector.broadcast %max3A_1176 : f32 to vector<16xf32>
    %max3A_1178 = arith.maximumf %get3A_1175, %max3A_1177 : vector<16xf32>
    %div3A_1179 = arith.constant 1.000000e+00 : f32
    %div3A_1180 = vector.broadcast %div3A_1179 : f32 to vector<16xf32>
    %div3A_1181 = arith.divf %div3A_1180, %max3A_1178 : vector<16xf32>
    %swap3A_1182 = arith.constant 400 : index
    %swap3A_1183 = tpu.vector_load %arg11[%swap3A_1182] {strides = array<i32>} : memref<640xf32, #tpu.memory_space<vmem>>, vector<16xf32>,
    %swap3A_1184 = vector.shape_cast %swap3A_1183 : vector<16xf32> to vector<16xf32>
    %swap3A_1185 = vector.shape_cast %div3A_1181 : vector<16xf32> to vector<16xf32>
    tpu.vector_store %arg11[%swap3A_1182], %swap3A_1185 {strides = array<i32>} : memref<640xf32, #tpu.memory_space<vmem>>, vector<16xf32>,
    %add3A_1186 = arith.constant 400 : i32
    %add3A_1187 = arith.addi %mul3A_0, %add3A_1186 : i32
    %iota3A_1188 = tpu.iota {dimensions = array<i32: 0>} : vector<16xi32>
    %add3A_1189 = vector.broadcast %add3A_1187 : i32 to vector<16xi32>
    %add3A_1190 = arith.addi %add3A_1189, %iota3A_1188 : vector<16xi32>
    %lt3A_1191 = arith.constant 10000 : i32
    %lt3A_1192 = vector.broadcast %lt3A_1191 : i32 to vector<16xi32>
    %lt3A_1193 = arith.cmpi slt, %add3A_1190, %lt3A_1192 : vector<16xi32>
    %jit3A_1194 = arith.constant 1.000000e+00 : f32
    %jit3A_1195 = arith.constant 0.000000e+00 : f32
    %broadcast_in_dim3A_1196 = vector.broadcast %jit3A_1194 : f32 to vector<16xf32>
    %broadcast_in_dim3A_1197 = vector.broadcast %jit3A_1195 : f32 to vector<16xf32>
    %select_n3A_1198 = arith.select %lt3A_1193, %broadcast_in_dim3A_1196, %broadcast_in_dim3A_1197 : vector<16xi1>, vector<16xf32>
    %swap3A_1199 = arith.constant 400 : index
    %swap3A_1200 = tpu.vector_load %arg10[%swap3A_1199] {strides = array<i32>} : memref<640xf32, #tpu.memory_space<vmem>>, vector<16xf32>,
    %swap3A_1201 = vector.shape_cast %swap3A_1200 : vector<16xf32> to vector<16xf32>
    %swap3A_1202 = vector.shape_cast %select_n3A_1198 : vector<16xf32> to vector<16xf32>
    tpu.vector_store %arg10[%swap3A_1199], %swap3A_1202 {strides = array<i32>} : memref<640xf32, #tpu.memory_space<vmem>>, vector<16xf32>,
    %mul3A_1203 = arith.mulf %select_n3A_1198, %div3A_1181 : vector<16xf32>
    %swap3A_1204 = arith.constant 400 : index
    %swap3A_1205 = tpu.vector_load %arg12[%swap3A_1204] {strides = array<i32>} : memref<640xf32, #tpu.memory_space<vmem>>, vector<16xf32>,
    %swap3A_1206 = vector.shape_cast %swap3A_1205 : vector<16xf32> to vector<16xf32>
    %swap3A_1207 = vector.shape_cast %mul3A_1203 : vector<16xf32> to vector<16xf32>
    tpu.vector_store %arg12[%swap3A_1204], %swap3A_1207 {strides = array<i32>} : memref<640xf32, #tpu.memory_space<vmem>>, vector<16xf32>,
    %get3A_1208 = arith.constant 416 : index
    %get3A_1209 = tpu.vector_load %arg10[%get3A_1208] {strides = array<i32>} : memref<640xf32, #tpu.memory_space<vmem>>, vector<16xf32>,
    %get3A_1210 = vector.shape_cast %get3A_1209 : vector<16xf32> to vector<16xf32>
    %max3A_1211 = arith.constant 1.000000e+00 : f32
    %max3A_1212 = vector.broadcast %max3A_1211 : f32 to vector<16xf32>
    %max3A_1213 = arith.maximumf %get3A_1210, %max3A_1212 : vector<16xf32>
    %div3A_1214 = arith.constant 1.000000e+00 : f32
    %div3A_1215 = vector.broadcast %div3A_1214 : f32 to vector<16xf32>
    %div3A_1216 = arith.divf %div3A_1215, %max3A_1213 : vector<16xf32>
    %swap3A_1217 = arith.constant 416 : index
    %swap3A_1218 = tpu.vector_load %arg11[%swap3A_1217] {strides = array<i32>} : memref<640xf32, #tpu.memory_space<vmem>>, vector<16xf32>,
    %swap3A_1219 = vector.shape_cast %swap3A_1218 : vector<16xf32> to vector<16xf32>
    %swap3A_1220 = vector.shape_cast %div3A_1216 : vector<16xf32> to vector<16xf32>
    tpu.vector_store %arg11[%swap3A_1217], %swap3A_1220 {strides = array<i32>} : memref<640xf32, #tpu.memory_space<vmem>>, vector<16xf32>,
    %add3A_1221 = arith.constant 416 : i32
    %add3A_1222 = arith.addi %mul3A_0, %add3A_1221 : i32
    %iota3A_1223 = tpu.iota {dimensions = array<i32: 0>} : vector<16xi32>
    %add3A_1224 = vector.broadcast %add3A_1222 : i32 to vector<16xi32>
    %add3A_1225 = arith.addi %add3A_1224, %iota3A_1223 : vector<16xi32>
    %lt3A_1226 = arith.constant 10000 : i32
    %lt3A_1227 = vector.broadcast %lt3A_1226 : i32 to vector<16xi32>
    %lt3A_1228 = arith.cmpi slt, %add3A_1225, %lt3A_1227 : vector<16xi32>
    %jit3A_1229 = arith.constant 1.000000e+00 : f32
    %jit3A_1230 = arith.constant 0.000000e+00 : f32
    %broadcast_in_dim3A_1231 = vector.broadcast %jit3A_1229 : f32 to vector<16xf32>
    %broadcast_in_dim3A_1232 = vector.broadcast %jit3A_1230 : f32 to vector<16xf32>
    %select_n3A_1233 = arith.select %lt3A_1228, %broadcast_in_dim3A_1231, %broadcast_in_dim3A_1232 : vector<16xi1>, vector<16xf32>
    %swap3A_1234 = arith.constant 416 : index
    %swap3A_1235 = tpu.vector_load %arg10[%swap3A_1234] {strides = array<i32>} : memref<640xf32, #tpu.memory_space<vmem>>, vector<16xf32>,
    %swap3A_1236 = vector.shape_cast %swap3A_1235 : vector<16xf32> to vector<16xf32>
    %swap3A_1237 = vector.shape_cast %select_n3A_1233 : vector<16xf32> to vector<16xf32>
    tpu.vector_store %arg10[%swap3A_1234], %swap3A_1237 {strides = array<i32>} : memref<640xf32, #tpu.memory_space<vmem>>, vector<16xf32>,
    %mul3A_1238 = arith.mulf %select_n3A_1233, %div3A_1216 : vector<16xf32>
    %swap3A_1239 = arith.constant 416 : index
    %swap3A_1240 = tpu.vector_load %arg12[%swap3A_1239] {strides = array<i32>} : memref<640xf32, #tpu.memory_space<vmem>>, vector<16xf32>,
    %swap3A_1241 = vector.shape_cast %swap3A_1240 : vector<16xf32> to vector<16xf32>
    %swap3A_1242 = vector.shape_cast %mul3A_1238 : vector<16xf32> to vector<16xf32>
    tpu.vector_store %arg12[%swap3A_1239], %swap3A_1242 {strides = array<i32>} : memref<640xf32, #tpu.memory_space<vmem>>, vector<16xf32>,
    %get3A_1243 = arith.constant 432 : index
    %get3A_1244 = tpu.vector_load %arg10[%get3A_1243] {strides = array<i32>} : memref<640xf32, #tpu.memory_space<vmem>>, vector<16xf32>,
    %get3A_1245 = vector.shape_cast %get3A_1244 : vector<16xf32> to vector<16xf32>
    %max3A_1246 = arith.constant 1.000000e+00 : f32
    %max3A_1247 = vector.broadcast %max3A_1246 : f32 to vector<16xf32>
    %max3A_1248 = arith.maximumf %get3A_1245, %max3A_1247 : vector<16xf32>
    %div3A_1249 = arith.constant 1.000000e+00 : f32
    %div3A_1250 = vector.broadcast %div3A_1249 : f32 to vector<16xf32>
    %div3A_1251 = arith.divf %div3A_1250, %max3A_1248 : vector<16xf32>
    %swap3A_1252 = arith.constant 432 : index
    %swap3A_1253 = tpu.vector_load %arg11[%swap3A_1252] {strides = array<i32>} : memref<640xf32, #tpu.memory_space<vmem>>, vector<16xf32>,
    %swap3A_1254 = vector.shape_cast %swap3A_1253 : vector<16xf32> to vector<16xf32>
    %swap3A_1255 = vector.shape_cast %div3A_1251 : vector<16xf32> to vector<16xf32>
    tpu.vector_store %arg11[%swap3A_1252], %swap3A_1255 {strides = array<i32>} : memref<640xf32, #tpu.memory_space<vmem>>, vector<16xf32>,
    %add3A_1256 = arith.constant 432 : i32
    %add3A_1257 = arith.addi %mul3A_0, %add3A_1256 : i32
    %iota3A_1258 = tpu.iota {dimensions = array<i32: 0>} : vector<16xi32>
    %add3A_1259 = vector.broadcast %add3A_1257 : i32 to vector<16xi32>
    %add3A_1260 = arith.addi %add3A_1259, %iota3A_1258 : vector<16xi32>
    %lt3A_1261 = arith.constant 10000 : i32
    %lt3A_1262 = vector.broadcast %lt3A_1261 : i32 to vector<16xi32>
    %lt3A_1263 = arith.cmpi slt, %add3A_1260, %lt3A_1262 : vector<16xi32>
    %jit3A_1264 = arith.constant 1.000000e+00 : f32
    %jit3A_1265 = arith.constant 0.000000e+00 : f32
    %broadcast_in_dim3A_1266 = vector.broadcast %jit3A_1264 : f32 to vector<16xf32>
    %broadcast_in_dim3A_1267 = vector.broadcast %jit3A_1265 : f32 to vector<16xf32>
    %select_n3A_1268 = arith.select %lt3A_1263, %broadcast_in_dim3A_1266, %broadcast_in_dim3A_1267 : vector<16xi1>, vector<16xf32>
    %swap3A_1269 = arith.constant 432 : index
    %swap3A_1270 = tpu.vector_load %arg10[%swap3A_1269] {strides = array<i32>} : memref<640xf32, #tpu.memory_space<vmem>>, vector<16xf32>,
    %swap3A_1271 = vector.shape_cast %swap3A_1270 : vector<16xf32> to vector<16xf32>
    %swap3A_1272 = vector.shape_cast %select_n3A_1268 : vector<16xf32> to vector<16xf32>
    tpu.vector_store %arg10[%swap3A_1269], %swap3A_1272 {strides = array<i32>} : memref<640xf32, #tpu.memory_space<vmem>>, vector<16xf32>,
    %mul3A_1273 = arith.mulf %select_n3A_1268, %div3A_1251 : vector<16xf32>
    %swap3A_1274 = arith.constant 432 : index
    %swap3A_1275 = tpu.vector_load %arg12[%swap3A_1274] {strides = array<i32>} : memref<640xf32, #tpu.memory_space<vmem>>, vector<16xf32>,
    %swap3A_1276 = vector.shape_cast %swap3A_1275 : vector<16xf32> to vector<16xf32>
    %swap3A_1277 = vector.shape_cast %mul3A_1273 : vector<16xf32> to vector<16xf32>
    tpu.vector_store %arg12[%swap3A_1274], %swap3A_1277 {strides = array<i32>} : memref<640xf32, #tpu.memory_space<vmem>>, vector<16xf32>,
    %get3A_1278 = arith.constant 448 : index
    %get3A_1279 = tpu.vector_load %arg10[%get3A_1278] {strides = array<i32>} : memref<640xf32, #tpu.memory_space<vmem>>, vector<16xf32>,
    %get3A_1280 = vector.shape_cast %get3A_1279 : vector<16xf32> to vector<16xf32>
    %max3A_1281 = arith.constant 1.000000e+00 : f32
    %max3A_1282 = vector.broadcast %max3A_1281 : f32 to vector<16xf32>
    %max3A_1283 = arith.maximumf %get3A_1280, %max3A_1282 : vector<16xf32>
    %div3A_1284 = arith.constant 1.000000e+00 : f32
    %div3A_1285 = vector.broadcast %div3A_1284 : f32 to vector<16xf32>
    %div3A_1286 = arith.divf %div3A_1285, %max3A_1283 : vector<16xf32>
    %swap3A_1287 = arith.constant 448 : index
    %swap3A_1288 = tpu.vector_load %arg11[%swap3A_1287] {strides = array<i32>} : memref<640xf32, #tpu.memory_space<vmem>>, vector<16xf32>,
    %swap3A_1289 = vector.shape_cast %swap3A_1288 : vector<16xf32> to vector<16xf32>
    %swap3A_1290 = vector.shape_cast %div3A_1286 : vector<16xf32> to vector<16xf32>
    tpu.vector_store %arg11[%swap3A_1287], %swap3A_1290 {strides = array<i32>} : memref<640xf32, #tpu.memory_space<vmem>>, vector<16xf32>,
    %add3A_1291 = arith.constant 448 : i32
    %add3A_1292 = arith.addi %mul3A_0, %add3A_1291 : i32
    %iota3A_1293 = tpu.iota {dimensions = array<i32: 0>} : vector<16xi32>
    %add3A_1294 = vector.broadcast %add3A_1292 : i32 to vector<16xi32>
    %add3A_1295 = arith.addi %add3A_1294, %iota3A_1293 : vector<16xi32>
    %lt3A_1296 = arith.constant 10000 : i32
    %lt3A_1297 = vector.broadcast %lt3A_1296 : i32 to vector<16xi32>
    %lt3A_1298 = arith.cmpi slt, %add3A_1295, %lt3A_1297 : vector<16xi32>
    %jit3A_1299 = arith.constant 1.000000e+00 : f32
    %jit3A_1300 = arith.constant 0.000000e+00 : f32
    %broadcast_in_dim3A_1301 = vector.broadcast %jit3A_1299 : f32 to vector<16xf32>
    %broadcast_in_dim3A_1302 = vector.broadcast %jit3A_1300 : f32 to vector<16xf32>
    %select_n3A_1303 = arith.select %lt3A_1298, %broadcast_in_dim3A_1301, %broadcast_in_dim3A_1302 : vector<16xi1>, vector<16xf32>
    %swap3A_1304 = arith.constant 448 : index
    %swap3A_1305 = tpu.vector_load %arg10[%swap3A_1304] {strides = array<i32>} : memref<640xf32, #tpu.memory_space<vmem>>, vector<16xf32>,
    %swap3A_1306 = vector.shape_cast %swap3A_1305 : vector<16xf32> to vector<16xf32>
    %swap3A_1307 = vector.shape_cast %select_n3A_1303 : vector<16xf32> to vector<16xf32>
    tpu.vector_store %arg10[%swap3A_1304], %swap3A_1307 {strides = array<i32>} : memref<640xf32, #tpu.memory_space<vmem>>, vector<16xf32>,
    %mul3A_1308 = arith.mulf %select_n3A_1303, %div3A_1286 : vector<16xf32>
    %swap3A_1309 = arith.constant 448 : index
    %swap3A_1310 = tpu.vector_load %arg12[%swap3A_1309] {strides = array<i32>} : memref<640xf32, #tpu.memory_space<vmem>>, vector<16xf32>,
    %swap3A_1311 = vector.shape_cast %swap3A_1310 : vector<16xf32> to vector<16xf32>
    %swap3A_1312 = vector.shape_cast %mul3A_1308 : vector<16xf32> to vector<16xf32>
    tpu.vector_store %arg12[%swap3A_1309], %swap3A_1312 {strides = array<i32>} : memref<640xf32, #tpu.memory_space<vmem>>, vector<16xf32>,
    %get3A_1313 = arith.constant 464 : index
    %get3A_1314 = tpu.vector_load %arg10[%get3A_1313] {strides = array<i32>} : memref<640xf32, #tpu.memory_space<vmem>>, vector<16xf32>,
    %get3A_1315 = vector.shape_cast %get3A_1314 : vector<16xf32> to vector<16xf32>
    %max3A_1316 = arith.constant 1.000000e+00 : f32
    %max3A_1317 = vector.broadcast %max3A_1316 : f32 to vector<16xf32>
    %max3A_1318 = arith.maximumf %get3A_1315, %max3A_1317 : vector<16xf32>
    %div3A_1319 = arith.constant 1.000000e+00 : f32
    %div3A_1320 = vector.broadcast %div3A_1319 : f32 to vector<16xf32>
    %div3A_1321 = arith.divf %div3A_1320, %max3A_1318 : vector<16xf32>
    %swap3A_1322 = arith.constant 464 : index
    %swap3A_1323 = tpu.vector_load %arg11[%swap3A_1322] {strides = array<i32>} : memref<640xf32, #tpu.memory_space<vmem>>, vector<16xf32>,
    %swap3A_1324 = vector.shape_cast %swap3A_1323 : vector<16xf32> to vector<16xf32>
    %swap3A_1325 = vector.shape_cast %div3A_1321 : vector<16xf32> to vector<16xf32>
    tpu.vector_store %arg11[%swap3A_1322], %swap3A_1325 {strides = array<i32>} : memref<640xf32, #tpu.memory_space<vmem>>, vector<16xf32>,
    %add3A_1326 = arith.constant 464 : i32
    %add3A_1327 = arith.addi %mul3A_0, %add3A_1326 : i32
    %iota3A_1328 = tpu.iota {dimensions = array<i32: 0>} : vector<16xi32>
    %add3A_1329 = vector.broadcast %add3A_1327 : i32 to vector<16xi32>
    %add3A_1330 = arith.addi %add3A_1329, %iota3A_1328 : vector<16xi32>
    %lt3A_1331 = arith.constant 10000 : i32
    %lt3A_1332 = vector.broadcast %lt3A_1331 : i32 to vector<16xi32>
    %lt3A_1333 = arith.cmpi slt, %add3A_1330, %lt3A_1332 : vector<16xi32>
    %jit3A_1334 = arith.constant 1.000000e+00 : f32
    %jit3A_1335 = arith.constant 0.000000e+00 : f32
    %broadcast_in_dim3A_1336 = vector.broadcast %jit3A_1334 : f32 to vector<16xf32>
    %broadcast_in_dim3A_1337 = vector.broadcast %jit3A_1335 : f32 to vector<16xf32>
    %select_n3A_1338 = arith.select %lt3A_1333, %broadcast_in_dim3A_1336, %broadcast_in_dim3A_1337 : vector<16xi1>, vector<16xf32>
    %swap3A_1339 = arith.constant 464 : index
    %swap3A_1340 = tpu.vector_load %arg10[%swap3A_1339] {strides = array<i32>} : memref<640xf32, #tpu.memory_space<vmem>>, vector<16xf32>,
    %swap3A_1341 = vector.shape_cast %swap3A_1340 : vector<16xf32> to vector<16xf32>
    %swap3A_1342 = vector.shape_cast %select_n3A_1338 : vector<16xf32> to vector<16xf32>
    tpu.vector_store %arg10[%swap3A_1339], %swap3A_1342 {strides = array<i32>} : memref<640xf32, #tpu.memory_space<vmem>>, vector<16xf32>,
    %mul3A_1343 = arith.mulf %select_n3A_1338, %div3A_1321 : vector<16xf32>
    %swap3A_1344 = arith.constant 464 : index
    %swap3A_1345 = tpu.vector_load %arg12[%swap3A_1344] {strides = array<i32>} : memref<640xf32, #tpu.memory_space<vmem>>, vector<16xf32>,
    %swap3A_1346 = vector.shape_cast %swap3A_1345 : vector<16xf32> to vector<16xf32>
    %swap3A_1347 = vector.shape_cast %mul3A_1343 : vector<16xf32> to vector<16xf32>
    tpu.vector_store %arg12[%swap3A_1344], %swap3A_1347 {strides = array<i32>} : memref<640xf32, #tpu.memory_space<vmem>>, vector<16xf32>,
    %get3A_1348 = arith.constant 480 : index
    %get3A_1349 = tpu.vector_load %arg10[%get3A_1348] {strides = array<i32>} : memref<640xf32, #tpu.memory_space<vmem>>, vector<16xf32>,
    %get3A_1350 = vector.shape_cast %get3A_1349 : vector<16xf32> to vector<16xf32>
    %max3A_1351 = arith.constant 1.000000e+00 : f32
    %max3A_1352 = vector.broadcast %max3A_1351 : f32 to vector<16xf32>
    %max3A_1353 = arith.maximumf %get3A_1350, %max3A_1352 : vector<16xf32>
    %div3A_1354 = arith.constant 1.000000e+00 : f32
    %div3A_1355 = vector.broadcast %div3A_1354 : f32 to vector<16xf32>
    %div3A_1356 = arith.divf %div3A_1355, %max3A_1353 : vector<16xf32>
    %swap3A_1357 = arith.constant 480 : index
    %swap3A_1358 = tpu.vector_load %arg11[%swap3A_1357] {strides = array<i32>} : memref<640xf32, #tpu.memory_space<vmem>>, vector<16xf32>,
    %swap3A_1359 = vector.shape_cast %swap3A_1358 : vector<16xf32> to vector<16xf32>
    %swap3A_1360 = vector.shape_cast %div3A_1356 : vector<16xf32> to vector<16xf32>
    tpu.vector_store %arg11[%swap3A_1357], %swap3A_1360 {strides = array<i32>} : memref<640xf32, #tpu.memory_space<vmem>>, vector<16xf32>,
    %add3A_1361 = arith.constant 480 : i32
    %add3A_1362 = arith.addi %mul3A_0, %add3A_1361 : i32
    %iota3A_1363 = tpu.iota {dimensions = array<i32: 0>} : vector<16xi32>
    %add3A_1364 = vector.broadcast %add3A_1362 : i32 to vector<16xi32>
    %add3A_1365 = arith.addi %add3A_1364, %iota3A_1363 : vector<16xi32>
    %lt3A_1366 = arith.constant 10000 : i32
    %lt3A_1367 = vector.broadcast %lt3A_1366 : i32 to vector<16xi32>
    %lt3A_1368 = arith.cmpi slt, %add3A_1365, %lt3A_1367 : vector<16xi32>
    %jit3A_1369 = arith.constant 1.000000e+00 : f32
    %jit3A_1370 = arith.constant 0.000000e+00 : f32
    %broadcast_in_dim3A_1371 = vector.broadcast %jit3A_1369 : f32 to vector<16xf32>
    %broadcast_in_dim3A_1372 = vector.broadcast %jit3A_1370 : f32 to vector<16xf32>
    %select_n3A_1373 = arith.select %lt3A_1368, %broadcast_in_dim3A_1371, %broadcast_in_dim3A_1372 : vector<16xi1>, vector<16xf32>
    %swap3A_1374 = arith.constant 480 : index
    %swap3A_1375 = tpu.vector_load %arg10[%swap3A_1374] {strides = array<i32>} : memref<640xf32, #tpu.memory_space<vmem>>, vector<16xf32>,
    %swap3A_1376 = vector.shape_cast %swap3A_1375 : vector<16xf32> to vector<16xf32>
    %swap3A_1377 = vector.shape_cast %select_n3A_1373 : vector<16xf32> to vector<16xf32>
    tpu.vector_store %arg10[%swap3A_1374], %swap3A_1377 {strides = array<i32>} : memref<640xf32, #tpu.memory_space<vmem>>, vector<16xf32>,
    %mul3A_1378 = arith.mulf %select_n3A_1373, %div3A_1356 : vector<16xf32>
    %swap3A_1379 = arith.constant 480 : index
    %swap3A_1380 = tpu.vector_load %arg12[%swap3A_1379] {strides = array<i32>} : memref<640xf32, #tpu.memory_space<vmem>>, vector<16xf32>,
    %swap3A_1381 = vector.shape_cast %swap3A_1380 : vector<16xf32> to vector<16xf32>
    %swap3A_1382 = vector.shape_cast %mul3A_1378 : vector<16xf32> to vector<16xf32>
    tpu.vector_store %arg12[%swap3A_1379], %swap3A_1382 {strides = array<i32>} : memref<640xf32, #tpu.memory_space<vmem>>, vector<16xf32>,
    %get3A_1383 = arith.constant 496 : index
    %get3A_1384 = tpu.vector_load %arg10[%get3A_1383] {strides = array<i32>} : memref<640xf32, #tpu.memory_space<vmem>>, vector<16xf32>,
    %get3A_1385 = vector.shape_cast %get3A_1384 : vector<16xf32> to vector<16xf32>
    %max3A_1386 = arith.constant 1.000000e+00 : f32
    %max3A_1387 = vector.broadcast %max3A_1386 : f32 to vector<16xf32>
    %max3A_1388 = arith.maximumf %get3A_1385, %max3A_1387 : vector<16xf32>
    %div3A_1389 = arith.constant 1.000000e+00 : f32
    %div3A_1390 = vector.broadcast %div3A_1389 : f32 to vector<16xf32>
    %div3A_1391 = arith.divf %div3A_1390, %max3A_1388 : vector<16xf32>
    %swap3A_1392 = arith.constant 496 : index
    %swap3A_1393 = tpu.vector_load %arg11[%swap3A_1392] {strides = array<i32>} : memref<640xf32, #tpu.memory_space<vmem>>, vector<16xf32>,
    %swap3A_1394 = vector.shape_cast %swap3A_1393 : vector<16xf32> to vector<16xf32>
    %swap3A_1395 = vector.shape_cast %div3A_1391 : vector<16xf32> to vector<16xf32>
    tpu.vector_store %arg11[%swap3A_1392], %swap3A_1395 {strides = array<i32>} : memref<640xf32, #tpu.memory_space<vmem>>, vector<16xf32>,
    %add3A_1396 = arith.constant 496 : i32
    %add3A_1397 = arith.addi %mul3A_0, %add3A_1396 : i32
    %iota3A_1398 = tpu.iota {dimensions = array<i32: 0>} : vector<16xi32>
    %add3A_1399 = vector.broadcast %add3A_1397 : i32 to vector<16xi32>
    %add3A_1400 = arith.addi %add3A_1399, %iota3A_1398 : vector<16xi32>
    %lt3A_1401 = arith.constant 10000 : i32
    %lt3A_1402 = vector.broadcast %lt3A_1401 : i32 to vector<16xi32>
    %lt3A_1403 = arith.cmpi slt, %add3A_1400, %lt3A_1402 : vector<16xi32>
    %jit3A_1404 = arith.constant 1.000000e+00 : f32
    %jit3A_1405 = arith.constant 0.000000e+00 : f32
    %broadcast_in_dim3A_1406 = vector.broadcast %jit3A_1404 : f32 to vector<16xf32>
    %broadcast_in_dim3A_1407 = vector.broadcast %jit3A_1405 : f32 to vector<16xf32>
    %select_n3A_1408 = arith.select %lt3A_1403, %broadcast_in_dim3A_1406, %broadcast_in_dim3A_1407 : vector<16xi1>, vector<16xf32>
    %swap3A_1409 = arith.constant 496 : index
    %swap3A_1410 = tpu.vector_load %arg10[%swap3A_1409] {strides = array<i32>} : memref<640xf32, #tpu.memory_space<vmem>>, vector<16xf32>,
    %swap3A_1411 = vector.shape_cast %swap3A_1410 : vector<16xf32> to vector<16xf32>
    %swap3A_1412 = vector.shape_cast %select_n3A_1408 : vector<16xf32> to vector<16xf32>
    tpu.vector_store %arg10[%swap3A_1409], %swap3A_1412 {strides = array<i32>} : memref<640xf32, #tpu.memory_space<vmem>>, vector<16xf32>,
    %mul3A_1413 = arith.mulf %select_n3A_1408, %div3A_1391 : vector<16xf32>
    %swap3A_1414 = arith.constant 496 : index
    %swap3A_1415 = tpu.vector_load %arg12[%swap3A_1414] {strides = array<i32>} : memref<640xf32, #tpu.memory_space<vmem>>, vector<16xf32>,
    %swap3A_1416 = vector.shape_cast %swap3A_1415 : vector<16xf32> to vector<16xf32>
    %swap3A_1417 = vector.shape_cast %mul3A_1413 : vector<16xf32> to vector<16xf32>
    tpu.vector_store %arg12[%swap3A_1414], %swap3A_1417 {strides = array<i32>} : memref<640xf32, #tpu.memory_space<vmem>>, vector<16xf32>,
    %get3A_1418 = arith.constant 512 : index
    %get3A_1419 = tpu.vector_load %arg10[%get3A_1418] {strides = array<i32>} : memref<640xf32, #tpu.memory_space<vmem>>, vector<16xf32>,
    %get3A_1420 = vector.shape_cast %get3A_1419 : vector<16xf32> to vector<16xf32>
    %max3A_1421 = arith.constant 1.000000e+00 : f32
    %max3A_1422 = vector.broadcast %max3A_1421 : f32 to vector<16xf32>
    %max3A_1423 = arith.maximumf %get3A_1420, %max3A_1422 : vector<16xf32>
    %div3A_1424 = arith.constant 1.000000e+00 : f32
    %div3A_1425 = vector.broadcast %div3A_1424 : f32 to vector<16xf32>
    %div3A_1426 = arith.divf %div3A_1425, %max3A_1423 : vector<16xf32>
    %swap3A_1427 = arith.constant 512 : index
    %swap3A_1428 = tpu.vector_load %arg11[%swap3A_1427] {strides = array<i32>} : memref<640xf32, #tpu.memory_space<vmem>>, vector<16xf32>,
    %swap3A_1429 = vector.shape_cast %swap3A_1428 : vector<16xf32> to vector<16xf32>
    %swap3A_1430 = vector.shape_cast %div3A_1426 : vector<16xf32> to vector<16xf32>
    tpu.vector_store %arg11[%swap3A_1427], %swap3A_1430 {strides = array<i32>} : memref<640xf32, #tpu.memory_space<vmem>>, vector<16xf32>,
    %add3A_1431 = arith.constant 512 : i32
    %add3A_1432 = arith.addi %mul3A_0, %add3A_1431 : i32
    %iota3A_1433 = tpu.iota {dimensions = array<i32: 0>} : vector<16xi32>
    %add3A_1434 = vector.broadcast %add3A_1432 : i32 to vector<16xi32>
    %add3A_1435 = arith.addi %add3A_1434, %iota3A_1433 : vector<16xi32>
    %lt3A_1436 = arith.constant 10000 : i32
    %lt3A_1437 = vector.broadcast %lt3A_1436 : i32 to vector<16xi32>
    %lt3A_1438 = arith.cmpi slt, %add3A_1435, %lt3A_1437 : vector<16xi32>
    %jit3A_1439 = arith.constant 1.000000e+00 : f32
    %jit3A_1440 = arith.constant 0.000000e+00 : f32
    %broadcast_in_dim3A_1441 = vector.broadcast %jit3A_1439 : f32 to vector<16xf32>
    %broadcast_in_dim3A_1442 = vector.broadcast %jit3A_1440 : f32 to vector<16xf32>
    %select_n3A_1443 = arith.select %lt3A_1438, %broadcast_in_dim3A_1441, %broadcast_in_dim3A_1442 : vector<16xi1>, vector<16xf32>
    %swap3A_1444 = arith.constant 512 : index
    %swap3A_1445 = tpu.vector_load %arg10[%swap3A_1444] {strides = array<i32>} : memref<640xf32, #tpu.memory_space<vmem>>, vector<16xf32>,
    %swap3A_1446 = vector.shape_cast %swap3A_1445 : vector<16xf32> to vector<16xf32>
    %swap3A_1447 = vector.shape_cast %select_n3A_1443 : vector<16xf32> to vector<16xf32>
    tpu.vector_store %arg10[%swap3A_1444], %swap3A_1447 {strides = array<i32>} : memref<640xf32, #tpu.memory_space<vmem>>, vector<16xf32>,
    %mul3A_1448 = arith.mulf %select_n3A_1443, %div3A_1426 : vector<16xf32>
    %swap3A_1449 = arith.constant 512 : index
    %swap3A_1450 = tpu.vector_load %arg12[%swap3A_1449] {strides = array<i32>} : memref<640xf32, #tpu.memory_space<vmem>>, vector<16xf32>,
    %swap3A_1451 = vector.shape_cast %swap3A_1450 : vector<16xf32> to vector<16xf32>
    %swap3A_1452 = vector.shape_cast %mul3A_1448 : vector<16xf32> to vector<16xf32>
    tpu.vector_store %arg12[%swap3A_1449], %swap3A_1452 {strides = array<i32>} : memref<640xf32, #tpu.memory_space<vmem>>, vector<16xf32>,
    %get3A_1453 = arith.constant 528 : index
    %get3A_1454 = tpu.vector_load %arg10[%get3A_1453] {strides = array<i32>} : memref<640xf32, #tpu.memory_space<vmem>>, vector<16xf32>,
    %get3A_1455 = vector.shape_cast %get3A_1454 : vector<16xf32> to vector<16xf32>
    %max3A_1456 = arith.constant 1.000000e+00 : f32
    %max3A_1457 = vector.broadcast %max3A_1456 : f32 to vector<16xf32>
    %max3A_1458 = arith.maximumf %get3A_1455, %max3A_1457 : vector<16xf32>
    %div3A_1459 = arith.constant 1.000000e+00 : f32
    %div3A_1460 = vector.broadcast %div3A_1459 : f32 to vector<16xf32>
    %div3A_1461 = arith.divf %div3A_1460, %max3A_1458 : vector<16xf32>
    %swap3A_1462 = arith.constant 528 : index
    %swap3A_1463 = tpu.vector_load %arg11[%swap3A_1462] {strides = array<i32>} : memref<640xf32, #tpu.memory_space<vmem>>, vector<16xf32>,
    %swap3A_1464 = vector.shape_cast %swap3A_1463 : vector<16xf32> to vector<16xf32>
    %swap3A_1465 = vector.shape_cast %div3A_1461 : vector<16xf32> to vector<16xf32>
    tpu.vector_store %arg11[%swap3A_1462], %swap3A_1465 {strides = array<i32>} : memref<640xf32, #tpu.memory_space<vmem>>, vector<16xf32>,
    %add3A_1466 = arith.constant 528 : i32
    %add3A_1467 = arith.addi %mul3A_0, %add3A_1466 : i32
    %iota3A_1468 = tpu.iota {dimensions = array<i32: 0>} : vector<16xi32>
    %add3A_1469 = vector.broadcast %add3A_1467 : i32 to vector<16xi32>
    %add3A_1470 = arith.addi %add3A_1469, %iota3A_1468 : vector<16xi32>
    %lt3A_1471 = arith.constant 10000 : i32
    %lt3A_1472 = vector.broadcast %lt3A_1471 : i32 to vector<16xi32>
    %lt3A_1473 = arith.cmpi slt, %add3A_1470, %lt3A_1472 : vector<16xi32>
    %jit3A_1474 = arith.constant 1.000000e+00 : f32
    %jit3A_1475 = arith.constant 0.000000e+00 : f32
    %broadcast_in_dim3A_1476 = vector.broadcast %jit3A_1474 : f32 to vector<16xf32>
    %broadcast_in_dim3A_1477 = vector.broadcast %jit3A_1475 : f32 to vector<16xf32>
    %select_n3A_1478 = arith.select %lt3A_1473, %broadcast_in_dim3A_1476, %broadcast_in_dim3A_1477 : vector<16xi1>, vector<16xf32>
    %swap3A_1479 = arith.constant 528 : index
    %swap3A_1480 = tpu.vector_load %arg10[%swap3A_1479] {strides = array<i32>} : memref<640xf32, #tpu.memory_space<vmem>>, vector<16xf32>,
    %swap3A_1481 = vector.shape_cast %swap3A_1480 : vector<16xf32> to vector<16xf32>
    %swap3A_1482 = vector.shape_cast %select_n3A_1478 : vector<16xf32> to vector<16xf32>
    tpu.vector_store %arg10[%swap3A_1479], %swap3A_1482 {strides = array<i32>} : memref<640xf32, #tpu.memory_space<vmem>>, vector<16xf32>,
    %mul3A_1483 = arith.mulf %select_n3A_1478, %div3A_1461 : vector<16xf32>
    %swap3A_1484 = arith.constant 528 : index
    %swap3A_1485 = tpu.vector_load %arg12[%swap3A_1484] {strides = array<i32>} : memref<640xf32, #tpu.memory_space<vmem>>, vector<16xf32>,
    %swap3A_1486 = vector.shape_cast %swap3A_1485 : vector<16xf32> to vector<16xf32>
    %swap3A_1487 = vector.shape_cast %mul3A_1483 : vector<16xf32> to vector<16xf32>
    tpu.vector_store %arg12[%swap3A_1484], %swap3A_1487 {strides = array<i32>} : memref<640xf32, #tpu.memory_space<vmem>>, vector<16xf32>,
    %get3A_1488 = arith.constant 544 : index
    %get3A_1489 = tpu.vector_load %arg10[%get3A_1488] {strides = array<i32>} : memref<640xf32, #tpu.memory_space<vmem>>, vector<16xf32>,
    %get3A_1490 = vector.shape_cast %get3A_1489 : vector<16xf32> to vector<16xf32>
    %max3A_1491 = arith.constant 1.000000e+00 : f32
    %max3A_1492 = vector.broadcast %max3A_1491 : f32 to vector<16xf32>
    %max3A_1493 = arith.maximumf %get3A_1490, %max3A_1492 : vector<16xf32>
    %div3A_1494 = arith.constant 1.000000e+00 : f32
    %div3A_1495 = vector.broadcast %div3A_1494 : f32 to vector<16xf32>
    %div3A_1496 = arith.divf %div3A_1495, %max3A_1493 : vector<16xf32>
    %swap3A_1497 = arith.constant 544 : index
    %swap3A_1498 = tpu.vector_load %arg11[%swap3A_1497] {strides = array<i32>} : memref<640xf32, #tpu.memory_space<vmem>>, vector<16xf32>,
    %swap3A_1499 = vector.shape_cast %swap3A_1498 : vector<16xf32> to vector<16xf32>
    %swap3A_1500 = vector.shape_cast %div3A_1496 : vector<16xf32> to vector<16xf32>
    tpu.vector_store %arg11[%swap3A_1497], %swap3A_1500 {strides = array<i32>} : memref<640xf32, #tpu.memory_space<vmem>>, vector<16xf32>,
    %add3A_1501 = arith.constant 544 : i32
    %add3A_1502 = arith.addi %mul3A_0, %add3A_1501 : i32
    %iota3A_1503 = tpu.iota {dimensions = array<i32: 0>} : vector<16xi32>
    %add3A_1504 = vector.broadcast %add3A_1502 : i32 to vector<16xi32>
    %add3A_1505 = arith.addi %add3A_1504, %iota3A_1503 : vector<16xi32>
    %lt3A_1506 = arith.constant 10000 : i32
    %lt3A_1507 = vector.broadcast %lt3A_1506 : i32 to vector<16xi32>
    %lt3A_1508 = arith.cmpi slt, %add3A_1505, %lt3A_1507 : vector<16xi32>
    %jit3A_1509 = arith.constant 1.000000e+00 : f32
    %jit3A_1510 = arith.constant 0.000000e+00 : f32
    %broadcast_in_dim3A_1511 = vector.broadcast %jit3A_1509 : f32 to vector<16xf32>
    %broadcast_in_dim3A_1512 = vector.broadcast %jit3A_1510 : f32 to vector<16xf32>
    %select_n3A_1513 = arith.select %lt3A_1508, %broadcast_in_dim3A_1511, %broadcast_in_dim3A_1512 : vector<16xi1>, vector<16xf32>
    %swap3A_1514 = arith.constant 544 : index
    %swap3A_1515 = tpu.vector_load %arg10[%swap3A_1514] {strides = array<i32>} : memref<640xf32, #tpu.memory_space<vmem>>, vector<16xf32>,
    %swap3A_1516 = vector.shape_cast %swap3A_1515 : vector<16xf32> to vector<16xf32>
    %swap3A_1517 = vector.shape_cast %select_n3A_1513 : vector<16xf32> to vector<16xf32>
    tpu.vector_store %arg10[%swap3A_1514], %swap3A_1517 {strides = array<i32>} : memref<640xf32, #tpu.memory_space<vmem>>, vector<16xf32>,
    %mul3A_1518 = arith.mulf %select_n3A_1513, %div3A_1496 : vector<16xf32>
    %swap3A_1519 = arith.constant 544 : index
    %swap3A_1520 = tpu.vector_load %arg12[%swap3A_1519] {strides = array<i32>} : memref<640xf32, #tpu.memory_space<vmem>>, vector<16xf32>,
    %swap3A_1521 = vector.shape_cast %swap3A_1520 : vector<16xf32> to vector<16xf32>
    %swap3A_1522 = vector.shape_cast %mul3A_1518 : vector<16xf32> to vector<16xf32>
    tpu.vector_store %arg12[%swap3A_1519], %swap3A_1522 {strides = array<i32>} : memref<640xf32, #tpu.memory_space<vmem>>, vector<16xf32>,
    %get3A_1523 = arith.constant 560 : index
    %get3A_1524 = tpu.vector_load %arg10[%get3A_1523] {strides = array<i32>} : memref<640xf32, #tpu.memory_space<vmem>>, vector<16xf32>,
    %get3A_1525 = vector.shape_cast %get3A_1524 : vector<16xf32> to vector<16xf32>
    %max3A_1526 = arith.constant 1.000000e+00 : f32
    %max3A_1527 = vector.broadcast %max3A_1526 : f32 to vector<16xf32>
    %max3A_1528 = arith.maximumf %get3A_1525, %max3A_1527 : vector<16xf32>
    %div3A_1529 = arith.constant 1.000000e+00 : f32
    %div3A_1530 = vector.broadcast %div3A_1529 : f32 to vector<16xf32>
    %div3A_1531 = arith.divf %div3A_1530, %max3A_1528 : vector<16xf32>
    %swap3A_1532 = arith.constant 560 : index
    %swap3A_1533 = tpu.vector_load %arg11[%swap3A_1532] {strides = array<i32>} : memref<640xf32, #tpu.memory_space<vmem>>, vector<16xf32>,
    %swap3A_1534 = vector.shape_cast %swap3A_1533 : vector<16xf32> to vector<16xf32>
    %swap3A_1535 = vector.shape_cast %div3A_1531 : vector<16xf32> to vector<16xf32>
    tpu.vector_store %arg11[%swap3A_1532], %swap3A_1535 {strides = array<i32>} : memref<640xf32, #tpu.memory_space<vmem>>, vector<16xf32>,
    %add3A_1536 = arith.constant 560 : i32
    %add3A_1537 = arith.addi %mul3A_0, %add3A_1536 : i32
    %iota3A_1538 = tpu.iota {dimensions = array<i32: 0>} : vector<16xi32>
    %add3A_1539 = vector.broadcast %add3A_1537 : i32 to vector<16xi32>
    %add3A_1540 = arith.addi %add3A_1539, %iota3A_1538 : vector<16xi32>
    %lt3A_1541 = arith.constant 10000 : i32
    %lt3A_1542 = vector.broadcast %lt3A_1541 : i32 to vector<16xi32>
    %lt3A_1543 = arith.cmpi slt, %add3A_1540, %lt3A_1542 : vector<16xi32>
    %jit3A_1544 = arith.constant 1.000000e+00 : f32
    %jit3A_1545 = arith.constant 0.000000e+00 : f32
    %broadcast_in_dim3A_1546 = vector.broadcast %jit3A_1544 : f32 to vector<16xf32>
    %broadcast_in_dim3A_1547 = vector.broadcast %jit3A_1545 : f32 to vector<16xf32>
    %select_n3A_1548 = arith.select %lt3A_1543, %broadcast_in_dim3A_1546, %broadcast_in_dim3A_1547 : vector<16xi1>, vector<16xf32>
    %swap3A_1549 = arith.constant 560 : index
    %swap3A_1550 = tpu.vector_load %arg10[%swap3A_1549] {strides = array<i32>} : memref<640xf32, #tpu.memory_space<vmem>>, vector<16xf32>,
    %swap3A_1551 = vector.shape_cast %swap3A_1550 : vector<16xf32> to vector<16xf32>
    %swap3A_1552 = vector.shape_cast %select_n3A_1548 : vector<16xf32> to vector<16xf32>
    tpu.vector_store %arg10[%swap3A_1549], %swap3A_1552 {strides = array<i32>} : memref<640xf32, #tpu.memory_space<vmem>>, vector<16xf32>,
    %mul3A_1553 = arith.mulf %select_n3A_1548, %div3A_1531 : vector<16xf32>
    %swap3A_1554 = arith.constant 560 : index
    %swap3A_1555 = tpu.vector_load %arg12[%swap3A_1554] {strides = array<i32>} : memref<640xf32, #tpu.memory_space<vmem>>, vector<16xf32>,
    %swap3A_1556 = vector.shape_cast %swap3A_1555 : vector<16xf32> to vector<16xf32>
    %swap3A_1557 = vector.shape_cast %mul3A_1553 : vector<16xf32> to vector<16xf32>
    tpu.vector_store %arg12[%swap3A_1554], %swap3A_1557 {strides = array<i32>} : memref<640xf32, #tpu.memory_space<vmem>>, vector<16xf32>,
    %get3A_1558 = arith.constant 576 : index
    %get3A_1559 = tpu.vector_load %arg10[%get3A_1558] {strides = array<i32>} : memref<640xf32, #tpu.memory_space<vmem>>, vector<16xf32>,
    %get3A_1560 = vector.shape_cast %get3A_1559 : vector<16xf32> to vector<16xf32>
    %max3A_1561 = arith.constant 1.000000e+00 : f32
    %max3A_1562 = vector.broadcast %max3A_1561 : f32 to vector<16xf32>
    %max3A_1563 = arith.maximumf %get3A_1560, %max3A_1562 : vector<16xf32>
    %div3A_1564 = arith.constant 1.000000e+00 : f32
    %div3A_1565 = vector.broadcast %div3A_1564 : f32 to vector<16xf32>
    %div3A_1566 = arith.divf %div3A_1565, %max3A_1563 : vector<16xf32>
    %swap3A_1567 = arith.constant 576 : index
    %swap3A_1568 = tpu.vector_load %arg11[%swap3A_1567] {strides = array<i32>} : memref<640xf32, #tpu.memory_space<vmem>>, vector<16xf32>,
    %swap3A_1569 = vector.shape_cast %swap3A_1568 : vector<16xf32> to vector<16xf32>
    %swap3A_1570 = vector.shape_cast %div3A_1566 : vector<16xf32> to vector<16xf32>
    tpu.vector_store %arg11[%swap3A_1567], %swap3A_1570 {strides = array<i32>} : memref<640xf32, #tpu.memory_space<vmem>>, vector<16xf32>,
    %add3A_1571 = arith.constant 576 : i32
    %add3A_1572 = arith.addi %mul3A_0, %add3A_1571 : i32
    %iota3A_1573 = tpu.iota {dimensions = array<i32: 0>} : vector<16xi32>
    %add3A_1574 = vector.broadcast %add3A_1572 : i32 to vector<16xi32>
    %add3A_1575 = arith.addi %add3A_1574, %iota3A_1573 : vector<16xi32>
    %lt3A_1576 = arith.constant 10000 : i32
    %lt3A_1577 = vector.broadcast %lt3A_1576 : i32 to vector<16xi32>
    %lt3A_1578 = arith.cmpi slt, %add3A_1575, %lt3A_1577 : vector<16xi32>
    %jit3A_1579 = arith.constant 1.000000e+00 : f32
    %jit3A_1580 = arith.constant 0.000000e+00 : f32
    %broadcast_in_dim3A_1581 = vector.broadcast %jit3A_1579 : f32 to vector<16xf32>
    %broadcast_in_dim3A_1582 = vector.broadcast %jit3A_1580 : f32 to vector<16xf32>
    %select_n3A_1583 = arith.select %lt3A_1578, %broadcast_in_dim3A_1581, %broadcast_in_dim3A_1582 : vector<16xi1>, vector<16xf32>
    %swap3A_1584 = arith.constant 576 : index
    %swap3A_1585 = tpu.vector_load %arg10[%swap3A_1584] {strides = array<i32>} : memref<640xf32, #tpu.memory_space<vmem>>, vector<16xf32>,
    %swap3A_1586 = vector.shape_cast %swap3A_1585 : vector<16xf32> to vector<16xf32>
    %swap3A_1587 = vector.shape_cast %select_n3A_1583 : vector<16xf32> to vector<16xf32>
    tpu.vector_store %arg10[%swap3A_1584], %swap3A_1587 {strides = array<i32>} : memref<640xf32, #tpu.memory_space<vmem>>, vector<16xf32>,
    %mul3A_1588 = arith.mulf %select_n3A_1583, %div3A_1566 : vector<16xf32>
    %swap3A_1589 = arith.constant 576 : index
    %swap3A_1590 = tpu.vector_load %arg12[%swap3A_1589] {strides = array<i32>} : memref<640xf32, #tpu.memory_space<vmem>>, vector<16xf32>,
    %swap3A_1591 = vector.shape_cast %swap3A_1590 : vector<16xf32> to vector<16xf32>
    %swap3A_1592 = vector.shape_cast %mul3A_1588 : vector<16xf32> to vector<16xf32>
    tpu.vector_store %arg12[%swap3A_1589], %swap3A_1592 {strides = array<i32>} : memref<640xf32, #tpu.memory_space<vmem>>, vector<16xf32>,
    %get3A_1593 = arith.constant 592 : index
    %get3A_1594 = tpu.vector_load %arg10[%get3A_1593] {strides = array<i32>} : memref<640xf32, #tpu.memory_space<vmem>>, vector<16xf32>,
    %get3A_1595 = vector.shape_cast %get3A_1594 : vector<16xf32> to vector<16xf32>
    %max3A_1596 = arith.constant 1.000000e+00 : f32
    %max3A_1597 = vector.broadcast %max3A_1596 : f32 to vector<16xf32>
    %max3A_1598 = arith.maximumf %get3A_1595, %max3A_1597 : vector<16xf32>
    %div3A_1599 = arith.constant 1.000000e+00 : f32
    %div3A_1600 = vector.broadcast %div3A_1599 : f32 to vector<16xf32>
    %div3A_1601 = arith.divf %div3A_1600, %max3A_1598 : vector<16xf32>
    %swap3A_1602 = arith.constant 592 : index
    %swap3A_1603 = tpu.vector_load %arg11[%swap3A_1602] {strides = array<i32>} : memref<640xf32, #tpu.memory_space<vmem>>, vector<16xf32>,
    %swap3A_1604 = vector.shape_cast %swap3A_1603 : vector<16xf32> to vector<16xf32>
    %swap3A_1605 = vector.shape_cast %div3A_1601 : vector<16xf32> to vector<16xf32>
    tpu.vector_store %arg11[%swap3A_1602], %swap3A_1605 {strides = array<i32>} : memref<640xf32, #tpu.memory_space<vmem>>, vector<16xf32>,
    %add3A_1606 = arith.constant 592 : i32
    %add3A_1607 = arith.addi %mul3A_0, %add3A_1606 : i32
    %iota3A_1608 = tpu.iota {dimensions = array<i32: 0>} : vector<16xi32>
    %add3A_1609 = vector.broadcast %add3A_1607 : i32 to vector<16xi32>
    %add3A_1610 = arith.addi %add3A_1609, %iota3A_1608 : vector<16xi32>
    %lt3A_1611 = arith.constant 10000 : i32
    %lt3A_1612 = vector.broadcast %lt3A_1611 : i32 to vector<16xi32>
    %lt3A_1613 = arith.cmpi slt, %add3A_1610, %lt3A_1612 : vector<16xi32>
    %jit3A_1614 = arith.constant 1.000000e+00 : f32
    %jit3A_1615 = arith.constant 0.000000e+00 : f32
    %broadcast_in_dim3A_1616 = vector.broadcast %jit3A_1614 : f32 to vector<16xf32>
    %broadcast_in_dim3A_1617 = vector.broadcast %jit3A_1615 : f32 to vector<16xf32>
    %select_n3A_1618 = arith.select %lt3A_1613, %broadcast_in_dim3A_1616, %broadcast_in_dim3A_1617 : vector<16xi1>, vector<16xf32>
    %swap3A_1619 = arith.constant 592 : index
    %swap3A_1620 = tpu.vector_load %arg10[%swap3A_1619] {strides = array<i32>} : memref<640xf32, #tpu.memory_space<vmem>>, vector<16xf32>,
    %swap3A_1621 = vector.shape_cast %swap3A_1620 : vector<16xf32> to vector<16xf32>
    %swap3A_1622 = vector.shape_cast %select_n3A_1618 : vector<16xf32> to vector<16xf32>
    tpu.vector_store %arg10[%swap3A_1619], %swap3A_1622 {strides = array<i32>} : memref<640xf32, #tpu.memory_space<vmem>>, vector<16xf32>,
    %mul3A_1623 = arith.mulf %select_n3A_1618, %div3A_1601 : vector<16xf32>
    %swap3A_1624 = arith.constant 592 : index
    %swap3A_1625 = tpu.vector_load %arg12[%swap3A_1624] {strides = array<i32>} : memref<640xf32, #tpu.memory_space<vmem>>, vector<16xf32>,
    %swap3A_1626 = vector.shape_cast %swap3A_1625 : vector<16xf32> to vector<16xf32>
    %swap3A_1627 = vector.shape_cast %mul3A_1623 : vector<16xf32> to vector<16xf32>
    tpu.vector_store %arg12[%swap3A_1624], %swap3A_1627 {strides = array<i32>} : memref<640xf32, #tpu.memory_space<vmem>>, vector<16xf32>,
    %get3A_1628 = arith.constant 608 : index
    %get3A_1629 = tpu.vector_load %arg10[%get3A_1628] {strides = array<i32>} : memref<640xf32, #tpu.memory_space<vmem>>, vector<16xf32>,
    %get3A_1630 = vector.shape_cast %get3A_1629 : vector<16xf32> to vector<16xf32>
    %max3A_1631 = arith.constant 1.000000e+00 : f32
    %max3A_1632 = vector.broadcast %max3A_1631 : f32 to vector<16xf32>
    %max3A_1633 = arith.maximumf %get3A_1630, %max3A_1632 : vector<16xf32>
    %div3A_1634 = arith.constant 1.000000e+00 : f32
    %div3A_1635 = vector.broadcast %div3A_1634 : f32 to vector<16xf32>
    %div3A_1636 = arith.divf %div3A_1635, %max3A_1633 : vector<16xf32>
    %swap3A_1637 = arith.constant 608 : index
    %swap3A_1638 = tpu.vector_load %arg11[%swap3A_1637] {strides = array<i32>} : memref<640xf32, #tpu.memory_space<vmem>>, vector<16xf32>,
    %swap3A_1639 = vector.shape_cast %swap3A_1638 : vector<16xf32> to vector<16xf32>
    %swap3A_1640 = vector.shape_cast %div3A_1636 : vector<16xf32> to vector<16xf32>
    tpu.vector_store %arg11[%swap3A_1637], %swap3A_1640 {strides = array<i32>} : memref<640xf32, #tpu.memory_space<vmem>>, vector<16xf32>,
    %add3A_1641 = arith.constant 608 : i32
    %add3A_1642 = arith.addi %mul3A_0, %add3A_1641 : i32
    %iota3A_1643 = tpu.iota {dimensions = array<i32: 0>} : vector<16xi32>
    %add3A_1644 = vector.broadcast %add3A_1642 : i32 to vector<16xi32>
    %add3A_1645 = arith.addi %add3A_1644, %iota3A_1643 : vector<16xi32>
    %lt3A_1646 = arith.constant 10000 : i32
    %lt3A_1647 = vector.broadcast %lt3A_1646 : i32 to vector<16xi32>
    %lt3A_1648 = arith.cmpi slt, %add3A_1645, %lt3A_1647 : vector<16xi32>
    %jit3A_1649 = arith.constant 1.000000e+00 : f32
    %jit3A_1650 = arith.constant 0.000000e+00 : f32
    %broadcast_in_dim3A_1651 = vector.broadcast %jit3A_1649 : f32 to vector<16xf32>
    %broadcast_in_dim3A_1652 = vector.broadcast %jit3A_1650 : f32 to vector<16xf32>
    %select_n3A_1653 = arith.select %lt3A_1648, %broadcast_in_dim3A_1651, %broadcast_in_dim3A_1652 : vector<16xi1>, vector<16xf32>
    %swap3A_1654 = arith.constant 608 : index
    %swap3A_1655 = tpu.vector_load %arg10[%swap3A_1654] {strides = array<i32>} : memref<640xf32, #tpu.memory_space<vmem>>, vector<16xf32>,
    %swap3A_1656 = vector.shape_cast %swap3A_1655 : vector<16xf32> to vector<16xf32>
    %swap3A_1657 = vector.shape_cast %select_n3A_1653 : vector<16xf32> to vector<16xf32>
    tpu.vector_store %arg10[%swap3A_1654], %swap3A_1657 {strides = array<i32>} : memref<640xf32, #tpu.memory_space<vmem>>, vector<16xf32>,
    %mul3A_1658 = arith.mulf %select_n3A_1653, %div3A_1636 : vector<16xf32>
    %swap3A_1659 = arith.constant 608 : index
    %swap3A_1660 = tpu.vector_load %arg12[%swap3A_1659] {strides = array<i32>} : memref<640xf32, #tpu.memory_space<vmem>>, vector<16xf32>,
    %swap3A_1661 = vector.shape_cast %swap3A_1660 : vector<16xf32> to vector<16xf32>
    %swap3A_1662 = vector.shape_cast %mul3A_1658 : vector<16xf32> to vector<16xf32>
    tpu.vector_store %arg12[%swap3A_1659], %swap3A_1662 {strides = array<i32>} : memref<640xf32, #tpu.memory_space<vmem>>, vector<16xf32>,
    %get3A_1663 = arith.constant 624 : index
    %get3A_1664 = tpu.vector_load %arg10[%get3A_1663] {strides = array<i32>} : memref<640xf32, #tpu.memory_space<vmem>>, vector<16xf32>,
    %get3A_1665 = vector.shape_cast %get3A_1664 : vector<16xf32> to vector<16xf32>
    %max3A_1666 = arith.constant 1.000000e+00 : f32
    %max3A_1667 = vector.broadcast %max3A_1666 : f32 to vector<16xf32>
    %max3A_1668 = arith.maximumf %get3A_1665, %max3A_1667 : vector<16xf32>
    %div3A_1669 = arith.constant 1.000000e+00 : f32
    %div3A_1670 = vector.broadcast %div3A_1669 : f32 to vector<16xf32>
    %div3A_1671 = arith.divf %div3A_1670, %max3A_1668 : vector<16xf32>
    %swap3A_1672 = arith.constant 624 : index
    %swap3A_1673 = tpu.vector_load %arg11[%swap3A_1672] {strides = array<i32>} : memref<640xf32, #tpu.memory_space<vmem>>, vector<16xf32>,
    %swap3A_1674 = vector.shape_cast %swap3A_1673 : vector<16xf32> to vector<16xf32>
    %swap3A_1675 = vector.shape_cast %div3A_1671 : vector<16xf32> to vector<16xf32>
    tpu.vector_store %arg11[%swap3A_1672], %swap3A_1675 {strides = array<i32>} : memref<640xf32, #tpu.memory_space<vmem>>, vector<16xf32>,
    %add3A_1676 = arith.constant 624 : i32
    %add3A_1677 = arith.addi %mul3A_0, %add3A_1676 : i32
    %iota3A_1678 = tpu.iota {dimensions = array<i32: 0>} : vector<16xi32>
    %add3A_1679 = vector.broadcast %add3A_1677 : i32 to vector<16xi32>
    %add3A_1680 = arith.addi %add3A_1679, %iota3A_1678 : vector<16xi32>
    %lt3A_1681 = arith.constant 10000 : i32
    %lt3A_1682 = vector.broadcast %lt3A_1681 : i32 to vector<16xi32>
    %lt3A_1683 = arith.cmpi slt, %add3A_1680, %lt3A_1682 : vector<16xi32>
    %jit3A_1684 = arith.constant 1.000000e+00 : f32
    %jit3A_1685 = arith.constant 0.000000e+00 : f32
    %broadcast_in_dim3A_1686 = vector.broadcast %jit3A_1684 : f32 to vector<16xf32>
    %broadcast_in_dim3A_1687 = vector.broadcast %jit3A_1685 : f32 to vector<16xf32>
    %select_n3A_1688 = arith.select %lt3A_1683, %broadcast_in_dim3A_1686, %broadcast_in_dim3A_1687 : vector<16xi1>, vector<16xf32>
    %swap3A_1689 = arith.constant 624 : index
    %swap3A_1690 = tpu.vector_load %arg10[%swap3A_1689] {strides = array<i32>} : memref<640xf32, #tpu.memory_space<vmem>>, vector<16xf32>,
    %swap3A_1691 = vector.shape_cast %swap3A_1690 : vector<16xf32> to vector<16xf32>
    %swap3A_1692 = vector.shape_cast %select_n3A_1688 : vector<16xf32> to vector<16xf32>
    tpu.vector_store %arg10[%swap3A_1689], %swap3A_1692 {strides = array<i32>} : memref<640xf32, #tpu.memory_space<vmem>>, vector<16xf32>,
    %mul3A_1693 = arith.mulf %select_n3A_1688, %div3A_1671 : vector<16xf32>
    %swap3A_1694 = arith.constant 624 : index
    %swap3A_1695 = tpu.vector_load %arg12[%swap3A_1694] {strides = array<i32>} : memref<640xf32, #tpu.memory_space<vmem>>, vector<16xf32>,
    %swap3A_1696 = vector.shape_cast %swap3A_1695 : vector<16xf32> to vector<16xf32>
    %swap3A_1697 = vector.shape_cast %mul3A_1693 : vector<16xf32> to vector<16xf32>
    tpu.vector_store %arg12[%swap3A_1694], %swap3A_1697 {strides = array<i32>} : memref<640xf32, #tpu.memory_space<vmem>>, vector<16xf32>,
    %run_scoped3A = arith.constant 0 : i32
    "tpu.region"() ({
      %run_scoped3A_2659 = tpu.sem_alloc : memref<!tpu.dma_semaphore, #tpu.memory_space<semaphore_mem>>
      %dma_start3A = tpu.memref_slice %arg4[%arg0, %run_scoped3A, %mul3A_0] : memref<2x8x10240xf32, #tpu.memory_space<hbm>> -> memref<1x1x640xf32, #tpu.memory_space<hbm>>
      %dma_start3A_2660 = tpu.memref_squeeze %dma_start3A : memref<1x1x640xf32, #tpu.memory_space<hbm>> -> memref<640xf32, #tpu.memory_space<hbm>>
      %dma_start3A_2661 = tpu.memref_slice %arg4[%arg0, %run_scoped3A, %mul3A_0] : memref<2x8x10240xf32, #tpu.memory_space<hbm>> -> memref<1x1x640xf32, #tpu.memory_space<hbm>>
      %dma_start3A_2662 = tpu.memref_squeeze %dma_start3A_2661 : memref<1x1x640xf32, #tpu.memory_space<hbm>> -> memref<640xf32, #tpu.memory_space<hbm>>
      tpu.enqueue_dma source(%arg10 : memref<640xf32, #tpu.memory_space<vmem>>) target(%dma_start3A_2662 : memref<640xf32, #tpu.memory_space<hbm>>) target_semaphore(%run_scoped3A_2659 : memref<!tpu.dma_semaphore, #tpu.memory_space<semaphore_mem>>)
      %dma_wait3A = tpu.memref_slice %arg4[%arg0, %run_scoped3A, %mul3A_0] : memref<2x8x10240xf32, #tpu.memory_space<hbm>> -> memref<1x1x640xf32, #tpu.memory_space<hbm>>
      %dma_wait3A_2663 = tpu.memref_squeeze %dma_wait3A : memref<1x1x640xf32, #tpu.memory_space<hbm>> -> memref<640xf32, #tpu.memory_space<hbm>>
      %dma_wait3A_2664 = tpu.memref_slice %arg4[%arg0, %run_scoped3A, %mul3A_0] : memref<2x8x10240xf32, #tpu.memory_space<hbm>> -> memref<1x1x640xf32, #tpu.memory_space<hbm>>
      %dma_wait3A_2665 = tpu.memref_squeeze %dma_wait3A_2664 : memref<1x1x640xf32, #tpu.memory_space<hbm>> -> memref<640xf32, #tpu.memory_space<hbm>>
      tpu.wait_dma2 semaphore(%run_scoped3A_2659 : memref<!tpu.dma_semaphore, #tpu.memory_space<semaphore_mem>>) src(%arg10 : memref<640xf32, #tpu.memory_space<vmem>>) dst(%dma_wait3A_2665 : memref<640xf32, #tpu.memory_space<hbm>>)
      tpu.yield
    }) : () -> ()
    "tpu.region"() ({
      %run_scoped3A_2659 = tpu.sem_alloc : memref<!tpu.dma_semaphore, #tpu.memory_space<semaphore_mem>>
      %dma_start3A = tpu.memref_slice %arg13[%mul3A_0] : memref<10240xf32, #tpu.memory_space<vmem_shared>> -> memref<640xf32, #tpu.memory_space<vmem_shared>>
      %dma_start3A_2660 = tpu.memref_slice %arg13[%mul3A_0] : memref<10240xf32, #tpu.memory_space<vmem_shared>> -> memref<640xf32, #tpu.memory_space<vmem_shared>>
      tpu.enqueue_dma source(%arg12 : memref<640xf32, #tpu.memory_space<vmem>>) target(%dma_start3A_2660 : memref<640xf32, #tpu.memory_space<vmem_shared>>) target_semaphore(%run_scoped3A_2659 : memref<!tpu.dma_semaphore, #tpu.memory_space<semaphore_mem>>)
      %dma_wait3A = tpu.memref_slice %arg13[%mul3A_0] : memref<10240xf32, #tpu.memory_space<vmem_shared>> -> memref<640xf32, #tpu.memory_space<vmem_shared>>
      %dma_wait3A_2661 = tpu.memref_slice %arg13[%mul3A_0] : memref<10240xf32, #tpu.memory_space<vmem_shared>> -> memref<640xf32, #tpu.memory_space<vmem_shared>>
      tpu.wait_dma2 semaphore(%run_scoped3A_2659 : memref<!tpu.dma_semaphore, #tpu.memory_space<semaphore_mem>>) src(%arg12 : memref<640xf32, #tpu.memory_space<vmem>>) dst(%dma_wait3A_2661 : memref<640xf32, #tpu.memory_space<vmem_shared>>)
      tpu.yield
    }) : () -> ()
    "tpu.region"() ({
      %run_scoped3A_2659 = tpu.sem_alloc : memref<!tpu.dma_semaphore, #tpu.memory_space<semaphore_mem>>
      %dma_start3A = tpu.memref_slice %arg14[%mul3A_0] : memref<10240xf32, #tpu.memory_space<vmem_shared>> -> memref<640xf32, #tpu.memory_space<vmem_shared>>
      %dma_start3A_2660 = tpu.memref_slice %arg14[%mul3A_0] : memref<10240xf32, #tpu.memory_space<vmem_shared>> -> memref<640xf32, #tpu.memory_space<vmem_shared>>
      tpu.enqueue_dma source(%arg9 : memref<640xf32, #tpu.memory_space<vmem>>) target(%dma_start3A_2660 : memref<640xf32, #tpu.memory_space<vmem_shared>>) target_semaphore(%run_scoped3A_2659 : memref<!tpu.dma_semaphore, #tpu.memory_space<semaphore_mem>>)
      %dma_wait3A = tpu.memref_slice %arg14[%mul3A_0] : memref<10240xf32, #tpu.memory_space<vmem_shared>> -> memref<640xf32, #tpu.memory_space<vmem_shared>>
      %dma_wait3A_2661 = tpu.memref_slice %arg14[%mul3A_0] : memref<10240xf32, #tpu.memory_space<vmem_shared>> -> memref<640xf32, #tpu.memory_space<vmem_shared>>
      tpu.wait_dma2 semaphore(%run_scoped3A_2659 : memref<!tpu.dma_semaphore, #tpu.memory_space<semaphore_mem>>) src(%arg9 : memref<640xf32, #tpu.memory_space<vmem>>) dst(%dma_wait3A_2661 : memref<640xf32, #tpu.memory_space<vmem_shared>>)
      tpu.yield
    }) : () -> ()
    %barrier3A_1698 = arith.constant 0 : index
    tpu.barrier barrier_id(%barrier3A_1698)
    %scan3A_1699 = arith.constant 0 : i32
    %scan3A_1700 = arith.constant 0 : i32
    %scan3A_1701 = arith.constant 157 : i32
    %scan3A_1702 = arith.addi %scan3A_1700, %scan3A_1701 : i32
    %scan3A_1703 = arith.constant 1 : i32
    scf.for %scan3A_2659 = %scan3A_1700 to %scan3A_1702 step %scan3A_1703  : i32 {
      %dma_start3A = arith.constant 0 : i32
      %dma_start3A_2660 = tpu.memref_slice %arg7[%scan3A_2659, %dma_start3A] : memref<157x128xf32, #tpu.memory_space<vmem>> -> memref<1x128xf32, #tpu.memory_space<vmem>>
      %dma_start3A_2661 = tpu.memref_squeeze %dma_start3A_2660 : memref<1x128xf32, #tpu.memory_space<vmem>> -> memref<128xf32, #tpu.memory_space<vmem>>
      %dma_start3A_2662 = arith.constant 0 : i32
      %dma_start3A_2663 = tpu.memref_slice %arg6[%scan3A_2659, %dma_start3A_2662] : memref<157x128xi32, #tpu.memory_space<vmem>> -> memref<1x128xi32, #tpu.memory_space<vmem>>
      %dma_start3A_2664 = tpu.memref_squeeze %dma_start3A_2663 : memref<1x128xi32, #tpu.memory_space<vmem>> -> memref<128xi32, #tpu.memory_space<vmem>>
      %dma_start3A_2665 = arith.constant 0 : i32
      %dma_start3A_2666 = tpu.memref_slice %arg13[%dma_start3A_2665] : memref<10240xf32, #tpu.memory_space<vmem_shared>> -> memref<10240xf32, #tpu.memory_space<vmem_shared>>
      tpu.enqueue_indirect_dma source(%dma_start3A_2666 : memref<10240xf32, #tpu.memory_space<vmem_shared>>) target(%dma_start3A_2661 : memref<128xf32, #tpu.memory_space<vmem>>) offsets(%dma_start3A_2664 : memref<128xi32, #tpu.memory_space<vmem>>) semaphore(%arg15 : memref<!tpu.dma_semaphore, #tpu.memory_space<semaphore_mem>>)
    }
    %scan3A_1704 = arith.constant 157 : i32
    %scan3A_1705 = arith.constant 0 : i32
    %scan3A_1706 = arith.constant 0 : i32
    %scan3A_1707 = arith.constant 157 : i32
    %scan3A_1708 = arith.addi %scan3A_1706, %scan3A_1707 : i32
    %scan3A_1709 = arith.constant 1 : i32
    scf.for %scan3A_2659 = %scan3A_1706 to %scan3A_1708 step %scan3A_1709  : i32 {
      %dma_wait3A = arith.constant 0 : i32
      %dma_wait3A_2660 = tpu.memref_slice %arg7[%scan3A_2659, %dma_wait3A] : memref<157x128xf32, #tpu.memory_space<vmem>> -> memref<1x128xf32, #tpu.memory_space<vmem>>
      %dma_wait3A_2661 = tpu.memref_squeeze %dma_wait3A_2660 : memref<1x128xf32, #tpu.memory_space<vmem>> -> memref<128xf32, #tpu.memory_space<vmem>>
      %dma_wait3A_2662 = arith.constant 0 : i32
      %dma_wait3A_2663 = tpu.memref_slice %arg6[%scan3A_2659, %dma_wait3A_2662] : memref<157x128xi32, #tpu.memory_space<vmem>> -> memref<1x128xi32, #tpu.memory_space<vmem>>
      %dma_wait3A_2664 = tpu.memref_squeeze %dma_wait3A_2663 : memref<1x128xi32, #tpu.memory_space<vmem>> -> memref<128xi32, #tpu.memory_space<vmem>>
      %dma_wait3A_2665 = arith.constant 0 : i32
      %dma_wait3A_2666 = tpu.memref_slice %arg13[%dma_wait3A_2665] : memref<10240xf32, #tpu.memory_space<vmem_shared>> -> memref<10240xf32, #tpu.memory_space<vmem_shared>>
      tpu.wait_indirect_dma semaphore(%arg15 : memref<!tpu.dma_semaphore, #tpu.memory_space<semaphore_mem>>) src(%dma_wait3A_2666 : memref<10240xf32, #tpu.memory_space<vmem_shared>>) dst(%dma_wait3A_2661 : memref<128xf32, #tpu.memory_space<vmem>>)
    }
    %scan3A_1710 = arith.constant 157 : i32
    %scan3A_1711 = arith.constant 0 : i32
    %scan3A_1712 = arith.constant 0 : i32
    %scan3A_1713 = arith.constant 157 : i32
    %scan3A_1714 = arith.addi %scan3A_1712, %scan3A_1713 : i32
    %scan3A_1715 = arith.constant 1 : i32
    scf.for %scan3A_2659 = %scan3A_1712 to %scan3A_1714 step %scan3A_1715  : i32 {
      %dma_start3A = arith.constant 0 : i32
      %dma_start3A_2660 = tpu.memref_slice %arg7[%scan3A_2659, %dma_start3A] : memref<157x128xf32, #tpu.memory_space<vmem>> -> memref<1x128xf32, #tpu.memory_space<vmem>>
      %dma_start3A_2661 = tpu.memref_squeeze %dma_start3A_2660 : memref<1x128xf32, #tpu.memory_space<vmem>> -> memref<128xf32, #tpu.memory_space<vmem>>
      %dma_start3A_2662 = arith.constant 0 : i32
      %dma_start3A_2663 = tpu.memref_slice %arg5[%scan3A_2659, %dma_start3A_2662] : memref<157x128xi32, #tpu.memory_space<vmem>> -> memref<1x128xi32, #tpu.memory_space<vmem>>
      %dma_start3A_2664 = tpu.memref_squeeze %dma_start3A_2663 : memref<1x128xi32, #tpu.memory_space<vmem>> -> memref<128xi32, #tpu.memory_space<vmem>>
      %dma_start3A_2665 = arith.constant 0 : i32
      %dma_start3A_2666 = tpu.memref_slice %arg14[%dma_start3A_2665] : memref<10240xf32, #tpu.memory_space<vmem_shared>> -> memref<10240xf32, #tpu.memory_space<vmem_shared>>
      tpu.enqueue_indirect_dma source(%dma_start3A_2661 : memref<128xf32, #tpu.memory_space<vmem>>) target(%dma_start3A_2666 : memref<10240xf32, #tpu.memory_space<vmem_shared>>) offsets(%dma_start3A_2664 : memref<128xi32, #tpu.memory_space<vmem>>) semaphore(%arg16 : memref<!tpu.dma_semaphore, #tpu.memory_space<semaphore_mem>>) {add = true}
    }
    %scan3A_1716 = arith.constant 157 : i32
    %scan3A_1717 = arith.constant 0 : i32
    %scan3A_1718 = arith.constant 0 : i32
    %scan3A_1719 = arith.constant 157 : i32
    %scan3A_1720 = arith.addi %scan3A_1718, %scan3A_1719 : i32
    %scan3A_1721 = arith.constant 1 : i32
    scf.for %scan3A_2659 = %scan3A_1718 to %scan3A_1720 step %scan3A_1721  : i32 {
      %dma_wait3A = arith.constant 0 : i32
      %dma_wait3A_2660 = tpu.memref_slice %arg7[%scan3A_2659, %dma_wait3A] : memref<157x128xf32, #tpu.memory_space<vmem>> -> memref<1x128xf32, #tpu.memory_space<vmem>>
      %dma_wait3A_2661 = tpu.memref_squeeze %dma_wait3A_2660 : memref<1x128xf32, #tpu.memory_space<vmem>> -> memref<128xf32, #tpu.memory_space<vmem>>
      %dma_wait3A_2662 = arith.constant 0 : i32
      %dma_wait3A_2663 = tpu.memref_slice %arg5[%scan3A_2659, %dma_wait3A_2662] : memref<157x128xi32, #tpu.memory_space<vmem>> -> memref<1x128xi32, #tpu.memory_space<vmem>>
      %dma_wait3A_2664 = tpu.memref_squeeze %dma_wait3A_2663 : memref<1x128xi32, #tpu.memory_space<vmem>> -> memref<128xi32, #tpu.memory_space<vmem>>
      %dma_wait3A_2665 = arith.constant 0 : i32
      %dma_wait3A_2666 = tpu.memref_slice %arg14[%dma_wait3A_2665] : memref<10240xf32, #tpu.memory_space<vmem_shared>> -> memref<10240xf32, #tpu.memory_space<vmem_shared>>
      tpu.wait_indirect_dma semaphore(%arg16 : memref<!tpu.dma_semaphore, #tpu.memory_space<semaphore_mem>>) src(%dma_wait3A_2661 : memref<128xf32, #tpu.memory_space<vmem>>) dst(%dma_wait3A_2666 : memref<10240xf32, #tpu.memory_space<vmem_shared>>)
    }
    %scan3A_1722 = arith.constant 157 : i32
    %barrier3A_1723 = arith.constant 0 : index
    tpu.barrier barrier_id(%barrier3A_1723)
    "tpu.region"() ({
      %run_scoped3A_2659 = tpu.sem_alloc : memref<!tpu.dma_semaphore, #tpu.memory_space<semaphore_mem>>
      %dma_start3A = tpu.memref_slice %arg14[%mul3A_0] : memref<10240xf32, #tpu.memory_space<vmem_shared>> -> memref<640xf32, #tpu.memory_space<vmem_shared>>
      %dma_start3A_2660 = tpu.memref_slice %arg14[%mul3A_0] : memref<10240xf32, #tpu.memory_space<vmem_shared>> -> memref<640xf32, #tpu.memory_space<vmem_shared>>
      tpu.enqueue_dma source(%dma_start3A_2660 : memref<640xf32, #tpu.memory_space<vmem_shared>>) target(%arg10 : memref<640xf32, #tpu.memory_space<vmem>>) target_semaphore(%run_scoped3A_2659 : memref<!tpu.dma_semaphore, #tpu.memory_space<semaphore_mem>>)
      %dma_wait3A = tpu.memref_slice %arg14[%mul3A_0] : memref<10240xf32, #tpu.memory_space<vmem_shared>> -> memref<640xf32, #tpu.memory_space<vmem_shared>>
      %dma_wait3A_2661 = tpu.memref_slice %arg14[%mul3A_0] : memref<10240xf32, #tpu.memory_space<vmem_shared>> -> memref<640xf32, #tpu.memory_space<vmem_shared>>
      tpu.wait_dma2 semaphore(%run_scoped3A_2659 : memref<!tpu.dma_semaphore, #tpu.memory_space<semaphore_mem>>) src(%dma_wait3A_2661 : memref<640xf32, #tpu.memory_space<vmem_shared>>) dst(%arg10 : memref<640xf32, #tpu.memory_space<vmem>>)
      tpu.yield
    }) : () -> ()
    %run_scoped3A_1724 = arith.constant 1 : i32
    "tpu.region"() ({
      %run_scoped3A_2659 = tpu.sem_alloc : memref<!tpu.dma_semaphore, #tpu.memory_space<semaphore_mem>>
      %dma_start3A = tpu.memref_slice %arg4[%arg0, %run_scoped3A_1724, %mul3A_0] : memref<2x8x10240xf32, #tpu.memory_space<hbm>> -> memref<1x1x640xf32, #tpu.memory_space<hbm>>
      %dma_start3A_2660 = tpu.memref_squeeze %dma_start3A : memref<1x1x640xf32, #tpu.memory_space<hbm>> -> memref<640xf32, #tpu.memory_space<hbm>>
      %dma_start3A_2661 = tpu.memref_slice %arg4[%arg0, %run_scoped3A_1724, %mul3A_0] : memref<2x8x10240xf32, #tpu.memory_space<hbm>> -> memref<1x1x640xf32, #tpu.memory_space<hbm>>
      %dma_start3A_2662 = tpu.memref_squeeze %dma_start3A_2661 : memref<1x1x640xf32, #tpu.memory_space<hbm>> -> memref<640xf32, #tpu.memory_space<hbm>>
      tpu.enqueue_dma source(%arg10 : memref<640xf32, #tpu.memory_space<vmem>>) target(%dma_start3A_2662 : memref<640xf32, #tpu.memory_space<hbm>>) target_semaphore(%run_scoped3A_2659 : memref<!tpu.dma_semaphore, #tpu.memory_space<semaphore_mem>>)
      %dma_wait3A = tpu.memref_slice %arg4[%arg0, %run_scoped3A_1724, %mul3A_0] : memref<2x8x10240xf32, #tpu.memory_space<hbm>> -> memref<1x1x640xf32, #tpu.memory_space<hbm>>
      %dma_wait3A_2663 = tpu.memref_squeeze %dma_wait3A : memref<1x1x640xf32, #tpu.memory_space<hbm>> -> memref<640xf32, #tpu.memory_space<hbm>>
      %dma_wait3A_2664 = tpu.memref_slice %arg4[%arg0, %run_scoped3A_1724, %mul3A_0] : memref<2x8x10240xf32, #tpu.memory_space<hbm>> -> memref<1x1x640xf32, #tpu.memory_space<hbm>>
      %dma_wait3A_2665 = tpu.memref_squeeze %dma_wait3A_2664 : memref<1x1x640xf32, #tpu.memory_space<hbm>> -> memref<640xf32, #tpu.memory_space<hbm>>
      tpu.wait_dma2 semaphore(%run_scoped3A_2659 : memref<!tpu.dma_semaphore, #tpu.memory_space<semaphore_mem>>) src(%arg10 : memref<640xf32, #tpu.memory_space<vmem>>) dst(%dma_wait3A_2665 : memref<640xf32, #tpu.memory_space<hbm>>)
      tpu.yield
    }) : () -> ()
    %get3A_1725 = arith.constant 0 : index
    %get3A_1726 = tpu.vector_load %arg10[%get3A_1725] {strides = array<i32>} : memref<640xf32, #tpu.memory_space<vmem>>, vector<16xf32>,
    %get3A_1727 = vector.shape_cast %get3A_1726 : vector<16xf32> to vector<16xf32>
    %get3A_1728 = arith.constant 0 : index
    %get3A_1729 = tpu.vector_load %arg11[%get3A_1728] {strides = array<i32>} : memref<640xf32, #tpu.memory_space<vmem>>, vector<16xf32>,
    %get3A_1730 = vector.shape_cast %get3A_1729 : vector<16xf32> to vector<16xf32>
    %mul3A_1731 = arith.mulf %get3A_1727, %get3A_1730 : vector<16xf32>
    %swap3A_1732 = arith.constant 0 : index
    %swap3A_1733 = tpu.vector_load %arg12[%swap3A_1732] {strides = array<i32>} : memref<640xf32, #tpu.memory_space<vmem>>, vector<16xf32>,
    %swap3A_1734 = vector.shape_cast %swap3A_1733 : vector<16xf32> to vector<16xf32>
    %swap3A_1735 = vector.shape_cast %mul3A_1731 : vector<16xf32> to vector<16xf32>
    tpu.vector_store %arg12[%swap3A_1732], %swap3A_1735 {strides = array<i32>} : memref<640xf32, #tpu.memory_space<vmem>>, vector<16xf32>,
    %get3A_1736 = arith.constant 16 : index
    %get3A_1737 = tpu.vector_load %arg10[%get3A_1736] {strides = array<i32>} : memref<640xf32, #tpu.memory_space<vmem>>, vector<16xf32>,
    %get3A_1738 = vector.shape_cast %get3A_1737 : vector<16xf32> to vector<16xf32>
    %get3A_1739 = arith.constant 16 : index
    %get3A_1740 = tpu.vector_load %arg11[%get3A_1739] {strides = array<i32>} : memref<640xf32, #tpu.memory_space<vmem>>, vector<16xf32>,
    %get3A_1741 = vector.shape_cast %get3A_1740 : vector<16xf32> to vector<16xf32>
    %mul3A_1742 = arith.mulf %get3A_1738, %get3A_1741 : vector<16xf32>
    %swap3A_1743 = arith.constant 16 : index
    %swap3A_1744 = tpu.vector_load %arg12[%swap3A_1743] {strides = array<i32>} : memref<640xf32, #tpu.memory_space<vmem>>, vector<16xf32>,
    %swap3A_1745 = vector.shape_cast %swap3A_1744 : vector<16xf32> to vector<16xf32>
    %swap3A_1746 = vector.shape_cast %mul3A_1742 : vector<16xf32> to vector<16xf32>
    tpu.vector_store %arg12[%swap3A_1743], %swap3A_1746 {strides = array<i32>} : memref<640xf32, #tpu.memory_space<vmem>>, vector<16xf32>,
    %get3A_1747 = arith.constant 32 : index
    %get3A_1748 = tpu.vector_load %arg10[%get3A_1747] {strides = array<i32>} : memref<640xf32, #tpu.memory_space<vmem>>, vector<16xf32>,
    %get3A_1749 = vector.shape_cast %get3A_1748 : vector<16xf32> to vector<16xf32>
    %get3A_1750 = arith.constant 32 : index
    %get3A_1751 = tpu.vector_load %arg11[%get3A_1750] {strides = array<i32>} : memref<640xf32, #tpu.memory_space<vmem>>, vector<16xf32>,
    %get3A_1752 = vector.shape_cast %get3A_1751 : vector<16xf32> to vector<16xf32>
    %mul3A_1753 = arith.mulf %get3A_1749, %get3A_1752 : vector<16xf32>
    %swap3A_1754 = arith.constant 32 : index
    %swap3A_1755 = tpu.vector_load %arg12[%swap3A_1754] {strides = array<i32>} : memref<640xf32, #tpu.memory_space<vmem>>, vector<16xf32>,
    %swap3A_1756 = vector.shape_cast %swap3A_1755 : vector<16xf32> to vector<16xf32>
    %swap3A_1757 = vector.shape_cast %mul3A_1753 : vector<16xf32> to vector<16xf32>
    tpu.vector_store %arg12[%swap3A_1754], %swap3A_1757 {strides = array<i32>} : memref<640xf32, #tpu.memory_space<vmem>>, vector<16xf32>,
    %get3A_1758 = arith.constant 48 : index
    %get3A_1759 = tpu.vector_load %arg10[%get3A_1758] {strides = array<i32>} : memref<640xf32, #tpu.memory_space<vmem>>, vector<16xf32>,
    %get3A_1760 = vector.shape_cast %get3A_1759 : vector<16xf32> to vector<16xf32>
    %get3A_1761 = arith.constant 48 : index
    %get3A_1762 = tpu.vector_load %arg11[%get3A_1761] {strides = array<i32>} : memref<640xf32, #tpu.memory_space<vmem>>, vector<16xf32>,
    %get3A_1763 = vector.shape_cast %get3A_1762 : vector<16xf32> to vector<16xf32>
    %mul3A_1764 = arith.mulf %get3A_1760, %get3A_1763 : vector<16xf32>
    %swap3A_1765 = arith.constant 48 : index
    %swap3A_1766 = tpu.vector_load %arg12[%swap3A_1765] {strides = array<i32>} : memref<640xf32, #tpu.memory_space<vmem>>, vector<16xf32>,
    %swap3A_1767 = vector.shape_cast %swap3A_1766 : vector<16xf32> to vector<16xf32>
    %swap3A_1768 = vector.shape_cast %mul3A_1764 : vector<16xf32> to vector<16xf32>
    tpu.vector_store %arg12[%swap3A_1765], %swap3A_1768 {strides = array<i32>} : memref<640xf32, #tpu.memory_space<vmem>>, vector<16xf32>,
    %get3A_1769 = arith.constant 64 : index
    %get3A_1770 = tpu.vector_load %arg10[%get3A_1769] {strides = array<i32>} : memref<640xf32, #tpu.memory_space<vmem>>, vector<16xf32>,
    %get3A_1771 = vector.shape_cast %get3A_1770 : vector<16xf32> to vector<16xf32>
    %get3A_1772 = arith.constant 64 : index
    %get3A_1773 = tpu.vector_load %arg11[%get3A_1772] {strides = array<i32>} : memref<640xf32, #tpu.memory_space<vmem>>, vector<16xf32>,
    %get3A_1774 = vector.shape_cast %get3A_1773 : vector<16xf32> to vector<16xf32>
    %mul3A_1775 = arith.mulf %get3A_1771, %get3A_1774 : vector<16xf32>
    %swap3A_1776 = arith.constant 64 : index
    %swap3A_1777 = tpu.vector_load %arg12[%swap3A_1776] {strides = array<i32>} : memref<640xf32, #tpu.memory_space<vmem>>, vector<16xf32>,
    %swap3A_1778 = vector.shape_cast %swap3A_1777 : vector<16xf32> to vector<16xf32>
    %swap3A_1779 = vector.shape_cast %mul3A_1775 : vector<16xf32> to vector<16xf32>
    tpu.vector_store %arg12[%swap3A_1776], %swap3A_1779 {strides = array<i32>} : memref<640xf32, #tpu.memory_space<vmem>>, vector<16xf32>,
    %get3A_1780 = arith.constant 80 : index
    %get3A_1781 = tpu.vector_load %arg10[%get3A_1780] {strides = array<i32>} : memref<640xf32, #tpu.memory_space<vmem>>, vector<16xf32>,
    %get3A_1782 = vector.shape_cast %get3A_1781 : vector<16xf32> to vector<16xf32>
    %get3A_1783 = arith.constant 80 : index
    %get3A_1784 = tpu.vector_load %arg11[%get3A_1783] {strides = array<i32>} : memref<640xf32, #tpu.memory_space<vmem>>, vector<16xf32>,
    %get3A_1785 = vector.shape_cast %get3A_1784 : vector<16xf32> to vector<16xf32>
    %mul3A_1786 = arith.mulf %get3A_1782, %get3A_1785 : vector<16xf32>
    %swap3A_1787 = arith.constant 80 : index
    %swap3A_1788 = tpu.vector_load %arg12[%swap3A_1787] {strides = array<i32>} : memref<640xf32, #tpu.memory_space<vmem>>, vector<16xf32>,
    %swap3A_1789 = vector.shape_cast %swap3A_1788 : vector<16xf32> to vector<16xf32>
    %swap3A_1790 = vector.shape_cast %mul3A_1786 : vector<16xf32> to vector<16xf32>
    tpu.vector_store %arg12[%swap3A_1787], %swap3A_1790 {strides = array<i32>} : memref<640xf32, #tpu.memory_space<vmem>>, vector<16xf32>,
    %get3A_1791 = arith.constant 96 : index
    %get3A_1792 = tpu.vector_load %arg10[%get3A_1791] {strides = array<i32>} : memref<640xf32, #tpu.memory_space<vmem>>, vector<16xf32>,
    %get3A_1793 = vector.shape_cast %get3A_1792 : vector<16xf32> to vector<16xf32>
    %get3A_1794 = arith.constant 96 : index
    %get3A_1795 = tpu.vector_load %arg11[%get3A_1794] {strides = array<i32>} : memref<640xf32, #tpu.memory_space<vmem>>, vector<16xf32>,
    %get3A_1796 = vector.shape_cast %get3A_1795 : vector<16xf32> to vector<16xf32>
    %mul3A_1797 = arith.mulf %get3A_1793, %get3A_1796 : vector<16xf32>
    %swap3A_1798 = arith.constant 96 : index
    %swap3A_1799 = tpu.vector_load %arg12[%swap3A_1798] {strides = array<i32>} : memref<640xf32, #tpu.memory_space<vmem>>, vector<16xf32>,
    %swap3A_1800 = vector.shape_cast %swap3A_1799 : vector<16xf32> to vector<16xf32>
    %swap3A_1801 = vector.shape_cast %mul3A_1797 : vector<16xf32> to vector<16xf32>
    tpu.vector_store %arg12[%swap3A_1798], %swap3A_1801 {strides = array<i32>} : memref<640xf32, #tpu.memory_space<vmem>>, vector<16xf32>,
    %get3A_1802 = arith.constant 112 : index
    %get3A_1803 = tpu.vector_load %arg10[%get3A_1802] {strides = array<i32>} : memref<640xf32, #tpu.memory_space<vmem>>, vector<16xf32>,
    %get3A_1804 = vector.shape_cast %get3A_1803 : vector<16xf32> to vector<16xf32>
    %get3A_1805 = arith.constant 112 : index
    %get3A_1806 = tpu.vector_load %arg11[%get3A_1805] {strides = array<i32>} : memref<640xf32, #tpu.memory_space<vmem>>, vector<16xf32>,
    %get3A_1807 = vector.shape_cast %get3A_1806 : vector<16xf32> to vector<16xf32>
    %mul3A_1808 = arith.mulf %get3A_1804, %get3A_1807 : vector<16xf32>
    %swap3A_1809 = arith.constant 112 : index
    %swap3A_1810 = tpu.vector_load %arg12[%swap3A_1809] {strides = array<i32>} : memref<640xf32, #tpu.memory_space<vmem>>, vector<16xf32>,
    %swap3A_1811 = vector.shape_cast %swap3A_1810 : vector<16xf32> to vector<16xf32>
    %swap3A_1812 = vector.shape_cast %mul3A_1808 : vector<16xf32> to vector<16xf32>
    tpu.vector_store %arg12[%swap3A_1809], %swap3A_1812 {strides = array<i32>} : memref<640xf32, #tpu.memory_space<vmem>>, vector<16xf32>,
    %get3A_1813 = arith.constant 128 : index
    %get3A_1814 = tpu.vector_load %arg10[%get3A_1813] {strides = array<i32>} : memref<640xf32, #tpu.memory_space<vmem>>, vector<16xf32>,
    %get3A_1815 = vector.shape_cast %get3A_1814 : vector<16xf32> to vector<16xf32>
    %get3A_1816 = arith.constant 128 : index
    %get3A_1817 = tpu.vector_load %arg11[%get3A_1816] {strides = array<i32>} : memref<640xf32, #tpu.memory_space<vmem>>, vector<16xf32>,
    %get3A_1818 = vector.shape_cast %get3A_1817 : vector<16xf32> to vector<16xf32>
    %mul3A_1819 = arith.mulf %get3A_1815, %get3A_1818 : vector<16xf32>
    %swap3A_1820 = arith.constant 128 : index
    %swap3A_1821 = tpu.vector_load %arg12[%swap3A_1820] {strides = array<i32>} : memref<640xf32, #tpu.memory_space<vmem>>, vector<16xf32>,
    %swap3A_1822 = vector.shape_cast %swap3A_1821 : vector<16xf32> to vector<16xf32>
    %swap3A_1823 = vector.shape_cast %mul3A_1819 : vector<16xf32> to vector<16xf32>
    tpu.vector_store %arg12[%swap3A_1820], %swap3A_1823 {strides = array<i32>} : memref<640xf32, #tpu.memory_space<vmem>>, vector<16xf32>,
    %get3A_1824 = arith.constant 144 : index
    %get3A_1825 = tpu.vector_load %arg10[%get3A_1824] {strides = array<i32>} : memref<640xf32, #tpu.memory_space<vmem>>, vector<16xf32>,
    %get3A_1826 = vector.shape_cast %get3A_1825 : vector<16xf32> to vector<16xf32>
    %get3A_1827 = arith.constant 144 : index
    %get3A_1828 = tpu.vector_load %arg11[%get3A_1827] {strides = array<i32>} : memref<640xf32, #tpu.memory_space<vmem>>, vector<16xf32>,
    %get3A_1829 = vector.shape_cast %get3A_1828 : vector<16xf32> to vector<16xf32>
    %mul3A_1830 = arith.mulf %get3A_1826, %get3A_1829 : vector<16xf32>
    %swap3A_1831 = arith.constant 144 : index
    %swap3A_1832 = tpu.vector_load %arg12[%swap3A_1831] {strides = array<i32>} : memref<640xf32, #tpu.memory_space<vmem>>, vector<16xf32>,
    %swap3A_1833 = vector.shape_cast %swap3A_1832 : vector<16xf32> to vector<16xf32>
    %swap3A_1834 = vector.shape_cast %mul3A_1830 : vector<16xf32> to vector<16xf32>
    tpu.vector_store %arg12[%swap3A_1831], %swap3A_1834 {strides = array<i32>} : memref<640xf32, #tpu.memory_space<vmem>>, vector<16xf32>,
    %get3A_1835 = arith.constant 160 : index
    %get3A_1836 = tpu.vector_load %arg10[%get3A_1835] {strides = array<i32>} : memref<640xf32, #tpu.memory_space<vmem>>, vector<16xf32>,
    %get3A_1837 = vector.shape_cast %get3A_1836 : vector<16xf32> to vector<16xf32>
    %get3A_1838 = arith.constant 160 : index
    %get3A_1839 = tpu.vector_load %arg11[%get3A_1838] {strides = array<i32>} : memref<640xf32, #tpu.memory_space<vmem>>, vector<16xf32>,
    %get3A_1840 = vector.shape_cast %get3A_1839 : vector<16xf32> to vector<16xf32>
    %mul3A_1841 = arith.mulf %get3A_1837, %get3A_1840 : vector<16xf32>
    %swap3A_1842 = arith.constant 160 : index
    %swap3A_1843 = tpu.vector_load %arg12[%swap3A_1842] {strides = array<i32>} : memref<640xf32, #tpu.memory_space<vmem>>, vector<16xf32>,
    %swap3A_1844 = vector.shape_cast %swap3A_1843 : vector<16xf32> to vector<16xf32>
    %swap3A_1845 = vector.shape_cast %mul3A_1841 : vector<16xf32> to vector<16xf32>
    tpu.vector_store %arg12[%swap3A_1842], %swap3A_1845 {strides = array<i32>} : memref<640xf32, #tpu.memory_space<vmem>>, vector<16xf32>,
    %get3A_1846 = arith.constant 176 : index
    %get3A_1847 = tpu.vector_load %arg10[%get3A_1846] {strides = array<i32>} : memref<640xf32, #tpu.memory_space<vmem>>, vector<16xf32>,
    %get3A_1848 = vector.shape_cast %get3A_1847 : vector<16xf32> to vector<16xf32>
    %get3A_1849 = arith.constant 176 : index
    %get3A_1850 = tpu.vector_load %arg11[%get3A_1849] {strides = array<i32>} : memref<640xf32, #tpu.memory_space<vmem>>, vector<16xf32>,
    %get3A_1851 = vector.shape_cast %get3A_1850 : vector<16xf32> to vector<16xf32>
    %mul3A_1852 = arith.mulf %get3A_1848, %get3A_1851 : vector<16xf32>
    %swap3A_1853 = arith.constant 176 : index
    %swap3A_1854 = tpu.vector_load %arg12[%swap3A_1853] {strides = array<i32>} : memref<640xf32, #tpu.memory_space<vmem>>, vector<16xf32>,
    %swap3A_1855 = vector.shape_cast %swap3A_1854 : vector<16xf32> to vector<16xf32>
    %swap3A_1856 = vector.shape_cast %mul3A_1852 : vector<16xf32> to vector<16xf32>
    tpu.vector_store %arg12[%swap3A_1853], %swap3A_1856 {strides = array<i32>} : memref<640xf32, #tpu.memory_space<vmem>>, vector<16xf32>,
    %get3A_1857 = arith.constant 192 : index
    %get3A_1858 = tpu.vector_load %arg10[%get3A_1857] {strides = array<i32>} : memref<640xf32, #tpu.memory_space<vmem>>, vector<16xf32>,
    %get3A_1859 = vector.shape_cast %get3A_1858 : vector<16xf32> to vector<16xf32>
    %get3A_1860 = arith.constant 192 : index
    %get3A_1861 = tpu.vector_load %arg11[%get3A_1860] {strides = array<i32>} : memref<640xf32, #tpu.memory_space<vmem>>, vector<16xf32>,
    %get3A_1862 = vector.shape_cast %get3A_1861 : vector<16xf32> to vector<16xf32>
    %mul3A_1863 = arith.mulf %get3A_1859, %get3A_1862 : vector<16xf32>
    %swap3A_1864 = arith.constant 192 : index
    %swap3A_1865 = tpu.vector_load %arg12[%swap3A_1864] {strides = array<i32>} : memref<640xf32, #tpu.memory_space<vmem>>, vector<16xf32>,
    %swap3A_1866 = vector.shape_cast %swap3A_1865 : vector<16xf32> to vector<16xf32>
    %swap3A_1867 = vector.shape_cast %mul3A_1863 : vector<16xf32> to vector<16xf32>
    tpu.vector_store %arg12[%swap3A_1864], %swap3A_1867 {strides = array<i32>} : memref<640xf32, #tpu.memory_space<vmem>>, vector<16xf32>,
    %get3A_1868 = arith.constant 208 : index
    %get3A_1869 = tpu.vector_load %arg10[%get3A_1868] {strides = array<i32>} : memref<640xf32, #tpu.memory_space<vmem>>, vector<16xf32>,
    %get3A_1870 = vector.shape_cast %get3A_1869 : vector<16xf32> to vector<16xf32>
    %get3A_1871 = arith.constant 208 : index
    %get3A_1872 = tpu.vector_load %arg11[%get3A_1871] {strides = array<i32>} : memref<640xf32, #tpu.memory_space<vmem>>, vector<16xf32>,
    %get3A_1873 = vector.shape_cast %get3A_1872 : vector<16xf32> to vector<16xf32>
    %mul3A_1874 = arith.mulf %get3A_1870, %get3A_1873 : vector<16xf32>
    %swap3A_1875 = arith.constant 208 : index
    %swap3A_1876 = tpu.vector_load %arg12[%swap3A_1875] {strides = array<i32>} : memref<640xf32, #tpu.memory_space<vmem>>, vector<16xf32>,
    %swap3A_1877 = vector.shape_cast %swap3A_1876 : vector<16xf32> to vector<16xf32>
    %swap3A_1878 = vector.shape_cast %mul3A_1874 : vector<16xf32> to vector<16xf32>
    tpu.vector_store %arg12[%swap3A_1875], %swap3A_1878 {strides = array<i32>} : memref<640xf32, #tpu.memory_space<vmem>>, vector<16xf32>,
    %get3A_1879 = arith.constant 224 : index
    %get3A_1880 = tpu.vector_load %arg10[%get3A_1879] {strides = array<i32>} : memref<640xf32, #tpu.memory_space<vmem>>, vector<16xf32>,
    %get3A_1881 = vector.shape_cast %get3A_1880 : vector<16xf32> to vector<16xf32>
    %get3A_1882 = arith.constant 224 : index
    %get3A_1883 = tpu.vector_load %arg11[%get3A_1882] {strides = array<i32>} : memref<640xf32, #tpu.memory_space<vmem>>, vector<16xf32>,
    %get3A_1884 = vector.shape_cast %get3A_1883 : vector<16xf32> to vector<16xf32>
    %mul3A_1885 = arith.mulf %get3A_1881, %get3A_1884 : vector<16xf32>
    %swap3A_1886 = arith.constant 224 : index
    %swap3A_1887 = tpu.vector_load %arg12[%swap3A_1886] {strides = array<i32>} : memref<640xf32, #tpu.memory_space<vmem>>, vector<16xf32>,
    %swap3A_1888 = vector.shape_cast %swap3A_1887 : vector<16xf32> to vector<16xf32>
    %swap3A_1889 = vector.shape_cast %mul3A_1885 : vector<16xf32> to vector<16xf32>
    tpu.vector_store %arg12[%swap3A_1886], %swap3A_1889 {strides = array<i32>} : memref<640xf32, #tpu.memory_space<vmem>>, vector<16xf32>,
    %get3A_1890 = arith.constant 240 : index
    %get3A_1891 = tpu.vector_load %arg10[%get3A_1890] {strides = array<i32>} : memref<640xf32, #tpu.memory_space<vmem>>, vector<16xf32>,
    %get3A_1892 = vector.shape_cast %get3A_1891 : vector<16xf32> to vector<16xf32>
    %get3A_1893 = arith.constant 240 : index
    %get3A_1894 = tpu.vector_load %arg11[%get3A_1893] {strides = array<i32>} : memref<640xf32, #tpu.memory_space<vmem>>, vector<16xf32>,
    %get3A_1895 = vector.shape_cast %get3A_1894 : vector<16xf32> to vector<16xf32>
    %mul3A_1896 = arith.mulf %get3A_1892, %get3A_1895 : vector<16xf32>
    %swap3A_1897 = arith.constant 240 : index
    %swap3A_1898 = tpu.vector_load %arg12[%swap3A_1897] {strides = array<i32>} : memref<640xf32, #tpu.memory_space<vmem>>, vector<16xf32>,
    %swap3A_1899 = vector.shape_cast %swap3A_1898 : vector<16xf32> to vector<16xf32>
    %swap3A_1900 = vector.shape_cast %mul3A_1896 : vector<16xf32> to vector<16xf32>
    tpu.vector_store %arg12[%swap3A_1897], %swap3A_1900 {strides = array<i32>} : memref<640xf32, #tpu.memory_space<vmem>>, vector<16xf32>,
    %get3A_1901 = arith.constant 256 : index
    %get3A_1902 = tpu.vector_load %arg10[%get3A_1901] {strides = array<i32>} : memref<640xf32, #tpu.memory_space<vmem>>, vector<16xf32>,
    %get3A_1903 = vector.shape_cast %get3A_1902 : vector<16xf32> to vector<16xf32>
    %get3A_1904 = arith.constant 256 : index
    %get3A_1905 = tpu.vector_load %arg11[%get3A_1904] {strides = array<i32>} : memref<640xf32, #tpu.memory_space<vmem>>, vector<16xf32>,
    %get3A_1906 = vector.shape_cast %get3A_1905 : vector<16xf32> to vector<16xf32>
    %mul3A_1907 = arith.mulf %get3A_1903, %get3A_1906 : vector<16xf32>
    %swap3A_1908 = arith.constant 256 : index
    %swap3A_1909 = tpu.vector_load %arg12[%swap3A_1908] {strides = array<i32>} : memref<640xf32, #tpu.memory_space<vmem>>, vector<16xf32>,
    %swap3A_1910 = vector.shape_cast %swap3A_1909 : vector<16xf32> to vector<16xf32>
    %swap3A_1911 = vector.shape_cast %mul3A_1907 : vector<16xf32> to vector<16xf32>
    tpu.vector_store %arg12[%swap3A_1908], %swap3A_1911 {strides = array<i32>} : memref<640xf32, #tpu.memory_space<vmem>>, vector<16xf32>,
    %get3A_1912 = arith.constant 272 : index
    %get3A_1913 = tpu.vector_load %arg10[%get3A_1912] {strides = array<i32>} : memref<640xf32, #tpu.memory_space<vmem>>, vector<16xf32>,
    %get3A_1914 = vector.shape_cast %get3A_1913 : vector<16xf32> to vector<16xf32>
    %get3A_1915 = arith.constant 272 : index
    %get3A_1916 = tpu.vector_load %arg11[%get3A_1915] {strides = array<i32>} : memref<640xf32, #tpu.memory_space<vmem>>, vector<16xf32>,
    %get3A_1917 = vector.shape_cast %get3A_1916 : vector<16xf32> to vector<16xf32>
    %mul3A_1918 = arith.mulf %get3A_1914, %get3A_1917 : vector<16xf32>
    %swap3A_1919 = arith.constant 272 : index
    %swap3A_1920 = tpu.vector_load %arg12[%swap3A_1919] {strides = array<i32>} : memref<640xf32, #tpu.memory_space<vmem>>, vector<16xf32>,
    %swap3A_1921 = vector.shape_cast %swap3A_1920 : vector<16xf32> to vector<16xf32>
    %swap3A_1922 = vector.shape_cast %mul3A_1918 : vector<16xf32> to vector<16xf32>
    tpu.vector_store %arg12[%swap3A_1919], %swap3A_1922 {strides = array<i32>} : memref<640xf32, #tpu.memory_space<vmem>>, vector<16xf32>,
    %get3A_1923 = arith.constant 288 : index
    %get3A_1924 = tpu.vector_load %arg10[%get3A_1923] {strides = array<i32>} : memref<640xf32, #tpu.memory_space<vmem>>, vector<16xf32>,
    %get3A_1925 = vector.shape_cast %get3A_1924 : vector<16xf32> to vector<16xf32>
    %get3A_1926 = arith.constant 288 : index
    %get3A_1927 = tpu.vector_load %arg11[%get3A_1926] {strides = array<i32>} : memref<640xf32, #tpu.memory_space<vmem>>, vector<16xf32>,
    %get3A_1928 = vector.shape_cast %get3A_1927 : vector<16xf32> to vector<16xf32>
    %mul3A_1929 = arith.mulf %get3A_1925, %get3A_1928 : vector<16xf32>
    %swap3A_1930 = arith.constant 288 : index
    %swap3A_1931 = tpu.vector_load %arg12[%swap3A_1930] {strides = array<i32>} : memref<640xf32, #tpu.memory_space<vmem>>, vector<16xf32>,
    %swap3A_1932 = vector.shape_cast %swap3A_1931 : vector<16xf32> to vector<16xf32>
    %swap3A_1933 = vector.shape_cast %mul3A_1929 : vector<16xf32> to vector<16xf32>
    tpu.vector_store %arg12[%swap3A_1930], %swap3A_1933 {strides = array<i32>} : memref<640xf32, #tpu.memory_space<vmem>>, vector<16xf32>,
    %get3A_1934 = arith.constant 304 : index
    %get3A_1935 = tpu.vector_load %arg10[%get3A_1934] {strides = array<i32>} : memref<640xf32, #tpu.memory_space<vmem>>, vector<16xf32>,
    %get3A_1936 = vector.shape_cast %get3A_1935 : vector<16xf32> to vector<16xf32>
    %get3A_1937 = arith.constant 304 : index
    %get3A_1938 = tpu.vector_load %arg11[%get3A_1937] {strides = array<i32>} : memref<640xf32, #tpu.memory_space<vmem>>, vector<16xf32>,
    %get3A_1939 = vector.shape_cast %get3A_1938 : vector<16xf32> to vector<16xf32>
    %mul3A_1940 = arith.mulf %get3A_1936, %get3A_1939 : vector<16xf32>
    %swap3A_1941 = arith.constant 304 : index
    %swap3A_1942 = tpu.vector_load %arg12[%swap3A_1941] {strides = array<i32>} : memref<640xf32, #tpu.memory_space<vmem>>, vector<16xf32>,
    %swap3A_1943 = vector.shape_cast %swap3A_1942 : vector<16xf32> to vector<16xf32>
    %swap3A_1944 = vector.shape_cast %mul3A_1940 : vector<16xf32> to vector<16xf32>
    tpu.vector_store %arg12[%swap3A_1941], %swap3A_1944 {strides = array<i32>} : memref<640xf32, #tpu.memory_space<vmem>>, vector<16xf32>,
    %get3A_1945 = arith.constant 320 : index
    %get3A_1946 = tpu.vector_load %arg10[%get3A_1945] {strides = array<i32>} : memref<640xf32, #tpu.memory_space<vmem>>, vector<16xf32>,
    %get3A_1947 = vector.shape_cast %get3A_1946 : vector<16xf32> to vector<16xf32>
    %get3A_1948 = arith.constant 320 : index
    %get3A_1949 = tpu.vector_load %arg11[%get3A_1948] {strides = array<i32>} : memref<640xf32, #tpu.memory_space<vmem>>, vector<16xf32>,
    %get3A_1950 = vector.shape_cast %get3A_1949 : vector<16xf32> to vector<16xf32>
    %mul3A_1951 = arith.mulf %get3A_1947, %get3A_1950 : vector<16xf32>
    %swap3A_1952 = arith.constant 320 : index
    %swap3A_1953 = tpu.vector_load %arg12[%swap3A_1952] {strides = array<i32>} : memref<640xf32, #tpu.memory_space<vmem>>, vector<16xf32>,
    %swap3A_1954 = vector.shape_cast %swap3A_1953 : vector<16xf32> to vector<16xf32>
    %swap3A_1955 = vector.shape_cast %mul3A_1951 : vector<16xf32> to vector<16xf32>
    tpu.vector_store %arg12[%swap3A_1952], %swap3A_1955 {strides = array<i32>} : memref<640xf32, #tpu.memory_space<vmem>>, vector<16xf32>,
    %get3A_1956 = arith.constant 336 : index
    %get3A_1957 = tpu.vector_load %arg10[%get3A_1956] {strides = array<i32>} : memref<640xf32, #tpu.memory_space<vmem>>, vector<16xf32>,
    %get3A_1958 = vector.shape_cast %get3A_1957 : vector<16xf32> to vector<16xf32>
    %get3A_1959 = arith.constant 336 : index
    %get3A_1960 = tpu.vector_load %arg11[%get3A_1959] {strides = array<i32>} : memref<640xf32, #tpu.memory_space<vmem>>, vector<16xf32>,
    %get3A_1961 = vector.shape_cast %get3A_1960 : vector<16xf32> to vector<16xf32>
    %mul3A_1962 = arith.mulf %get3A_1958, %get3A_1961 : vector<16xf32>
    %swap3A_1963 = arith.constant 336 : index
    %swap3A_1964 = tpu.vector_load %arg12[%swap3A_1963] {strides = array<i32>} : memref<640xf32, #tpu.memory_space<vmem>>, vector<16xf32>,
    %swap3A_1965 = vector.shape_cast %swap3A_1964 : vector<16xf32> to vector<16xf32>
    %swap3A_1966 = vector.shape_cast %mul3A_1962 : vector<16xf32> to vector<16xf32>
    tpu.vector_store %arg12[%swap3A_1963], %swap3A_1966 {strides = array<i32>} : memref<640xf32, #tpu.memory_space<vmem>>, vector<16xf32>,
    %get3A_1967 = arith.constant 352 : index
    %get3A_1968 = tpu.vector_load %arg10[%get3A_1967] {strides = array<i32>} : memref<640xf32, #tpu.memory_space<vmem>>, vector<16xf32>,
    %get3A_1969 = vector.shape_cast %get3A_1968 : vector<16xf32> to vector<16xf32>
    %get3A_1970 = arith.constant 352 : index
    %get3A_1971 = tpu.vector_load %arg11[%get3A_1970] {strides = array<i32>} : memref<640xf32, #tpu.memory_space<vmem>>, vector<16xf32>,
    %get3A_1972 = vector.shape_cast %get3A_1971 : vector<16xf32> to vector<16xf32>
    %mul3A_1973 = arith.mulf %get3A_1969, %get3A_1972 : vector<16xf32>
    %swap3A_1974 = arith.constant 352 : index
    %swap3A_1975 = tpu.vector_load %arg12[%swap3A_1974] {strides = array<i32>} : memref<640xf32, #tpu.memory_space<vmem>>, vector<16xf32>,
    %swap3A_1976 = vector.shape_cast %swap3A_1975 : vector<16xf32> to vector<16xf32>
    %swap3A_1977 = vector.shape_cast %mul3A_1973 : vector<16xf32> to vector<16xf32>
    tpu.vector_store %arg12[%swap3A_1974], %swap3A_1977 {strides = array<i32>} : memref<640xf32, #tpu.memory_space<vmem>>, vector<16xf32>,
    %get3A_1978 = arith.constant 368 : index
    %get3A_1979 = tpu.vector_load %arg10[%get3A_1978] {strides = array<i32>} : memref<640xf32, #tpu.memory_space<vmem>>, vector<16xf32>,
    %get3A_1980 = vector.shape_cast %get3A_1979 : vector<16xf32> to vector<16xf32>
    %get3A_1981 = arith.constant 368 : index
    %get3A_1982 = tpu.vector_load %arg11[%get3A_1981] {strides = array<i32>} : memref<640xf32, #tpu.memory_space<vmem>>, vector<16xf32>,
    %get3A_1983 = vector.shape_cast %get3A_1982 : vector<16xf32> to vector<16xf32>
    %mul3A_1984 = arith.mulf %get3A_1980, %get3A_1983 : vector<16xf32>
    %swap3A_1985 = arith.constant 368 : index
    %swap3A_1986 = tpu.vector_load %arg12[%swap3A_1985] {strides = array<i32>} : memref<640xf32, #tpu.memory_space<vmem>>, vector<16xf32>,
    %swap3A_1987 = vector.shape_cast %swap3A_1986 : vector<16xf32> to vector<16xf32>
    %swap3A_1988 = vector.shape_cast %mul3A_1984 : vector<16xf32> to vector<16xf32>
    tpu.vector_store %arg12[%swap3A_1985], %swap3A_1988 {strides = array<i32>} : memref<640xf32, #tpu.memory_space<vmem>>, vector<16xf32>,
    %get3A_1989 = arith.constant 384 : index
    %get3A_1990 = tpu.vector_load %arg10[%get3A_1989] {strides = array<i32>} : memref<640xf32, #tpu.memory_space<vmem>>, vector<16xf32>,
    %get3A_1991 = vector.shape_cast %get3A_1990 : vector<16xf32> to vector<16xf32>
    %get3A_1992 = arith.constant 384 : index
    %get3A_1993 = tpu.vector_load %arg11[%get3A_1992] {strides = array<i32>} : memref<640xf32, #tpu.memory_space<vmem>>, vector<16xf32>,
    %get3A_1994 = vector.shape_cast %get3A_1993 : vector<16xf32> to vector<16xf32>
    %mul3A_1995 = arith.mulf %get3A_1991, %get3A_1994 : vector<16xf32>
    %swap3A_1996 = arith.constant 384 : index
    %swap3A_1997 = tpu.vector_load %arg12[%swap3A_1996] {strides = array<i32>} : memref<640xf32, #tpu.memory_space<vmem>>, vector<16xf32>,
    %swap3A_1998 = vector.shape_cast %swap3A_1997 : vector<16xf32> to vector<16xf32>
    %swap3A_1999 = vector.shape_cast %mul3A_1995 : vector<16xf32> to vector<16xf32>
    tpu.vector_store %arg12[%swap3A_1996], %swap3A_1999 {strides = array<i32>} : memref<640xf32, #tpu.memory_space<vmem>>, vector<16xf32>,
    %get3A_2000 = arith.constant 400 : index
    %get3A_2001 = tpu.vector_load %arg10[%get3A_2000] {strides = array<i32>} : memref<640xf32, #tpu.memory_space<vmem>>, vector<16xf32>,
    %get3A_2002 = vector.shape_cast %get3A_2001 : vector<16xf32> to vector<16xf32>
    %get3A_2003 = arith.constant 400 : index
    %get3A_2004 = tpu.vector_load %arg11[%get3A_2003] {strides = array<i32>} : memref<640xf32, #tpu.memory_space<vmem>>, vector<16xf32>,
    %get3A_2005 = vector.shape_cast %get3A_2004 : vector<16xf32> to vector<16xf32>
    %mul3A_2006 = arith.mulf %get3A_2002, %get3A_2005 : vector<16xf32>
    %swap3A_2007 = arith.constant 400 : index
    %swap3A_2008 = tpu.vector_load %arg12[%swap3A_2007] {strides = array<i32>} : memref<640xf32, #tpu.memory_space<vmem>>, vector<16xf32>,
    %swap3A_2009 = vector.shape_cast %swap3A_2008 : vector<16xf32> to vector<16xf32>
    %swap3A_2010 = vector.shape_cast %mul3A_2006 : vector<16xf32> to vector<16xf32>
    tpu.vector_store %arg12[%swap3A_2007], %swap3A_2010 {strides = array<i32>} : memref<640xf32, #tpu.memory_space<vmem>>, vector<16xf32>,
    %get3A_2011 = arith.constant 416 : index
    %get3A_2012 = tpu.vector_load %arg10[%get3A_2011] {strides = array<i32>} : memref<640xf32, #tpu.memory_space<vmem>>, vector<16xf32>,
    %get3A_2013 = vector.shape_cast %get3A_2012 : vector<16xf32> to vector<16xf32>
    %get3A_2014 = arith.constant 416 : index
    %get3A_2015 = tpu.vector_load %arg11[%get3A_2014] {strides = array<i32>} : memref<640xf32, #tpu.memory_space<vmem>>, vector<16xf32>,
    %get3A_2016 = vector.shape_cast %get3A_2015 : vector<16xf32> to vector<16xf32>
    %mul3A_2017 = arith.mulf %get3A_2013, %get3A_2016 : vector<16xf32>
    %swap3A_2018 = arith.constant 416 : index
    %swap3A_2019 = tpu.vector_load %arg12[%swap3A_2018] {strides = array<i32>} : memref<640xf32, #tpu.memory_space<vmem>>, vector<16xf32>,
    %swap3A_2020 = vector.shape_cast %swap3A_2019 : vector<16xf32> to vector<16xf32>
    %swap3A_2021 = vector.shape_cast %mul3A_2017 : vector<16xf32> to vector<16xf32>
    tpu.vector_store %arg12[%swap3A_2018], %swap3A_2021 {strides = array<i32>} : memref<640xf32, #tpu.memory_space<vmem>>, vector<16xf32>,
    %get3A_2022 = arith.constant 432 : index
    %get3A_2023 = tpu.vector_load %arg10[%get3A_2022] {strides = array<i32>} : memref<640xf32, #tpu.memory_space<vmem>>, vector<16xf32>,
    %get3A_2024 = vector.shape_cast %get3A_2023 : vector<16xf32> to vector<16xf32>
    %get3A_2025 = arith.constant 432 : index
    %get3A_2026 = tpu.vector_load %arg11[%get3A_2025] {strides = array<i32>} : memref<640xf32, #tpu.memory_space<vmem>>, vector<16xf32>,
    %get3A_2027 = vector.shape_cast %get3A_2026 : vector<16xf32> to vector<16xf32>
    %mul3A_2028 = arith.mulf %get3A_2024, %get3A_2027 : vector<16xf32>
    %swap3A_2029 = arith.constant 432 : index
    %swap3A_2030 = tpu.vector_load %arg12[%swap3A_2029] {strides = array<i32>} : memref<640xf32, #tpu.memory_space<vmem>>, vector<16xf32>,
    %swap3A_2031 = vector.shape_cast %swap3A_2030 : vector<16xf32> to vector<16xf32>
    %swap3A_2032 = vector.shape_cast %mul3A_2028 : vector<16xf32> to vector<16xf32>
    tpu.vector_store %arg12[%swap3A_2029], %swap3A_2032 {strides = array<i32>} : memref<640xf32, #tpu.memory_space<vmem>>, vector<16xf32>,
    %get3A_2033 = arith.constant 448 : index
    %get3A_2034 = tpu.vector_load %arg10[%get3A_2033] {strides = array<i32>} : memref<640xf32, #tpu.memory_space<vmem>>, vector<16xf32>,
    %get3A_2035 = vector.shape_cast %get3A_2034 : vector<16xf32> to vector<16xf32>
    %get3A_2036 = arith.constant 448 : index
    %get3A_2037 = tpu.vector_load %arg11[%get3A_2036] {strides = array<i32>} : memref<640xf32, #tpu.memory_space<vmem>>, vector<16xf32>,
    %get3A_2038 = vector.shape_cast %get3A_2037 : vector<16xf32> to vector<16xf32>
    %mul3A_2039 = arith.mulf %get3A_2035, %get3A_2038 : vector<16xf32>
    %swap3A_2040 = arith.constant 448 : index
    %swap3A_2041 = tpu.vector_load %arg12[%swap3A_2040] {strides = array<i32>} : memref<640xf32, #tpu.memory_space<vmem>>, vector<16xf32>,
    %swap3A_2042 = vector.shape_cast %swap3A_2041 : vector<16xf32> to vector<16xf32>
    %swap3A_2043 = vector.shape_cast %mul3A_2039 : vector<16xf32> to vector<16xf32>
    tpu.vector_store %arg12[%swap3A_2040], %swap3A_2043 {strides = array<i32>} : memref<640xf32, #tpu.memory_space<vmem>>, vector<16xf32>,
    %get3A_2044 = arith.constant 464 : index
    %get3A_2045 = tpu.vector_load %arg10[%get3A_2044] {strides = array<i32>} : memref<640xf32, #tpu.memory_space<vmem>>, vector<16xf32>,
    %get3A_2046 = vector.shape_cast %get3A_2045 : vector<16xf32> to vector<16xf32>
    %get3A_2047 = arith.constant 464 : index
    %get3A_2048 = tpu.vector_load %arg11[%get3A_2047] {strides = array<i32>} : memref<640xf32, #tpu.memory_space<vmem>>, vector<16xf32>,
    %get3A_2049 = vector.shape_cast %get3A_2048 : vector<16xf32> to vector<16xf32>
    %mul3A_2050 = arith.mulf %get3A_2046, %get3A_2049 : vector<16xf32>
    %swap3A_2051 = arith.constant 464 : index
    %swap3A_2052 = tpu.vector_load %arg12[%swap3A_2051] {strides = array<i32>} : memref<640xf32, #tpu.memory_space<vmem>>, vector<16xf32>,
    %swap3A_2053 = vector.shape_cast %swap3A_2052 : vector<16xf32> to vector<16xf32>
    %swap3A_2054 = vector.shape_cast %mul3A_2050 : vector<16xf32> to vector<16xf32>
    tpu.vector_store %arg12[%swap3A_2051], %swap3A_2054 {strides = array<i32>} : memref<640xf32, #tpu.memory_space<vmem>>, vector<16xf32>,
    %get3A_2055 = arith.constant 480 : index
    %get3A_2056 = tpu.vector_load %arg10[%get3A_2055] {strides = array<i32>} : memref<640xf32, #tpu.memory_space<vmem>>, vector<16xf32>,
    %get3A_2057 = vector.shape_cast %get3A_2056 : vector<16xf32> to vector<16xf32>
    %get3A_2058 = arith.constant 480 : index
    %get3A_2059 = tpu.vector_load %arg11[%get3A_2058] {strides = array<i32>} : memref<640xf32, #tpu.memory_space<vmem>>, vector<16xf32>,
    %get3A_2060 = vector.shape_cast %get3A_2059 : vector<16xf32> to vector<16xf32>
    %mul3A_2061 = arith.mulf %get3A_2057, %get3A_2060 : vector<16xf32>
    %swap3A_2062 = arith.constant 480 : index
    %swap3A_2063 = tpu.vector_load %arg12[%swap3A_2062] {strides = array<i32>} : memref<640xf32, #tpu.memory_space<vmem>>, vector<16xf32>,
    %swap3A_2064 = vector.shape_cast %swap3A_2063 : vector<16xf32> to vector<16xf32>
    %swap3A_2065 = vector.shape_cast %mul3A_2061 : vector<16xf32> to vector<16xf32>
    tpu.vector_store %arg12[%swap3A_2062], %swap3A_2065 {strides = array<i32>} : memref<640xf32, #tpu.memory_space<vmem>>, vector<16xf32>,
    %get3A_2066 = arith.constant 496 : index
    %get3A_2067 = tpu.vector_load %arg10[%get3A_2066] {strides = array<i32>} : memref<640xf32, #tpu.memory_space<vmem>>, vector<16xf32>,
    %get3A_2068 = vector.shape_cast %get3A_2067 : vector<16xf32> to vector<16xf32>
    %get3A_2069 = arith.constant 496 : index
    %get3A_2070 = tpu.vector_load %arg11[%get3A_2069] {strides = array<i32>} : memref<640xf32, #tpu.memory_space<vmem>>, vector<16xf32>,
    %get3A_2071 = vector.shape_cast %get3A_2070 : vector<16xf32> to vector<16xf32>
    %mul3A_2072 = arith.mulf %get3A_2068, %get3A_2071 : vector<16xf32>
    %swap3A_2073 = arith.constant 496 : index
    %swap3A_2074 = tpu.vector_load %arg12[%swap3A_2073] {strides = array<i32>} : memref<640xf32, #tpu.memory_space<vmem>>, vector<16xf32>,
    %swap3A_2075 = vector.shape_cast %swap3A_2074 : vector<16xf32> to vector<16xf32>
    %swap3A_2076 = vector.shape_cast %mul3A_2072 : vector<16xf32> to vector<16xf32>
    tpu.vector_store %arg12[%swap3A_2073], %swap3A_2076 {strides = array<i32>} : memref<640xf32, #tpu.memory_space<vmem>>, vector<16xf32>,
    %get3A_2077 = arith.constant 512 : index
    %get3A_2078 = tpu.vector_load %arg10[%get3A_2077] {strides = array<i32>} : memref<640xf32, #tpu.memory_space<vmem>>, vector<16xf32>,
    %get3A_2079 = vector.shape_cast %get3A_2078 : vector<16xf32> to vector<16xf32>
    %get3A_2080 = arith.constant 512 : index
    %get3A_2081 = tpu.vector_load %arg11[%get3A_2080] {strides = array<i32>} : memref<640xf32, #tpu.memory_space<vmem>>, vector<16xf32>,
    %get3A_2082 = vector.shape_cast %get3A_2081 : vector<16xf32> to vector<16xf32>
    %mul3A_2083 = arith.mulf %get3A_2079, %get3A_2082 : vector<16xf32>
    %swap3A_2084 = arith.constant 512 : index
    %swap3A_2085 = tpu.vector_load %arg12[%swap3A_2084] {strides = array<i32>} : memref<640xf32, #tpu.memory_space<vmem>>, vector<16xf32>,
    %swap3A_2086 = vector.shape_cast %swap3A_2085 : vector<16xf32> to vector<16xf32>
    %swap3A_2087 = vector.shape_cast %mul3A_2083 : vector<16xf32> to vector<16xf32>
    tpu.vector_store %arg12[%swap3A_2084], %swap3A_2087 {strides = array<i32>} : memref<640xf32, #tpu.memory_space<vmem>>, vector<16xf32>,
    %get3A_2088 = arith.constant 528 : index
    %get3A_2089 = tpu.vector_load %arg10[%get3A_2088] {strides = array<i32>} : memref<640xf32, #tpu.memory_space<vmem>>, vector<16xf32>,
    %get3A_2090 = vector.shape_cast %get3A_2089 : vector<16xf32> to vector<16xf32>
    %get3A_2091 = arith.constant 528 : index
    %get3A_2092 = tpu.vector_load %arg11[%get3A_2091] {strides = array<i32>} : memref<640xf32, #tpu.memory_space<vmem>>, vector<16xf32>,
    %get3A_2093 = vector.shape_cast %get3A_2092 : vector<16xf32> to vector<16xf32>
    %mul3A_2094 = arith.mulf %get3A_2090, %get3A_2093 : vector<16xf32>
    %swap3A_2095 = arith.constant 528 : index
    %swap3A_2096 = tpu.vector_load %arg12[%swap3A_2095] {strides = array<i32>} : memref<640xf32, #tpu.memory_space<vmem>>, vector<16xf32>,
    %swap3A_2097 = vector.shape_cast %swap3A_2096 : vector<16xf32> to vector<16xf32>
    %swap3A_2098 = vector.shape_cast %mul3A_2094 : vector<16xf32> to vector<16xf32>
    tpu.vector_store %arg12[%swap3A_2095], %swap3A_2098 {strides = array<i32>} : memref<640xf32, #tpu.memory_space<vmem>>, vector<16xf32>,
    %get3A_2099 = arith.constant 544 : index
    %get3A_2100 = tpu.vector_load %arg10[%get3A_2099] {strides = array<i32>} : memref<640xf32, #tpu.memory_space<vmem>>, vector<16xf32>,
    %get3A_2101 = vector.shape_cast %get3A_2100 : vector<16xf32> to vector<16xf32>
    %get3A_2102 = arith.constant 544 : index
    %get3A_2103 = tpu.vector_load %arg11[%get3A_2102] {strides = array<i32>} : memref<640xf32, #tpu.memory_space<vmem>>, vector<16xf32>,
    %get3A_2104 = vector.shape_cast %get3A_2103 : vector<16xf32> to vector<16xf32>
    %mul3A_2105 = arith.mulf %get3A_2101, %get3A_2104 : vector<16xf32>
    %swap3A_2106 = arith.constant 544 : index
    %swap3A_2107 = tpu.vector_load %arg12[%swap3A_2106] {strides = array<i32>} : memref<640xf32, #tpu.memory_space<vmem>>, vector<16xf32>,
    %swap3A_2108 = vector.shape_cast %swap3A_2107 : vector<16xf32> to vector<16xf32>
    %swap3A_2109 = vector.shape_cast %mul3A_2105 : vector<16xf32> to vector<16xf32>
    tpu.vector_store %arg12[%swap3A_2106], %swap3A_2109 {strides = array<i32>} : memref<640xf32, #tpu.memory_space<vmem>>, vector<16xf32>,
    %get3A_2110 = arith.constant 560 : index
    %get3A_2111 = tpu.vector_load %arg10[%get3A_2110] {strides = array<i32>} : memref<640xf32, #tpu.memory_space<vmem>>, vector<16xf32>,
    %get3A_2112 = vector.shape_cast %get3A_2111 : vector<16xf32> to vector<16xf32>
    %get3A_2113 = arith.constant 560 : index
    %get3A_2114 = tpu.vector_load %arg11[%get3A_2113] {strides = array<i32>} : memref<640xf32, #tpu.memory_space<vmem>>, vector<16xf32>,
    %get3A_2115 = vector.shape_cast %get3A_2114 : vector<16xf32> to vector<16xf32>
    %mul3A_2116 = arith.mulf %get3A_2112, %get3A_2115 : vector<16xf32>
    %swap3A_2117 = arith.constant 560 : index
    %swap3A_2118 = tpu.vector_load %arg12[%swap3A_2117] {strides = array<i32>} : memref<640xf32, #tpu.memory_space<vmem>>, vector<16xf32>,
    %swap3A_2119 = vector.shape_cast %swap3A_2118 : vector<16xf32> to vector<16xf32>
    %swap3A_2120 = vector.shape_cast %mul3A_2116 : vector<16xf32> to vector<16xf32>
    tpu.vector_store %arg12[%swap3A_2117], %swap3A_2120 {strides = array<i32>} : memref<640xf32, #tpu.memory_space<vmem>>, vector<16xf32>,
    %get3A_2121 = arith.constant 576 : index
    %get3A_2122 = tpu.vector_load %arg10[%get3A_2121] {strides = array<i32>} : memref<640xf32, #tpu.memory_space<vmem>>, vector<16xf32>,
    %get3A_2123 = vector.shape_cast %get3A_2122 : vector<16xf32> to vector<16xf32>
    %get3A_2124 = arith.constant 576 : index
    %get3A_2125 = tpu.vector_load %arg11[%get3A_2124] {strides = array<i32>} : memref<640xf32, #tpu.memory_space<vmem>>, vector<16xf32>,
    %get3A_2126 = vector.shape_cast %get3A_2125 : vector<16xf32> to vector<16xf32>
    %mul3A_2127 = arith.mulf %get3A_2123, %get3A_2126 : vector<16xf32>
    %swap3A_2128 = arith.constant 576 : index
    %swap3A_2129 = tpu.vector_load %arg12[%swap3A_2128] {strides = array<i32>} : memref<640xf32, #tpu.memory_space<vmem>>, vector<16xf32>,
    %swap3A_2130 = vector.shape_cast %swap3A_2129 : vector<16xf32> to vector<16xf32>
    %swap3A_2131 = vector.shape_cast %mul3A_2127 : vector<16xf32> to vector<16xf32>
    tpu.vector_store %arg12[%swap3A_2128], %swap3A_2131 {strides = array<i32>} : memref<640xf32, #tpu.memory_space<vmem>>, vector<16xf32>,
    %get3A_2132 = arith.constant 592 : index
    %get3A_2133 = tpu.vector_load %arg10[%get3A_2132] {strides = array<i32>} : memref<640xf32, #tpu.memory_space<vmem>>, vector<16xf32>,
    %get3A_2134 = vector.shape_cast %get3A_2133 : vector<16xf32> to vector<16xf32>
    %get3A_2135 = arith.constant 592 : index
    %get3A_2136 = tpu.vector_load %arg11[%get3A_2135] {strides = array<i32>} : memref<640xf32, #tpu.memory_space<vmem>>, vector<16xf32>,
    %get3A_2137 = vector.shape_cast %get3A_2136 : vector<16xf32> to vector<16xf32>
    %mul3A_2138 = arith.mulf %get3A_2134, %get3A_2137 : vector<16xf32>
    %swap3A_2139 = arith.constant 592 : index
    %swap3A_2140 = tpu.vector_load %arg12[%swap3A_2139] {strides = array<i32>} : memref<640xf32, #tpu.memory_space<vmem>>, vector<16xf32>,
    %swap3A_2141 = vector.shape_cast %swap3A_2140 : vector<16xf32> to vector<16xf32>
    %swap3A_2142 = vector.shape_cast %mul3A_2138 : vector<16xf32> to vector<16xf32>
    tpu.vector_store %arg12[%swap3A_2139], %swap3A_2142 {strides = array<i32>} : memref<640xf32, #tpu.memory_space<vmem>>, vector<16xf32>,
    %get3A_2143 = arith.constant 608 : index
    %get3A_2144 = tpu.vector_load %arg10[%get3A_2143] {strides = array<i32>} : memref<640xf32, #tpu.memory_space<vmem>>, vector<16xf32>,
    %get3A_2145 = vector.shape_cast %get3A_2144 : vector<16xf32> to vector<16xf32>
    %get3A_2146 = arith.constant 608 : index
    %get3A_2147 = tpu.vector_load %arg11[%get3A_2146] {strides = array<i32>} : memref<640xf32, #tpu.memory_space<vmem>>, vector<16xf32>,
    %get3A_2148 = vector.shape_cast %get3A_2147 : vector<16xf32> to vector<16xf32>
    %mul3A_2149 = arith.mulf %get3A_2145, %get3A_2148 : vector<16xf32>
    %swap3A_2150 = arith.constant 608 : index
    %swap3A_2151 = tpu.vector_load %arg12[%swap3A_2150] {strides = array<i32>} : memref<640xf32, #tpu.memory_space<vmem>>, vector<16xf32>,
    %swap3A_2152 = vector.shape_cast %swap3A_2151 : vector<16xf32> to vector<16xf32>
    %swap3A_2153 = vector.shape_cast %mul3A_2149 : vector<16xf32> to vector<16xf32>
    tpu.vector_store %arg12[%swap3A_2150], %swap3A_2153 {strides = array<i32>} : memref<640xf32, #tpu.memory_space<vmem>>, vector<16xf32>,
    %get3A_2154 = arith.constant 624 : index
    %get3A_2155 = tpu.vector_load %arg10[%get3A_2154] {strides = array<i32>} : memref<640xf32, #tpu.memory_space<vmem>>, vector<16xf32>,
    %get3A_2156 = vector.shape_cast %get3A_2155 : vector<16xf32> to vector<16xf32>
    %get3A_2157 = arith.constant 624 : index
    %get3A_2158 = tpu.vector_load %arg11[%get3A_2157] {strides = array<i32>} : memref<640xf32, #tpu.memory_space<vmem>>, vector<16xf32>,
    %get3A_2159 = vector.shape_cast %get3A_2158 : vector<16xf32> to vector<16xf32>
    %mul3A_2160 = arith.mulf %get3A_2156, %get3A_2159 : vector<16xf32>
    %swap3A_2161 = arith.constant 624 : index
    %swap3A_2162 = tpu.vector_load %arg12[%swap3A_2161] {strides = array<i32>} : memref<640xf32, #tpu.memory_space<vmem>>, vector<16xf32>,
    %swap3A_2163 = vector.shape_cast %swap3A_2162 : vector<16xf32> to vector<16xf32>
    %swap3A_2164 = vector.shape_cast %mul3A_2160 : vector<16xf32> to vector<16xf32>
    tpu.vector_store %arg12[%swap3A_2161], %swap3A_2164 {strides = array<i32>} : memref<640xf32, #tpu.memory_space<vmem>>, vector<16xf32>,
    "tpu.region"() ({
      %run_scoped3A_2659 = tpu.sem_alloc : memref<!tpu.dma_semaphore, #tpu.memory_space<semaphore_mem>>
      %dma_start3A = tpu.memref_slice %arg13[%mul3A_0] : memref<10240xf32, #tpu.memory_space<vmem_shared>> -> memref<640xf32, #tpu.memory_space<vmem_shared>>
      %dma_start3A_2660 = tpu.memref_slice %arg13[%mul3A_0] : memref<10240xf32, #tpu.memory_space<vmem_shared>> -> memref<640xf32, #tpu.memory_space<vmem_shared>>
      tpu.enqueue_dma source(%arg12 : memref<640xf32, #tpu.memory_space<vmem>>) target(%dma_start3A_2660 : memref<640xf32, #tpu.memory_space<vmem_shared>>) target_semaphore(%run_scoped3A_2659 : memref<!tpu.dma_semaphore, #tpu.memory_space<semaphore_mem>>)
      %dma_wait3A = tpu.memref_slice %arg13[%mul3A_0] : memref<10240xf32, #tpu.memory_space<vmem_shared>> -> memref<640xf32, #tpu.memory_space<vmem_shared>>
      %dma_wait3A_2661 = tpu.memref_slice %arg13[%mul3A_0] : memref<10240xf32, #tpu.memory_space<vmem_shared>> -> memref<640xf32, #tpu.memory_space<vmem_shared>>
      tpu.wait_dma2 semaphore(%run_scoped3A_2659 : memref<!tpu.dma_semaphore, #tpu.memory_space<semaphore_mem>>) src(%arg12 : memref<640xf32, #tpu.memory_space<vmem>>) dst(%dma_wait3A_2661 : memref<640xf32, #tpu.memory_space<vmem_shared>>)
      tpu.yield
    }) : () -> ()
    "tpu.region"() ({
      %run_scoped3A_2659 = tpu.sem_alloc : memref<!tpu.dma_semaphore, #tpu.memory_space<semaphore_mem>>
      %dma_start3A = tpu.memref_slice %arg14[%mul3A_0] : memref<10240xf32, #tpu.memory_space<vmem_shared>> -> memref<640xf32, #tpu.memory_space<vmem_shared>>
      %dma_start3A_2660 = tpu.memref_slice %arg14[%mul3A_0] : memref<10240xf32, #tpu.memory_space<vmem_shared>> -> memref<640xf32, #tpu.memory_space<vmem_shared>>
      tpu.enqueue_dma source(%arg9 : memref<640xf32, #tpu.memory_space<vmem>>) target(%dma_start3A_2660 : memref<640xf32, #tpu.memory_space<vmem_shared>>) target_semaphore(%run_scoped3A_2659 : memref<!tpu.dma_semaphore, #tpu.memory_space<semaphore_mem>>)
      %dma_wait3A = tpu.memref_slice %arg14[%mul3A_0] : memref<10240xf32, #tpu.memory_space<vmem_shared>> -> memref<640xf32, #tpu.memory_space<vmem_shared>>
      %dma_wait3A_2661 = tpu.memref_slice %arg14[%mul3A_0] : memref<10240xf32, #tpu.memory_space<vmem_shared>> -> memref<640xf32, #tpu.memory_space<vmem_shared>>
      tpu.wait_dma2 semaphore(%run_scoped3A_2659 : memref<!tpu.dma_semaphore, #tpu.memory_space<semaphore_mem>>) src(%arg9 : memref<640xf32, #tpu.memory_space<vmem>>) dst(%dma_wait3A_2661 : memref<640xf32, #tpu.memory_space<vmem_shared>>)
      tpu.yield
    }) : () -> ()
    %barrier3A_2165 = arith.constant 0 : index
    tpu.barrier barrier_id(%barrier3A_2165)
    %scan3A_2166 = arith.constant 0 : i32
    %scan3A_2167 = arith.constant 0 : i32
    %scan3A_2168 = arith.constant 157 : i32
    %scan3A_2169 = arith.addi %scan3A_2167, %scan3A_2168 : i32
    %scan3A_2170 = arith.constant 1 : i32
    scf.for %scan3A_2659 = %scan3A_2167 to %scan3A_2169 step %scan3A_2170  : i32 {
      %dma_start3A = arith.constant 0 : i32
      %dma_start3A_2660 = tpu.memref_slice %arg7[%scan3A_2659, %dma_start3A] : memref<157x128xf32, #tpu.memory_space<vmem>> -> memref<1x128xf32, #tpu.memory_space<vmem>>
      %dma_start3A_2661 = tpu.memref_squeeze %dma_start3A_2660 : memref<1x128xf32, #tpu.memory_space<vmem>> -> memref<128xf32, #tpu.memory_space<vmem>>
      %dma_start3A_2662 = arith.constant 0 : i32
      %dma_start3A_2663 = tpu.memref_slice %arg6[%scan3A_2659, %dma_start3A_2662] : memref<157x128xi32, #tpu.memory_space<vmem>> -> memref<1x128xi32, #tpu.memory_space<vmem>>
      %dma_start3A_2664 = tpu.memref_squeeze %dma_start3A_2663 : memref<1x128xi32, #tpu.memory_space<vmem>> -> memref<128xi32, #tpu.memory_space<vmem>>
      %dma_start3A_2665 = arith.constant 0 : i32
      %dma_start3A_2666 = tpu.memref_slice %arg13[%dma_start3A_2665] : memref<10240xf32, #tpu.memory_space<vmem_shared>> -> memref<10240xf32, #tpu.memory_space<vmem_shared>>
      tpu.enqueue_indirect_dma source(%dma_start3A_2666 : memref<10240xf32, #tpu.memory_space<vmem_shared>>) target(%dma_start3A_2661 : memref<128xf32, #tpu.memory_space<vmem>>) offsets(%dma_start3A_2664 : memref<128xi32, #tpu.memory_space<vmem>>) semaphore(%arg15 : memref<!tpu.dma_semaphore, #tpu.memory_space<semaphore_mem>>)
    }
    %scan3A_2171 = arith.constant 157 : i32
    %scan3A_2172 = arith.constant 0 : i32
    %scan3A_2173 = arith.constant 0 : i32
    %scan3A_2174 = arith.constant 157 : i32
    %scan3A_2175 = arith.addi %scan3A_2173, %scan3A_2174 : i32
    %scan3A_2176 = arith.constant 1 : i32
    scf.for %scan3A_2659 = %scan3A_2173 to %scan3A_2175 step %scan3A_2176  : i32 {
      %dma_wait3A = arith.constant 0 : i32
      %dma_wait3A_2660 = tpu.memref_slice %arg7[%scan3A_2659, %dma_wait3A] : memref<157x128xf32, #tpu.memory_space<vmem>> -> memref<1x128xf32, #tpu.memory_space<vmem>>
      %dma_wait3A_2661 = tpu.memref_squeeze %dma_wait3A_2660 : memref<1x128xf32, #tpu.memory_space<vmem>> -> memref<128xf32, #tpu.memory_space<vmem>>
      %dma_wait3A_2662 = arith.constant 0 : i32
      %dma_wait3A_2663 = tpu.memref_slice %arg6[%scan3A_2659, %dma_wait3A_2662] : memref<157x128xi32, #tpu.memory_space<vmem>> -> memref<1x128xi32, #tpu.memory_space<vmem>>
      %dma_wait3A_2664 = tpu.memref_squeeze %dma_wait3A_2663 : memref<1x128xi32, #tpu.memory_space<vmem>> -> memref<128xi32, #tpu.memory_space<vmem>>
      %dma_wait3A_2665 = arith.constant 0 : i32
      %dma_wait3A_2666 = tpu.memref_slice %arg13[%dma_wait3A_2665] : memref<10240xf32, #tpu.memory_space<vmem_shared>> -> memref<10240xf32, #tpu.memory_space<vmem_shared>>
      tpu.wait_indirect_dma semaphore(%arg15 : memref<!tpu.dma_semaphore, #tpu.memory_space<semaphore_mem>>) src(%dma_wait3A_2666 : memref<10240xf32, #tpu.memory_space<vmem_shared>>) dst(%dma_wait3A_2661 : memref<128xf32, #tpu.memory_space<vmem>>)
    }
    %scan3A_2177 = arith.constant 157 : i32
    %scan3A_2178 = arith.constant 0 : i32
    %scan3A_2179 = arith.constant 0 : i32
    %scan3A_2180 = arith.constant 157 : i32
    %scan3A_2181 = arith.addi %scan3A_2179, %scan3A_2180 : i32
    %scan3A_2182 = arith.constant 1 : i32
    scf.for %scan3A_2659 = %scan3A_2179 to %scan3A_2181 step %scan3A_2182  : i32 {
      %dma_start3A = arith.constant 0 : i32
      %dma_start3A_2660 = tpu.memref_slice %arg7[%scan3A_2659, %dma_start3A] : memref<157x128xf32, #tpu.memory_space<vmem>> -> memref<1x128xf32, #tpu.memory_space<vmem>>
      %dma_start3A_2661 = tpu.memref_squeeze %dma_start3A_2660 : memref<1x128xf32, #tpu.memory_space<vmem>> -> memref<128xf32, #tpu.memory_space<vmem>>
      %dma_start3A_2662 = arith.constant 0 : i32
      %dma_start3A_2663 = tpu.memref_slice %arg5[%scan3A_2659, %dma_start3A_2662] : memref<157x128xi32, #tpu.memory_space<vmem>> -> memref<1x128xi32, #tpu.memory_space<vmem>>
      %dma_start3A_2664 = tpu.memref_squeeze %dma_start3A_2663 : memref<1x128xi32, #tpu.memory_space<vmem>> -> memref<128xi32, #tpu.memory_space<vmem>>
      %dma_start3A_2665 = arith.constant 0 : i32
      %dma_start3A_2666 = tpu.memref_slice %arg14[%dma_start3A_2665] : memref<10240xf32, #tpu.memory_space<vmem_shared>> -> memref<10240xf32, #tpu.memory_space<vmem_shared>>
      tpu.enqueue_indirect_dma source(%dma_start3A_2661 : memref<128xf32, #tpu.memory_space<vmem>>) target(%dma_start3A_2666 : memref<10240xf32, #tpu.memory_space<vmem_shared>>) offsets(%dma_start3A_2664 : memref<128xi32, #tpu.memory_space<vmem>>) semaphore(%arg16 : memref<!tpu.dma_semaphore, #tpu.memory_space<semaphore_mem>>) {add = true}
    }
    %scan3A_2183 = arith.constant 157 : i32
    %scan3A_2184 = arith.constant 0 : i32
    %scan3A_2185 = arith.constant 0 : i32
    %scan3A_2186 = arith.constant 157 : i32
    %scan3A_2187 = arith.addi %scan3A_2185, %scan3A_2186 : i32
    %scan3A_2188 = arith.constant 1 : i32
    scf.for %scan3A_2659 = %scan3A_2185 to %scan3A_2187 step %scan3A_2188  : i32 {
      %dma_wait3A = arith.constant 0 : i32
      %dma_wait3A_2660 = tpu.memref_slice %arg7[%scan3A_2659, %dma_wait3A] : memref<157x128xf32, #tpu.memory_space<vmem>> -> memref<1x128xf32, #tpu.memory_space<vmem>>
      %dma_wait3A_2661 = tpu.memref_squeeze %dma_wait3A_2660 : memref<1x128xf32, #tpu.memory_space<vmem>> -> memref<128xf32, #tpu.memory_space<vmem>>
      %dma_wait3A_2662 = arith.constant 0 : i32
      %dma_wait3A_2663 = tpu.memref_slice %arg5[%scan3A_2659, %dma_wait3A_2662] : memref<157x128xi32, #tpu.memory_space<vmem>> -> memref<1x128xi32, #tpu.memory_space<vmem>>
      %dma_wait3A_2664 = tpu.memref_squeeze %dma_wait3A_2663 : memref<1x128xi32, #tpu.memory_space<vmem>> -> memref<128xi32, #tpu.memory_space<vmem>>
      %dma_wait3A_2665 = arith.constant 0 : i32
      %dma_wait3A_2666 = tpu.memref_slice %arg14[%dma_wait3A_2665] : memref<10240xf32, #tpu.memory_space<vmem_shared>> -> memref<10240xf32, #tpu.memory_space<vmem_shared>>
      tpu.wait_indirect_dma semaphore(%arg16 : memref<!tpu.dma_semaphore, #tpu.memory_space<semaphore_mem>>) src(%dma_wait3A_2661 : memref<128xf32, #tpu.memory_space<vmem>>) dst(%dma_wait3A_2666 : memref<10240xf32, #tpu.memory_space<vmem_shared>>)
    }
    %scan3A_2189 = arith.constant 157 : i32
    %barrier3A_2190 = arith.constant 0 : index
    tpu.barrier barrier_id(%barrier3A_2190)
    "tpu.region"() ({
      %run_scoped3A_2659 = tpu.sem_alloc : memref<!tpu.dma_semaphore, #tpu.memory_space<semaphore_mem>>
      %dma_start3A = tpu.memref_slice %arg14[%mul3A_0] : memref<10240xf32, #tpu.memory_space<vmem_shared>> -> memref<640xf32, #tpu.memory_space<vmem_shared>>
      %dma_start3A_2660 = tpu.memref_slice %arg14[%mul3A_0] : memref<10240xf32, #tpu.memory_space<vmem_shared>> -> memref<640xf32, #tpu.memory_space<vmem_shared>>
      tpu.enqueue_dma source(%dma_start3A_2660 : memref<640xf32, #tpu.memory_space<vmem_shared>>) target(%arg10 : memref<640xf32, #tpu.memory_space<vmem>>) target_semaphore(%run_scoped3A_2659 : memref<!tpu.dma_semaphore, #tpu.memory_space<semaphore_mem>>)
      %dma_wait3A = tpu.memref_slice %arg14[%mul3A_0] : memref<10240xf32, #tpu.memory_space<vmem_shared>> -> memref<640xf32, #tpu.memory_space<vmem_shared>>
      %dma_wait3A_2661 = tpu.memref_slice %arg14[%mul3A_0] : memref<10240xf32, #tpu.memory_space<vmem_shared>> -> memref<640xf32, #tpu.memory_space<vmem_shared>>
      tpu.wait_dma2 semaphore(%run_scoped3A_2659 : memref<!tpu.dma_semaphore, #tpu.memory_space<semaphore_mem>>) src(%dma_wait3A_2661 : memref<640xf32, #tpu.memory_space<vmem_shared>>) dst(%arg10 : memref<640xf32, #tpu.memory_space<vmem>>)
      tpu.yield
    }) : () -> ()
    %run_scoped3A_2191 = arith.constant 2 : i32
    "tpu.region"() ({
      %run_scoped3A_2659 = tpu.sem_alloc : memref<!tpu.dma_semaphore, #tpu.memory_space<semaphore_mem>>
      %dma_start3A = tpu.memref_slice %arg4[%arg0, %run_scoped3A_2191, %mul3A_0] : memref<2x8x10240xf32, #tpu.memory_space<hbm>> -> memref<1x1x640xf32, #tpu.memory_space<hbm>>
      %dma_start3A_2660 = tpu.memref_squeeze %dma_start3A : memref<1x1x640xf32, #tpu.memory_space<hbm>> -> memref<640xf32, #tpu.memory_space<hbm>>
      %dma_start3A_2661 = tpu.memref_slice %arg4[%arg0, %run_scoped3A_2191, %mul3A_0] : memref<2x8x10240xf32, #tpu.memory_space<hbm>> -> memref<1x1x640xf32, #tpu.memory_space<hbm>>
      %dma_start3A_2662 = tpu.memref_squeeze %dma_start3A_2661 : memref<1x1x640xf32, #tpu.memory_space<hbm>> -> memref<640xf32, #tpu.memory_space<hbm>>
      tpu.enqueue_dma source(%arg10 : memref<640xf32, #tpu.memory_space<vmem>>) target(%dma_start3A_2662 : memref<640xf32, #tpu.memory_space<hbm>>) target_semaphore(%run_scoped3A_2659 : memref<!tpu.dma_semaphore, #tpu.memory_space<semaphore_mem>>)
      %dma_wait3A = tpu.memref_slice %arg4[%arg0, %run_scoped3A_2191, %mul3A_0] : memref<2x8x10240xf32, #tpu.memory_space<hbm>> -> memref<1x1x640xf32, #tpu.memory_space<hbm>>
      %dma_wait3A_2663 = tpu.memref_squeeze %dma_wait3A : memref<1x1x640xf32, #tpu.memory_space<hbm>> -> memref<640xf32, #tpu.memory_space<hbm>>
      %dma_wait3A_2664 = tpu.memref_slice %arg4[%arg0, %run_scoped3A_2191, %mul3A_0] : memref<2x8x10240xf32, #tpu.memory_space<hbm>> -> memref<1x1x640xf32, #tpu.memory_space<hbm>>
      %dma_wait3A_2665 = tpu.memref_squeeze %dma_wait3A_2664 : memref<1x1x640xf32, #tpu.memory_space<hbm>> -> memref<640xf32, #tpu.memory_space<hbm>>
      tpu.wait_dma2 semaphore(%run_scoped3A_2659 : memref<!tpu.dma_semaphore, #tpu.memory_space<semaphore_mem>>) src(%arg10 : memref<640xf32, #tpu.memory_space<vmem>>) dst(%dma_wait3A_2665 : memref<640xf32, #tpu.memory_space<hbm>>)
      tpu.yield
    }) : () -> ()
    %get3A_2192 = arith.constant 0 : index
    %get3A_2193 = tpu.vector_load %arg10[%get3A_2192] {strides = array<i32>} : memref<640xf32, #tpu.memory_space<vmem>>, vector<16xf32>,
    %get3A_2194 = vector.shape_cast %get3A_2193 : vector<16xf32> to vector<16xf32>
    %get3A_2195 = arith.constant 0 : index
    %get3A_2196 = tpu.vector_load %arg11[%get3A_2195] {strides = array<i32>} : memref<640xf32, #tpu.memory_space<vmem>>, vector<16xf32>,
    %get3A_2197 = vector.shape_cast %get3A_2196 : vector<16xf32> to vector<16xf32>
    %mul3A_2198 = arith.mulf %get3A_2194, %get3A_2197 : vector<16xf32>
    %swap3A_2199 = arith.constant 0 : index
    %swap3A_2200 = tpu.vector_load %arg12[%swap3A_2199] {strides = array<i32>} : memref<640xf32, #tpu.memory_space<vmem>>, vector<16xf32>,
    %swap3A_2201 = vector.shape_cast %swap3A_2200 : vector<16xf32> to vector<16xf32>
    %swap3A_2202 = vector.shape_cast %mul3A_2198 : vector<16xf32> to vector<16xf32>
    tpu.vector_store %arg12[%swap3A_2199], %swap3A_2202 {strides = array<i32>} : memref<640xf32, #tpu.memory_space<vmem>>, vector<16xf32>,
    %get3A_2203 = arith.constant 16 : index
    %get3A_2204 = tpu.vector_load %arg10[%get3A_2203] {strides = array<i32>} : memref<640xf32, #tpu.memory_space<vmem>>, vector<16xf32>,
    %get3A_2205 = vector.shape_cast %get3A_2204 : vector<16xf32> to vector<16xf32>
    %get3A_2206 = arith.constant 16 : index
    %get3A_2207 = tpu.vector_load %arg11[%get3A_2206] {strides = array<i32>} : memref<640xf32, #tpu.memory_space<vmem>>, vector<16xf32>,
    %get3A_2208 = vector.shape_cast %get3A_2207 : vector<16xf32> to vector<16xf32>
    %mul3A_2209 = arith.mulf %get3A_2205, %get3A_2208 : vector<16xf32>
    %swap3A_2210 = arith.constant 16 : index
    %swap3A_2211 = tpu.vector_load %arg12[%swap3A_2210] {strides = array<i32>} : memref<640xf32, #tpu.memory_space<vmem>>, vector<16xf32>,
    %swap3A_2212 = vector.shape_cast %swap3A_2211 : vector<16xf32> to vector<16xf32>
    %swap3A_2213 = vector.shape_cast %mul3A_2209 : vector<16xf32> to vector<16xf32>
    tpu.vector_store %arg12[%swap3A_2210], %swap3A_2213 {strides = array<i32>} : memref<640xf32, #tpu.memory_space<vmem>>, vector<16xf32>,
    %get3A_2214 = arith.constant 32 : index
    %get3A_2215 = tpu.vector_load %arg10[%get3A_2214] {strides = array<i32>} : memref<640xf32, #tpu.memory_space<vmem>>, vector<16xf32>,
    %get3A_2216 = vector.shape_cast %get3A_2215 : vector<16xf32> to vector<16xf32>
    %get3A_2217 = arith.constant 32 : index
    %get3A_2218 = tpu.vector_load %arg11[%get3A_2217] {strides = array<i32>} : memref<640xf32, #tpu.memory_space<vmem>>, vector<16xf32>,
    %get3A_2219 = vector.shape_cast %get3A_2218 : vector<16xf32> to vector<16xf32>
    %mul3A_2220 = arith.mulf %get3A_2216, %get3A_2219 : vector<16xf32>
    %swap3A_2221 = arith.constant 32 : index
    %swap3A_2222 = tpu.vector_load %arg12[%swap3A_2221] {strides = array<i32>} : memref<640xf32, #tpu.memory_space<vmem>>, vector<16xf32>,
    %swap3A_2223 = vector.shape_cast %swap3A_2222 : vector<16xf32> to vector<16xf32>
    %swap3A_2224 = vector.shape_cast %mul3A_2220 : vector<16xf32> to vector<16xf32>
    tpu.vector_store %arg12[%swap3A_2221], %swap3A_2224 {strides = array<i32>} : memref<640xf32, #tpu.memory_space<vmem>>, vector<16xf32>,
    %get3A_2225 = arith.constant 48 : index
    %get3A_2226 = tpu.vector_load %arg10[%get3A_2225] {strides = array<i32>} : memref<640xf32, #tpu.memory_space<vmem>>, vector<16xf32>,
    %get3A_2227 = vector.shape_cast %get3A_2226 : vector<16xf32> to vector<16xf32>
    %get3A_2228 = arith.constant 48 : index
    %get3A_2229 = tpu.vector_load %arg11[%get3A_2228] {strides = array<i32>} : memref<640xf32, #tpu.memory_space<vmem>>, vector<16xf32>,
    %get3A_2230 = vector.shape_cast %get3A_2229 : vector<16xf32> to vector<16xf32>
    %mul3A_2231 = arith.mulf %get3A_2227, %get3A_2230 : vector<16xf32>
    %swap3A_2232 = arith.constant 48 : index
    %swap3A_2233 = tpu.vector_load %arg12[%swap3A_2232] {strides = array<i32>} : memref<640xf32, #tpu.memory_space<vmem>>, vector<16xf32>,
    %swap3A_2234 = vector.shape_cast %swap3A_2233 : vector<16xf32> to vector<16xf32>
    %swap3A_2235 = vector.shape_cast %mul3A_2231 : vector<16xf32> to vector<16xf32>
    tpu.vector_store %arg12[%swap3A_2232], %swap3A_2235 {strides = array<i32>} : memref<640xf32, #tpu.memory_space<vmem>>, vector<16xf32>,
    %get3A_2236 = arith.constant 64 : index
    %get3A_2237 = tpu.vector_load %arg10[%get3A_2236] {strides = array<i32>} : memref<640xf32, #tpu.memory_space<vmem>>, vector<16xf32>,
    %get3A_2238 = vector.shape_cast %get3A_2237 : vector<16xf32> to vector<16xf32>
    %get3A_2239 = arith.constant 64 : index
    %get3A_2240 = tpu.vector_load %arg11[%get3A_2239] {strides = array<i32>} : memref<640xf32, #tpu.memory_space<vmem>>, vector<16xf32>,
    %get3A_2241 = vector.shape_cast %get3A_2240 : vector<16xf32> to vector<16xf32>
    %mul3A_2242 = arith.mulf %get3A_2238, %get3A_2241 : vector<16xf32>
    %swap3A_2243 = arith.constant 64 : index
    %swap3A_2244 = tpu.vector_load %arg12[%swap3A_2243] {strides = array<i32>} : memref<640xf32, #tpu.memory_space<vmem>>, vector<16xf32>,
    %swap3A_2245 = vector.shape_cast %swap3A_2244 : vector<16xf32> to vector<16xf32>
    %swap3A_2246 = vector.shape_cast %mul3A_2242 : vector<16xf32> to vector<16xf32>
    tpu.vector_store %arg12[%swap3A_2243], %swap3A_2246 {strides = array<i32>} : memref<640xf32, #tpu.memory_space<vmem>>, vector<16xf32>,
    %get3A_2247 = arith.constant 80 : index
    %get3A_2248 = tpu.vector_load %arg10[%get3A_2247] {strides = array<i32>} : memref<640xf32, #tpu.memory_space<vmem>>, vector<16xf32>,
    %get3A_2249 = vector.shape_cast %get3A_2248 : vector<16xf32> to vector<16xf32>
    %get3A_2250 = arith.constant 80 : index
    %get3A_2251 = tpu.vector_load %arg11[%get3A_2250] {strides = array<i32>} : memref<640xf32, #tpu.memory_space<vmem>>, vector<16xf32>,
    %get3A_2252 = vector.shape_cast %get3A_2251 : vector<16xf32> to vector<16xf32>
    %mul3A_2253 = arith.mulf %get3A_2249, %get3A_2252 : vector<16xf32>
    %swap3A_2254 = arith.constant 80 : index
    %swap3A_2255 = tpu.vector_load %arg12[%swap3A_2254] {strides = array<i32>} : memref<640xf32, #tpu.memory_space<vmem>>, vector<16xf32>,
    %swap3A_2256 = vector.shape_cast %swap3A_2255 : vector<16xf32> to vector<16xf32>
    %swap3A_2257 = vector.shape_cast %mul3A_2253 : vector<16xf32> to vector<16xf32>
    tpu.vector_store %arg12[%swap3A_2254], %swap3A_2257 {strides = array<i32>} : memref<640xf32, #tpu.memory_space<vmem>>, vector<16xf32>,
    %get3A_2258 = arith.constant 96 : index
    %get3A_2259 = tpu.vector_load %arg10[%get3A_2258] {strides = array<i32>} : memref<640xf32, #tpu.memory_space<vmem>>, vector<16xf32>,
    %get3A_2260 = vector.shape_cast %get3A_2259 : vector<16xf32> to vector<16xf32>
    %get3A_2261 = arith.constant 96 : index
    %get3A_2262 = tpu.vector_load %arg11[%get3A_2261] {strides = array<i32>} : memref<640xf32, #tpu.memory_space<vmem>>, vector<16xf32>,
    %get3A_2263 = vector.shape_cast %get3A_2262 : vector<16xf32> to vector<16xf32>
    %mul3A_2264 = arith.mulf %get3A_2260, %get3A_2263 : vector<16xf32>
    %swap3A_2265 = arith.constant 96 : index
    %swap3A_2266 = tpu.vector_load %arg12[%swap3A_2265] {strides = array<i32>} : memref<640xf32, #tpu.memory_space<vmem>>, vector<16xf32>,
    %swap3A_2267 = vector.shape_cast %swap3A_2266 : vector<16xf32> to vector<16xf32>
    %swap3A_2268 = vector.shape_cast %mul3A_2264 : vector<16xf32> to vector<16xf32>
    tpu.vector_store %arg12[%swap3A_2265], %swap3A_2268 {strides = array<i32>} : memref<640xf32, #tpu.memory_space<vmem>>, vector<16xf32>,
    %get3A_2269 = arith.constant 112 : index
    %get3A_2270 = tpu.vector_load %arg10[%get3A_2269] {strides = array<i32>} : memref<640xf32, #tpu.memory_space<vmem>>, vector<16xf32>,
    %get3A_2271 = vector.shape_cast %get3A_2270 : vector<16xf32> to vector<16xf32>
    %get3A_2272 = arith.constant 112 : index
    %get3A_2273 = tpu.vector_load %arg11[%get3A_2272] {strides = array<i32>} : memref<640xf32, #tpu.memory_space<vmem>>, vector<16xf32>,
    %get3A_2274 = vector.shape_cast %get3A_2273 : vector<16xf32> to vector<16xf32>
    %mul3A_2275 = arith.mulf %get3A_2271, %get3A_2274 : vector<16xf32>
    %swap3A_2276 = arith.constant 112 : index
    %swap3A_2277 = tpu.vector_load %arg12[%swap3A_2276] {strides = array<i32>} : memref<640xf32, #tpu.memory_space<vmem>>, vector<16xf32>,
    %swap3A_2278 = vector.shape_cast %swap3A_2277 : vector<16xf32> to vector<16xf32>
    %swap3A_2279 = vector.shape_cast %mul3A_2275 : vector<16xf32> to vector<16xf32>
    tpu.vector_store %arg12[%swap3A_2276], %swap3A_2279 {strides = array<i32>} : memref<640xf32, #tpu.memory_space<vmem>>, vector<16xf32>,
    %get3A_2280 = arith.constant 128 : index
    %get3A_2281 = tpu.vector_load %arg10[%get3A_2280] {strides = array<i32>} : memref<640xf32, #tpu.memory_space<vmem>>, vector<16xf32>,
    %get3A_2282 = vector.shape_cast %get3A_2281 : vector<16xf32> to vector<16xf32>
    %get3A_2283 = arith.constant 128 : index
    %get3A_2284 = tpu.vector_load %arg11[%get3A_2283] {strides = array<i32>} : memref<640xf32, #tpu.memory_space<vmem>>, vector<16xf32>,
    %get3A_2285 = vector.shape_cast %get3A_2284 : vector<16xf32> to vector<16xf32>
    %mul3A_2286 = arith.mulf %get3A_2282, %get3A_2285 : vector<16xf32>
    %swap3A_2287 = arith.constant 128 : index
    %swap3A_2288 = tpu.vector_load %arg12[%swap3A_2287] {strides = array<i32>} : memref<640xf32, #tpu.memory_space<vmem>>, vector<16xf32>,
    %swap3A_2289 = vector.shape_cast %swap3A_2288 : vector<16xf32> to vector<16xf32>
    %swap3A_2290 = vector.shape_cast %mul3A_2286 : vector<16xf32> to vector<16xf32>
    tpu.vector_store %arg12[%swap3A_2287], %swap3A_2290 {strides = array<i32>} : memref<640xf32, #tpu.memory_space<vmem>>, vector<16xf32>,
    %get3A_2291 = arith.constant 144 : index
    %get3A_2292 = tpu.vector_load %arg10[%get3A_2291] {strides = array<i32>} : memref<640xf32, #tpu.memory_space<vmem>>, vector<16xf32>,
    %get3A_2293 = vector.shape_cast %get3A_2292 : vector<16xf32> to vector<16xf32>
    %get3A_2294 = arith.constant 144 : index
    %get3A_2295 = tpu.vector_load %arg11[%get3A_2294] {strides = array<i32>} : memref<640xf32, #tpu.memory_space<vmem>>, vector<16xf32>,
    %get3A_2296 = vector.shape_cast %get3A_2295 : vector<16xf32> to vector<16xf32>
    %mul3A_2297 = arith.mulf %get3A_2293, %get3A_2296 : vector<16xf32>
    %swap3A_2298 = arith.constant 144 : index
    %swap3A_2299 = tpu.vector_load %arg12[%swap3A_2298] {strides = array<i32>} : memref<640xf32, #tpu.memory_space<vmem>>, vector<16xf32>,
    %swap3A_2300 = vector.shape_cast %swap3A_2299 : vector<16xf32> to vector<16xf32>
    %swap3A_2301 = vector.shape_cast %mul3A_2297 : vector<16xf32> to vector<16xf32>
    tpu.vector_store %arg12[%swap3A_2298], %swap3A_2301 {strides = array<i32>} : memref<640xf32, #tpu.memory_space<vmem>>, vector<16xf32>,
    %get3A_2302 = arith.constant 160 : index
    %get3A_2303 = tpu.vector_load %arg10[%get3A_2302] {strides = array<i32>} : memref<640xf32, #tpu.memory_space<vmem>>, vector<16xf32>,
    %get3A_2304 = vector.shape_cast %get3A_2303 : vector<16xf32> to vector<16xf32>
    %get3A_2305 = arith.constant 160 : index
    %get3A_2306 = tpu.vector_load %arg11[%get3A_2305] {strides = array<i32>} : memref<640xf32, #tpu.memory_space<vmem>>, vector<16xf32>,
    %get3A_2307 = vector.shape_cast %get3A_2306 : vector<16xf32> to vector<16xf32>
    %mul3A_2308 = arith.mulf %get3A_2304, %get3A_2307 : vector<16xf32>
    %swap3A_2309 = arith.constant 160 : index
    %swap3A_2310 = tpu.vector_load %arg12[%swap3A_2309] {strides = array<i32>} : memref<640xf32, #tpu.memory_space<vmem>>, vector<16xf32>,
    %swap3A_2311 = vector.shape_cast %swap3A_2310 : vector<16xf32> to vector<16xf32>
    %swap3A_2312 = vector.shape_cast %mul3A_2308 : vector<16xf32> to vector<16xf32>
    tpu.vector_store %arg12[%swap3A_2309], %swap3A_2312 {strides = array<i32>} : memref<640xf32, #tpu.memory_space<vmem>>, vector<16xf32>,
    %get3A_2313 = arith.constant 176 : index
    %get3A_2314 = tpu.vector_load %arg10[%get3A_2313] {strides = array<i32>} : memref<640xf32, #tpu.memory_space<vmem>>, vector<16xf32>,
    %get3A_2315 = vector.shape_cast %get3A_2314 : vector<16xf32> to vector<16xf32>
    %get3A_2316 = arith.constant 176 : index
    %get3A_2317 = tpu.vector_load %arg11[%get3A_2316] {strides = array<i32>} : memref<640xf32, #tpu.memory_space<vmem>>, vector<16xf32>,
    %get3A_2318 = vector.shape_cast %get3A_2317 : vector<16xf32> to vector<16xf32>
    %mul3A_2319 = arith.mulf %get3A_2315, %get3A_2318 : vector<16xf32>
    %swap3A_2320 = arith.constant 176 : index
    %swap3A_2321 = tpu.vector_load %arg12[%swap3A_2320] {strides = array<i32>} : memref<640xf32, #tpu.memory_space<vmem>>, vector<16xf32>,
    %swap3A_2322 = vector.shape_cast %swap3A_2321 : vector<16xf32> to vector<16xf32>
    %swap3A_2323 = vector.shape_cast %mul3A_2319 : vector<16xf32> to vector<16xf32>
    tpu.vector_store %arg12[%swap3A_2320], %swap3A_2323 {strides = array<i32>} : memref<640xf32, #tpu.memory_space<vmem>>, vector<16xf32>,
    %get3A_2324 = arith.constant 192 : index
    %get3A_2325 = tpu.vector_load %arg10[%get3A_2324] {strides = array<i32>} : memref<640xf32, #tpu.memory_space<vmem>>, vector<16xf32>,
    %get3A_2326 = vector.shape_cast %get3A_2325 : vector<16xf32> to vector<16xf32>
    %get3A_2327 = arith.constant 192 : index
    %get3A_2328 = tpu.vector_load %arg11[%get3A_2327] {strides = array<i32>} : memref<640xf32, #tpu.memory_space<vmem>>, vector<16xf32>,
    %get3A_2329 = vector.shape_cast %get3A_2328 : vector<16xf32> to vector<16xf32>
    %mul3A_2330 = arith.mulf %get3A_2326, %get3A_2329 : vector<16xf32>
    %swap3A_2331 = arith.constant 192 : index
    %swap3A_2332 = tpu.vector_load %arg12[%swap3A_2331] {strides = array<i32>} : memref<640xf32, #tpu.memory_space<vmem>>, vector<16xf32>,
    %swap3A_2333 = vector.shape_cast %swap3A_2332 : vector<16xf32> to vector<16xf32>
    %swap3A_2334 = vector.shape_cast %mul3A_2330 : vector<16xf32> to vector<16xf32>
    tpu.vector_store %arg12[%swap3A_2331], %swap3A_2334 {strides = array<i32>} : memref<640xf32, #tpu.memory_space<vmem>>, vector<16xf32>,
    %get3A_2335 = arith.constant 208 : index
    %get3A_2336 = tpu.vector_load %arg10[%get3A_2335] {strides = array<i32>} : memref<640xf32, #tpu.memory_space<vmem>>, vector<16xf32>,
    %get3A_2337 = vector.shape_cast %get3A_2336 : vector<16xf32> to vector<16xf32>
    %get3A_2338 = arith.constant 208 : index
    %get3A_2339 = tpu.vector_load %arg11[%get3A_2338] {strides = array<i32>} : memref<640xf32, #tpu.memory_space<vmem>>, vector<16xf32>,
    %get3A_2340 = vector.shape_cast %get3A_2339 : vector<16xf32> to vector<16xf32>
    %mul3A_2341 = arith.mulf %get3A_2337, %get3A_2340 : vector<16xf32>
    %swap3A_2342 = arith.constant 208 : index
    %swap3A_2343 = tpu.vector_load %arg12[%swap3A_2342] {strides = array<i32>} : memref<640xf32, #tpu.memory_space<vmem>>, vector<16xf32>,
    %swap3A_2344 = vector.shape_cast %swap3A_2343 : vector<16xf32> to vector<16xf32>
    %swap3A_2345 = vector.shape_cast %mul3A_2341 : vector<16xf32> to vector<16xf32>
    tpu.vector_store %arg12[%swap3A_2342], %swap3A_2345 {strides = array<i32>} : memref<640xf32, #tpu.memory_space<vmem>>, vector<16xf32>,
    %get3A_2346 = arith.constant 224 : index
    %get3A_2347 = tpu.vector_load %arg10[%get3A_2346] {strides = array<i32>} : memref<640xf32, #tpu.memory_space<vmem>>, vector<16xf32>,
    %get3A_2348 = vector.shape_cast %get3A_2347 : vector<16xf32> to vector<16xf32>
    %get3A_2349 = arith.constant 224 : index
    %get3A_2350 = tpu.vector_load %arg11[%get3A_2349] {strides = array<i32>} : memref<640xf32, #tpu.memory_space<vmem>>, vector<16xf32>,
    %get3A_2351 = vector.shape_cast %get3A_2350 : vector<16xf32> to vector<16xf32>
    %mul3A_2352 = arith.mulf %get3A_2348, %get3A_2351 : vector<16xf32>
    %swap3A_2353 = arith.constant 224 : index
    %swap3A_2354 = tpu.vector_load %arg12[%swap3A_2353] {strides = array<i32>} : memref<640xf32, #tpu.memory_space<vmem>>, vector<16xf32>,
    %swap3A_2355 = vector.shape_cast %swap3A_2354 : vector<16xf32> to vector<16xf32>
    %swap3A_2356 = vector.shape_cast %mul3A_2352 : vector<16xf32> to vector<16xf32>
    tpu.vector_store %arg12[%swap3A_2353], %swap3A_2356 {strides = array<i32>} : memref<640xf32, #tpu.memory_space<vmem>>, vector<16xf32>,
    %get3A_2357 = arith.constant 240 : index
    %get3A_2358 = tpu.vector_load %arg10[%get3A_2357] {strides = array<i32>} : memref<640xf32, #tpu.memory_space<vmem>>, vector<16xf32>,
    %get3A_2359 = vector.shape_cast %get3A_2358 : vector<16xf32> to vector<16xf32>
    %get3A_2360 = arith.constant 240 : index
    %get3A_2361 = tpu.vector_load %arg11[%get3A_2360] {strides = array<i32>} : memref<640xf32, #tpu.memory_space<vmem>>, vector<16xf32>,
    %get3A_2362 = vector.shape_cast %get3A_2361 : vector<16xf32> to vector<16xf32>
    %mul3A_2363 = arith.mulf %get3A_2359, %get3A_2362 : vector<16xf32>
    %swap3A_2364 = arith.constant 240 : index
    %swap3A_2365 = tpu.vector_load %arg12[%swap3A_2364] {strides = array<i32>} : memref<640xf32, #tpu.memory_space<vmem>>, vector<16xf32>,
    %swap3A_2366 = vector.shape_cast %swap3A_2365 : vector<16xf32> to vector<16xf32>
    %swap3A_2367 = vector.shape_cast %mul3A_2363 : vector<16xf32> to vector<16xf32>
    tpu.vector_store %arg12[%swap3A_2364], %swap3A_2367 {strides = array<i32>} : memref<640xf32, #tpu.memory_space<vmem>>, vector<16xf32>,
    %get3A_2368 = arith.constant 256 : index
    %get3A_2369 = tpu.vector_load %arg10[%get3A_2368] {strides = array<i32>} : memref<640xf32, #tpu.memory_space<vmem>>, vector<16xf32>,
    %get3A_2370 = vector.shape_cast %get3A_2369 : vector<16xf32> to vector<16xf32>
    %get3A_2371 = arith.constant 256 : index
    %get3A_2372 = tpu.vector_load %arg11[%get3A_2371] {strides = array<i32>} : memref<640xf32, #tpu.memory_space<vmem>>, vector<16xf32>,
    %get3A_2373 = vector.shape_cast %get3A_2372 : vector<16xf32> to vector<16xf32>
    %mul3A_2374 = arith.mulf %get3A_2370, %get3A_2373 : vector<16xf32>
    %swap3A_2375 = arith.constant 256 : index
    %swap3A_2376 = tpu.vector_load %arg12[%swap3A_2375] {strides = array<i32>} : memref<640xf32, #tpu.memory_space<vmem>>, vector<16xf32>,
    %swap3A_2377 = vector.shape_cast %swap3A_2376 : vector<16xf32> to vector<16xf32>
    %swap3A_2378 = vector.shape_cast %mul3A_2374 : vector<16xf32> to vector<16xf32>
    tpu.vector_store %arg12[%swap3A_2375], %swap3A_2378 {strides = array<i32>} : memref<640xf32, #tpu.memory_space<vmem>>, vector<16xf32>,
    %get3A_2379 = arith.constant 272 : index
    %get3A_2380 = tpu.vector_load %arg10[%get3A_2379] {strides = array<i32>} : memref<640xf32, #tpu.memory_space<vmem>>, vector<16xf32>,
    %get3A_2381 = vector.shape_cast %get3A_2380 : vector<16xf32> to vector<16xf32>
    %get3A_2382 = arith.constant 272 : index
    %get3A_2383 = tpu.vector_load %arg11[%get3A_2382] {strides = array<i32>} : memref<640xf32, #tpu.memory_space<vmem>>, vector<16xf32>,
    %get3A_2384 = vector.shape_cast %get3A_2383 : vector<16xf32> to vector<16xf32>
    %mul3A_2385 = arith.mulf %get3A_2381, %get3A_2384 : vector<16xf32>
    %swap3A_2386 = arith.constant 272 : index
    %swap3A_2387 = tpu.vector_load %arg12[%swap3A_2386] {strides = array<i32>} : memref<640xf32, #tpu.memory_space<vmem>>, vector<16xf32>,
    %swap3A_2388 = vector.shape_cast %swap3A_2387 : vector<16xf32> to vector<16xf32>
    %swap3A_2389 = vector.shape_cast %mul3A_2385 : vector<16xf32> to vector<16xf32>
    tpu.vector_store %arg12[%swap3A_2386], %swap3A_2389 {strides = array<i32>} : memref<640xf32, #tpu.memory_space<vmem>>, vector<16xf32>,
    %get3A_2390 = arith.constant 288 : index
    %get3A_2391 = tpu.vector_load %arg10[%get3A_2390] {strides = array<i32>} : memref<640xf32, #tpu.memory_space<vmem>>, vector<16xf32>,
    %get3A_2392 = vector.shape_cast %get3A_2391 : vector<16xf32> to vector<16xf32>
    %get3A_2393 = arith.constant 288 : index
    %get3A_2394 = tpu.vector_load %arg11[%get3A_2393] {strides = array<i32>} : memref<640xf32, #tpu.memory_space<vmem>>, vector<16xf32>,
    %get3A_2395 = vector.shape_cast %get3A_2394 : vector<16xf32> to vector<16xf32>
    %mul3A_2396 = arith.mulf %get3A_2392, %get3A_2395 : vector<16xf32>
    %swap3A_2397 = arith.constant 288 : index
    %swap3A_2398 = tpu.vector_load %arg12[%swap3A_2397] {strides = array<i32>} : memref<640xf32, #tpu.memory_space<vmem>>, vector<16xf32>,
    %swap3A_2399 = vector.shape_cast %swap3A_2398 : vector<16xf32> to vector<16xf32>
    %swap3A_2400 = vector.shape_cast %mul3A_2396 : vector<16xf32> to vector<16xf32>
    tpu.vector_store %arg12[%swap3A_2397], %swap3A_2400 {strides = array<i32>} : memref<640xf32, #tpu.memory_space<vmem>>, vector<16xf32>,
    %get3A_2401 = arith.constant 304 : index
    %get3A_2402 = tpu.vector_load %arg10[%get3A_2401] {strides = array<i32>} : memref<640xf32, #tpu.memory_space<vmem>>, vector<16xf32>,
    %get3A_2403 = vector.shape_cast %get3A_2402 : vector<16xf32> to vector<16xf32>
    %get3A_2404 = arith.constant 304 : index
    %get3A_2405 = tpu.vector_load %arg11[%get3A_2404] {strides = array<i32>} : memref<640xf32, #tpu.memory_space<vmem>>, vector<16xf32>,
    %get3A_2406 = vector.shape_cast %get3A_2405 : vector<16xf32> to vector<16xf32>
    %mul3A_2407 = arith.mulf %get3A_2403, %get3A_2406 : vector<16xf32>
    %swap3A_2408 = arith.constant 304 : index
    %swap3A_2409 = tpu.vector_load %arg12[%swap3A_2408] {strides = array<i32>} : memref<640xf32, #tpu.memory_space<vmem>>, vector<16xf32>,
    %swap3A_2410 = vector.shape_cast %swap3A_2409 : vector<16xf32> to vector<16xf32>
    %swap3A_2411 = vector.shape_cast %mul3A_2407 : vector<16xf32> to vector<16xf32>
    tpu.vector_store %arg12[%swap3A_2408], %swap3A_2411 {strides = array<i32>} : memref<640xf32, #tpu.memory_space<vmem>>, vector<16xf32>,
    %get3A_2412 = arith.constant 320 : index
    %get3A_2413 = tpu.vector_load %arg10[%get3A_2412] {strides = array<i32>} : memref<640xf32, #tpu.memory_space<vmem>>, vector<16xf32>,
    %get3A_2414 = vector.shape_cast %get3A_2413 : vector<16xf32> to vector<16xf32>
    %get3A_2415 = arith.constant 320 : index
    %get3A_2416 = tpu.vector_load %arg11[%get3A_2415] {strides = array<i32>} : memref<640xf32, #tpu.memory_space<vmem>>, vector<16xf32>,
    %get3A_2417 = vector.shape_cast %get3A_2416 : vector<16xf32> to vector<16xf32>
    %mul3A_2418 = arith.mulf %get3A_2414, %get3A_2417 : vector<16xf32>
    %swap3A_2419 = arith.constant 320 : index
    %swap3A_2420 = tpu.vector_load %arg12[%swap3A_2419] {strides = array<i32>} : memref<640xf32, #tpu.memory_space<vmem>>, vector<16xf32>,
    %swap3A_2421 = vector.shape_cast %swap3A_2420 : vector<16xf32> to vector<16xf32>
    %swap3A_2422 = vector.shape_cast %mul3A_2418 : vector<16xf32> to vector<16xf32>
    tpu.vector_store %arg12[%swap3A_2419], %swap3A_2422 {strides = array<i32>} : memref<640xf32, #tpu.memory_space<vmem>>, vector<16xf32>,
    %get3A_2423 = arith.constant 336 : index
    %get3A_2424 = tpu.vector_load %arg10[%get3A_2423] {strides = array<i32>} : memref<640xf32, #tpu.memory_space<vmem>>, vector<16xf32>,
    %get3A_2425 = vector.shape_cast %get3A_2424 : vector<16xf32> to vector<16xf32>
    %get3A_2426 = arith.constant 336 : index
    %get3A_2427 = tpu.vector_load %arg11[%get3A_2426] {strides = array<i32>} : memref<640xf32, #tpu.memory_space<vmem>>, vector<16xf32>,
    %get3A_2428 = vector.shape_cast %get3A_2427 : vector<16xf32> to vector<16xf32>
    %mul3A_2429 = arith.mulf %get3A_2425, %get3A_2428 : vector<16xf32>
    %swap3A_2430 = arith.constant 336 : index
    %swap3A_2431 = tpu.vector_load %arg12[%swap3A_2430] {strides = array<i32>} : memref<640xf32, #tpu.memory_space<vmem>>, vector<16xf32>,
    %swap3A_2432 = vector.shape_cast %swap3A_2431 : vector<16xf32> to vector<16xf32>
    %swap3A_2433 = vector.shape_cast %mul3A_2429 : vector<16xf32> to vector<16xf32>
    tpu.vector_store %arg12[%swap3A_2430], %swap3A_2433 {strides = array<i32>} : memref<640xf32, #tpu.memory_space<vmem>>, vector<16xf32>,
    %get3A_2434 = arith.constant 352 : index
    %get3A_2435 = tpu.vector_load %arg10[%get3A_2434] {strides = array<i32>} : memref<640xf32, #tpu.memory_space<vmem>>, vector<16xf32>,
    %get3A_2436 = vector.shape_cast %get3A_2435 : vector<16xf32> to vector<16xf32>
    %get3A_2437 = arith.constant 352 : index
    %get3A_2438 = tpu.vector_load %arg11[%get3A_2437] {strides = array<i32>} : memref<640xf32, #tpu.memory_space<vmem>>, vector<16xf32>,
    %get3A_2439 = vector.shape_cast %get3A_2438 : vector<16xf32> to vector<16xf32>
    %mul3A_2440 = arith.mulf %get3A_2436, %get3A_2439 : vector<16xf32>
    %swap3A_2441 = arith.constant 352 : index
    %swap3A_2442 = tpu.vector_load %arg12[%swap3A_2441] {strides = array<i32>} : memref<640xf32, #tpu.memory_space<vmem>>, vector<16xf32>,
    %swap3A_2443 = vector.shape_cast %swap3A_2442 : vector<16xf32> to vector<16xf32>
    %swap3A_2444 = vector.shape_cast %mul3A_2440 : vector<16xf32> to vector<16xf32>
    tpu.vector_store %arg12[%swap3A_2441], %swap3A_2444 {strides = array<i32>} : memref<640xf32, #tpu.memory_space<vmem>>, vector<16xf32>,
    %get3A_2445 = arith.constant 368 : index
    %get3A_2446 = tpu.vector_load %arg10[%get3A_2445] {strides = array<i32>} : memref<640xf32, #tpu.memory_space<vmem>>, vector<16xf32>,
    %get3A_2447 = vector.shape_cast %get3A_2446 : vector<16xf32> to vector<16xf32>
    %get3A_2448 = arith.constant 368 : index
    %get3A_2449 = tpu.vector_load %arg11[%get3A_2448] {strides = array<i32>} : memref<640xf32, #tpu.memory_space<vmem>>, vector<16xf32>,
    %get3A_2450 = vector.shape_cast %get3A_2449 : vector<16xf32> to vector<16xf32>
    %mul3A_2451 = arith.mulf %get3A_2447, %get3A_2450 : vector<16xf32>
    %swap3A_2452 = arith.constant 368 : index
    %swap3A_2453 = tpu.vector_load %arg12[%swap3A_2452] {strides = array<i32>} : memref<640xf32, #tpu.memory_space<vmem>>, vector<16xf32>,
    %swap3A_2454 = vector.shape_cast %swap3A_2453 : vector<16xf32> to vector<16xf32>
    %swap3A_2455 = vector.shape_cast %mul3A_2451 : vector<16xf32> to vector<16xf32>
    tpu.vector_store %arg12[%swap3A_2452], %swap3A_2455 {strides = array<i32>} : memref<640xf32, #tpu.memory_space<vmem>>, vector<16xf32>,
    %get3A_2456 = arith.constant 384 : index
    %get3A_2457 = tpu.vector_load %arg10[%get3A_2456] {strides = array<i32>} : memref<640xf32, #tpu.memory_space<vmem>>, vector<16xf32>,
    %get3A_2458 = vector.shape_cast %get3A_2457 : vector<16xf32> to vector<16xf32>
    %get3A_2459 = arith.constant 384 : index
    %get3A_2460 = tpu.vector_load %arg11[%get3A_2459] {strides = array<i32>} : memref<640xf32, #tpu.memory_space<vmem>>, vector<16xf32>,
    %get3A_2461 = vector.shape_cast %get3A_2460 : vector<16xf32> to vector<16xf32>
    %mul3A_2462 = arith.mulf %get3A_2458, %get3A_2461 : vector<16xf32>
    %swap3A_2463 = arith.constant 384 : index
    %swap3A_2464 = tpu.vector_load %arg12[%swap3A_2463] {strides = array<i32>} : memref<640xf32, #tpu.memory_space<vmem>>, vector<16xf32>,
    %swap3A_2465 = vector.shape_cast %swap3A_2464 : vector<16xf32> to vector<16xf32>
    %swap3A_2466 = vector.shape_cast %mul3A_2462 : vector<16xf32> to vector<16xf32>
    tpu.vector_store %arg12[%swap3A_2463], %swap3A_2466 {strides = array<i32>} : memref<640xf32, #tpu.memory_space<vmem>>, vector<16xf32>,
    %get3A_2467 = arith.constant 400 : index
    %get3A_2468 = tpu.vector_load %arg10[%get3A_2467] {strides = array<i32>} : memref<640xf32, #tpu.memory_space<vmem>>, vector<16xf32>,
    %get3A_2469 = vector.shape_cast %get3A_2468 : vector<16xf32> to vector<16xf32>
    %get3A_2470 = arith.constant 400 : index
    %get3A_2471 = tpu.vector_load %arg11[%get3A_2470] {strides = array<i32>} : memref<640xf32, #tpu.memory_space<vmem>>, vector<16xf32>,
    %get3A_2472 = vector.shape_cast %get3A_2471 : vector<16xf32> to vector<16xf32>
    %mul3A_2473 = arith.mulf %get3A_2469, %get3A_2472 : vector<16xf32>
    %swap3A_2474 = arith.constant 400 : index
    %swap3A_2475 = tpu.vector_load %arg12[%swap3A_2474] {strides = array<i32>} : memref<640xf32, #tpu.memory_space<vmem>>, vector<16xf32>,
    %swap3A_2476 = vector.shape_cast %swap3A_2475 : vector<16xf32> to vector<16xf32>
    %swap3A_2477 = vector.shape_cast %mul3A_2473 : vector<16xf32> to vector<16xf32>
    tpu.vector_store %arg12[%swap3A_2474], %swap3A_2477 {strides = array<i32>} : memref<640xf32, #tpu.memory_space<vmem>>, vector<16xf32>,
    %get3A_2478 = arith.constant 416 : index
    %get3A_2479 = tpu.vector_load %arg10[%get3A_2478] {strides = array<i32>} : memref<640xf32, #tpu.memory_space<vmem>>, vector<16xf32>,
    %get3A_2480 = vector.shape_cast %get3A_2479 : vector<16xf32> to vector<16xf32>
    %get3A_2481 = arith.constant 416 : index
    %get3A_2482 = tpu.vector_load %arg11[%get3A_2481] {strides = array<i32>} : memref<640xf32, #tpu.memory_space<vmem>>, vector<16xf32>,
    %get3A_2483 = vector.shape_cast %get3A_2482 : vector<16xf32> to vector<16xf32>
    %mul3A_2484 = arith.mulf %get3A_2480, %get3A_2483 : vector<16xf32>
    %swap3A_2485 = arith.constant 416 : index
    %swap3A_2486 = tpu.vector_load %arg12[%swap3A_2485] {strides = array<i32>} : memref<640xf32, #tpu.memory_space<vmem>>, vector<16xf32>,
    %swap3A_2487 = vector.shape_cast %swap3A_2486 : vector<16xf32> to vector<16xf32>
    %swap3A_2488 = vector.shape_cast %mul3A_2484 : vector<16xf32> to vector<16xf32>
    tpu.vector_store %arg12[%swap3A_2485], %swap3A_2488 {strides = array<i32>} : memref<640xf32, #tpu.memory_space<vmem>>, vector<16xf32>,
    %get3A_2489 = arith.constant 432 : index
    %get3A_2490 = tpu.vector_load %arg10[%get3A_2489] {strides = array<i32>} : memref<640xf32, #tpu.memory_space<vmem>>, vector<16xf32>,
    %get3A_2491 = vector.shape_cast %get3A_2490 : vector<16xf32> to vector<16xf32>
    %get3A_2492 = arith.constant 432 : index
    %get3A_2493 = tpu.vector_load %arg11[%get3A_2492] {strides = array<i32>} : memref<640xf32, #tpu.memory_space<vmem>>, vector<16xf32>,
    %get3A_2494 = vector.shape_cast %get3A_2493 : vector<16xf32> to vector<16xf32>
    %mul3A_2495 = arith.mulf %get3A_2491, %get3A_2494 : vector<16xf32>
    %swap3A_2496 = arith.constant 432 : index
    %swap3A_2497 = tpu.vector_load %arg12[%swap3A_2496] {strides = array<i32>} : memref<640xf32, #tpu.memory_space<vmem>>, vector<16xf32>,
    %swap3A_2498 = vector.shape_cast %swap3A_2497 : vector<16xf32> to vector<16xf32>
    %swap3A_2499 = vector.shape_cast %mul3A_2495 : vector<16xf32> to vector<16xf32>
    tpu.vector_store %arg12[%swap3A_2496], %swap3A_2499 {strides = array<i32>} : memref<640xf32, #tpu.memory_space<vmem>>, vector<16xf32>,
    %get3A_2500 = arith.constant 448 : index
    %get3A_2501 = tpu.vector_load %arg10[%get3A_2500] {strides = array<i32>} : memref<640xf32, #tpu.memory_space<vmem>>, vector<16xf32>,
    %get3A_2502 = vector.shape_cast %get3A_2501 : vector<16xf32> to vector<16xf32>
    %get3A_2503 = arith.constant 448 : index
    %get3A_2504 = tpu.vector_load %arg11[%get3A_2503] {strides = array<i32>} : memref<640xf32, #tpu.memory_space<vmem>>, vector<16xf32>,
    %get3A_2505 = vector.shape_cast %get3A_2504 : vector<16xf32> to vector<16xf32>
    %mul3A_2506 = arith.mulf %get3A_2502, %get3A_2505 : vector<16xf32>
    %swap3A_2507 = arith.constant 448 : index
    %swap3A_2508 = tpu.vector_load %arg12[%swap3A_2507] {strides = array<i32>} : memref<640xf32, #tpu.memory_space<vmem>>, vector<16xf32>,
    %swap3A_2509 = vector.shape_cast %swap3A_2508 : vector<16xf32> to vector<16xf32>
    %swap3A_2510 = vector.shape_cast %mul3A_2506 : vector<16xf32> to vector<16xf32>
    tpu.vector_store %arg12[%swap3A_2507], %swap3A_2510 {strides = array<i32>} : memref<640xf32, #tpu.memory_space<vmem>>, vector<16xf32>,
    %get3A_2511 = arith.constant 464 : index
    %get3A_2512 = tpu.vector_load %arg10[%get3A_2511] {strides = array<i32>} : memref<640xf32, #tpu.memory_space<vmem>>, vector<16xf32>,
    %get3A_2513 = vector.shape_cast %get3A_2512 : vector<16xf32> to vector<16xf32>
    %get3A_2514 = arith.constant 464 : index
    %get3A_2515 = tpu.vector_load %arg11[%get3A_2514] {strides = array<i32>} : memref<640xf32, #tpu.memory_space<vmem>>, vector<16xf32>,
    %get3A_2516 = vector.shape_cast %get3A_2515 : vector<16xf32> to vector<16xf32>
    %mul3A_2517 = arith.mulf %get3A_2513, %get3A_2516 : vector<16xf32>
    %swap3A_2518 = arith.constant 464 : index
    %swap3A_2519 = tpu.vector_load %arg12[%swap3A_2518] {strides = array<i32>} : memref<640xf32, #tpu.memory_space<vmem>>, vector<16xf32>,
    %swap3A_2520 = vector.shape_cast %swap3A_2519 : vector<16xf32> to vector<16xf32>
    %swap3A_2521 = vector.shape_cast %mul3A_2517 : vector<16xf32> to vector<16xf32>
    tpu.vector_store %arg12[%swap3A_2518], %swap3A_2521 {strides = array<i32>} : memref<640xf32, #tpu.memory_space<vmem>>, vector<16xf32>,
    %get3A_2522 = arith.constant 480 : index
    %get3A_2523 = tpu.vector_load %arg10[%get3A_2522] {strides = array<i32>} : memref<640xf32, #tpu.memory_space<vmem>>, vector<16xf32>,
    %get3A_2524 = vector.shape_cast %get3A_2523 : vector<16xf32> to vector<16xf32>
    %get3A_2525 = arith.constant 480 : index
    %get3A_2526 = tpu.vector_load %arg11[%get3A_2525] {strides = array<i32>} : memref<640xf32, #tpu.memory_space<vmem>>, vector<16xf32>,
    %get3A_2527 = vector.shape_cast %get3A_2526 : vector<16xf32> to vector<16xf32>
    %mul3A_2528 = arith.mulf %get3A_2524, %get3A_2527 : vector<16xf32>
    %swap3A_2529 = arith.constant 480 : index
    %swap3A_2530 = tpu.vector_load %arg12[%swap3A_2529] {strides = array<i32>} : memref<640xf32, #tpu.memory_space<vmem>>, vector<16xf32>,
    %swap3A_2531 = vector.shape_cast %swap3A_2530 : vector<16xf32> to vector<16xf32>
    %swap3A_2532 = vector.shape_cast %mul3A_2528 : vector<16xf32> to vector<16xf32>
    tpu.vector_store %arg12[%swap3A_2529], %swap3A_2532 {strides = array<i32>} : memref<640xf32, #tpu.memory_space<vmem>>, vector<16xf32>,
    %get3A_2533 = arith.constant 496 : index
    %get3A_2534 = tpu.vector_load %arg10[%get3A_2533] {strides = array<i32>} : memref<640xf32, #tpu.memory_space<vmem>>, vector<16xf32>,
    %get3A_2535 = vector.shape_cast %get3A_2534 : vector<16xf32> to vector<16xf32>
    %get3A_2536 = arith.constant 496 : index
    %get3A_2537 = tpu.vector_load %arg11[%get3A_2536] {strides = array<i32>} : memref<640xf32, #tpu.memory_space<vmem>>, vector<16xf32>,
    %get3A_2538 = vector.shape_cast %get3A_2537 : vector<16xf32> to vector<16xf32>
    %mul3A_2539 = arith.mulf %get3A_2535, %get3A_2538 : vector<16xf32>
    %swap3A_2540 = arith.constant 496 : index
    %swap3A_2541 = tpu.vector_load %arg12[%swap3A_2540] {strides = array<i32>} : memref<640xf32, #tpu.memory_space<vmem>>, vector<16xf32>,
    %swap3A_2542 = vector.shape_cast %swap3A_2541 : vector<16xf32> to vector<16xf32>
    %swap3A_2543 = vector.shape_cast %mul3A_2539 : vector<16xf32> to vector<16xf32>
    tpu.vector_store %arg12[%swap3A_2540], %swap3A_2543 {strides = array<i32>} : memref<640xf32, #tpu.memory_space<vmem>>, vector<16xf32>,
    %get3A_2544 = arith.constant 512 : index
    %get3A_2545 = tpu.vector_load %arg10[%get3A_2544] {strides = array<i32>} : memref<640xf32, #tpu.memory_space<vmem>>, vector<16xf32>,
    %get3A_2546 = vector.shape_cast %get3A_2545 : vector<16xf32> to vector<16xf32>
    %get3A_2547 = arith.constant 512 : index
    %get3A_2548 = tpu.vector_load %arg11[%get3A_2547] {strides = array<i32>} : memref<640xf32, #tpu.memory_space<vmem>>, vector<16xf32>,
    %get3A_2549 = vector.shape_cast %get3A_2548 : vector<16xf32> to vector<16xf32>
    %mul3A_2550 = arith.mulf %get3A_2546, %get3A_2549 : vector<16xf32>
    %swap3A_2551 = arith.constant 512 : index
    %swap3A_2552 = tpu.vector_load %arg12[%swap3A_2551] {strides = array<i32>} : memref<640xf32, #tpu.memory_space<vmem>>, vector<16xf32>,
    %swap3A_2553 = vector.shape_cast %swap3A_2552 : vector<16xf32> to vector<16xf32>
    %swap3A_2554 = vector.shape_cast %mul3A_2550 : vector<16xf32> to vector<16xf32>
    tpu.vector_store %arg12[%swap3A_2551], %swap3A_2554 {strides = array<i32>} : memref<640xf32, #tpu.memory_space<vmem>>, vector<16xf32>,
    %get3A_2555 = arith.constant 528 : index
    %get3A_2556 = tpu.vector_load %arg10[%get3A_2555] {strides = array<i32>} : memref<640xf32, #tpu.memory_space<vmem>>, vector<16xf32>,
    %get3A_2557 = vector.shape_cast %get3A_2556 : vector<16xf32> to vector<16xf32>
    %get3A_2558 = arith.constant 528 : index
    %get3A_2559 = tpu.vector_load %arg11[%get3A_2558] {strides = array<i32>} : memref<640xf32, #tpu.memory_space<vmem>>, vector<16xf32>,
    %get3A_2560 = vector.shape_cast %get3A_2559 : vector<16xf32> to vector<16xf32>
    %mul3A_2561 = arith.mulf %get3A_2557, %get3A_2560 : vector<16xf32>
    %swap3A_2562 = arith.constant 528 : index
    %swap3A_2563 = tpu.vector_load %arg12[%swap3A_2562] {strides = array<i32>} : memref<640xf32, #tpu.memory_space<vmem>>, vector<16xf32>,
    %swap3A_2564 = vector.shape_cast %swap3A_2563 : vector<16xf32> to vector<16xf32>
    %swap3A_2565 = vector.shape_cast %mul3A_2561 : vector<16xf32> to vector<16xf32>
    tpu.vector_store %arg12[%swap3A_2562], %swap3A_2565 {strides = array<i32>} : memref<640xf32, #tpu.memory_space<vmem>>, vector<16xf32>,
    %get3A_2566 = arith.constant 544 : index
    %get3A_2567 = tpu.vector_load %arg10[%get3A_2566] {strides = array<i32>} : memref<640xf32, #tpu.memory_space<vmem>>, vector<16xf32>,
    %get3A_2568 = vector.shape_cast %get3A_2567 : vector<16xf32> to vector<16xf32>
    %get3A_2569 = arith.constant 544 : index
    %get3A_2570 = tpu.vector_load %arg11[%get3A_2569] {strides = array<i32>} : memref<640xf32, #tpu.memory_space<vmem>>, vector<16xf32>,
    %get3A_2571 = vector.shape_cast %get3A_2570 : vector<16xf32> to vector<16xf32>
    %mul3A_2572 = arith.mulf %get3A_2568, %get3A_2571 : vector<16xf32>
    %swap3A_2573 = arith.constant 544 : index
    %swap3A_2574 = tpu.vector_load %arg12[%swap3A_2573] {strides = array<i32>} : memref<640xf32, #tpu.memory_space<vmem>>, vector<16xf32>,
    %swap3A_2575 = vector.shape_cast %swap3A_2574 : vector<16xf32> to vector<16xf32>
    %swap3A_2576 = vector.shape_cast %mul3A_2572 : vector<16xf32> to vector<16xf32>
    tpu.vector_store %arg12[%swap3A_2573], %swap3A_2576 {strides = array<i32>} : memref<640xf32, #tpu.memory_space<vmem>>, vector<16xf32>,
    %get3A_2577 = arith.constant 560 : index
    %get3A_2578 = tpu.vector_load %arg10[%get3A_2577] {strides = array<i32>} : memref<640xf32, #tpu.memory_space<vmem>>, vector<16xf32>,
    %get3A_2579 = vector.shape_cast %get3A_2578 : vector<16xf32> to vector<16xf32>
    %get3A_2580 = arith.constant 560 : index
    %get3A_2581 = tpu.vector_load %arg11[%get3A_2580] {strides = array<i32>} : memref<640xf32, #tpu.memory_space<vmem>>, vector<16xf32>,
    %get3A_2582 = vector.shape_cast %get3A_2581 : vector<16xf32> to vector<16xf32>
    %mul3A_2583 = arith.mulf %get3A_2579, %get3A_2582 : vector<16xf32>
    %swap3A_2584 = arith.constant 560 : index
    %swap3A_2585 = tpu.vector_load %arg12[%swap3A_2584] {strides = array<i32>} : memref<640xf32, #tpu.memory_space<vmem>>, vector<16xf32>,
    %swap3A_2586 = vector.shape_cast %swap3A_2585 : vector<16xf32> to vector<16xf32>
    %swap3A_2587 = vector.shape_cast %mul3A_2583 : vector<16xf32> to vector<16xf32>
    tpu.vector_store %arg12[%swap3A_2584], %swap3A_2587 {strides = array<i32>} : memref<640xf32, #tpu.memory_space<vmem>>, vector<16xf32>,
    %get3A_2588 = arith.constant 576 : index
    %get3A_2589 = tpu.vector_load %arg10[%get3A_2588] {strides = array<i32>} : memref<640xf32, #tpu.memory_space<vmem>>, vector<16xf32>,
    %get3A_2590 = vector.shape_cast %get3A_2589 : vector<16xf32> to vector<16xf32>
    %get3A_2591 = arith.constant 576 : index
    %get3A_2592 = tpu.vector_load %arg11[%get3A_2591] {strides = array<i32>} : memref<640xf32, #tpu.memory_space<vmem>>, vector<16xf32>,
    %get3A_2593 = vector.shape_cast %get3A_2592 : vector<16xf32> to vector<16xf32>
    %mul3A_2594 = arith.mulf %get3A_2590, %get3A_2593 : vector<16xf32>
    %swap3A_2595 = arith.constant 576 : index
    %swap3A_2596 = tpu.vector_load %arg12[%swap3A_2595] {strides = array<i32>} : memref<640xf32, #tpu.memory_space<vmem>>, vector<16xf32>,
    %swap3A_2597 = vector.shape_cast %swap3A_2596 : vector<16xf32> to vector<16xf32>
    %swap3A_2598 = vector.shape_cast %mul3A_2594 : vector<16xf32> to vector<16xf32>
    tpu.vector_store %arg12[%swap3A_2595], %swap3A_2598 {strides = array<i32>} : memref<640xf32, #tpu.memory_space<vmem>>, vector<16xf32>,
    %get3A_2599 = arith.constant 592 : index
    %get3A_2600 = tpu.vector_load %arg10[%get3A_2599] {strides = array<i32>} : memref<640xf32, #tpu.memory_space<vmem>>, vector<16xf32>,
    %get3A_2601 = vector.shape_cast %get3A_2600 : vector<16xf32> to vector<16xf32>
    %get3A_2602 = arith.constant 592 : index
    %get3A_2603 = tpu.vector_load %arg11[%get3A_2602] {strides = array<i32>} : memref<640xf32, #tpu.memory_space<vmem>>, vector<16xf32>,
    %get3A_2604 = vector.shape_cast %get3A_2603 : vector<16xf32> to vector<16xf32>
    %mul3A_2605 = arith.mulf %get3A_2601, %get3A_2604 : vector<16xf32>
    %swap3A_2606 = arith.constant 592 : index
    %swap3A_2607 = tpu.vector_load %arg12[%swap3A_2606] {strides = array<i32>} : memref<640xf32, #tpu.memory_space<vmem>>, vector<16xf32>,
    %swap3A_2608 = vector.shape_cast %swap3A_2607 : vector<16xf32> to vector<16xf32>
    %swap3A_2609 = vector.shape_cast %mul3A_2605 : vector<16xf32> to vector<16xf32>
    tpu.vector_store %arg12[%swap3A_2606], %swap3A_2609 {strides = array<i32>} : memref<640xf32, #tpu.memory_space<vmem>>, vector<16xf32>,
    %get3A_2610 = arith.constant 608 : index
    %get3A_2611 = tpu.vector_load %arg10[%get3A_2610] {strides = array<i32>} : memref<640xf32, #tpu.memory_space<vmem>>, vector<16xf32>,
    %get3A_2612 = vector.shape_cast %get3A_2611 : vector<16xf32> to vector<16xf32>
    %get3A_2613 = arith.constant 608 : index
    %get3A_2614 = tpu.vector_load %arg11[%get3A_2613] {strides = array<i32>} : memref<640xf32, #tpu.memory_space<vmem>>, vector<16xf32>,
    %get3A_2615 = vector.shape_cast %get3A_2614 : vector<16xf32> to vector<16xf32>
    %mul3A_2616 = arith.mulf %get3A_2612, %get3A_2615 : vector<16xf32>
    %swap3A_2617 = arith.constant 608 : index
    %swap3A_2618 = tpu.vector_load %arg12[%swap3A_2617] {strides = array<i32>} : memref<640xf32, #tpu.memory_space<vmem>>, vector<16xf32>,
    %swap3A_2619 = vector.shape_cast %swap3A_2618 : vector<16xf32> to vector<16xf32>
    %swap3A_2620 = vector.shape_cast %mul3A_2616 : vector<16xf32> to vector<16xf32>
    tpu.vector_store %arg12[%swap3A_2617], %swap3A_2620 {strides = array<i32>} : memref<640xf32, #tpu.memory_space<vmem>>, vector<16xf32>,
    %get3A_2621 = arith.constant 624 : index
    %get3A_2622 = tpu.vector_load %arg10[%get3A_2621] {strides = array<i32>} : memref<640xf32, #tpu.memory_space<vmem>>, vector<16xf32>,
    %get3A_2623 = vector.shape_cast %get3A_2622 : vector<16xf32> to vector<16xf32>
    %get3A_2624 = arith.constant 624 : index
    %get3A_2625 = tpu.vector_load %arg11[%get3A_2624] {strides = array<i32>} : memref<640xf32, #tpu.memory_space<vmem>>, vector<16xf32>,
    %get3A_2626 = vector.shape_cast %get3A_2625 : vector<16xf32> to vector<16xf32>
    %mul3A_2627 = arith.mulf %get3A_2623, %get3A_2626 : vector<16xf32>
    %swap3A_2628 = arith.constant 624 : index
    %swap3A_2629 = tpu.vector_load %arg12[%swap3A_2628] {strides = array<i32>} : memref<640xf32, #tpu.memory_space<vmem>>, vector<16xf32>,
    %swap3A_2630 = vector.shape_cast %swap3A_2629 : vector<16xf32> to vector<16xf32>
    %swap3A_2631 = vector.shape_cast %mul3A_2627 : vector<16xf32> to vector<16xf32>
    tpu.vector_store %arg12[%swap3A_2628], %swap3A_2631 {strides = array<i32>} : memref<640xf32, #tpu.memory_space<vmem>>, vector<16xf32>,
    "tpu.region"() ({
      %run_scoped3A_2659 = tpu.sem_alloc : memref<!tpu.dma_semaphore, #tpu.memory_space<semaphore_mem>>
      %dma_start3A = tpu.memref_slice %arg13[%mul3A_0] : memref<10240xf32, #tpu.memory_space<vmem_shared>> -> memref<640xf32, #tpu.memory_space<vmem_shared>>
      %dma_start3A_2660 = tpu.memref_slice %arg13[%mul3A_0] : memref<10240xf32, #tpu.memory_space<vmem_shared>> -> memref<640xf32, #tpu.memory_space<vmem_shared>>
      tpu.enqueue_dma source(%arg12 : memref<640xf32, #tpu.memory_space<vmem>>) target(%dma_start3A_2660 : memref<640xf32, #tpu.memory_space<vmem_shared>>) target_semaphore(%run_scoped3A_2659 : memref<!tpu.dma_semaphore, #tpu.memory_space<semaphore_mem>>)
      %dma_wait3A = tpu.memref_slice %arg13[%mul3A_0] : memref<10240xf32, #tpu.memory_space<vmem_shared>> -> memref<640xf32, #tpu.memory_space<vmem_shared>>
      %dma_wait3A_2661 = tpu.memref_slice %arg13[%mul3A_0] : memref<10240xf32, #tpu.memory_space<vmem_shared>> -> memref<640xf32, #tpu.memory_space<vmem_shared>>
      tpu.wait_dma2 semaphore(%run_scoped3A_2659 : memref<!tpu.dma_semaphore, #tpu.memory_space<semaphore_mem>>) src(%arg12 : memref<640xf32, #tpu.memory_space<vmem>>) dst(%dma_wait3A_2661 : memref<640xf32, #tpu.memory_space<vmem_shared>>)
      tpu.yield
    }) : () -> ()
    "tpu.region"() ({
      %run_scoped3A_2659 = tpu.sem_alloc : memref<!tpu.dma_semaphore, #tpu.memory_space<semaphore_mem>>
      %dma_start3A = tpu.memref_slice %arg14[%mul3A_0] : memref<10240xf32, #tpu.memory_space<vmem_shared>> -> memref<640xf32, #tpu.memory_space<vmem_shared>>
      %dma_start3A_2660 = tpu.memref_slice %arg14[%mul3A_0] : memref<10240xf32, #tpu.memory_space<vmem_shared>> -> memref<640xf32, #tpu.memory_space<vmem_shared>>
      tpu.enqueue_dma source(%arg9 : memref<640xf32, #tpu.memory_space<vmem>>) target(%dma_start3A_2660 : memref<640xf32, #tpu.memory_space<vmem_shared>>) target_semaphore(%run_scoped3A_2659 : memref<!tpu.dma_semaphore, #tpu.memory_space<semaphore_mem>>)
      %dma_wait3A = tpu.memref_slice %arg14[%mul3A_0] : memref<10240xf32, #tpu.memory_space<vmem_shared>> -> memref<640xf32, #tpu.memory_space<vmem_shared>>
      %dma_wait3A_2661 = tpu.memref_slice %arg14[%mul3A_0] : memref<10240xf32, #tpu.memory_space<vmem_shared>> -> memref<640xf32, #tpu.memory_space<vmem_shared>>
      tpu.wait_dma2 semaphore(%run_scoped3A_2659 : memref<!tpu.dma_semaphore, #tpu.memory_space<semaphore_mem>>) src(%arg9 : memref<640xf32, #tpu.memory_space<vmem>>) dst(%dma_wait3A_2661 : memref<640xf32, #tpu.memory_space<vmem_shared>>)
      tpu.yield
    }) : () -> ()
    %barrier3A_2632 = arith.constant 0 : index
    tpu.barrier barrier_id(%barrier3A_2632)
    %scan3A_2633 = arith.constant 0 : i32
    %scan3A_2634 = arith.constant 0 : i32
    %scan3A_2635 = arith.constant 157 : i32
    %scan3A_2636 = arith.addi %scan3A_2634, %scan3A_2635 : i32
    %scan3A_2637 = arith.constant 1 : i32
    scf.for %scan3A_2659 = %scan3A_2634 to %scan3A_2636 step %scan3A_2637  : i32 {
      %dma_start3A = arith.constant 0 : i32
      %dma_start3A_2660 = tpu.memref_slice %arg7[%scan3A_2659, %dma_start3A] : memref<157x128xf32, #tpu.memory_space<vmem>> -> memref<1x128xf32, #tpu.memory_space<vmem>>
      %dma_start3A_2661 = tpu.memref_squeeze %dma_start3A_2660 : memref<1x128xf32, #tpu.memory_space<vmem>> -> memref<128xf32, #tpu.memory_space<vmem>>
      %dma_start3A_2662 = arith.constant 0 : i32
      %dma_start3A_2663 = tpu.memref_slice %arg6[%scan3A_2659, %dma_start3A_2662] : memref<157x128xi32, #tpu.memory_space<vmem>> -> memref<1x128xi32, #tpu.memory_space<vmem>>
      %dma_start3A_2664 = tpu.memref_squeeze %dma_start3A_2663 : memref<1x128xi32, #tpu.memory_space<vmem>> -> memref<128xi32, #tpu.memory_space<vmem>>
      %dma_start3A_2665 = arith.constant 0 : i32
      %dma_start3A_2666 = tpu.memref_slice %arg13[%dma_start3A_2665] : memref<10240xf32, #tpu.memory_space<vmem_shared>> -> memref<10240xf32, #tpu.memory_space<vmem_shared>>
      tpu.enqueue_indirect_dma source(%dma_start3A_2666 : memref<10240xf32, #tpu.memory_space<vmem_shared>>) target(%dma_start3A_2661 : memref<128xf32, #tpu.memory_space<vmem>>) offsets(%dma_start3A_2664 : memref<128xi32, #tpu.memory_space<vmem>>) semaphore(%arg15 : memref<!tpu.dma_semaphore, #tpu.memory_space<semaphore_mem>>)
    }
    %scan3A_2638 = arith.constant 157 : i32
    %scan3A_2639 = arith.constant 0 : i32
    %scan3A_2640 = arith.constant 0 : i32
    %scan3A_2641 = arith.constant 157 : i32
    %scan3A_2642 = arith.addi %scan3A_2640, %scan3A_2641 : i32
    %scan3A_2643 = arith.constant 1 : i32
    scf.for %scan3A_2659 = %scan3A_2640 to %scan3A_2642 step %scan3A_2643  : i32 {
      %dma_wait3A = arith.constant 0 : i32
      %dma_wait3A_2660 = tpu.memref_slice %arg7[%scan3A_2659, %dma_wait3A] : memref<157x128xf32, #tpu.memory_space<vmem>> -> memref<1x128xf32, #tpu.memory_space<vmem>>
      %dma_wait3A_2661 = tpu.memref_squeeze %dma_wait3A_2660 : memref<1x128xf32, #tpu.memory_space<vmem>> -> memref<128xf32, #tpu.memory_space<vmem>>
      %dma_wait3A_2662 = arith.constant 0 : i32
      %dma_wait3A_2663 = tpu.memref_slice %arg6[%scan3A_2659, %dma_wait3A_2662] : memref<157x128xi32, #tpu.memory_space<vmem>> -> memref<1x128xi32, #tpu.memory_space<vmem>>
      %dma_wait3A_2664 = tpu.memref_squeeze %dma_wait3A_2663 : memref<1x128xi32, #tpu.memory_space<vmem>> -> memref<128xi32, #tpu.memory_space<vmem>>
      %dma_wait3A_2665 = arith.constant 0 : i32
      %dma_wait3A_2666 = tpu.memref_slice %arg13[%dma_wait3A_2665] : memref<10240xf32, #tpu.memory_space<vmem_shared>> -> memref<10240xf32, #tpu.memory_space<vmem_shared>>
      tpu.wait_indirect_dma semaphore(%arg15 : memref<!tpu.dma_semaphore, #tpu.memory_space<semaphore_mem>>) src(%dma_wait3A_2666 : memref<10240xf32, #tpu.memory_space<vmem_shared>>) dst(%dma_wait3A_2661 : memref<128xf32, #tpu.memory_space<vmem>>)
    }
    %scan3A_2644 = arith.constant 157 : i32
    %scan3A_2645 = arith.constant 0 : i32
    %scan3A_2646 = arith.constant 0 : i32
    %scan3A_2647 = arith.constant 157 : i32
    %scan3A_2648 = arith.addi %scan3A_2646, %scan3A_2647 : i32
    %scan3A_2649 = arith.constant 1 : i32
    scf.for %scan3A_2659 = %scan3A_2646 to %scan3A_2648 step %scan3A_2649  : i32 {
      %dma_start3A = arith.constant 0 : i32
      %dma_start3A_2660 = tpu.memref_slice %arg7[%scan3A_2659, %dma_start3A] : memref<157x128xf32, #tpu.memory_space<vmem>> -> memref<1x128xf32, #tpu.memory_space<vmem>>
      %dma_start3A_2661 = tpu.memref_squeeze %dma_start3A_2660 : memref<1x128xf32, #tpu.memory_space<vmem>> -> memref<128xf32, #tpu.memory_space<vmem>>
      %dma_start3A_2662 = arith.constant 0 : i32
      %dma_start3A_2663 = tpu.memref_slice %arg5[%scan3A_2659, %dma_start3A_2662] : memref<157x128xi32, #tpu.memory_space<vmem>> -> memref<1x128xi32, #tpu.memory_space<vmem>>
      %dma_start3A_2664 = tpu.memref_squeeze %dma_start3A_2663 : memref<1x128xi32, #tpu.memory_space<vmem>> -> memref<128xi32, #tpu.memory_space<vmem>>
      %dma_start3A_2665 = arith.constant 0 : i32
      %dma_start3A_2666 = tpu.memref_slice %arg14[%dma_start3A_2665] : memref<10240xf32, #tpu.memory_space<vmem_shared>> -> memref<10240xf32, #tpu.memory_space<vmem_shared>>
      tpu.enqueue_indirect_dma source(%dma_start3A_2661 : memref<128xf32, #tpu.memory_space<vmem>>) target(%dma_start3A_2666 : memref<10240xf32, #tpu.memory_space<vmem_shared>>) offsets(%dma_start3A_2664 : memref<128xi32, #tpu.memory_space<vmem>>) semaphore(%arg16 : memref<!tpu.dma_semaphore, #tpu.memory_space<semaphore_mem>>) {add = true}
    }
    %scan3A_2650 = arith.constant 157 : i32
    %scan3A_2651 = arith.constant 0 : i32
    %scan3A_2652 = arith.constant 0 : i32
    %scan3A_2653 = arith.constant 157 : i32
    %scan3A_2654 = arith.addi %scan3A_2652, %scan3A_2653 : i32
    %scan3A_2655 = arith.constant 1 : i32
    scf.for %scan3A_2659 = %scan3A_2652 to %scan3A_2654 step %scan3A_2655  : i32 {
      %dma_wait3A = arith.constant 0 : i32
      %dma_wait3A_2660 = tpu.memref_slice %arg7[%scan3A_2659, %dma_wait3A] : memref<157x128xf32, #tpu.memory_space<vmem>> -> memref<1x128xf32, #tpu.memory_space<vmem>>
      %dma_wait3A_2661 = tpu.memref_squeeze %dma_wait3A_2660 : memref<1x128xf32, #tpu.memory_space<vmem>> -> memref<128xf32, #tpu.memory_space<vmem>>
      %dma_wait3A_2662 = arith.constant 0 : i32
      %dma_wait3A_2663 = tpu.memref_slice %arg5[%scan3A_2659, %dma_wait3A_2662] : memref<157x128xi32, #tpu.memory_space<vmem>> -> memref<1x128xi32, #tpu.memory_space<vmem>>
      %dma_wait3A_2664 = tpu.memref_squeeze %dma_wait3A_2663 : memref<1x128xi32, #tpu.memory_space<vmem>> -> memref<128xi32, #tpu.memory_space<vmem>>
      %dma_wait3A_2665 = arith.constant 0 : i32
      %dma_wait3A_2666 = tpu.memref_slice %arg14[%dma_wait3A_2665] : memref<10240xf32, #tpu.memory_space<vmem_shared>> -> memref<10240xf32, #tpu.memory_space<vmem_shared>>
      tpu.wait_indirect_dma semaphore(%arg16 : memref<!tpu.dma_semaphore, #tpu.memory_space<semaphore_mem>>) src(%dma_wait3A_2661 : memref<128xf32, #tpu.memory_space<vmem>>) dst(%dma_wait3A_2666 : memref<10240xf32, #tpu.memory_space<vmem_shared>>)
    }
    %scan3A_2656 = arith.constant 157 : i32
    %barrier3A_2657 = arith.constant 0 : index
    tpu.barrier barrier_id(%barrier3A_2657)
    "tpu.region"() ({
      %run_scoped3A_2659 = tpu.sem_alloc : memref<!tpu.dma_semaphore, #tpu.memory_space<semaphore_mem>>
      %dma_start3A = tpu.memref_slice %arg14[%mul3A_0] : memref<10240xf32, #tpu.memory_space<vmem_shared>> -> memref<640xf32, #tpu.memory_space<vmem_shared>>
      %dma_start3A_2660 = tpu.memref_slice %arg14[%mul3A_0] : memref<10240xf32, #tpu.memory_space<vmem_shared>> -> memref<640xf32, #tpu.memory_space<vmem_shared>>
      tpu.enqueue_dma source(%dma_start3A_2660 : memref<640xf32, #tpu.memory_space<vmem_shared>>) target(%arg10 : memref<640xf32, #tpu.memory_space<vmem>>) target_semaphore(%run_scoped3A_2659 : memref<!tpu.dma_semaphore, #tpu.memory_space<semaphore_mem>>)
      %dma_wait3A = tpu.memref_slice %arg14[%mul3A_0] : memref<10240xf32, #tpu.memory_space<vmem_shared>> -> memref<640xf32, #tpu.memory_space<vmem_shared>>
      %dma_wait3A_2661 = tpu.memref_slice %arg14[%mul3A_0] : memref<10240xf32, #tpu.memory_space<vmem_shared>> -> memref<640xf32, #tpu.memory_space<vmem_shared>>
      tpu.wait_dma2 semaphore(%run_scoped3A_2659 : memref<!tpu.dma_semaphore, #tpu.memory_space<semaphore_mem>>) src(%dma_wait3A_2661 : memref<640xf32, #tpu.memory_space<vmem_shared>>) dst(%arg10 : memref<640xf32, #tpu.memory_space<vmem>>)
      tpu.yield
    }) : () -> ()
    %run_scoped3A_2658 = arith.constant 3 : i32
    "tpu.region"() ({
      %run_scoped3A_2659 = tpu.sem_alloc : memref<!tpu.dma_semaphore, #tpu.memory_space<semaphore_mem>>
      %dma_start3A = tpu.memref_slice %arg4[%arg0, %run_scoped3A_2658, %mul3A_0] : memref<2x8x10240xf32, #tpu.memory_space<hbm>> -> memref<1x1x640xf32, #tpu.memory_space<hbm>>
      %dma_start3A_2660 = tpu.memref_squeeze %dma_start3A : memref<1x1x640xf32, #tpu.memory_space<hbm>> -> memref<640xf32, #tpu.memory_space<hbm>>
      %dma_start3A_2661 = tpu.memref_slice %arg4[%arg0, %run_scoped3A_2658, %mul3A_0] : memref<2x8x10240xf32, #tpu.memory_space<hbm>> -> memref<1x1x640xf32, #tpu.memory_space<hbm>>
      %dma_start3A_2662 = tpu.memref_squeeze %dma_start3A_2661 : memref<1x1x640xf32, #tpu.memory_space<hbm>> -> memref<640xf32, #tpu.memory_space<hbm>>
      tpu.enqueue_dma source(%arg10 : memref<640xf32, #tpu.memory_space<vmem>>) target(%dma_start3A_2662 : memref<640xf32, #tpu.memory_space<hbm>>) target_semaphore(%run_scoped3A_2659 : memref<!tpu.dma_semaphore, #tpu.memory_space<semaphore_mem>>)
      %dma_wait3A = tpu.memref_slice %arg4[%arg0, %run_scoped3A_2658, %mul3A_0] : memref<2x8x10240xf32, #tpu.memory_space<hbm>> -> memref<1x1x640xf32, #tpu.memory_space<hbm>>
      %dma_wait3A_2663 = tpu.memref_squeeze %dma_wait3A : memref<1x1x640xf32, #tpu.memory_space<hbm>> -> memref<640xf32, #tpu.memory_space<hbm>>
      %dma_wait3A_2664 = tpu.memref_slice %arg4[%arg0, %run_scoped3A_2658, %mul3A_0] : memref<2x8x10240xf32, #tpu.memory_space<hbm>> -> memref<1x1x640xf32, #tpu.memory_space<hbm>>
      %dma_wait3A_2665 = tpu.memref_squeeze %dma_wait3A_2664 : memref<1x1x640xf32, #tpu.memory_space<hbm>> -> memref<640xf32, #tpu.memory_space<hbm>>
      tpu.wait_dma2 semaphore(%run_scoped3A_2659 : memref<!tpu.dma_semaphore, #tpu.memory_space<semaphore_mem>>) src(%arg10 : memref<640xf32, #tpu.memory_space<vmem>>) dst(%dma_wait3A_2665 : memref<640xf32, #tpu.memory_space<hbm>>)
      tpu.yield
    }) : () -> ()
    return
  }
}

module attributes {stable_mosaic.version = 14 : i64} {
  func.func @_rbf_body(%arg0: i32, %arg1: memref<1000x128xf32, #tpu.memory_space<vmem>>, %arg2: memref<1000x128xf32, #tpu.memory_space<vmem>>, %arg3: memref<128x128xf32, #tpu.memory_space<vmem>>, %arg4: memref<128x128xf32, #tpu.memory_space<vmem>>, %arg5: memref<1x128xf32, #tpu.memory_space<vmem>>, %arg6: memref<1x128xf32, #tpu.memory_space<vmem>>, %arg7: memref<1000x128xf32, #tpu.memory_space<vmem>>, %arg8: memref<1000x128xf32, #tpu.memory_space<vmem>>) attributes {dimension_semantics = [#tpu.dimension_semantics<arbitrary>], iteration_bounds = array<i64: 10>, scalar_prefetch = 0 : i64, scratch_operands = 0 : i64, tpu.core_type = #tpu.core_type<tc>, window_params = [{transform_indices = @transform_0, window_bounds = array<i64: 1000, 128>}, {transform_indices = @transform_1, window_bounds = array<i64: 1000, 128>}, {pipeline_mode = #tpu.pipeline_mode<synchronous>, transform_indices = @transform_2, window_bounds = array<i64: 128, 128>}, {pipeline_mode = #tpu.pipeline_mode<synchronous>, transform_indices = @transform_3, window_bounds = array<i64: 128, 128>}, {pipeline_mode = #tpu.pipeline_mode<synchronous>, transform_indices = @transform_4, window_bounds = array<i64: 1, 128>}, {pipeline_mode = #tpu.pipeline_mode<synchronous>, transform_indices = @transform_5, window_bounds = array<i64: 1, 128>}, {transform_indices = @transform_6, window_bounds = array<i64: 1000, 128>}, {transform_indices = @transform_7, window_bounds = array<i64: 1000, 128>}]} {
    %sqrt3A = arith.constant 1.562500e-02 : f32
    %sqrt3A_0 = math.sqrt %sqrt3A : f32
    %get3A = arith.constant 0 : index
    %get3A_1 = arith.constant 0 : index
    %get3A_2 = vector.load %arg1[%get3A, %get3A_1] : memref<1000x128xf32, #tpu.memory_space<vmem>>, vector<1000x128xf32>
    %get3A_3 = arith.constant 0 : index
    %get3A_4 = arith.constant 0 : index
    %get3A_5 = vector.load %arg3[%get3A_3, %get3A_4] : memref<128x128xf32, #tpu.memory_space<vmem>>, vector<128x128xf32>
    %dot_general3A = arith.constant dense<0.000000e+00> : vector<1000x128xf32>
    %dot_general3A_6 = tpu.matmul %get3A_2, %get3A_5, %dot_general3A {dimension_numbers = #tpu.dot_dimension_numbers<[1], [0], [0], [1], [0, 0, 1, 1], [], []>, transpose_lhs_hint = false} : vector<1000x128xf32>, vector<128x128xf32>, vector<1000x128xf32> -> vector<1000x128xf32>
    %get3A_7 = arith.constant 0 : index
    %get3A_8 = arith.constant 0 : index
    %get3A_9 = vector.load %arg5[%get3A_7, %get3A_8] : memref<1x128xf32, #tpu.memory_space<vmem>>, vector<1x128xf32>
    %add3A = vector.broadcast %get3A_9 : vector<1x128xf32> to vector<1000x128xf32>
    %add3A_10 = arith.addf %dot_general3A_6, %add3A : vector<1000x128xf32>
    %cos3A = math.cos %add3A_10 : vector<1000x128xf32>
    %mul3A = vector.broadcast %sqrt3A_0 : f32 to vector<1000x128xf32>
    %mul3A_11 = arith.mulf %cos3A, %mul3A : vector<1000x128xf32>
    %swap3A = arith.constant 0 : index
    %swap3A_12 = arith.constant 0 : index
    %swap3A_13 = vector.load %arg7[%swap3A, %swap3A_12] : memref<1000x128xf32, #tpu.memory_space<vmem>>, vector<1000x128xf32>
    tpu.vector_store %arg7[%swap3A, %swap3A_12], %mul3A_11 {strides = array<i32>} : memref<1000x128xf32, #tpu.memory_space<vmem>>, vector<1000x128xf32>,
    %get3A_14 = arith.constant 0 : index
    %get3A_15 = arith.constant 0 : index
    %get3A_16 = vector.load %arg2[%get3A_14, %get3A_15] : memref<1000x128xf32, #tpu.memory_space<vmem>>, vector<1000x128xf32>
    %get3A_17 = arith.constant 0 : index
    %get3A_18 = arith.constant 0 : index
    %get3A_19 = vector.load %arg4[%get3A_17, %get3A_18] : memref<128x128xf32, #tpu.memory_space<vmem>>, vector<128x128xf32>
    %dot_general3A_20 = arith.constant dense<0.000000e+00> : vector<1000x128xf32>
    %dot_general3A_21 = tpu.matmul %get3A_16, %get3A_19, %dot_general3A_20 {dimension_numbers = #tpu.dot_dimension_numbers<[1], [0], [0], [1], [0, 0, 1, 1], [], []>, transpose_lhs_hint = false} : vector<1000x128xf32>, vector<128x128xf32>, vector<1000x128xf32> -> vector<1000x128xf32>
    %get3A_22 = arith.constant 0 : index
    %get3A_23 = arith.constant 0 : index
    %get3A_24 = vector.load %arg6[%get3A_22, %get3A_23] : memref<1x128xf32, #tpu.memory_space<vmem>>, vector<1x128xf32>
    %add3A_25 = vector.broadcast %get3A_24 : vector<1x128xf32> to vector<1000x128xf32>
    %add3A_26 = arith.addf %dot_general3A_21, %add3A_25 : vector<1000x128xf32>
    %cos3A_27 = math.cos %add3A_26 : vector<1000x128xf32>
    %mul3A_28 = vector.broadcast %sqrt3A_0 : f32 to vector<1000x128xf32>
    %mul3A_29 = arith.mulf %cos3A_27, %mul3A_28 : vector<1000x128xf32>
    %swap3A_30 = arith.constant 0 : index
    %swap3A_31 = arith.constant 0 : index
    %swap3A_32 = vector.load %arg8[%swap3A_30, %swap3A_31] : memref<1000x128xf32, #tpu.memory_space<vmem>>, vector<1000x128xf32>
    tpu.vector_store %arg8[%swap3A_30, %swap3A_31], %mul3A_29 {strides = array<i32>} : memref<1000x128xf32, #tpu.memory_space<vmem>>, vector<1000x128xf32>,
    return
  }
  func.func @transform_0(%arg0: i32) -> (i32, i32) {
    %c0_i32 = arith.constant 0 : i32
    %c0_i32_0 = arith.constant 0 : i32
    return %arg0, %c0_i32 : i32, i32
  }
  func.func @transform_1(%arg0: i32) -> (i32, i32) {
    %c0_i32 = arith.constant 0 : i32
    %c0_i32_0 = arith.constant 0 : i32
    return %arg0, %c0_i32 : i32, i32
  }
  func.func @transform_2(%arg0: i32) -> (i32, i32) {
    %c0_i32 = arith.constant 0 : i32
    %c0_i32_0 = arith.constant 0 : i32
    %c0_i32_1 = arith.constant 0 : i32
    return %c0_i32, %c0_i32_0 : i32, i32
  }
  func.func @transform_3(%arg0: i32) -> (i32, i32) {
    %c0_i32 = arith.constant 0 : i32
    %c0_i32_0 = arith.constant 0 : i32
    %c0_i32_1 = arith.constant 0 : i32
    return %c0_i32, %c0_i32_0 : i32, i32
  }
  func.func @transform_4(%arg0: i32) -> (i32, i32) {
    %c0_i32 = arith.constant 0 : i32
    %c0_i32_0 = arith.constant 0 : i32
    %c0_i32_1 = arith.constant 0 : i32
    return %c0_i32, %c0_i32_0 : i32, i32
  }
  func.func @transform_5(%arg0: i32) -> (i32, i32) {
    %c0_i32 = arith.constant 0 : i32
    %c0_i32_0 = arith.constant 0 : i32
    %c0_i32_1 = arith.constant 0 : i32
    return %c0_i32, %c0_i32_0 : i32, i32
  }
  func.func @transform_6(%arg0: i32) -> (i32, i32) {
    %c0_i32 = arith.constant 0 : i32
    %c0_i32_0 = arith.constant 0 : i32
    return %arg0, %c0_i32 : i32, i32
  }
  func.func @transform_7(%arg0: i32) -> (i32, i32) {
    %c0_i32 = arith.constant 0 : i32
    %c0_i32_0 = arith.constant 0 : i32
    return %arg0, %c0_i32 : i32, i32
  }
}

module attributes {stable_mosaic.version = 14 : i64} {
  func.func @_head_body(%arg0: memref<10000x128xf32, #tpu.memory_space<vmem>>, %arg1: memref<10000x128xf32, #tpu.memory_space<vmem>>, %arg2: memref<2x8x10240xf32, #tpu.memory_space<vmem>>, %arg3: memref<3x128x128xf32, #tpu.memory_space<vmem>>, %arg4: memref<3x128x128xf32, #tpu.memory_space<vmem>>, %arg5: memref<3x1x128xf32, #tpu.memory_space<vmem>>, %arg6: memref<3x128x128xf32, #tpu.memory_space<vmem>>, %arg7: memref<3x128x128xf32, #tpu.memory_space<vmem>>, %arg8: memref<3x1x128xf32, #tpu.memory_space<vmem>>, %arg9: memref<256x128xf32, #tpu.memory_space<vmem>>, %arg10: memref<1x128xf32, #tpu.memory_space<vmem>>, %arg11: memref<128x64xf32, #tpu.memory_space<vmem>>, %arg12: memref<1x64xf32, #tpu.memory_space<vmem>>, %arg13: memref<1x64xf32, #tpu.memory_space<vmem>>, %arg14: memref<1x1xf32, #tpu.memory_space<vmem>>, %arg15: memref<1x128xf32, #tpu.memory_space<vmem>>) attributes {dimension_semantics = [], scalar_prefetch = 0 : i64, scratch_operands = 0 : i64, tpu.core_type = #tpu.core_type<tc>} {
    %broadcast_in_dim3A = arith.constant 0.000000e+00 : f32
    %broadcast_in_dim3A_0 = vector.broadcast %broadcast_in_dim3A : f32 to vector<240x128xf32>
    %get3A = arith.constant 0 : index
    %get3A_1 = arith.constant 0 : index
    %get3A_2 = vector.load %arg0[%get3A, %get3A_1] : memref<10000x128xf32, #tpu.memory_space<vmem>>, vector<10000x128xf32>
    %concatenate3A = tpu.concatenate %get3A_2, %broadcast_in_dim3A_0 in 0 : vector<10000x128xf32>, vector<240x128xf32> -> vector<10240x128xf32>
    %get3A_3 = arith.constant 0 : index
    %get3A_4 = arith.constant 0 : index
    %get3A_5 = arith.constant 0 : index
    %get3A_6 = vector.load %arg2[%get3A_3, %get3A_4, %get3A_5] : memref<2x8x10240xf32, #tpu.memory_space<vmem>>, vector<1x8x10240xf32>
    %get3A_7 = vector.shape_cast %get3A_6 : vector<1x8x10240xf32> to vector<8x10240xf32>
    %dot_general3A = arith.constant dense<0.000000e+00> : vector<8x128xf32>
    %dot_general3A_8 = tpu.matmul %get3A_7, %concatenate3A, %dot_general3A {dimension_numbers = #tpu.dot_dimension_numbers<[1], [0], [0], [1], [0, 0, 1, 1], [], []>, precision = #tpu.contract_precision<fp32>, transpose_lhs_hint = false} : vector<8x10240xf32>, vector<10240x128xf32>, vector<8x128xf32> -> vector<8x128xf32>
    %reduce_sum3A = arith.constant dense<0.000000e+00> : vector<8xf32>
    %reduce_sum3A_9 = vector.multi_reduction <add>, %get3A_7, %reduce_sum3A [1] : vector<8x10240xf32> to vector<8xf32>
    %broadcast_in_dim3A_10 = vector.shape_cast %reduce_sum3A_9 : vector<8xf32> to vector<8x1xf32>
    %broadcast_in_dim3A_11 = vector.shape_cast %broadcast_in_dim3A_10 : vector<8x1xf32> to vector<8x1xf32>
    %broadcast_in_dim3A_12 = vector.broadcast %broadcast_in_dim3A_11 : vector<8x1xf32> to vector<8x128xf32>
    %get3A_13 = arith.constant 0 : index
    %get3A_14 = arith.constant 0 : index
    %get3A_15 = vector.load %arg1[%get3A_13, %get3A_14] : memref<10000x128xf32, #tpu.memory_space<vmem>>, vector<10000x128xf32>
    %concatenate3A_16 = tpu.concatenate %get3A_15, %broadcast_in_dim3A_0 in 0 : vector<10000x128xf32>, vector<240x128xf32> -> vector<10240x128xf32>
    %get3A_17 = arith.constant 1 : index
    %get3A_18 = arith.constant 0 : index
    %get3A_19 = arith.constant 0 : index
    %get3A_20 = vector.load %arg2[%get3A_17, %get3A_18, %get3A_19] : memref<2x8x10240xf32, #tpu.memory_space<vmem>>, vector<1x8x10240xf32>
    %get3A_21 = vector.shape_cast %get3A_20 : vector<1x8x10240xf32> to vector<8x10240xf32>
    %dot_general3A_22 = arith.constant dense<0.000000e+00> : vector<8x128xf32>
    %dot_general3A_23 = tpu.matmul %get3A_21, %concatenate3A_16, %dot_general3A_22 {dimension_numbers = #tpu.dot_dimension_numbers<[1], [0], [0], [1], [0, 0, 1, 1], [], []>, precision = #tpu.contract_precision<fp32>, transpose_lhs_hint = false} : vector<8x10240xf32>, vector<10240x128xf32>, vector<8x128xf32> -> vector<8x128xf32>
    %reduce_sum3A_24 = arith.constant dense<0.000000e+00> : vector<8xf32>
    %reduce_sum3A_25 = vector.multi_reduction <add>, %get3A_21, %reduce_sum3A_24 [1] : vector<8x10240xf32> to vector<8xf32>
    %broadcast_in_dim3A_26 = vector.shape_cast %reduce_sum3A_25 : vector<8xf32> to vector<8x1xf32>
    %broadcast_in_dim3A_27 = vector.shape_cast %broadcast_in_dim3A_26 : vector<8x1xf32> to vector<8x1xf32>
    %broadcast_in_dim3A_28 = vector.broadcast %broadcast_in_dim3A_27 : vector<8x1xf32> to vector<8x128xf32>
    %slice3A = vector.extract_strided_slice %dot_general3A_8 {offsets = [0, 0], sizes = [1, 128], strides = [1, 1]} : vector<8x128xf32> to vector<1x128xf32>
    %slice3A_29 = vector.extract_strided_slice %dot_general3A_8 {offsets = [1, 0], sizes = [1, 128], strides = [1, 1]} : vector<8x128xf32> to vector<1x128xf32>
    %slice3A_30 = vector.extract_strided_slice %dot_general3A_8 {offsets = [2, 0], sizes = [1, 128], strides = [1, 1]} : vector<8x128xf32> to vector<1x128xf32>
    %slice3A_31 = vector.extract_strided_slice %dot_general3A_8 {offsets = [3, 0], sizes = [1, 128], strides = [1, 1]} : vector<8x128xf32> to vector<1x128xf32>
    %slice3A_32 = vector.extract_strided_slice %broadcast_in_dim3A_12 {offsets = [0, 0], sizes = [1, 128], strides = [1, 1]} : vector<8x128xf32> to vector<1x128xf32>
    %slice3A_33 = vector.extract_strided_slice %broadcast_in_dim3A_12 {offsets = [1, 0], sizes = [1, 128], strides = [1, 1]} : vector<8x128xf32> to vector<1x128xf32>
    %slice3A_34 = vector.extract_strided_slice %broadcast_in_dim3A_12 {offsets = [2, 0], sizes = [1, 128], strides = [1, 1]} : vector<8x128xf32> to vector<1x128xf32>
    %get3A_35 = arith.constant 0 : index
    %get3A_36 = arith.constant 0 : index
    %get3A_37 = arith.constant 0 : index
    %get3A_38 = vector.load %arg3[%get3A_35, %get3A_36, %get3A_37] : memref<3x128x128xf32, #tpu.memory_space<vmem>>, vector<1x128x128xf32>
    %get3A_39 = vector.shape_cast %get3A_38 : vector<1x128x128xf32> to vector<128x128xf32>
    %dot_general3A_40 = arith.constant dense<0.000000e+00> : vector<1x128xf32>
    %dot_general3A_41 = tpu.matmul %slice3A, %get3A_39, %dot_general3A_40 {dimension_numbers = #tpu.dot_dimension_numbers<[1], [0], [0], [1], [0, 0, 1, 1], [], []>, precision = #tpu.contract_precision<fp32>, transpose_lhs_hint = false} : vector<1x128xf32>, vector<128x128xf32>, vector<1x128xf32> -> vector<1x128xf32>
    %get3A_42 = arith.constant 0 : index
    %get3A_43 = arith.constant 0 : index
    %get3A_44 = arith.constant 0 : index
    %get3A_45 = vector.load %arg4[%get3A_42, %get3A_43, %get3A_44] : memref<3x128x128xf32, #tpu.memory_space<vmem>>, vector<1x128x128xf32>
    %get3A_46 = vector.shape_cast %get3A_45 : vector<1x128x128xf32> to vector<128x128xf32>
    %dot_general3A_47 = arith.constant dense<0.000000e+00> : vector<1x128xf32>
    %dot_general3A_48 = tpu.matmul %slice3A_29, %get3A_46, %dot_general3A_47 {dimension_numbers = #tpu.dot_dimension_numbers<[1], [0], [0], [1], [0, 0, 1, 1], [], []>, precision = #tpu.contract_precision<fp32>, transpose_lhs_hint = false} : vector<1x128xf32>, vector<128x128xf32>, vector<1x128xf32> -> vector<1x128xf32>
    %add3A = arith.addf %dot_general3A_41, %dot_general3A_48 : vector<1x128xf32>
    %get3A_49 = arith.constant 0 : index
    %get3A_50 = arith.constant 0 : index
    %get3A_51 = arith.constant 0 : index
    %get3A_52 = vector.load %arg5[%get3A_49, %get3A_50, %get3A_51] : memref<3x1x128xf32, #tpu.memory_space<vmem>>, vector<1x1x128xf32>
    %get3A_53 = vector.shape_cast %get3A_52 : vector<1x1x128xf32> to vector<1x128xf32>
    %mul3A = arith.mulf %slice3A_32, %get3A_53 : vector<1x128xf32>
    %add3A_54 = arith.addf %add3A, %mul3A : vector<1x128xf32>
    %get3A_55 = arith.constant 0 : index
    %get3A_56 = arith.constant 0 : index
    %get3A_57 = arith.constant 0 : index
    %get3A_58 = vector.load %arg3[%get3A_55, %get3A_56, %get3A_57] : memref<3x128x128xf32, #tpu.memory_space<vmem>>, vector<1x128x128xf32>
    %get3A_59 = vector.shape_cast %get3A_58 : vector<1x128x128xf32> to vector<128x128xf32>
    %dot_general3A_60 = arith.constant dense<0.000000e+00> : vector<1x128xf32>
    %dot_general3A_61 = tpu.matmul %slice3A_29, %get3A_59, %dot_general3A_60 {dimension_numbers = #tpu.dot_dimension_numbers<[1], [0], [0], [1], [0, 0, 1, 1], [], []>, precision = #tpu.contract_precision<fp32>, transpose_lhs_hint = false} : vector<1x128xf32>, vector<128x128xf32>, vector<1x128xf32> -> vector<1x128xf32>
    %get3A_62 = arith.constant 0 : index
    %get3A_63 = arith.constant 0 : index
    %get3A_64 = arith.constant 0 : index
    %get3A_65 = vector.load %arg4[%get3A_62, %get3A_63, %get3A_64] : memref<3x128x128xf32, #tpu.memory_space<vmem>>, vector<1x128x128xf32>
    %get3A_66 = vector.shape_cast %get3A_65 : vector<1x128x128xf32> to vector<128x128xf32>
    %dot_general3A_67 = arith.constant dense<0.000000e+00> : vector<1x128xf32>
    %dot_general3A_68 = tpu.matmul %slice3A_30, %get3A_66, %dot_general3A_67 {dimension_numbers = #tpu.dot_dimension_numbers<[1], [0], [0], [1], [0, 0, 1, 1], [], []>, precision = #tpu.contract_precision<fp32>, transpose_lhs_hint = false} : vector<1x128xf32>, vector<128x128xf32>, vector<1x128xf32> -> vector<1x128xf32>
    %add3A_69 = arith.addf %dot_general3A_61, %dot_general3A_68 : vector<1x128xf32>
    %get3A_70 = arith.constant 0 : index
    %get3A_71 = arith.constant 0 : index
    %get3A_72 = arith.constant 0 : index
    %get3A_73 = vector.load %arg5[%get3A_70, %get3A_71, %get3A_72] : memref<3x1x128xf32, #tpu.memory_space<vmem>>, vector<1x1x128xf32>
    %get3A_74 = vector.shape_cast %get3A_73 : vector<1x1x128xf32> to vector<1x128xf32>
    %mul3A_75 = arith.mulf %slice3A_33, %get3A_74 : vector<1x128xf32>
    %add3A_76 = arith.addf %add3A_69, %mul3A_75 : vector<1x128xf32>
    %get3A_77 = arith.constant 0 : index
    %get3A_78 = arith.constant 0 : index
    %get3A_79 = arith.constant 0 : index
    %get3A_80 = vector.load %arg3[%get3A_77, %get3A_78, %get3A_79] : memref<3x128x128xf32, #tpu.memory_space<vmem>>, vector<1x128x128xf32>
    %get3A_81 = vector.shape_cast %get3A_80 : vector<1x128x128xf32> to vector<128x128xf32>
    %dot_general3A_82 = arith.constant dense<0.000000e+00> : vector<1x128xf32>
    %dot_general3A_83 = tpu.matmul %slice3A_30, %get3A_81, %dot_general3A_82 {dimension_numbers = #tpu.dot_dimension_numbers<[1], [0], [0], [1], [0, 0, 1, 1], [], []>, precision = #tpu.contract_precision<fp32>, transpose_lhs_hint = false} : vector<1x128xf32>, vector<128x128xf32>, vector<1x128xf32> -> vector<1x128xf32>
    %get3A_84 = arith.constant 0 : index
    %get3A_85 = arith.constant 0 : index
    %get3A_86 = arith.constant 0 : index
    %get3A_87 = vector.load %arg4[%get3A_84, %get3A_85, %get3A_86] : memref<3x128x128xf32, #tpu.memory_space<vmem>>, vector<1x128x128xf32>
    %get3A_88 = vector.shape_cast %get3A_87 : vector<1x128x128xf32> to vector<128x128xf32>
    %dot_general3A_89 = arith.constant dense<0.000000e+00> : vector<1x128xf32>
    %dot_general3A_90 = tpu.matmul %slice3A_31, %get3A_88, %dot_general3A_89 {dimension_numbers = #tpu.dot_dimension_numbers<[1], [0], [0], [1], [0, 0, 1, 1], [], []>, precision = #tpu.contract_precision<fp32>, transpose_lhs_hint = false} : vector<1x128xf32>, vector<128x128xf32>, vector<1x128xf32> -> vector<1x128xf32>
    %add3A_91 = arith.addf %dot_general3A_83, %dot_general3A_90 : vector<1x128xf32>
    %get3A_92 = arith.constant 0 : index
    %get3A_93 = arith.constant 0 : index
    %get3A_94 = arith.constant 0 : index
    %get3A_95 = vector.load %arg5[%get3A_92, %get3A_93, %get3A_94] : memref<3x1x128xf32, #tpu.memory_space<vmem>>, vector<1x1x128xf32>
    %get3A_96 = vector.shape_cast %get3A_95 : vector<1x1x128xf32> to vector<1x128xf32>
    %mul3A_97 = arith.mulf %slice3A_34, %get3A_96 : vector<1x128xf32>
    %add3A_98 = arith.addf %add3A_91, %mul3A_97 : vector<1x128xf32>
    %get3A_99 = arith.constant 1 : index
    %get3A_100 = arith.constant 0 : index
    %get3A_101 = arith.constant 0 : index
    %get3A_102 = vector.load %arg3[%get3A_99, %get3A_100, %get3A_101] : memref<3x128x128xf32, #tpu.memory_space<vmem>>, vector<1x128x128xf32>
    %get3A_103 = vector.shape_cast %get3A_102 : vector<1x128x128xf32> to vector<128x128xf32>
    %dot_general3A_104 = arith.constant dense<0.000000e+00> : vector<1x128xf32>
    %dot_general3A_105 = tpu.matmul %add3A_54, %get3A_103, %dot_general3A_104 {dimension_numbers = #tpu.dot_dimension_numbers<[1], [0], [0], [1], [0, 0, 1, 1], [], []>, precision = #tpu.contract_precision<fp32>, transpose_lhs_hint = false} : vector<1x128xf32>, vector<128x128xf32>, vector<1x128xf32> -> vector<1x128xf32>
    %get3A_106 = arith.constant 1 : index
    %get3A_107 = arith.constant 0 : index
    %get3A_108 = arith.constant 0 : index
    %get3A_109 = vector.load %arg4[%get3A_106, %get3A_107, %get3A_108] : memref<3x128x128xf32, #tpu.memory_space<vmem>>, vector<1x128x128xf32>
    %get3A_110 = vector.shape_cast %get3A_109 : vector<1x128x128xf32> to vector<128x128xf32>
    %dot_general3A_111 = arith.constant dense<0.000000e+00> : vector<1x128xf32>
    %dot_general3A_112 = tpu.matmul %add3A_76, %get3A_110, %dot_general3A_111 {dimension_numbers = #tpu.dot_dimension_numbers<[1], [0], [0], [1], [0, 0, 1, 1], [], []>, precision = #tpu.contract_precision<fp32>, transpose_lhs_hint = false} : vector<1x128xf32>, vector<128x128xf32>, vector<1x128xf32> -> vector<1x128xf32>
    %add3A_113 = arith.addf %dot_general3A_105, %dot_general3A_112 : vector<1x128xf32>
    %get3A_114 = arith.constant 1 : index
    %get3A_115 = arith.constant 0 : index
    %get3A_116 = arith.constant 0 : index
    %get3A_117 = vector.load %arg5[%get3A_114, %get3A_115, %get3A_116] : memref<3x1x128xf32, #tpu.memory_space<vmem>>, vector<1x1x128xf32>
    %get3A_118 = vector.shape_cast %get3A_117 : vector<1x1x128xf32> to vector<1x128xf32>
    %mul3A_119 = arith.mulf %slice3A_32, %get3A_118 : vector<1x128xf32>
    %add3A_120 = arith.addf %add3A_113, %mul3A_119 : vector<1x128xf32>
    %get3A_121 = arith.constant 1 : index
    %get3A_122 = arith.constant 0 : index
    %get3A_123 = arith.constant 0 : index
    %get3A_124 = vector.load %arg3[%get3A_121, %get3A_122, %get3A_123] : memref<3x128x128xf32, #tpu.memory_space<vmem>>, vector<1x128x128xf32>
    %get3A_125 = vector.shape_cast %get3A_124 : vector<1x128x128xf32> to vector<128x128xf32>
    %dot_general3A_126 = arith.constant dense<0.000000e+00> : vector<1x128xf32>
    %dot_general3A_127 = tpu.matmul %add3A_76, %get3A_125, %dot_general3A_126 {dimension_numbers = #tpu.dot_dimension_numbers<[1], [0], [0], [1], [0, 0, 1, 1], [], []>, precision = #tpu.contract_precision<fp32>, transpose_lhs_hint = false} : vector<1x128xf32>, vector<128x128xf32>, vector<1x128xf32> -> vector<1x128xf32>
    %get3A_128 = arith.constant 1 : index
    %get3A_129 = arith.constant 0 : index
    %get3A_130 = arith.constant 0 : index
    %get3A_131 = vector.load %arg4[%get3A_128, %get3A_129, %get3A_130] : memref<3x128x128xf32, #tpu.memory_space<vmem>>, vector<1x128x128xf32>
    %get3A_132 = vector.shape_cast %get3A_131 : vector<1x128x128xf32> to vector<128x128xf32>
    %dot_general3A_133 = arith.constant dense<0.000000e+00> : vector<1x128xf32>
    %dot_general3A_134 = tpu.matmul %add3A_98, %get3A_132, %dot_general3A_133 {dimension_numbers = #tpu.dot_dimension_numbers<[1], [0], [0], [1], [0, 0, 1, 1], [], []>, precision = #tpu.contract_precision<fp32>, transpose_lhs_hint = false} : vector<1x128xf32>, vector<128x128xf32>, vector<1x128xf32> -> vector<1x128xf32>
    %add3A_135 = arith.addf %dot_general3A_127, %dot_general3A_134 : vector<1x128xf32>
    %get3A_136 = arith.constant 1 : index
    %get3A_137 = arith.constant 0 : index
    %get3A_138 = arith.constant 0 : index
    %get3A_139 = vector.load %arg5[%get3A_136, %get3A_137, %get3A_138] : memref<3x1x128xf32, #tpu.memory_space<vmem>>, vector<1x1x128xf32>
    %get3A_140 = vector.shape_cast %get3A_139 : vector<1x1x128xf32> to vector<1x128xf32>
    %mul3A_141 = arith.mulf %slice3A_33, %get3A_140 : vector<1x128xf32>
    %add3A_142 = arith.addf %add3A_135, %mul3A_141 : vector<1x128xf32>
    %get3A_143 = arith.constant 2 : index
    %get3A_144 = arith.constant 0 : index
    %get3A_145 = arith.constant 0 : index
    %get3A_146 = vector.load %arg3[%get3A_143, %get3A_144, %get3A_145] : memref<3x128x128xf32, #tpu.memory_space<vmem>>, vector<1x128x128xf32>
    %get3A_147 = vector.shape_cast %get3A_146 : vector<1x128x128xf32> to vector<128x128xf32>
    %dot_general3A_148 = arith.constant dense<0.000000e+00> : vector<1x128xf32>
    %dot_general3A_149 = tpu.matmul %add3A_120, %get3A_147, %dot_general3A_148 {dimension_numbers = #tpu.dot_dimension_numbers<[1], [0], [0], [1], [0, 0, 1, 1], [], []>, precision = #tpu.contract_precision<fp32>, transpose_lhs_hint = false} : vector<1x128xf32>, vector<128x128xf32>, vector<1x128xf32> -> vector<1x128xf32>
    %get3A_150 = arith.constant 2 : index
    %get3A_151 = arith.constant 0 : index
    %get3A_152 = arith.constant 0 : index
    %get3A_153 = vector.load %arg4[%get3A_150, %get3A_151, %get3A_152] : memref<3x128x128xf32, #tpu.memory_space<vmem>>, vector<1x128x128xf32>
    %get3A_154 = vector.shape_cast %get3A_153 : vector<1x128x128xf32> to vector<128x128xf32>
    %dot_general3A_155 = arith.constant dense<0.000000e+00> : vector<1x128xf32>
    %dot_general3A_156 = tpu.matmul %add3A_142, %get3A_154, %dot_general3A_155 {dimension_numbers = #tpu.dot_dimension_numbers<[1], [0], [0], [1], [0, 0, 1, 1], [], []>, precision = #tpu.contract_precision<fp32>, transpose_lhs_hint = false} : vector<1x128xf32>, vector<128x128xf32>, vector<1x128xf32> -> vector<1x128xf32>
    %add3A_157 = arith.addf %dot_general3A_149, %dot_general3A_156 : vector<1x128xf32>
    %get3A_158 = arith.constant 2 : index
    %get3A_159 = arith.constant 0 : index
    %get3A_160 = arith.constant 0 : index
    %get3A_161 = vector.load %arg5[%get3A_158, %get3A_159, %get3A_160] : memref<3x1x128xf32, #tpu.memory_space<vmem>>, vector<1x1x128xf32>
    %get3A_162 = vector.shape_cast %get3A_161 : vector<1x1x128xf32> to vector<1x128xf32>
    %mul3A_163 = arith.mulf %slice3A_32, %get3A_162 : vector<1x128xf32>
    %add3A_164 = arith.addf %add3A_157, %mul3A_163 : vector<1x128xf32>
    %mul3A_165 = arith.constant 9.99999974E-5 : f32
    %mul3A_166 = vector.broadcast %mul3A_165 : f32 to vector<1x128xf32>
    %mul3A_167 = arith.mulf %add3A_164, %mul3A_166 : vector<1x128xf32>
    %slice3A_168 = vector.extract_strided_slice %dot_general3A_23 {offsets = [0, 0], sizes = [1, 128], strides = [1, 1]} : vector<8x128xf32> to vector<1x128xf32>
    %slice3A_169 = vector.extract_strided_slice %dot_general3A_23 {offsets = [1, 0], sizes = [1, 128], strides = [1, 1]} : vector<8x128xf32> to vector<1x128xf32>
    %slice3A_170 = vector.extract_strided_slice %dot_general3A_23 {offsets = [2, 0], sizes = [1, 128], strides = [1, 1]} : vector<8x128xf32> to vector<1x128xf32>
    %slice3A_171 = vector.extract_strided_slice %dot_general3A_23 {offsets = [3, 0], sizes = [1, 128], strides = [1, 1]} : vector<8x128xf32> to vector<1x128xf32>
    %slice3A_172 = vector.extract_strided_slice %broadcast_in_dim3A_28 {offsets = [0, 0], sizes = [1, 128], strides = [1, 1]} : vector<8x128xf32> to vector<1x128xf32>
    %slice3A_173 = vector.extract_strided_slice %broadcast_in_dim3A_28 {offsets = [1, 0], sizes = [1, 128], strides = [1, 1]} : vector<8x128xf32> to vector<1x128xf32>
    %slice3A_174 = vector.extract_strided_slice %broadcast_in_dim3A_28 {offsets = [2, 0], sizes = [1, 128], strides = [1, 1]} : vector<8x128xf32> to vector<1x128xf32>
    %get3A_175 = arith.constant 0 : index
    %get3A_176 = arith.constant 0 : index
    %get3A_177 = arith.constant 0 : index
    %get3A_178 = vector.load %arg6[%get3A_175, %get3A_176, %get3A_177] : memref<3x128x128xf32, #tpu.memory_space<vmem>>, vector<1x128x128xf32>
    %get3A_179 = vector.shape_cast %get3A_178 : vector<1x128x128xf32> to vector<128x128xf32>
    %dot_general3A_180 = arith.constant dense<0.000000e+00> : vector<1x128xf32>
    %dot_general3A_181 = tpu.matmul %slice3A_168, %get3A_179, %dot_general3A_180 {dimension_numbers = #tpu.dot_dimension_numbers<[1], [0], [0], [1], [0, 0, 1, 1], [], []>, precision = #tpu.contract_precision<fp32>, transpose_lhs_hint = false} : vector<1x128xf32>, vector<128x128xf32>, vector<1x128xf32> -> vector<1x128xf32>
    %get3A_182 = arith.constant 0 : index
    %get3A_183 = arith.constant 0 : index
    %get3A_184 = arith.constant 0 : index
    %get3A_185 = vector.load %arg7[%get3A_182, %get3A_183, %get3A_184] : memref<3x128x128xf32, #tpu.memory_space<vmem>>, vector<1x128x128xf32>
    %get3A_186 = vector.shape_cast %get3A_185 : vector<1x128x128xf32> to vector<128x128xf32>
    %dot_general3A_187 = arith.constant dense<0.000000e+00> : vector<1x128xf32>
    %dot_general3A_188 = tpu.matmul %slice3A_169, %get3A_186, %dot_general3A_187 {dimension_numbers = #tpu.dot_dimension_numbers<[1], [0], [0], [1], [0, 0, 1, 1], [], []>, precision = #tpu.contract_precision<fp32>, transpose_lhs_hint = false} : vector<1x128xf32>, vector<128x128xf32>, vector<1x128xf32> -> vector<1x128xf32>
    %add3A_189 = arith.addf %dot_general3A_181, %dot_general3A_188 : vector<1x128xf32>
    %get3A_190 = arith.constant 0 : index
    %get3A_191 = arith.constant 0 : index
    %get3A_192 = arith.constant 0 : index
    %get3A_193 = vector.load %arg8[%get3A_190, %get3A_191, %get3A_192] : memref<3x1x128xf32, #tpu.memory_space<vmem>>, vector<1x1x128xf32>
    %get3A_194 = vector.shape_cast %get3A_193 : vector<1x1x128xf32> to vector<1x128xf32>
    %mul3A_195 = arith.mulf %slice3A_172, %get3A_194 : vector<1x128xf32>
    %add3A_196 = arith.addf %add3A_189, %mul3A_195 : vector<1x128xf32>
    %get3A_197 = arith.constant 0 : index
    %get3A_198 = arith.constant 0 : index
    %get3A_199 = arith.constant 0 : index
    %get3A_200 = vector.load %arg6[%get3A_197, %get3A_198, %get3A_199] : memref<3x128x128xf32, #tpu.memory_space<vmem>>, vector<1x128x128xf32>
    %get3A_201 = vector.shape_cast %get3A_200 : vector<1x128x128xf32> to vector<128x128xf32>
    %dot_general3A_202 = arith.constant dense<0.000000e+00> : vector<1x128xf32>
    %dot_general3A_203 = tpu.matmul %slice3A_169, %get3A_201, %dot_general3A_202 {dimension_numbers = #tpu.dot_dimension_numbers<[1], [0], [0], [1], [0, 0, 1, 1], [], []>, precision = #tpu.contract_precision<fp32>, transpose_lhs_hint = false} : vector<1x128xf32>, vector<128x128xf32>, vector<1x128xf32> -> vector<1x128xf32>
    %get3A_204 = arith.constant 0 : index
    %get3A_205 = arith.constant 0 : index
    %get3A_206 = arith.constant 0 : index
    %get3A_207 = vector.load %arg7[%get3A_204, %get3A_205, %get3A_206] : memref<3x128x128xf32, #tpu.memory_space<vmem>>, vector<1x128x128xf32>
    %get3A_208 = vector.shape_cast %get3A_207 : vector<1x128x128xf32> to vector<128x128xf32>
    %dot_general3A_209 = arith.constant dense<0.000000e+00> : vector<1x128xf32>
    %dot_general3A_210 = tpu.matmul %slice3A_170, %get3A_208, %dot_general3A_209 {dimension_numbers = #tpu.dot_dimension_numbers<[1], [0], [0], [1], [0, 0, 1, 1], [], []>, precision = #tpu.contract_precision<fp32>, transpose_lhs_hint = false} : vector<1x128xf32>, vector<128x128xf32>, vector<1x128xf32> -> vector<1x128xf32>
    %add3A_211 = arith.addf %dot_general3A_203, %dot_general3A_210 : vector<1x128xf32>
    %get3A_212 = arith.constant 0 : index
    %get3A_213 = arith.constant 0 : index
    %get3A_214 = arith.constant 0 : index
    %get3A_215 = vector.load %arg8[%get3A_212, %get3A_213, %get3A_214] : memref<3x1x128xf32, #tpu.memory_space<vmem>>, vector<1x1x128xf32>
    %get3A_216 = vector.shape_cast %get3A_215 : vector<1x1x128xf32> to vector<1x128xf32>
    %mul3A_217 = arith.mulf %slice3A_173, %get3A_216 : vector<1x128xf32>
    %add3A_218 = arith.addf %add3A_211, %mul3A_217 : vector<1x128xf32>
    %get3A_219 = arith.constant 0 : index
    %get3A_220 = arith.constant 0 : index
    %get3A_221 = arith.constant 0 : index
    %get3A_222 = vector.load %arg6[%get3A_219, %get3A_220, %get3A_221] : memref<3x128x128xf32, #tpu.memory_space<vmem>>, vector<1x128x128xf32>
    %get3A_223 = vector.shape_cast %get3A_222 : vector<1x128x128xf32> to vector<128x128xf32>
    %dot_general3A_224 = arith.constant dense<0.000000e+00> : vector<1x128xf32>
    %dot_general3A_225 = tpu.matmul %slice3A_170, %get3A_223, %dot_general3A_224 {dimension_numbers = #tpu.dot_dimension_numbers<[1], [0], [0], [1], [0, 0, 1, 1], [], []>, precision = #tpu.contract_precision<fp32>, transpose_lhs_hint = false} : vector<1x128xf32>, vector<128x128xf32>, vector<1x128xf32> -> vector<1x128xf32>
    %get3A_226 = arith.constant 0 : index
    %get3A_227 = arith.constant 0 : index
    %get3A_228 = arith.constant 0 : index
    %get3A_229 = vector.load %arg7[%get3A_226, %get3A_227, %get3A_228] : memref<3x128x128xf32, #tpu.memory_space<vmem>>, vector<1x128x128xf32>
    %get3A_230 = vector.shape_cast %get3A_229 : vector<1x128x128xf32> to vector<128x128xf32>
    %dot_general3A_231 = arith.constant dense<0.000000e+00> : vector<1x128xf32>
    %dot_general3A_232 = tpu.matmul %slice3A_171, %get3A_230, %dot_general3A_231 {dimension_numbers = #tpu.dot_dimension_numbers<[1], [0], [0], [1], [0, 0, 1, 1], [], []>, precision = #tpu.contract_precision<fp32>, transpose_lhs_hint = false} : vector<1x128xf32>, vector<128x128xf32>, vector<1x128xf32> -> vector<1x128xf32>
    %add3A_233 = arith.addf %dot_general3A_225, %dot_general3A_232 : vector<1x128xf32>
    %get3A_234 = arith.constant 0 : index
    %get3A_235 = arith.constant 0 : index
    %get3A_236 = arith.constant 0 : index
    %get3A_237 = vector.load %arg8[%get3A_234, %get3A_235, %get3A_236] : memref<3x1x128xf32, #tpu.memory_space<vmem>>, vector<1x1x128xf32>
    %get3A_238 = vector.shape_cast %get3A_237 : vector<1x1x128xf32> to vector<1x128xf32>
    %mul3A_239 = arith.mulf %slice3A_174, %get3A_238 : vector<1x128xf32>
    %add3A_240 = arith.addf %add3A_233, %mul3A_239 : vector<1x128xf32>
    %get3A_241 = arith.constant 1 : index
    %get3A_242 = arith.constant 0 : index
    %get3A_243 = arith.constant 0 : index
    %get3A_244 = vector.load %arg6[%get3A_241, %get3A_242, %get3A_243] : memref<3x128x128xf32, #tpu.memory_space<vmem>>, vector<1x128x128xf32>
    %get3A_245 = vector.shape_cast %get3A_244 : vector<1x128x128xf32> to vector<128x128xf32>
    %dot_general3A_246 = arith.constant dense<0.000000e+00> : vector<1x128xf32>
    %dot_general3A_247 = tpu.matmul %add3A_196, %get3A_245, %dot_general3A_246 {dimension_numbers = #tpu.dot_dimension_numbers<[1], [0], [0], [1], [0, 0, 1, 1], [], []>, precision = #tpu.contract_precision<fp32>, transpose_lhs_hint = false} : vector<1x128xf32>, vector<128x128xf32>, vector<1x128xf32> -> vector<1x128xf32>
    %get3A_248 = arith.constant 1 : index
    %get3A_249 = arith.constant 0 : index
    %get3A_250 = arith.constant 0 : index
    %get3A_251 = vector.load %arg7[%get3A_248, %get3A_249, %get3A_250] : memref<3x128x128xf32, #tpu.memory_space<vmem>>, vector<1x128x128xf32>
    %get3A_252 = vector.shape_cast %get3A_251 : vector<1x128x128xf32> to vector<128x128xf32>
    %dot_general3A_253 = arith.constant dense<0.000000e+00> : vector<1x128xf32>
    %dot_general3A_254 = tpu.matmul %add3A_218, %get3A_252, %dot_general3A_253 {dimension_numbers = #tpu.dot_dimension_numbers<[1], [0], [0], [1], [0, 0, 1, 1], [], []>, precision = #tpu.contract_precision<fp32>, transpose_lhs_hint = false} : vector<1x128xf32>, vector<128x128xf32>, vector<1x128xf32> -> vector<1x128xf32>
    %add3A_255 = arith.addf %dot_general3A_247, %dot_general3A_254 : vector<1x128xf32>
    %get3A_256 = arith.constant 1 : index
    %get3A_257 = arith.constant 0 : index
    %get3A_258 = arith.constant 0 : index
    %get3A_259 = vector.load %arg8[%get3A_256, %get3A_257, %get3A_258] : memref<3x1x128xf32, #tpu.memory_space<vmem>>, vector<1x1x128xf32>
    %get3A_260 = vector.shape_cast %get3A_259 : vector<1x1x128xf32> to vector<1x128xf32>
    %mul3A_261 = arith.mulf %slice3A_172, %get3A_260 : vector<1x128xf32>
    %add3A_262 = arith.addf %add3A_255, %mul3A_261 : vector<1x128xf32>
    %get3A_263 = arith.constant 1 : index
    %get3A_264 = arith.constant 0 : index
    %get3A_265 = arith.constant 0 : index
    %get3A_266 = vector.load %arg6[%get3A_263, %get3A_264, %get3A_265] : memref<3x128x128xf32, #tpu.memory_space<vmem>>, vector<1x128x128xf32>
    %get3A_267 = vector.shape_cast %get3A_266 : vector<1x128x128xf32> to vector<128x128xf32>
    %dot_general3A_268 = arith.constant dense<0.000000e+00> : vector<1x128xf32>
    %dot_general3A_269 = tpu.matmul %add3A_218, %get3A_267, %dot_general3A_268 {dimension_numbers = #tpu.dot_dimension_numbers<[1], [0], [0], [1], [0, 0, 1, 1], [], []>, precision = #tpu.contract_precision<fp32>, transpose_lhs_hint = false} : vector<1x128xf32>, vector<128x128xf32>, vector<1x128xf32> -> vector<1x128xf32>
    %get3A_270 = arith.constant 1 : index
    %get3A_271 = arith.constant 0 : index
    %get3A_272 = arith.constant 0 : index
    %get3A_273 = vector.load %arg7[%get3A_270, %get3A_271, %get3A_272] : memref<3x128x128xf32, #tpu.memory_space<vmem>>, vector<1x128x128xf32>
    %get3A_274 = vector.shape_cast %get3A_273 : vector<1x128x128xf32> to vector<128x128xf32>
    %dot_general3A_275 = arith.constant dense<0.000000e+00> : vector<1x128xf32>
    %dot_general3A_276 = tpu.matmul %add3A_240, %get3A_274, %dot_general3A_275 {dimension_numbers = #tpu.dot_dimension_numbers<[1], [0], [0], [1], [0, 0, 1, 1], [], []>, precision = #tpu.contract_precision<fp32>, transpose_lhs_hint = false} : vector<1x128xf32>, vector<128x128xf32>, vector<1x128xf32> -> vector<1x128xf32>
    %add3A_277 = arith.addf %dot_general3A_269, %dot_general3A_276 : vector<1x128xf32>
    %get3A_278 = arith.constant 1 : index
    %get3A_279 = arith.constant 0 : index
    %get3A_280 = arith.constant 0 : index
    %get3A_281 = vector.load %arg8[%get3A_278, %get3A_279, %get3A_280] : memref<3x1x128xf32, #tpu.memory_space<vmem>>, vector<1x1x128xf32>
    %get3A_282 = vector.shape_cast %get3A_281 : vector<1x1x128xf32> to vector<1x128xf32>
    %mul3A_283 = arith.mulf %slice3A_173, %get3A_282 : vector<1x128xf32>
    %add3A_284 = arith.addf %add3A_277, %mul3A_283 : vector<1x128xf32>
    %get3A_285 = arith.constant 2 : index
    %get3A_286 = arith.constant 0 : index
    %get3A_287 = arith.constant 0 : index
    %get3A_288 = vector.load %arg6[%get3A_285, %get3A_286, %get3A_287] : memref<3x128x128xf32, #tpu.memory_space<vmem>>, vector<1x128x128xf32>
    %get3A_289 = vector.shape_cast %get3A_288 : vector<1x128x128xf32> to vector<128x128xf32>
    %dot_general3A_290 = arith.constant dense<0.000000e+00> : vector<1x128xf32>
    %dot_general3A_291 = tpu.matmul %add3A_262, %get3A_289, %dot_general3A_290 {dimension_numbers = #tpu.dot_dimension_numbers<[1], [0], [0], [1], [0, 0, 1, 1], [], []>, precision = #tpu.contract_precision<fp32>, transpose_lhs_hint = false} : vector<1x128xf32>, vector<128x128xf32>, vector<1x128xf32> -> vector<1x128xf32>
    %get3A_292 = arith.constant 2 : index
    %get3A_293 = arith.constant 0 : index
    %get3A_294 = arith.constant 0 : index
    %get3A_295 = vector.load %arg7[%get3A_292, %get3A_293, %get3A_294] : memref<3x128x128xf32, #tpu.memory_space<vmem>>, vector<1x128x128xf32>
    %get3A_296 = vector.shape_cast %get3A_295 : vector<1x128x128xf32> to vector<128x128xf32>
    %dot_general3A_297 = arith.constant dense<0.000000e+00> : vector<1x128xf32>
    %dot_general3A_298 = tpu.matmul %add3A_284, %get3A_296, %dot_general3A_297 {dimension_numbers = #tpu.dot_dimension_numbers<[1], [0], [0], [1], [0, 0, 1, 1], [], []>, precision = #tpu.contract_precision<fp32>, transpose_lhs_hint = false} : vector<1x128xf32>, vector<128x128xf32>, vector<1x128xf32> -> vector<1x128xf32>
    %add3A_299 = arith.addf %dot_general3A_291, %dot_general3A_298 : vector<1x128xf32>
    %get3A_300 = arith.constant 2 : index
    %get3A_301 = arith.constant 0 : index
    %get3A_302 = arith.constant 0 : index
    %get3A_303 = vector.load %arg8[%get3A_300, %get3A_301, %get3A_302] : memref<3x1x128xf32, #tpu.memory_space<vmem>>, vector<1x1x128xf32>
    %get3A_304 = vector.shape_cast %get3A_303 : vector<1x1x128xf32> to vector<1x128xf32>
    %mul3A_305 = arith.mulf %slice3A_172, %get3A_304 : vector<1x128xf32>
    %add3A_306 = arith.addf %add3A_299, %mul3A_305 : vector<1x128xf32>
    %mul3A_307 = arith.constant 9.99999974E-5 : f32
    %mul3A_308 = vector.broadcast %mul3A_307 : f32 to vector<1x128xf32>
    %mul3A_309 = arith.mulf %add3A_306, %mul3A_308 : vector<1x128xf32>
    %concatenate3A_310 = tpu.concatenate %mul3A_167, %mul3A_309 in 1 : vector<1x128xf32>, vector<1x128xf32> -> vector<1x256xf32>
    %get3A_311 = arith.constant 0 : index
    %get3A_312 = arith.constant 0 : index
    %get3A_313 = vector.load %arg9[%get3A_311, %get3A_312] : memref<256x128xf32, #tpu.memory_space<vmem>>, vector<256x128xf32>
    %dot_general3A_314 = arith.constant dense<0.000000e+00> : vector<1x128xf32>
    %dot_general3A_315 = tpu.matmul %concatenate3A_310, %get3A_313, %dot_general3A_314 {dimension_numbers = #tpu.dot_dimension_numbers<[1], [0], [0], [1], [0, 0, 1, 1], [], []>, transpose_lhs_hint = false} : vector<1x256xf32>, vector<256x128xf32>, vector<1x128xf32> -> vector<1x128xf32>
    %get3A_316 = arith.constant 0 : index
    %get3A_317 = arith.constant 0 : index
    %get3A_318 = vector.load %arg10[%get3A_316, %get3A_317] : memref<1x128xf32, #tpu.memory_space<vmem>>, vector<1x128xf32>
    %add3A_319 = arith.addf %dot_general3A_315, %get3A_318 : vector<1x128xf32>
    %max3A = arith.constant 0.000000e+00 : f32
    %max3A_320 = vector.broadcast %max3A : f32 to vector<1x128xf32>
    %max3A_321 = arith.maximumf %add3A_319, %max3A_320 : vector<1x128xf32>
    %get3A_322 = arith.constant 0 : index
    %get3A_323 = arith.constant 0 : index
    %get3A_324 = vector.load %arg11[%get3A_322, %get3A_323] : memref<128x64xf32, #tpu.memory_space<vmem>>, vector<128x64xf32>
    %dot_general3A_325 = arith.constant dense<0.000000e+00> : vector<1x64xf32>
    %dot_general3A_326 = tpu.matmul %max3A_321, %get3A_324, %dot_general3A_325 {dimension_numbers = #tpu.dot_dimension_numbers<[1], [0], [0], [1], [0, 0, 1, 1], [], []>, transpose_lhs_hint = false} : vector<1x128xf32>, vector<128x64xf32>, vector<1x64xf32> -> vector<1x64xf32>
    %get3A_327 = arith.constant 0 : index
    %get3A_328 = arith.constant 0 : index
    %get3A_329 = vector.load %arg12[%get3A_327, %get3A_328] : memref<1x64xf32, #tpu.memory_space<vmem>>, vector<1x64xf32>
    %add3A_330 = arith.addf %dot_general3A_326, %get3A_329 : vector<1x64xf32>
    %gt3A = arith.constant 0.000000e+00 : f32
    %gt3A_331 = vector.broadcast %gt3A : f32 to vector<1x64xf32>
    %gt3A_332 = arith.cmpf ogt, %add3A_330, %gt3A_331 : vector<1x64xf32>
    %mul3A_333 = arith.constant 0.00999999977 : f32
    %mul3A_334 = vector.broadcast %mul3A_333 : f32 to vector<1x64xf32>
    %mul3A_335 = arith.mulf %mul3A_334, %add3A_330 : vector<1x64xf32>
    %select_n3A = arith.select %gt3A_332, %add3A_330, %mul3A_335 : vector<1x64xi1>, vector<1x64xf32>
    %get3A_336 = arith.constant 0 : index
    %get3A_337 = arith.constant 0 : index
    %get3A_338 = vector.load %arg13[%get3A_336, %get3A_337] : memref<1x64xf32, #tpu.memory_space<vmem>>, vector<1x64xf32>
    %mul3A_339 = arith.mulf %select_n3A, %get3A_338 : vector<1x64xf32>
    %reduce_sum3A_340 = arith.constant dense<0.000000e+00> : vector<1xf32>
    %reduce_sum3A_341 = vector.multi_reduction <add>, %mul3A_339, %reduce_sum3A_340 [1] : vector<1x64xf32> to vector<1xf32>
    %broadcast_in_dim3A_342 = vector.shape_cast %reduce_sum3A_341 : vector<1xf32> to vector<1x1xf32>
    %get3A_343 = arith.constant 0 : index
    %get3A_344 = arith.constant 0 : index
    %get3A_345 = vector.load %arg14[%get3A_343, %get3A_344] : memref<1x1xf32, #tpu.memory_space<vmem>>, vector<1x1xf32>
    %add3A_346 = arith.addf %broadcast_in_dim3A_342, %get3A_345 : vector<1x1xf32>
    %broadcast_in_dim3A_347 = vector.shape_cast %add3A_346 : vector<1x1xf32> to vector<1x1xf32>
    %broadcast_in_dim3A_348 = vector.broadcast %broadcast_in_dim3A_347 : vector<1x1xf32> to vector<1x128xf32>
    %swap3A = arith.constant 0 : index
    %swap3A_349 = arith.constant 0 : index
    %swap3A_350 = vector.load %arg15[%swap3A, %swap3A_349] : memref<1x128xf32, #tpu.memory_space<vmem>>, vector<1x128xf32>
    tpu.vector_store %arg15[%swap3A, %swap3A_349], %broadcast_in_dim3A_348 {strides = array<i32>} : memref<1x128xf32, #tpu.memory_space<vmem>>, vector<1x128xf32>,
    return
  }
}

</mosaic_0001>

<sc_bundles>
// kernel: kernel.5.cloned.1.call-start
scs
__scs_entry_jumppad:
0x0: {  	(pc) =	sbr.rel $0x88, $3  }
0x1: {  	(tag) =	ssettag $0x0;
	lr =	simm.s32 $0x1  }
0x2: {  	[smem:$0x3F8D] =	sst lr;
	_ =	strace $0xD0000000  }
0x3: {  	_ = 	snop  }
0x4: {  	_ = 	snop  }
0x5: {  	_ = 	snop  }
0x6: {  	_ = 	snop  }
0x7: {  	_ = 	snop  }
__scs_overlays_trampoline_lowered:
0x8: {  	[smem:$0x3F9C] =	sst s0  }
0x9: {  	[smem:$0x3F9D] =	sst s1  }
0xa: {  	[smem:$0x3F9E] =	sst s2  }
0xb: {  	[smem:$0x3F9F] =	sst s3  }
0xc: {  	[smem:$0x3FA0] =	sst s4  }
0xd: {  	[smem:$0x3FA1] =	sst s5  }
0xe: {  	[smem:$0x3FA2] =	sst s6  }
0xf: {  	[smem:$0x3FA3] =	sst s7  }
0x10: {  	[smem:$0x3FA4] =	sst s8  }
0x11: {  	[smem:$0x3FA5] =	sst s9;
	s0 =	simm.s32 @!p0 $0x0  }
0x12: {  	s1 =	sld [smem:$0x3F8B];
	s0 =	simm.s32 @p0 $0x1  }
0x13: {  	[smem:$0x3FA6] =	sst s0;
	s0 =	simm.s32 @!p1 $0x0  }
0x14: {  	s2 =	sld [smem:$0x3F8A];
	s0 =	simm.s32 @p1 $0x1  }
0x15: {  	[smem:$0x3FA7] =	sst s0;
	s0 =	simm.s32 @!p2 $0x0  }
0x16: {  	s3 =	sld [smem:$0x3FDB];
	s0 =	simm.s32 @p2 $0x1  }
0x17: {  	s4 =	simm.s32 $0x1BF5;
	[smem:$0x3FA9] =	sst s0  }
0x18: {  	s0 =	sld [smem:$0x3F8C];
	_ =	swait.ge [sflag:s4], $0x0  }
0x19: {  	s7 =	sld [smem:$0x3F8D]  }
0x1a: {  	s8 =	sadd.s32 $0xFFFFE003, lr  }
0x1b: {  	s9 =	sadd.s32 $0xFFFFFEF7, lr;
	s5 =	simm.s32 $0xFFFFFFFF;
	p2 =	slt.u32 s8, $0xFFFFF086  }
0x1c: {  	p1 =	slt.u32 s9, $0xF7A;
	s5 =	simm.s32 @!p2 $0x0  }
0x1d: {  	s5 =	simm.s32 @p1 $0x1;
	p0 =	seq.s32 s7, s2  }
0x1e: {  	s7 =	smul.u32 @!p0 $0xF7A, s2;
	p2 =	seq.s32 @!p0 s5, $0x0  }
0x1f: {  	s9 =	smul.u32 $0xF7A, s1;
	s8 =	simm.s32 @!p0 $0x1BF5;
	p2 =	por !p2, p0  }
0x20: {  	[sflag:s8] =	ssyncset.s32 @!p0 $0xFFFFF086;
	s6 =	sadd.s32 @!p0 s3, s7;
	s7 =	simm.s32 @!p0 $0x108  }
0x21: {  	s3 =	sadd.s32 s3, s9;
	s6 =	sadd.s32 @!p0 $0x88, s6;
	s7 =	simm.s32 @p2 $0x1082  }
0x22: {  	[simem:s7], [sflag:s8] =	dma.local @!p0 [hbm:s6], $0xF7A  }
0x23: {  	s9 =	sor.u32 $0xD0000000, s2;
	s6 =	simm.s32 $0x108;
	_ =	swait.ge @!p0 [sflag:s8], $0x0  }
0x24: {  	s3 =	sadd.s32 $0x88, s3;
	s6 =	simm.s32 @!p1 $0x1082;
	[sflag:s4] =	ssyncset.s32 $0xFFFFF086  }
0x25: {  	[simem:s6], [sflag:s4] =	dma.local [hbm:s3], $0xF7A  }
0x26: {  	[smem:$0x3F8D] =	sst s1;
	(tag) =	ssettag s2;
	_ =	strace s9  }
0x27: {  	s1 =	sld [smem:$0x3F9D]  }
0x28: {  	s2 =	sld [smem:$0x3F9E]  }
0x29: {  	s4 =	sld [smem:$0x3FA0]  }
0x2a: {  	p0 =	seq.s32 s5, $0x0;
	s5 =	sld [smem:$0x3FA1]  }
0x2b: {  	s6 =	sld [smem:$0x3FA2]  }
0x2c: {  	s7 =	sld [smem:$0x3FA3]  }
0x2d: {  	s3 =	simm.s32 $0x108;
	s8 =	sld [smem:$0x3FA4]  }
0x2e: {  	s3 =	simm.s32 @!p0 $0x1082;
	s9 =	sld [smem:$0x3FA5]  }
0x2f: {  	lr =	sadd.s32 s0, s3;
	s0 =	sld [smem:$0x3F9C]  }
0x30: {  	s3 =	sld [smem:$0x3F9F]  }
0x31: {  	[smem:$0x3FA8] =	sst s10  }
0x32: {  	s10 =	sld [smem:$0x3FA6];
	_ =	sdelay $0x3  }
0x33: {  	p0 =	seq.s32 s10, $0x1;
	s10 =	sld [smem:$0x3FA8];
	_ =	sdelay $0x3  }
0x34: {  	[smem:$0x3FA8] =	sst s10  }
0x35: {  	s10 =	sld [smem:$0x3FA7];
	_ =	sdelay $0x3  }
0x36: {  	p1 =	seq.s32 s10, $0x1;
	s10 =	sld [smem:$0x3FA8];
	_ =	sdelay $0x3  }
0x37: {  	[smem:$0x3FA8] =	sst s10  }
0x38: {  	s10 =	sld [smem:$0x3FA9]  }
0x39: {  	_ = 	snop;
	(pc) =	sbr.ind lr, $3  }
0x3a: {  	_ = 	snop  }
0x3b: {  	_ = 	snop  }
0x3c: {  	p2 =	seq.s32 s10, $0x1;
	s10 =	sld [smem:$0x3FA8]  }
0x3d: {  	_ =	shalt  }
0x3e: {  	_ =	shalt  }
0x3f: {  	_ =	shalt  }
0x40: {  	_ =	shalt  }
0x41: {  	_ =	shalt  }
0x42: {  	_ =	shalt  }
0x43: {  	_ =	shalt  }
0x44: {  	_ =	shalt  }
0x45: {  	_ =	shalt  }
0x46: {  	_ =	shalt  }
0x47: {  	_ =	shalt  }
0x48: {  	_ =	shalt  }
0x49: {  	_ =	shalt  }
0x4a: {  	_ =	shalt  }
0x4b: {  	_ =	shalt  }
0x4c: {  	_ =	shalt  }
0x4d: {  	_ =	shalt  }
0x4e: {  	_ =	shalt  }
0x4f: {  	_ =	shalt  }
0x50: {  	_ =	shalt  }
0x51: {  	_ =	shalt  }
0x52: {  	_ =	shalt  }
0x53: {  	_ =	shalt  }
0x54: {  	_ =	shalt  }
0x55: {  	_ =	shalt  }
0x56: {  	_ =	shalt  }
0x57: {  	_ =	shalt  }
0x58: {  	_ =	shalt  }
0x59: {  	_ =	shalt  }
0x5a: {  	_ =	shalt  }
0x5b: {  	_ =	shalt  }
0x5c: {  	_ =	shalt  }
0x5d: {  	_ =	shalt  }
0x5e: {  	_ =	shalt  }
0x5f: {  	_ =	shalt  }
0x60: {  	_ =	shalt  }
0x61: {  	_ =	shalt  }
0x62: {  	_ =	shalt  }
0x63: {  	_ =	shalt  }
0x64: {  	_ =	shalt  }
0x65: {  	_ =	shalt  }
0x66: {  	_ =	shalt  }
0x67: {  	_ =	shalt  }
0x68: {  	_ =	shalt  }
0x69: {  	_ =	shalt  }
0x6a: {  	_ =	shalt  }
0x6b: {  	_ =	shalt  }
0x6c: {  	_ =	shalt  }
0x6d: {  	_ =	shalt  }
0x6e: {  	_ =	shalt  }
0x6f: {  	_ =	shalt  }
0x70: {  	_ =	shalt  }
0x71: {  	_ =	shalt  }
0x72: {  	_ =	shalt  }
0x73: {  	_ =	shalt  }
0x74: {  	_ =	shalt  }
0x75: {  	_ =	shalt  }
0x76: {  	_ =	shalt  }
0x77: {  	_ =	shalt  }
0x78: {  	_ =	shalt  }
0x79: {  	_ =	shalt  }
0x7a: {  	_ =	shalt  }
0x7b: {  	_ =	shalt  }
0x7c: {  	_ =	shalt  }
0x7d: {  	_ =	shalt  }
0x7e: {  	_ =	shalt  }
0x7f: {  	_ =	shalt  }
0x80: {  	_ =	shalt  }
0x81: {  	_ =	shalt  }
0x82: {  	_ =	shalt  }
0x83: {  	_ =	shalt  }
0x84: {  	_ =	shalt  }
0x85: {  	_ =	shalt  }
0x86: {  	_ =	shalt  }
0x87: {  	_ =	shalt  }
.Lfunc_end0:
.L_simem_size_0:
called_computation_lowered:
.L_overlay_start_0:
0x88: {  	s2 =	sld [smem:$0x3FD9]  }
0x89: {  	s3 =	sld [smem:$0x3FFE];
	_ =	sdelay $0x1  }
0x8a: {  	s1 =	srdreg.scid  }
0x8b: {  	s0 =	sand.u32 $0x1, s1  }
0x8c: {  	s16 =	sshll.u32 s0, $0xA;
	s2 =	sadd.s32 s3, s2  }
0x8d: {  	s2 =	sadd.s32 s2, s16  }
0x8e: {  	[smem:$0x3FB4] =	sst s2  }
0x8f: {  	_ = 	snop  }
0x90: {  	(tm) =	ssettm $0x1  }
0x91: {  	s17 =	sld [smem:$0x3FFB];
	_ =	sdelay $0x3  }
0x92: {  	_ =	strace s17  }
0x93: {  	s2 =	sld [smem:$0x3FFC];
	_ =	sdelay $0x3  }
0x94: {  	_ =	strace s2  }
0x95: {  	s2 =	sld [smem:$0x3FFD];
	_ =	sdelay $0x3  }
0x96: {  	_ =	strace s2  }
0x97: {  	_ =	strace $0x8FFFFFFF  }
0x98: {  	s18 =	sld [smem:$0x3FDB];
	_ =	sdelay $0x1  }
0x99: {  	s19 =	simm.s32 $_scs_section_size  }
0x9a: {  	s4 =	simm.s32 $_size__tile_overlayer_lowered;
	s5 =	simm.s32 $_tile_overlayer_lowered  }
0x9b: {  	s22 =	simm.s32 $0x1BFF;
	s21 =	sshll.u32 s5, $0x1;
	s2 =	sadd.s32 s19, s18  }
0x9c: {  	s6 =	simm.s32 $0x0;
	s20 =	sshll.u32 s4, $0x1;
	s4 =	sadd.s32 s21, s2  }
0x9d: {  	[timem:s6], [sflag:s22] =	dma.local [hbm:s4], s20  }
0x9e: {  	_ =	swait.ge [sflag:s22], s20  }
0x9f: {  	s3 =	ssub.s32 $0x0, s20;
	[sflag:s22] =	ssyncset.done $0x0  }
0xa0: {  	[sflag:s22] =	ssyncadd.s32 s3;
	_ =	sdelay $0x1  }
0xa1: {  	s23 =	simm.s32 $0x1B8B  }
0xa2: {  	_ =	swait.ge [sflag:s23], $0x1  }
0xa3: {  	[sflag:s23] =	ssyncset.done $0x0  }
0xa4: {  	s25 =	simm.s32 $0x1B8E;
	s24 =	sld [smem:$0x3FFE];
	[sflag:s23] =	ssyncadd.s32 $0xFFFFFFFF  }
0xa5: {  	s26 =	simm.s32 $execute0_lowered;
	[smem:$0x3FD2] =	sst s25  }
0xa6: {  	s4 =	sshll.u32 s26, $0x1;
	_ =	strace $0x80000046;
	[dreg:$0x1] =	wrdreg $0xFFFFFFFF  }
0xa7: {  	s28 =	simm.s32 $_size_execute0_lowered;
	s2 =	sadd.s32 s2, s4;
	[dreg:$0x0] =	wrdreg $0x0  }
0xa8: {  	s4 =	sshll.u32 s28, $0x1;
	[dreg:$0x2] =	wrdreg s2  }
0xa9: {  	[dreg:$0x3] =	wrdreg s4  }
0xaa: {  	[dreg:$0x4] =	wrdreg $0xC0  }
0xab: {  	_ =	task [dreg:s6], $0x5FFFF  }
0xac: {  	[dreg:$0x1] =	wrdreg $0xFFFFFFFF  }
0xad: {  	[dreg:$0x0] =	wrdreg $0x60  }
0xae: {  	[dreg:$0x2] =	wrdreg s24  }
0xaf: {  	[dreg:$0x3] =	wrdreg $0xFD000  }
0xb0: {  	[dreg:$0x4] =	wrdreg $0xFA800  }
0xb1: {  	[dreg:$0x5] =	wrdreg $0x9  }
0xb2: {  	_ =	task.clear_ibuf [dreg:s6], $0x6FFFF;
	_ =	strace $0x90000046  }
0xb3: {  	s29 =	simm.s32 $0x9;
	_ =	strace $0x80000048  }
0xb4: {  	_ =	swait.ge [sflag:s29], $0x1  }
0xb5: {  	[sflag:s29] =	ssyncadd.s32 $0xFFFFFFFF  }
0xb6: {  	_ =	strace $0x90000048  }
0xb7: {  	_ =	sfence  }
0xb8: {  	s30 =	sld [smem:$0x0];
	_ =	sdelay $0x2  }
0xb9: {  	s31 =	sshll.u32 s1, $0xD;
	s1 =	sshrl.u32 s1, $0x2  }
0xba: {  	s3 =	sand.u32 $0x4000, s31;
	s1 =	sadd.s32 s1, s30  }
0xbb: {  	s0 =	sor.u32 s3, s0;
	s1 =	sshll.u32 s1, $0x11  }
0xbc: {  	s0 =	sor.u32 s1, s0  }
0xbd: {  	s0 =	sadd.s32 $0x8F2B, s0  }
0xbe: {  	[sflag:s0] =	ssyncadd.remote.s32 $0x1  }
0xbf: {  	_ =	sfence.sel $0xFFFF  }
0xc0: {  	[dreg:$0x0] =	wrdreg $0xFFFFFFFF;
	(pc) =	sbr.abs _section_cstart, $3  }
0xc1: {  	[dreg:$0x1] =	wrdreg $0xFFFFFFFF  }
0xc2: {  	_ =	task.clear_ibuf [dreg:s6], $0x2FFFF;
	_ =	strace $0x9FFFFFFF  }
0xc3: {  	(tm) =	ssettm $0x7FFFFFFF  }
tec
execute0_lowered:
.L_overlay_start_1:
0x0: {  	(tag) =	ssettag $0x1  }
0x1: {  	s9 =	rddreg [dreg:$0x0]  }
0x2: {  	s1 =	rddreg [dreg:$0x1];
	s3 =	srdreg.scid  }
0x3: {  	s2 =	rddreg [dreg:$0x2];
	s5 =	sand.u32 $0x1, s3  }
0x4: {  	s3 =	stileid.u32;
	s6 =	smul.u32 $0x14000, s5  }
0x5: {  	s0 =	rddreg [dreg:$0x3];
	s4 =	simm.s32 $0x0;
	s7 =	smul.u32 $0x1400, s3  }
0x6: {  	[smem:$0x7FF] =	sst s4;
	s18 =	ssub.s32 $0x2, s5;
	s8 =	smul.u32 $0x280, s3  }
0x7: {  	_ =	strace $0x80000047;
	s11 =	smul.u32 $0x5000, s3;
	s10 =	sshrl.u32 s18, $0x1  }
0x8: {  	p6 =	seq.s32 s5, $0x1;
	s6 =	sadd.s32 s7, s6;
	s13 =	ssub.s32 s18, s10  }
0x9: {  	s11 =	sshrl.u32 s11, $0x3;
	s19 =	sadd.s32 $0x190, s8;
	s20 =	sadd.s32 $0x1A0, s8  }
0xa: {  	s5 =	sadd.s32 s8, s1;
	s21 =	sadd.s32 $0x1B0, s8;
	s22 =	sadd.s32 $0x1C0, s8  }
0xb: {  	s23 =	sadd.s32 $0x1D0, s8;
	s24 =	sadd.s32 $0x1E0, s8;
	s25 =	sadd.s32 $0x1F0, s8  }
0xc: {  	s10 =	simm.s32 $0x17800;
	s14 =	sadd.s32 $0x200, s8;
	s15 =	sadd.s32 $0x210, s8  }
0xd: {  	s16 =	sadd.s32 $0x220, s8;
	s17 =	sadd.s32 $0x230, s8;
	s18 =	sadd.s32 $0x240, s8  }
0xe: {  	s7 =	sadd.s32 s8, s2;
	s6 =	sshrl.u32 s6, $0x3;
	p0 =	slt.u32 s19, $0x2710  }
0xf: {  	p3 =	slt.u32 s20, $0x2710;
	p2 =	slt.u32 s21, $0x2710;
	p1 =	slt.u32 s22, $0x2710  }
0x10: {  	s10 =	simm.s32 @!p6 $0x3800;
	s19 =	sadd.s32 $0x250, s8;
	s20 =	sadd.s32 $0x260, s8  }
0x11: {  	s21 =	sadd.s32 $0x270, s8;
	p5 =	slt.u32 s14, $0x2710;
	p4 =	slt.u32 s15, $0x2710  }
0x12: {  	p6 =	slt.u32 s17, $0x2710;
	s15 =	simm.s32 $0x5000;
	s17 =	simm.s32 $0x80  }
0x13: {  	v0 =	vimm.f32 $1.000000000e+00;
	s12 =	sadd.s32 s6, s9;
	s6 =	simm.s32 @!p1 $0x0;
	s22 =	sadd.s32 s10, s9  }
0x14: {  	v1 =	vpsel !p0, $0x0, v0;
	v3 =	vpsel !p2, $0x0, v0;
	p2 =	slt.u32 s18, $0x2710;
	p0 =	slt.u32 s20, $0x2710;
	s18 =	simm.s32 $0xF000  }
0x15: {  	s20 =	simm.s32 $0xF300;
	s6 =	simm.s32 @p1 $0x1;
	p1 =	slt.u32 s23, $0x2710  }
0x16: {  	s8 =	sadd.s32 $0x2B810, s12;
	s14 =	simm.s32 @!p0 $0x0;
	[smem:$0x7F9] =	sst s6  }
0x17: {  	s6 =	simm.s32 @!p1 $0x0;
	s14 =	simm.s32 @p0 $0x1;
	s26 =	sld [smem:$0x7F9]  }
0x18: {  	s6 =	simm.s32 @p1 $0x1;
	p1 =	slt.u32 s24, $0x2710;
	[smem:$0x7FD] =	sst s14  }
0x19: {  	s9 =	sadd.s32 $0x2B820, s12;
	[smem:$0x7FA] =	sst s6;
	s6 =	simm.s32 @!p1 $0x0  }
0x1a: {  	s6 =	simm.s32 @p1 $0x1;
	p1 =	slt.u32 s25, $0x2710;
	s28 =	sld [smem:$0x7FA]  }
0x1b: {  	s10 =	sadd.s32 $0x2B830, s12;
	[smem:$0x7FB] =	sst s6;
	s6 =	simm.s32 @!p1 $0x0  }
0x1c: {  	s11 =	sadd.s32 s22, s11;
	s6 =	simm.s32 @p1 $0x1;
	s29 =	sld [smem:$0x7FB]  }
0x1d: {  	s22 =	simm.s32 $0xF800;
	s23 =	simm.s32 $0x1;
	[smem:$0x7FC] =	sst s6  }
0x1e: {  	s14 =	simm.s32 $0x3;
	s24 =	simm.s32 $0x0;
	s30 =	sld [smem:$0x7FC]  }
0x1f: {  	v16 =	vimm.f32 $0.0e+00;
	v2 =	vpsel !p3, $0x0, v0;
	s31 =	sld [smem:$0x7FD];
	p3 =	seq.s32 s26, $0x1;
	p0 =	seq.s32 s28, $0x1  }
0x20: {  	v8 =	vpsel !p5, $0x0, v0;
	p1 =	slt.u32 s16, $0x2710;
	v4 =	vpsel !p3, $0x0, v0;
	p3 =	slt.u32 s19, $0x2710;
	v5 =	vpsel !p0, $0x0, v0;
	p0 =	seq.s32 s29, $0x1  }
0x21: {  	v9 =	vpsel !p4, $0x0, v0;
	v11 =	vpsel !p6, $0x0, v0;
	s16 =	simm.s32 $0xF080;
	s19 =	simm.s32 $0x2;
	v6 =	vpsel !p0, $0x0, v0;
	p0 =	seq.s32 s30, $0x1  }
0x22: {  	v12 =	vpsel !p2, $0x0, v0;
	p6 =	seq.s32 s31, $0x1;
	s6 =	sadd.s32 $0x2B800, s12;
	v10 =	vpsel !p1, $0x0, v0;
	v7 =	vpsel !p0, $0x0, v0;
	p0 =	slt.u32 s21, $0x2710  }
0x23: {  	s12 =	smax.u32 s13, $0x1;
	s13 =	sadd.s32 $0xA000, s11;
	v13 =	vpsel !p3, $0x0, v0;
	v14 =	vpsel !p6, $0x0, v0;
	s21 =	simm.s32 $0x400;
	v15 =	vpsel !p0, $0x0, v0  }
.LBB2_1:
0x24: {  	[tilespmem:$0xF000] =	vst v0  }
0x25: {  	[tilespmem:$0xF010] =	vst v0  }
0x26: {  	[tilespmem:$0xF020] =	vst v0  }
0x27: {  	[tilespmem:$0xF030] =	vst v0  }
0x28: {  	[tilespmem:$0xF040] =	vst v0  }
0x29: {  	[tilespmem:$0xF050] =	vst v0  }
0x2a: {  	[tilespmem:$0xF060] =	vst v0  }
0x2b: {  	[tilespmem:$0xF070] =	vst v0  }
0x2c: {  	[tilespmem:$0xF080] =	vst v16  }
0x2d: {  	[tilespmem:$0xF090] =	vst v16  }
0x2e: {  	[tilespmem:$0xF0A0] =	vst v16  }
0x2f: {  	[tilespmem:$0xF0B0] =	vst v16  }
0x30: {  	[tilespmem:$0xF0C0] =	vst v16  }
0x31: {  	[tilespmem:$0xF0D0] =	vst v16  }
0x32: {  	[tilespmem:$0xF0E0] =	vst v16  }
0x33: {  	[tilespmem:$0xF0F0] =	vst v16  }
0x34: {  	[tilespmem:$0xF100] =	vst v16  }
0x35: {  	[tilespmem:$0xF110] =	vst v16  }
0x36: {  	[tilespmem:$0xF120] =	vst v16  }
0x37: {  	[tilespmem:$0xF130] =	vst v16  }
0x38: {  	[tilespmem:$0xF140] =	vst v16  }
0x39: {  	[tilespmem:$0xF150] =	vst v16  }
0x3a: {  	[tilespmem:$0xF160] =	vst v16  }
0x3b: {  	[tilespmem:$0xF170] =	vst v16  }
0x3c: {  	[tilespmem:$0xF180] =	vst v16  }
0x3d: {  	[tilespmem:$0xF190] =	vst v16  }
0x3e: {  	[tilespmem:$0xF1A0] =	vst v16  }
0x3f: {  	[tilespmem:$0xF1B0] =	vst v16  }
0x40: {  	[tilespmem:$0xF1C0] =	vst v16  }
0x41: {  	[tilespmem:$0xF1D0] =	vst v16  }
0x42: {  	[tilespmem:$0xF1E0] =	vst v16  }
0x43: {  	[tilespmem:$0xF1F0] =	vst v16  }
0x44: {  	[tilespmem:$0xF200] =	vst v16  }
0x45: {  	[tilespmem:$0xF210] =	vst v16  }
0x46: {  	[tilespmem:$0xF220] =	vst v16  }
0x47: {  	[tilespmem:$0xF230] =	vst v16  }
0x48: {  	[tilespmem:$0xF240] =	vst v16  }
0x49: {  	[tilespmem:$0xF250] =	vst v16  }
0x4a: {  	[tilespmem:$0xF260] =	vst v16  }
0x4b: {  	[tilespmem:$0xF270] =	vst v16  }
0x4c: {  	[tilespmem:$0xF280] =	vst v16  }
0x4d: {  	[tilespmem:$0xF290] =	vst v16  }
0x4e: {  	[tilespmem:$0xF2A0] =	vst v16  }
0x4f: {  	[tilespmem:$0xF2B0] =	vst v16  }
0x50: {  	[tilespmem:$0xF2C0] =	vst v16  }
0x51: {  	[tilespmem:$0xF2D0] =	vst v16  }
0x52: {  	[tilespmem:$0xF2E0] =	vst v16  }
0x53: {  	[tilespmem:$0xF2F0] =	vst v16  }
0x54: {  	[tilespmem:s4], [sflag:$0x3] =	stream.linear.gather [hbm4b:s11+s4], $0x4E80, $0x38;
	[tilespmem:$0xFF80] =	vst v63  }
0x55: {  	_ =	swait.ge [sflag:s14], $0x4E80  }
0x56: {  	[sflag:s14] =	ssyncset.done $0x0  }
0x57: {  	[sflag:s14] =	ssyncadd.s32 $0xFFFFB180  }
0x58: {  	[tilespmem:s15], [sflag:$0x3] =	stream.linear.gather [hbm4b:s13+s4], $0x4E80, $0x38;
	[tilespmem:$0xFF80] =	vst v63  }
0x59: {  	_ =	swait.ge [sflag:s14], $0x4E80  }
0x5a: {  	[sflag:s14] =	ssyncset.done $0x0  }
0x5b: {  	[sflag:s14] =	ssyncadd.s32 $0xFFFFB180  }
0x5c: {  	[spmem:s5] =	stream.linear.scatter [tilespmem:s16], [sflag:$0x3], $0x280, $0x38;
	[tilespmem:$0xFF80] =	vst v63  }
0x5d: {  	_ =	swait.ge [sflag:s14], $0x280  }
0x5e: {  	[sflag:s14] =	ssyncset.done $0x0  }
0x5f: {  	[sflag:s14] =	ssyncadd.s32 $0xFFFFFD80  }
0x60: {  	s25 =	simm.s32 $0x0;
	[bflag:$0x0] =	sbarrier.arrive $0xFFFF  }
.LBB2_2:
0x61: {  	p0 =	sne.s32 s25, $0x13800  }
.Ltmp0:
0x62: {  	_ = 	snop;
	(pc) =	sbr.rel @p0 .LBB2_2-.Ltmp0, $4  }
0x63: {  	_ = 	snop  }
0x64: {  	s26 =	sshra.s32 s25, $0x2  }
0x65: {  	s25 =	sadd.s32 $0x200, s25;
	s26 =	sadd.s32 $0x5000, s26  }
0x66: {  	[spmem:s1] =	stream.indirect.scatter.add.f32 [tilespmem:s18], [sflag:$0x2], $0x1, s26, s17, $0xb8;
	[tilespmem:$0xFF80] =	vst v63  }
0x67: {  	_ =	swait.ge [sflag:s19], $0x80  }
0x68: {  	s25 =	simm.s32 $0x9C;
	[sflag:s19] =	ssyncset.done $0x0  }
.LBB2_4:
0x69: {  	p0 =	sne.s32 s25, $0x1;
	s25 =	sadd.s32 $0xFFFFFFFF, s25;
	[sflag:s19] =	ssyncadd.s32 $0xFFFFFF80  }
.Ltmp1:
0x6a: {  	(pc) =	sbr.rel @p0 .LBB2_4-.Ltmp1, $3  }
0x6b: {  	_ =	sdelay $0x1  }
0x6c: {  	_ =	swait.ge [sflag:s19], $0x80  }
0x6d: {  	[sflag:s19] =	ssyncset.done $0x0  }
0x6e: {  	[sflag:s19] =	ssyncadd.s32 $0xFFFFFF80  }
0x6f: {  	[bflag:$0x0] =	sbarrier.arrive $0xFFFF  }
0x70: {  	[tilespmem:s20], [sflag:$0x3] =	stream.linear.gather [spmem:s5], $0x280, $0x38;
	[tilespmem:$0xFF80] =	vst v63  }
0x71: {  	_ =	swait.ge [sflag:s14], $0x280  }
0x72: {  	[sflag:s14] =	ssyncset.done $0x0  }
0x73: {  	[sflag:s14] =	ssyncadd.s32 $0xFFFFFD80  }
0x74: {  	v17 =	vld [tilespmem:$0xF300];
	_ =	sdelay $0x2  }
0x75: {  	v18 =	vld [tilespmem:$0xF310];
	_ =	sdelay $0x1  }
0x76: {  	v17 =	vmax.f32 v17, $1.000000000e+00  }
0x77: {  	(erf) = vrcp.f32 v17;
	v17 =	vld [tilespmem:$0xF320];
	_ =	sdelay $0x1  }
0x78: {  	v18 =	vmax.f32 v18, $1.000000000e+00  }
0x79: {  	(erf) = vrcp.f32 v18;
	v18 =	vld [tilespmem:$0xF330];
	_ =	sdelay $0x1  }
0x7a: {  	v17 =	vmax.f32 v17, $1.000000000e+00  }
0x7b: {  	(erf) = vrcp.f32 v17;
	v17 =	vld [tilespmem:$0xF340];
	_ =	sdelay $0x1  }
0x7c: {  	v18 =	vmax.f32 v18, $1.000000000e+00  }
0x7d: {  	(erf) = vrcp.f32 v18;
	v18 =	vld [tilespmem:$0xF350]  }
0x7e: {  	v19 =	vpop (erf)  }
0x7f: {  	[tilespmem:$0xF580] =	vst v19;
	v17 =	vmax.f32 v17, $1.000000000e+00  }
0x80: {  	[tilespmem:$0xF800] =	vst v19;
	v19 =	vpop (erf);
	(erf) = vrcp.f32 v17;
	v17 =	vld [tilespmem:$0xF360];
	_ =	sdelay $0x1  }
0x81: {  	[tilespmem:$0xF590] =	vst v19;
	v18 =	vmax.f32 v18, $1.000000000e+00  }
0x82: {  	[tilespmem:$0xF810] =	vst v19;
	v19 =	vpop (erf);
	(erf) = vrcp.f32 v18;
	v18 =	vld [tilespmem:$0xF370];
	_ =	sdelay $0x1  }
0x83: {  	[tilespmem:$0xF5A0] =	vst v19;
	v17 =	vmax.f32 v17, $1.000000000e+00  }
0x84: {  	[tilespmem:$0xF820] =	vst v19;
	v19 =	vpop (erf);
	(erf) = vrcp.f32 v17;
	v17 =	vld [tilespmem:$0xF380];
	_ =	sdelay $0x1  }
0x85: {  	[tilespmem:$0xF5B0] =	vst v19;
	v18 =	vmax.f32 v18, $1.000000000e+00  }
0x86: {  	[tilespmem:$0xF830] =	vst v19;
	v19 =	vpop (erf);
	(erf) = vrcp.f32 v18;
	v18 =	vld [tilespmem:$0xF390];
	_ =	sdelay $0x1  }
0x87: {  	[tilespmem:$0xF5C0] =	vst v19;
	v17 =	vmax.f32 v17, $1.000000000e+00  }
0x88: {  	[tilespmem:$0xF840] =	vst v19;
	v19 =	vpop (erf);
	(erf) = vrcp.f32 v17;
	v17 =	vld [tilespmem:$0xF3A0];
	_ =	sdelay $0x1  }
0x89: {  	[tilespmem:$0xF5D0] =	vst v19;
	v18 =	vmax.f32 v18, $1.000000000e+00  }
0x8a: {  	[tilespmem:$0xF850] =	vst v19;
	v19 =	vpop (erf);
	(erf) = vrcp.f32 v18;
	v18 =	vld [tilespmem:$0xF3B0];
	_ =	sdelay $0x1  }
0x8b: {  	[tilespmem:$0xF5E0] =	vst v19;
	v17 =	vmax.f32 v17, $1.000000000e+00  }
0x8c: {  	[tilespmem:$0xF860] =	vst v19;
	v19 =	vpop (erf);
	(erf) = vrcp.f32 v17;
	v17 =	vld [tilespmem:$0xF3C0];
	_ =	sdelay $0x1  }
0x8d: {  	[tilespmem:$0xF5F0] =	vst v19;
	v18 =	vmax.f32 v18, $1.000000000e+00  }
0x8e: {  	[tilespmem:$0xF870] =	vst v19;
	v19 =	vpop (erf);
	(erf) = vrcp.f32 v18;
	v18 =	vld [tilespmem:$0xF3D0];
	_ =	sdelay $0x1  }
0x8f: {  	[tilespmem:$0xF600] =	vst v19;
	v17 =	vmax.f32 v17, $1.000000000e+00  }
0x90: {  	[tilespmem:$0xF880] =	vst v19;
	v19 =	vpop (erf);
	(erf) = vrcp.f32 v17;
	v17 =	vld [tilespmem:$0xF3E0];
	_ =	sdelay $0x1  }
0x91: {  	[tilespmem:$0xF610] =	vst v19;
	v18 =	vmax.f32 v18, $1.000000000e+00  }
0x92: {  	[tilespmem:$0xF890] =	vst v19;
	v19 =	vpop (erf);
	(erf) = vrcp.f32 v18;
	v18 =	vld [tilespmem:$0xF3F0];
	_ =	sdelay $0x1  }
0x93: {  	[tilespmem:$0xF620] =	vst v19;
	v17 =	vmax.f32 v17, $1.000000000e+00  }
0x94: {  	[tilespmem:$0xF8A0] =	vst v19;
	v19 =	vpop (erf);
	(erf) = vrcp.f32 v17;
	v17 =	vld [tilespmem:$0xF400];
	_ =	sdelay $0x1  }
0x95: {  	[tilespmem:$0xF630] =	vst v19;
	v18 =	vmax.f32 v18, $1.000000000e+00  }
0x96: {  	[tilespmem:$0xF8B0] =	vst v19;
	v19 =	vpop (erf);
	(erf) = vrcp.f32 v18;
	v18 =	vld [tilespmem:$0xF410];
	_ =	sdelay $0x1  }
0x97: {  	[tilespmem:$0xF640] =	vst v19;
	v17 =	vmax.f32 v17, $1.000000000e+00  }
0x98: {  	[tilespmem:$0xF8C0] =	vst v19;
	v19 =	vpop (erf);
	(erf) = vrcp.f32 v17;
	v17 =	vld [tilespmem:$0xF420];
	_ =	sdelay $0x1  }
0x99: {  	[tilespmem:$0xF650] =	vst v19;
	v18 =	vmax.f32 v18, $1.000000000e+00  }
0x9a: {  	[tilespmem:$0xF8D0] =	vst v19;
	v19 =	vpop (erf);
	(erf) = vrcp.f32 v18;
	v18 =	vld [tilespmem:$0xF430];
	_ =	sdelay $0x1  }
0x9b: {  	[tilespmem:$0xF660] =	vst v19;
	v17 =	vmax.f32 v17, $1.000000000e+00  }
0x9c: {  	[tilespmem:$0xF8E0] =	vst v19;
	v19 =	vpop (erf);
	(erf) = vrcp.f32 v17;
	v17 =	vld [tilespmem:$0xF440];
	_ =	sdelay $0x1  }
0x9d: {  	[tilespmem:$0xF670] =	vst v19;
	v18 =	vmax.f32 v18, $1.000000000e+00  }
0x9e: {  	[tilespmem:$0xF8F0] =	vst v19;
	v19 =	vpop (erf);
	(erf) = vrcp.f32 v18;
	v18 =	vld [tilespmem:$0xF450];
	_ =	sdelay $0x1  }
0x9f: {  	[tilespmem:$0xF680] =	vst v19;
	v17 =	vmax.f32 v17, $1.000000000e+00  }
0xa0: {  	[tilespmem:$0xF900] =	vst v19;
	v19 =	vpop (erf);
	(erf) = vrcp.f32 v17;
	v17 =	vld [tilespmem:$0xF460];
	_ =	sdelay $0x1  }
0xa1: {  	[tilespmem:$0xF690] =	vst v19;
	v18 =	vmax.f32 v18, $1.000000000e+00  }
0xa2: {  	[tilespmem:$0xF910] =	vst v19;
	v19 =	vpop (erf);
	(erf) = vrcp.f32 v18;
	v18 =	vld [tilespmem:$0xF470]  }
0xa3: {  	[tilespmem:$0xF300] =	vst v0  }
0xa4: {  	[tilespmem:$0xF6A0] =	vst v19;
	v17 =	vmax.f32 v17, $1.000000000e+00  }
0xa5: {  	[tilespmem:$0xF920] =	vst v19;
	v19 =	vpop (erf);
	(erf) = vrcp.f32 v17  }
0xa6: {  	[tilespmem:$0xF310] =	vst v0;
	v17 =	vld [tilespmem:$0xF480]  }
0xa7: {  	[tilespmem:$0xF6B0] =	vst v19;
	v18 =	vmax.f32 v18, $1.000000000e+00  }
0xa8: {  	[tilespmem:$0xF930] =	vst v19;
	v19 =	vpop (erf);
	(erf) = vrcp.f32 v18;
	v18 =	vld [tilespmem:$0xF490]  }
0xa9: {  	v20 =	vld [tilespmem:$0xF4F0];
	[tilespmem:$0xF4F0] =	vst v7  }
0xaa: {  	v61 =	vld [tilespmem:$0xF510];
	[tilespmem:$0xF510] =	vst v9  }
0xab: {  	[tilespmem:$0xF6C0] =	vst v19;
	v17 =	vmax.f32 v17, $1.000000000e+00  }
0xac: {  	[tilespmem:$0xF940] =	vst v19;
	v19 =	vpop (erf);
	(erf) = vrcp.f32 v17  }
0xad: {  	v17 =	vld [tilespmem:$0xF4A0];
	[tilespmem:$0xF6D0] =	vst v19;
	v18 =	vmax.f32 v18, $1.000000000e+00  }
0xae: {  	[tilespmem:$0xF950] =	vst v19;
	v19 =	vpop (erf);
	(erf) = vrcp.f32 v18  }
0xaf: {  	[tilespmem:$0xF320] =	vst v0  }
0xb0: {  	[tilespmem:$0xF330] =	vst v0  }
0xb1: {  	[tilespmem:$0xF340] =	vst v0;
	v18 =	vld [tilespmem:$0xF4B0]  }
0xb2: {  	[tilespmem:$0xF6E0] =	vst v19;
	v17 =	vmax.f32 v17, $1.000000000e+00  }
0xb3: {  	[tilespmem:$0xF960] =	vst v19;
	v19 =	vpop (erf);
	(erf) = vrcp.f32 v17  }
0xb4: {  	[tilespmem:$0xF6F0] =	vst v19  }
0xb5: {  	[tilespmem:$0xF970] =	vst v19;
	v19 =	vpop (erf)  }
0xb6: {  	v17 =	vld [tilespmem:$0xF4C0];
	v18 =	vmax.f32 v18, $1.000000000e+00;
	[tilespmem:$0xF700] =	vst v19  }
0xb7: {  	(erf) = vrcp.f32 v18;
	v18 =	vld [tilespmem:$0xF4D0];
	[tilespmem:$0xF980] =	vst v19;
	v19 =	vpop (erf)  }
0xb8: {  	[tilespmem:$0xF710] =	vst v19;
	v19 =	vmul.f32 v19, v1  }
0xb9: {  	[tilespmem:$0xF350] =	vst v0  }
0xba: {  	[tilespmem:$0xF360] =	vst v0  }
0xbb: {  	[tilespmem:$0xF370] =	vst v0;
	v17 =	vmax.f32 v17, $1.000000000e+00  }
0xbc: {  	(erf) = vrcp.f32 v17;
	v17 =	vld [tilespmem:$0xF4E0];
	v18 =	vmax.f32 v18, $1.000000000e+00;
	[tilespmem:$0xF990] =	vst v19;
	v19 =	vpop (erf)  }
0xbd: {  	[tilespmem:$0xF380] =	vst v0;
	(erf) = vrcp.f32 v18;
	v18 =	vmul.f32 v19, v2  }
0xbe: {  	[tilespmem:$0xF390] =	vst v0  }
0xbf: {  	[tilespmem:$0xF3A0] =	vst v0  }
0xc0: {  	[tilespmem:$0xF3B0] =	vst v0  }
0xc1: {  	v17 =	vmax.f32 v17, $1.000000000e+00;
	[tilespmem:$0xF9A0] =	vst v18;
	v18 =	vpop (erf)  }
0xc2: {  	[tilespmem:$0xF3C0] =	vst v0;
	(erf) = vrcp.f32 v17;
	v17 =	vmul.f32 v18, v3  }
0xc3: {  	[tilespmem:$0xF3D0] =	vst v0  }
0xc4: {  	[tilespmem:$0xF720] =	vst v19;
	v19 =	vld [tilespmem:$0xF500]  }
0xc5: {  	[tilespmem:$0xF3E0] =	vst v0  }
0xc6: {  	[tilespmem:$0xF9B0] =	vst v17;
	v17 =	vpop (erf)  }
0xc7: {  	[tilespmem:$0xF740] =	vst v17;
	v17 =	vmul.f32 v17, v4  }
0xc8: {  	[tilespmem:$0xF730] =	vst v18;
	v18 =	vmax.f32 v20, $1.000000000e+00  }
0xc9: {  	[tilespmem:$0xF3F0] =	vst v0;
	(erf) = vrcp.f32 v18;
	v18 =	vmax.f32 v19, $1.000000000e+00  }
0xca: {  	[tilespmem:$0xF400] =	vst v0;
	v19 =	vld [tilespmem:$0xF520];
	(erf) = vrcp.f32 v18;
	v18 =	vmax.f32 v61, $1.000000000e+00  }
0xcb: {  	[tilespmem:$0xF9C0] =	vst v17;
	v17 =	vpop (erf);
	(erf) = vrcp.f32 v18;
	v18 =	vld [tilespmem:$0xF530]  }
0xcc: {  	[tilespmem:$0xF750] =	vst v17;
	v17 =	vmul.f32 v17, v5  }
0xcd: {  	[tilespmem:$0xF410] =	vst v0  }
0xce: {  	[tilespmem:$0xF420] =	vst v0  }
0xcf: {  	[tilespmem:$0xF430] =	vst v0  }
0xd0: {  	v19 =	vmax.f32 v19, $1.000000000e+00;
	[tilespmem:$0xF9D0] =	vst v17;
	v17 =	vpop (erf);
	v18 =	vmax.f32 v18, $1.000000000e+00  }
0xd1: {  	(erf) = vrcp.f32 v19;
	[tilespmem:$0xF760] =	vst v17;
	v17 =	vmul.f32 v17, v6  }
0xd2: {  	[tilespmem:$0xF440] =	vst v0;
	v62 =	vpop (erf)  }
0xd3: {  	(erf) = vrcp.f32 v18;
	[tilespmem:$0xF9E0] =	vst v17;
	v17 =	vmul.f32 v62, v7;
	v18 =	vpop (erf)  }
0xd4: {  	v19 =	vld [tilespmem:$0xF540];
	[tilespmem:$0xF780] =	vst v18;
	v18 =	vmul.f32 v18, v8  }
0xd5: {  	v63 =	vpop (erf);
	[tilespmem:$0xF9F0] =	vst v17;
	v17 =	vld [tilespmem:$0xF550]  }
0xd6: {  	[tilespmem:$0xFA00] =	vst v18;
	v18 =	vmul.f32 v63, v9  }
0xd7: {  	[tilespmem:$0xF450] =	vst v0  }
0xd8: {  	[tilespmem:$0xF460] =	vst v0  }
0xd9: {  	[tilespmem:$0xF470] =	vst v0;
	v19 =	vmax.f32 v19, $1.000000000e+00  }
0xda: {  	(erf) = vrcp.f32 v19;
	[tilespmem:$0xFA10] =	vst v18;
	v18 =	vpop (erf);
	v17 =	vmax.f32 v17, $1.000000000e+00  }
0xdb: {  	[tilespmem:$0xF480] =	vst v0;
	(erf) = vrcp.f32 v17;
	v17 =	vmul.f32 v18, v10  }
0xdc: {  	[tilespmem:$0xF490] =	vst v1  }
0xdd: {  	[tilespmem:$0xF4A0] =	vst v2  }
0xde: {  	[tilespmem:$0xF4B0] =	vst v3  }
0xdf: {  	v19 =	vld [tilespmem:$0xF560];
	[tilespmem:$0xFA20] =	vst v17;
	v17 =	vpop (erf)  }
0xe0: {  	[tilespmem:$0xF7B0] =	vst v17;
	v17 =	vmul.f32 v17, v11  }
0xe1: {  	[tilespmem:$0xF4C0] =	vst v4  }
0xe2: {  	[tilespmem:$0xF4D0] =	vst v5  }
0xe3: {  	[tilespmem:$0xF7A0] =	vst v18  }
0xe4: {  	v18 =	vld [tilespmem:$0xF570];
	v19 =	vmax.f32 v19, $1.000000000e+00;
	[tilespmem:$0xFA30] =	vst v17;
	v17 =	vpop (erf)  }
0xe5: {  	(erf) = vrcp.f32 v19;
	[tilespmem:$0xF7C0] =	vst v17;
	v17 =	vmul.f32 v17, v12  }
0xe6: {  	[tilespmem:$0xF4E0] =	vst v6  }
0xe7: {  	[tilespmem:$0xF500] =	vst v8  }
0xe8: {  	[tilespmem:$0xF520] =	vst v10  }
0xe9: {  	v18 =	vmax.f32 v18, $1.000000000e+00;
	[tilespmem:$0xFA40] =	vst v17;
	v17 =	vpop (erf)  }
0xea: {  	(erf) = vrcp.f32 v18;
	[tilespmem:$0xF7D0] =	vst v17;
	v17 =	vmul.f32 v17, v13  }
0xeb: {  	[tilespmem:$0xF530] =	vst v11  }
0xec: {  	[tilespmem:$0xF540] =	vst v12  }
0xed: {  	[tilespmem:$0xF770] =	vst v62  }
0xee: {  	[tilespmem:$0xFA50] =	vst v17;
	v17 =	vpop (erf)  }
0xef: {  	[tilespmem:$0xF7E0] =	vst v17;
	v17 =	vmul.f32 v17, v14  }
0xf0: {  	[tilespmem:$0xF790] =	vst v63  }
0xf1: {  	[tilespmem:$0xF550] =	vst v13  }
0xf2: {  	[tilespmem:$0xF560] =	vst v14  }
0xf3: {  	[tilespmem:$0xFA60] =	vst v17;
	v17 =	vpop (erf)  }
0xf4: {  	[tilespmem:$0xF7F0] =	vst v17;
	v17 =	vmul.f32 v17, v15  }
0xf5: {  	[tilespmem:$0xF570] =	vst v15  }
0xf6: {  	[tilespmem:$0xFA70] =	vst v17  }
0xf7: {  	[hbm4b:s6+s17] =	stream.strided.scatter [tilespmem:s20], [sflag:$0x3], $0x280, s21, s17, $0x38;
	[tilespmem:$0xFF80] =	vst v63  }
0xf8: {  	_ =	swait.ge [sflag:s14], $0x280  }
0xf9: {  	[sflag:s14] =	ssyncset.done $0x0  }
0xfa: {  	[sflag:s14] =	ssyncadd.s32 $0xFFFFFD80  }
0xfb: {  	[spmem:s7] =	stream.linear.scatter [tilespmem:s22], [sflag:$0x3], $0x280, $0x38;
	[tilespmem:$0xFF80] =	vst v63  }
0xfc: {  	_ =	swait.ge [sflag:s14], $0x280  }
0xfd: {  	[sflag:s14] =	ssyncset.done $0x0  }
0xfe: {  	[sflag:s14] =	ssyncadd.s32 $0xFFFFFD80  }
0xff: {  	[spmem:s5] =	stream.linear.scatter [tilespmem:s16], [sflag:$0x3], $0x280, $0x38;
	[tilespmem:$0xFF80] =	vst v63  }
0x100: {  	_ =	swait.ge [sflag:s14], $0x280  }
0x101: {  	[sflag:s14] =	ssyncset.done $0x0  }
0x102: {  	[sflag:s14] =	ssyncadd.s32 $0xFFFFFD80  }
0x103: {  	s25 =	simm.s32 $0x0;
	[bflag:$0x0] =	sbarrier.arrive $0xFFFF  }
.LBB2_6:
0x104: {  	p0 =	sne.s32 s25, $0x13800  }
.Ltmp2:
0x105: {  	_ = 	snop;
	(pc) =	sbr.rel @p0 .LBB2_6-.Ltmp2, $4  }
0x106: {  	_ = 	snop  }
0x107: {  	s26 =	sshra.s32 s25, $0x2  }
0x108: {  	s25 =	sadd.s32 $0x200, s25;
	s28 =	sadd.s32 $0xA000, s26;
	s26 =	sadd.s32 $0x5000, s26  }
0x109: {  	[tilespmem:s28], [sflag:$0x1] =	stream.indirect.gather [spmem:s2], $0x1, s26, s17, $0xb8;
	[tilespmem:$0xFF80] =	vst v63  }
0x10a: {  	s25 =	simm.s32 $0x9D  }
.LBB2_8:
0x10b: {  	p0 =	sne.s32 s25, $0x1  }
.Ltmp3:
0x10c: {  	_ = 	snop;
	(pc) =	sbr.rel @p0 .LBB2_8-.Ltmp3, $4  }
0x10d: {  	_ = 	snop  }
0x10e: {  	_ =	swait.ge [sflag:s23], $0x80  }
0x10f: {  	[sflag:s23] =	ssyncset.done $0x0  }
0x110: {  	s25 =	sadd.s32 $0xFFFFFFFF, s25;
	[sflag:s23] =	ssyncadd.s32 $0xFFFFFF80  }
0x111: {  	s25 =	simm.s32 $0x0  }
.LBB2_10:
0x112: {  	p0 =	sne.s32 s25, $0x13800  }
.Ltmp4:
0x113: {  	_ = 	snop;
	(pc) =	sbr.rel @p0 .LBB2_10-.Ltmp4, $4  }
0x114: {  	_ = 	snop  }
0x115: {  	s26 =	sshra.s32 s25, $0x2  }
0x116: {  	s25 =	sadd.s32 $0x200, s25;
	s28 =	sadd.s32 $0xA000, s26  }
0x117: {  	[spmem:s1] =	stream.indirect.scatter.add.f32 [tilespmem:s28], [sflag:$0x2], $0x1, s26, s17, $0xb8;
	[tilespmem:$0xFF80] =	vst v63  }
0x118: {  	_ =	swait.ge [sflag:s19], $0x80  }
0x119: {  	s25 =	simm.s32 $0x9C;
	[sflag:s19] =	ssyncset.done $0x0  }
.LBB2_12:
0x11a: {  	p0 =	sne.s32 s25, $0x1;
	s25 =	sadd.s32 $0xFFFFFFFF, s25;
	[sflag:s19] =	ssyncadd.s32 $0xFFFFFF80  }
.Ltmp5:
0x11b: {  	(pc) =	sbr.rel @p0 .LBB2_12-.Ltmp5, $3  }
0x11c: {  	_ =	sdelay $0x1  }
0x11d: {  	_ =	swait.ge [sflag:s19], $0x80  }
0x11e: {  	[sflag:s19] =	ssyncset.done $0x0  }
0x11f: {  	[sflag:s19] =	ssyncadd.s32 $0xFFFFFF80  }
0x120: {  	[bflag:$0x0] =	sbarrier.arrive $0xFFFF  }
0x121: {  	[tilespmem:s20], [sflag:$0x3] =	stream.linear.gather [spmem:s5], $0x280, $0x38;
	[tilespmem:$0xFF80] =	vst v63  }
0x122: {  	_ =	swait.ge [sflag:s14], $0x280  }
0x123: {  	[sflag:s14] =	ssyncset.done $0x0  }
0x124: {  	[sflag:s14] =	ssyncadd.s32 $0xFFFFFD80  }
0x125: {  	[hbm4b:s8+s17] =	stream.strided.scatter [tilespmem:s20], [sflag:$0x3], $0x280, s21, s17, $0x38;
	[tilespmem:$0xFF80] =	vst v63  }
0x126: {  	_ =	swait.ge [sflag:s14], $0x280  }
0x127: {  	[sflag:s14] =	ssyncset.done $0x0  }
0x128: {  	[sflag:s14] =	ssyncadd.s32 $0xFFFFFD80  }
0x129: {  	v17 =	vld [tilespmem:$0xF300]  }
0x12a: {  	v18 =	vld [tilespmem:$0xF580]  }
0x12b: {  	v19 =	vld [tilespmem:$0xF310]  }
0x12c: {  	v20 =	vld [tilespmem:$0xF590]  }
0x12d: {  	v21 =	vld [tilespmem:$0xF320]  }
0x12e: {  	v22 =	vld [tilespmem:$0xF5A0]  }
0x12f: {  	v23 =	vld [tilespmem:$0xF330]  }
0x130: {  	v24 =	vld [tilespmem:$0xF5B0]  }
0x131: {  	v25 =	vld [tilespmem:$0xF340]  }
0x132: {  	v26 =	vld [tilespmem:$0xF5C0]  }
0x133: {  	v27 =	vld [tilespmem:$0xF350]  }
0x134: {  	v28 =	vld [tilespmem:$0xF5D0]  }
0x135: {  	v29 =	vld [tilespmem:$0xF360]  }
0x136: {  	v30 =	vld [tilespmem:$0xF5E0]  }
0x137: {  	v31 =	vld [tilespmem:$0xF370]  }
0x138: {  	v32 =	vld [tilespmem:$0xF5F0]  }
0x139: {  	v33 =	vld [tilespmem:$0xF380]  }
0x13a: {  	v34 =	vld [tilespmem:$0xF600]  }
0x13b: {  	v35 =	vld [tilespmem:$0xF390]  }
0x13c: {  	v36 =	vld [tilespmem:$0xF610]  }
0x13d: {  	v37 =	vld [tilespmem:$0xF3A0]  }
0x13e: {  	v38 =	vld [tilespmem:$0xF620]  }
0x13f: {  	v39 =	vld [tilespmem:$0xF3B0]  }
0x140: {  	v40 =	vld [tilespmem:$0xF630]  }
0x141: {  	v41 =	vld [tilespmem:$0xF3C0]  }
0x142: {  	v42 =	vld [tilespmem:$0xF640]  }
0x143: {  	v43 =	vld [tilespmem:$0xF3D0]  }
0x144: {  	v44 =	vld [tilespmem:$0xF650]  }
0x145: {  	v45 =	vld [tilespmem:$0xF3E0]  }
0x146: {  	v46 =	vld [tilespmem:$0xF660]  }
0x147: {  	v47 =	vld [tilespmem:$0xF3F0]  }
0x148: {  	v48 =	vld [tilespmem:$0xF670]  }
0x149: {  	v49 =	vld [tilespmem:$0xF400]  }
0x14a: {  	v50 =	vld [tilespmem:$0xF680]  }
0x14b: {  	v51 =	vld [tilespmem:$0xF410]  }
0x14c: {  	v52 =	vld [tilespmem:$0xF690]  }
0x14d: {  	v53 =	vld [tilespmem:$0xF420]  }
0x14e: {  	v54 =	vld [tilespmem:$0xF6A0]  }
0x14f: {  	v55 =	vld [tilespmem:$0xF430]  }
0x150: {  	v56 =	vld [tilespmem:$0xF6B0]  }
0x151: {  	v57 =	vld [tilespmem:$0xF440]  }
0x152: {  	v58 =	vld [tilespmem:$0xF6C0]  }
0x153: {  	v59 =	vld [tilespmem:$0xF450]  }
0x154: {  	v60 =	vld [tilespmem:$0xF6D0]  }
0x155: {  	v61 =	vld [tilespmem:$0xF460]  }
0x156: {  	v62 =	vld [tilespmem:$0xF4C0];
	v17 =	vmul.f32 v18, v17  }
0x157: {  	v63 =	vld [tilespmem:$0xF740];
	v19 =	vmul.f32 v20, v19  }
0x158: {  	v18 =	vld [tilespmem:$0xF6E0];
	[tilespmem:$0xF800] =	vst v17;
	v17 =	vmul.f32 v22, v21  }
0x159: {  	v20 =	vld [tilespmem:$0xF470];
	[tilespmem:$0xF810] =	vst v19;
	v19 =	vmul.f32 v24, v23  }
0x15a: {  	v21 =	vld [tilespmem:$0xF6F0];
	[tilespmem:$0xF820] =	vst v17;
	v17 =	vmul.f32 v26, v25  }
0x15b: {  	v22 =	vld [tilespmem:$0xF480];
	[tilespmem:$0xF830] =	vst v19;
	v19 =	vmul.f32 v28, v27  }
0x15c: {  	v23 =	vld [tilespmem:$0xF700];
	[tilespmem:$0xF840] =	vst v17;
	v17 =	vmul.f32 v30, v29  }
0x15d: {  	v24 =	vld [tilespmem:$0xF490];
	[tilespmem:$0xF850] =	vst v19;
	v19 =	vmul.f32 v32, v31  }
0x15e: {  	v25 =	vld [tilespmem:$0xF710];
	[tilespmem:$0xF860] =	vst v17;
	v17 =	vmul.f32 v34, v33  }
0x15f: {  	v26 =	vld [tilespmem:$0xF4A0];
	[tilespmem:$0xF870] =	vst v19;
	v19 =	vmul.f32 v36, v35  }
0x160: {  	v27 =	vld [tilespmem:$0xF720];
	[tilespmem:$0xF880] =	vst v17;
	v17 =	vmul.f32 v38, v37  }
0x161: {  	v28 =	vld [tilespmem:$0xF4B0];
	[tilespmem:$0xF890] =	vst v19;
	v19 =	vmul.f32 v40, v39  }
0x162: {  	v29 =	vld [tilespmem:$0xF730];
	[tilespmem:$0xF8A0] =	vst v17;
	v17 =	vmul.f32 v42, v41  }
0x163: {  	[tilespmem:$0xF8B0] =	vst v19;
	v19 =	vmul.f32 v44, v43;
	v44 =	vld [tilespmem:$0xF4D0]  }
0x164: {  	[tilespmem:$0xF8C0] =	vst v17;
	v17 =	vmul.f32 v46, v45;
	v45 =	vld [tilespmem:$0xF750]  }
0x165: {  	[tilespmem:$0xF8D0] =	vst v19;
	v19 =	vmul.f32 v48, v47;
	v46 =	vld [tilespmem:$0xF4E0]  }
0x166: {  	v47 =	vld [tilespmem:$0xF760];
	[tilespmem:$0xF8E0] =	vst v17;
	v17 =	vmul.f32 v50, v49  }
0x167: {  	v48 =	vld [tilespmem:$0xF4F0];
	[tilespmem:$0xF8F0] =	vst v19;
	v19 =	vmul.f32 v52, v51  }
0x168: {  	v49 =	vld [tilespmem:$0xF770];
	[tilespmem:$0xF900] =	vst v17;
	v17 =	vmul.f32 v54, v53  }
0x169: {  	v50 =	vld [tilespmem:$0xF500];
	[tilespmem:$0xF910] =	vst v19;
	v19 =	vmul.f32 v56, v55  }
0x16a: {  	v51 =	vld [tilespmem:$0xF780];
	[tilespmem:$0xF920] =	vst v17;
	v17 =	vmul.f32 v58, v57  }
0x16b: {  	v52 =	vld [tilespmem:$0xF510];
	[tilespmem:$0xF930] =	vst v19;
	v19 =	vmul.f32 v60, v59  }
0x16c: {  	v53 =	vld [tilespmem:$0xF520];
	[tilespmem:$0xF940] =	vst v17;
	v17 =	vmul.f32 v18, v61  }
0x16d: {  	v54 =	vld [tilespmem:$0xF7A0];
	[tilespmem:$0xF950] =	vst v19;
	v19 =	vmul.f32 v21, v20  }
0x16e: {  	v55 =	vld [tilespmem:$0xF530];
	[tilespmem:$0xF960] =	vst v17;
	v17 =	vmul.f32 v23, v22  }
0x16f: {  	v56 =	vld [tilespmem:$0xF7B0];
	[tilespmem:$0xF970] =	vst v19;
	v19 =	vmul.f32 v25, v24  }
0x170: {  	v57 =	vld [tilespmem:$0xF540];
	[tilespmem:$0xF980] =	vst v17;
	v17 =	vmul.f32 v27, v26  }
0x171: {  	v18 =	vld [tilespmem:$0xF790];
	[tilespmem:$0xF990] =	vst v19;
	v19 =	vmul.f32 v29, v28  }
0x172: {  	v58 =	vld [tilespmem:$0xF7C0];
	[tilespmem:$0xF9A0] =	vst v17;
	v17 =	vmul.f32 v63, v62  }
0x173: {  	v59 =	vld [tilespmem:$0xF550];
	[tilespmem:$0xF9B0] =	vst v19;
	v19 =	vmul.f32 v45, v44  }
0x174: {  	v60 =	vld [tilespmem:$0xF7D0];
	[tilespmem:$0xF9C0] =	vst v17;
	v17 =	vmul.f32 v47, v46  }
0x175: {  	v61 =	vld [tilespmem:$0xF560];
	[tilespmem:$0xF9D0] =	vst v19;
	v19 =	vmul.f32 v49, v48  }
0x176: {  	v18 =	vmul.f32 v18, v52;
	v63 =	vld [tilespmem:$0xF7F0];
	[tilespmem:$0xF9E0] =	vst v17  }
0x177: {  	v17 =	vmul.f32 v51, v50;
	[tilespmem:$0xF9F0] =	vst v19;
	v19 =	vld [tilespmem:$0xF570]  }
0x178: {  	v62 =	vld [tilespmem:$0xF7E0];
	[tilespmem:$0xFA10] =	vst v18;
	v18 =	vmul.f32 v56, v55  }
0x179: {  	[tilespmem:$0xFA00] =	vst v17;
	v17 =	vmul.f32 v54, v53  }
0x17a: {  	[tilespmem:$0xFA30] =	vst v18;
	v18 =	vmul.f32 v60, v59  }
0x17b: {  	[tilespmem:$0xFA20] =	vst v17;
	v17 =	vmul.f32 v58, v57  }
0x17c: {  	[tilespmem:$0xFA50] =	vst v18;
	v18 =	vmul.f32 v63, v19  }
0x17d: {  	[tilespmem:$0xFA40] =	vst v17;
	v17 =	vmul.f32 v62, v61  }
0x17e: {  	[tilespmem:$0xFA70] =	vst v18  }
0x17f: {  	[tilespmem:$0xFA60] =	vst v17  }
0x180: {  	[spmem:s7] =	stream.linear.scatter [tilespmem:s22], [sflag:$0x3], $0x280, $0x38;
	[tilespmem:$0xFF80] =	vst v63  }
0x181: {  	_ =	swait.ge [sflag:s14], $0x280  }
0x182: {  	[sflag:s14] =	ssyncset.done $0x0  }
0x183: {  	[sflag:s14] =	ssyncadd.s32 $0xFFFFFD80  }
0x184: {  	[spmem:s5] =	stream.linear.scatter [tilespmem:s16], [sflag:$0x3], $0x280, $0x38;
	[tilespmem:$0xFF80] =	vst v63  }
0x185: {  	_ =	swait.ge [sflag:s14], $0x280  }
0x186: {  	[sflag:s14] =	ssyncset.done $0x0  }
0x187: {  	[sflag:s14] =	ssyncadd.s32 $0xFFFFFD80  }
0x188: {  	s25 =	simm.s32 $0x0;
	[bflag:$0x0] =	sbarrier.arrive $0xFFFF  }
.LBB2_14:
0x189: {  	p0 =	sne.s32 s25, $0x13800  }
.Ltmp6:
0x18a: {  	_ = 	snop;
	(pc) =	sbr.rel @p0 .LBB2_14-.Ltmp6, $4  }
0x18b: {  	_ = 	snop  }
0x18c: {  	s26 =	sshra.s32 s25, $0x2  }
0x18d: {  	s25 =	sadd.s32 $0x200, s25;
	s28 =	sadd.s32 $0xA000, s26;
	s26 =	sadd.s32 $0x5000, s26  }
0x18e: {  	[tilespmem:s28], [sflag:$0x1] =	stream.indirect.gather [spmem:s2], $0x1, s26, s17, $0xb8;
	[tilespmem:$0xFF80] =	vst v63  }
0x18f: {  	s25 =	simm.s32 $0x9D  }
.LBB2_16:
0x190: {  	p0 =	sne.s32 s25, $0x1  }
.Ltmp7:
0x191: {  	_ = 	snop;
	(pc) =	sbr.rel @p0 .LBB2_16-.Ltmp7, $4  }
0x192: {  	_ = 	snop  }
0x193: {  	_ =	swait.ge [sflag:s23], $0x80  }
0x194: {  	[sflag:s23] =	ssyncset.done $0x0  }
0x195: {  	s25 =	sadd.s32 $0xFFFFFFFF, s25;
	[sflag:s23] =	ssyncadd.s32 $0xFFFFFF80  }
0x196: {  	s25 =	simm.s32 $0x0  }
.LBB2_18:
0x197: {  	p0 =	sne.s32 s25, $0x13800  }
.Ltmp8:
0x198: {  	_ = 	snop;
	(pc) =	sbr.rel @p0 .LBB2_18-.Ltmp8, $4  }
0x199: {  	_ = 	snop  }
0x19a: {  	s26 =	sshra.s32 s25, $0x2  }
0x19b: {  	s25 =	sadd.s32 $0x200, s25;
	s28 =	sadd.s32 $0xA000, s26  }
0x19c: {  	[spmem:s1] =	stream.indirect.scatter.add.f32 [tilespmem:s28], [sflag:$0x2], $0x1, s26, s17, $0xb8;
	[tilespmem:$0xFF80] =	vst v63  }
0x19d: {  	_ =	swait.ge [sflag:s19], $0x80  }
0x19e: {  	s25 =	simm.s32 $0x9C;
	[sflag:s19] =	ssyncset.done $0x0  }
.LBB2_20:
0x19f: {  	p0 =	sne.s32 s25, $0x1;
	s25 =	sadd.s32 $0xFFFFFFFF, s25;
	[sflag:s19] =	ssyncadd.s32 $0xFFFFFF80  }
.Ltmp9:
0x1a0: {  	(pc) =	sbr.rel @p0 .LBB2_20-.Ltmp9, $3  }
0x1a1: {  	_ =	sdelay $0x1  }
0x1a2: {  	_ =	swait.ge [sflag:s19], $0x80  }
0x1a3: {  	[sflag:s19] =	ssyncset.done $0x0  }
0x1a4: {  	[sflag:s19] =	ssyncadd.s32 $0xFFFFFF80  }
0x1a5: {  	[bflag:$0x0] =	sbarrier.arrive $0xFFFF  }
0x1a6: {  	[tilespmem:s20], [sflag:$0x3] =	stream.linear.gather [spmem:s5], $0x280, $0x38;
	[tilespmem:$0xFF80] =	vst v63  }
0x1a7: {  	_ =	swait.ge [sflag:s14], $0x280  }
0x1a8: {  	[sflag:s14] =	ssyncset.done $0x0  }
0x1a9: {  	[sflag:s14] =	ssyncadd.s32 $0xFFFFFD80  }
0x1aa: {  	[hbm4b:s9+s17] =	stream.strided.scatter [tilespmem:s20], [sflag:$0x3], $0x280, s21, s17, $0x38;
	[tilespmem:$0xFF80] =	vst v63  }
0x1ab: {  	_ =	swait.ge [sflag:s14], $0x280  }
0x1ac: {  	[sflag:s14] =	ssyncset.done $0x0  }
0x1ad: {  	[sflag:s14] =	ssyncadd.s32 $0xFFFFFD80  }
0x1ae: {  	v17 =	vld [tilespmem:$0xF300]  }
0x1af: {  	v18 =	vld [tilespmem:$0xF580]  }
0x1b0: {  	v19 =	vld [tilespmem:$0xF310]  }
0x1b1: {  	v20 =	vld [tilespmem:$0xF590]  }
0x1b2: {  	v21 =	vld [tilespmem:$0xF320]  }
0x1b3: {  	v22 =	vld [tilespmem:$0xF5A0]  }
0x1b4: {  	v23 =	vld [tilespmem:$0xF330]  }
0x1b5: {  	v24 =	vld [tilespmem:$0xF5B0]  }
0x1b6: {  	v25 =	vld [tilespmem:$0xF340]  }
0x1b7: {  	v26 =	vld [tilespmem:$0xF5C0]  }
0x1b8: {  	v27 =	vld [tilespmem:$0xF350]  }
0x1b9: {  	v28 =	vld [tilespmem:$0xF5D0]  }
0x1ba: {  	v29 =	vld [tilespmem:$0xF360]  }
0x1bb: {  	v30 =	vld [tilespmem:$0xF5E0]  }
0x1bc: {  	v31 =	vld [tilespmem:$0xF370]  }
0x1bd: {  	v32 =	vld [tilespmem:$0xF5F0]  }
0x1be: {  	v33 =	vld [tilespmem:$0xF380]  }
0x1bf: {  	v34 =	vld [tilespmem:$0xF600]  }
0x1c0: {  	v35 =	vld [tilespmem:$0xF390]  }
0x1c1: {  	v36 =	vld [tilespmem:$0xF610]  }
0x1c2: {  	v37 =	vld [tilespmem:$0xF3A0]  }
0x1c3: {  	v38 =	vld [tilespmem:$0xF620]  }
0x1c4: {  	v39 =	vld [tilespmem:$0xF3B0]  }
0x1c5: {  	v40 =	vld [tilespmem:$0xF630]  }
0x1c6: {  	v41 =	vld [tilespmem:$0xF3C0]  }
0x1c7: {  	v42 =	vld [tilespmem:$0xF640]  }
0x1c8: {  	v43 =	vld [tilespmem:$0xF3D0]  }
0x1c9: {  	v44 =	vld [tilespmem:$0xF650]  }
0x1ca: {  	v45 =	vld [tilespmem:$0xF3E0]  }
0x1cb: {  	v46 =	vld [tilespmem:$0xF660]  }
0x1cc: {  	v47 =	vld [tilespmem:$0xF3F0]  }
0x1cd: {  	v48 =	vld [tilespmem:$0xF670]  }
0x1ce: {  	v49 =	vld [tilespmem:$0xF400]  }
0x1cf: {  	v50 =	vld [tilespmem:$0xF680]  }
0x1d0: {  	v51 =	vld [tilespmem:$0xF410]  }
0x1d1: {  	v52 =	vld [tilespmem:$0xF690]  }
0x1d2: {  	v53 =	vld [tilespmem:$0xF420]  }
0x1d3: {  	v54 =	vld [tilespmem:$0xF6A0]  }
0x1d4: {  	v55 =	vld [tilespmem:$0xF430]  }
0x1d5: {  	v56 =	vld [tilespmem:$0xF6B0]  }
0x1d6: {  	v57 =	vld [tilespmem:$0xF440]  }
0x1d7: {  	v58 =	vld [tilespmem:$0xF6C0]  }
0x1d8: {  	v59 =	vld [tilespmem:$0xF450]  }
0x1d9: {  	v60 =	vld [tilespmem:$0xF6D0]  }
0x1da: {  	v61 =	vld [tilespmem:$0xF460]  }
0x1db: {  	v62 =	vld [tilespmem:$0xF4C0];
	v17 =	vmul.f32 v18, v17  }
0x1dc: {  	v63 =	vld [tilespmem:$0xF740];
	v19 =	vmul.f32 v20, v19  }
0x1dd: {  	v18 =	vld [tilespmem:$0xF6E0];
	[tilespmem:$0xF800] =	vst v17;
	v17 =	vmul.f32 v22, v21  }
0x1de: {  	v20 =	vld [tilespmem:$0xF470];
	[tilespmem:$0xF810] =	vst v19;
	v19 =	vmul.f32 v24, v23  }
0x1df: {  	v21 =	vld [tilespmem:$0xF6F0];
	[tilespmem:$0xF820] =	vst v17;
	v17 =	vmul.f32 v26, v25  }
0x1e0: {  	v22 =	vld [tilespmem:$0xF480];
	[tilespmem:$0xF830] =	vst v19;
	v19 =	vmul.f32 v28, v27  }
0x1e1: {  	v23 =	vld [tilespmem:$0xF700];
	[tilespmem:$0xF840] =	vst v17;
	v17 =	vmul.f32 v30, v29  }
0x1e2: {  	v24 =	vld [tilespmem:$0xF490];
	[tilespmem:$0xF850] =	vst v19;
	v19 =	vmul.f32 v32, v31  }
0x1e3: {  	v25 =	vld [tilespmem:$0xF710];
	[tilespmem:$0xF860] =	vst v17;
	v17 =	vmul.f32 v34, v33  }
0x1e4: {  	v26 =	vld [tilespmem:$0xF4A0];
	[tilespmem:$0xF870] =	vst v19;
	v19 =	vmul.f32 v36, v35  }
0x1e5: {  	v27 =	vld [tilespmem:$0xF720];
	[tilespmem:$0xF880] =	vst v17;
	v17 =	vmul.f32 v38, v37  }
0x1e6: {  	v28 =	vld [tilespmem:$0xF4B0];
	[tilespmem:$0xF890] =	vst v19;
	v19 =	vmul.f32 v40, v39  }
0x1e7: {  	v29 =	vld [tilespmem:$0xF730];
	[tilespmem:$0xF8A0] =	vst v17;
	v17 =	vmul.f32 v42, v41  }
0x1e8: {  	[tilespmem:$0xF8B0] =	vst v19;
	v19 =	vmul.f32 v44, v43;
	v44 =	vld [tilespmem:$0xF4D0]  }
0x1e9: {  	[tilespmem:$0xF8C0] =	vst v17;
	v17 =	vmul.f32 v46, v45;
	v45 =	vld [tilespmem:$0xF750]  }
0x1ea: {  	[tilespmem:$0xF8D0] =	vst v19;
	v19 =	vmul.f32 v48, v47;
	v46 =	vld [tilespmem:$0xF4E0]  }
0x1eb: {  	v47 =	vld [tilespmem:$0xF760];
	[tilespmem:$0xF8E0] =	vst v17;
	v17 =	vmul.f32 v50, v49  }
0x1ec: {  	v48 =	vld [tilespmem:$0xF4F0];
	[tilespmem:$0xF8F0] =	vst v19;
	v19 =	vmul.f32 v52, v51  }
0x1ed: {  	v49 =	vld [tilespmem:$0xF770];
	[tilespmem:$0xF900] =	vst v17;
	v17 =	vmul.f32 v54, v53  }
0x1ee: {  	v50 =	vld [tilespmem:$0xF500];
	[tilespmem:$0xF910] =	vst v19;
	v19 =	vmul.f32 v56, v55  }
0x1ef: {  	v51 =	vld [tilespmem:$0xF780];
	[tilespmem:$0xF920] =	vst v17;
	v17 =	vmul.f32 v58, v57  }
0x1f0: {  	v52 =	vld [tilespmem:$0xF510];
	[tilespmem:$0xF930] =	vst v19;
	v19 =	vmul.f32 v60, v59  }
0x1f1: {  	v53 =	vld [tilespmem:$0xF520];
	[tilespmem:$0xF940] =	vst v17;
	v17 =	vmul.f32 v18, v61  }
0x1f2: {  	v54 =	vld [tilespmem:$0xF7A0];
	[tilespmem:$0xF950] =	vst v19;
	v19 =	vmul.f32 v21, v20  }
0x1f3: {  	v55 =	vld [tilespmem:$0xF530];
	[tilespmem:$0xF960] =	vst v17;
	v17 =	vmul.f32 v23, v22  }
0x1f4: {  	v56 =	vld [tilespmem:$0xF7B0];
	[tilespmem:$0xF970] =	vst v19;
	v19 =	vmul.f32 v25, v24  }
0x1f5: {  	v57 =	vld [tilespmem:$0xF540];
	[tilespmem:$0xF980] =	vst v17;
	v17 =	vmul.f32 v27, v26  }
0x1f6: {  	v18 =	vld [tilespmem:$0xF790];
	[tilespmem:$0xF990] =	vst v19;
	v19 =	vmul.f32 v29, v28  }
0x1f7: {  	v58 =	vld [tilespmem:$0xF7C0];
	[tilespmem:$0xF9A0] =	vst v17;
	v17 =	vmul.f32 v63, v62  }
0x1f8: {  	v59 =	vld [tilespmem:$0xF550];
	[tilespmem:$0xF9B0] =	vst v19;
	v19 =	vmul.f32 v45, v44  }
0x1f9: {  	v60 =	vld [tilespmem:$0xF7D0];
	[tilespmem:$0xF9C0] =	vst v17;
	v17 =	vmul.f32 v47, v46  }
0x1fa: {  	v61 =	vld [tilespmem:$0xF560];
	[tilespmem:$0xF9D0] =	vst v19;
	v19 =	vmul.f32 v49, v48  }
0x1fb: {  	v18 =	vmul.f32 v18, v52;
	v63 =	vld [tilespmem:$0xF7F0];
	[tilespmem:$0xF9E0] =	vst v17  }
0x1fc: {  	v17 =	vmul.f32 v51, v50;
	[tilespmem:$0xF9F0] =	vst v19;
	v19 =	vld [tilespmem:$0xF570]  }
0x1fd: {  	v62 =	vld [tilespmem:$0xF7E0];
	[tilespmem:$0xFA10] =	vst v18;
	v18 =	vmul.f32 v56, v55  }
0x1fe: {  	[tilespmem:$0xFA00] =	vst v17;
	v17 =	vmul.f32 v54, v53  }
0x1ff: {  	[tilespmem:$0xFA30] =	vst v18;
	v18 =	vmul.f32 v60, v59  }
0x200: {  	[tilespmem:$0xFA20] =	vst v17;
	v17 =	vmul.f32 v58, v57  }
0x201: {  	[tilespmem:$0xFA50] =	vst v18;
	v18 =	vmul.f32 v63, v19  }
0x202: {  	[tilespmem:$0xFA40] =	vst v17;
	v17 =	vmul.f32 v62, v61  }
0x203: {  	[tilespmem:$0xFA70] =	vst v18  }
0x204: {  	[tilespmem:$0xFA60] =	vst v17  }
0x205: {  	[spmem:s7] =	stream.linear.scatter [tilespmem:s22], [sflag:$0x3], $0x280, $0x38;
	[tilespmem:$0xFF80] =	vst v63  }
0x206: {  	_ =	swait.ge [sflag:s14], $0x280  }
0x207: {  	[sflag:s14] =	ssyncset.done $0x0  }
0x208: {  	[sflag:s14] =	ssyncadd.s32 $0xFFFFFD80  }
0x209: {  	[spmem:s5] =	stream.linear.scatter [tilespmem:s16], [sflag:$0x3], $0x280, $0x38;
	[tilespmem:$0xFF80] =	vst v63  }
0x20a: {  	_ =	swait.ge [sflag:s14], $0x280  }
0x20b: {  	[sflag:s14] =	ssyncset.done $0x0  }
0x20c: {  	[sflag:s14] =	ssyncadd.s32 $0xFFFFFD80  }
0x20d: {  	s25 =	simm.s32 $0x0;
	[bflag:$0x0] =	sbarrier.arrive $0xFFFF  }
.LBB2_22:
0x20e: {  	p0 =	sne.s32 s25, $0x13800  }
.Ltmp10:
0x20f: {  	_ = 	snop;
	(pc) =	sbr.rel @p0 .LBB2_22-.Ltmp10, $4  }
0x210: {  	_ = 	snop  }
0x211: {  	s26 =	sshra.s32 s25, $0x2  }
0x212: {  	s25 =	sadd.s32 $0x200, s25;
	s28 =	sadd.s32 $0xA000, s26;
	s26 =	sadd.s32 $0x5000, s26  }
0x213: {  	[tilespmem:s28], [sflag:$0x1] =	stream.indirect.gather [spmem:s2], $0x1, s26, s17, $0xb8;
	[tilespmem:$0xFF80] =	vst v63  }
0x214: {  	s25 =	simm.s32 $0x9D  }
.LBB2_24:
0x215: {  	p0 =	sne.s32 s25, $0x1  }
.Ltmp11:
0x216: {  	_ = 	snop;
	(pc) =	sbr.rel @p0 .LBB2_24-.Ltmp11, $4  }
0x217: {  	_ = 	snop  }
0x218: {  	_ =	swait.ge [sflag:s23], $0x80  }
0x219: {  	[sflag:s23] =	ssyncset.done $0x0  }
0x21a: {  	s25 =	sadd.s32 $0xFFFFFFFF, s25;
	[sflag:s23] =	ssyncadd.s32 $0xFFFFFF80  }
0x21b: {  	s25 =	simm.s32 $0x0  }
.LBB2_26:
0x21c: {  	p0 =	sne.s32 s25, $0x13800  }
.Ltmp12:
0x21d: {  	_ = 	snop;
	(pc) =	sbr.rel @p0 .LBB2_26-.Ltmp12, $4  }
0x21e: {  	_ = 	snop  }
0x21f: {  	s26 =	sshra.s32 s25, $0x2  }
0x220: {  	s25 =	sadd.s32 $0x200, s25;
	s28 =	sadd.s32 $0xA000, s26  }
0x221: {  	[spmem:s1] =	stream.indirect.scatter.add.f32 [tilespmem:s28], [sflag:$0x2], $0x1, s26, s17, $0xb8;
	[tilespmem:$0xFF80] =	vst v63  }
0x222: {  	_ =	swait.ge [sflag:s19], $0x80  }
0x223: {  	s25 =	simm.s32 $0x9C;
	[sflag:s19] =	ssyncset.done $0x0  }
.LBB2_28:
0x224: {  	p0 =	sne.s32 s25, $0x1;
	s25 =	sadd.s32 $0xFFFFFFFF, s25;
	[sflag:s19] =	ssyncadd.s32 $0xFFFFFF80  }
.Ltmp13:
0x225: {  	(pc) =	sbr.rel @p0 .LBB2_28-.Ltmp13, $3  }
0x226: {  	_ =	sdelay $0x1  }
0x227: {  	_ =	swait.ge [sflag:s19], $0x80  }
0x228: {  	[sflag:s19] =	ssyncset.done $0x0  }
0x229: {  	[sflag:s19] =	ssyncadd.s32 $0xFFFFFF80  }
0x22a: {  	[bflag:$0x0] =	sbarrier.arrive $0xFFFF  }
0x22b: {  	[tilespmem:s20], [sflag:$0x3] =	stream.linear.gather [spmem:s5], $0x280, $0x38;
	[tilespmem:$0xFF80] =	vst v63  }
0x22c: {  	s24 =	sadd.s32 $0x1, s24;
	_ =	swait.ge [sflag:s14], $0x280  }
0x22d: {  	p0 =	sne.s32 s24, s12;
	[sflag:s14] =	ssyncset.done $0x0  }
.Ltmp14:
0x22e: {  	[sflag:s14] =	ssyncadd.s32 $0xFFFFFD80;
	(pc) =	sbr.rel @p0 .LBB2_1-.Ltmp14, $4  }
0x22f: {  	[hbm4b:s10+s17] =	stream.strided.scatter [tilespmem:s20], [sflag:$0x3], $0x280, s21, s17, $0x38;
	[tilespmem:$0xFF80] =	vst v63  }
0x230: {  	_ =	swait.ge [sflag:s14], $0x280  }
0x231: {  	[sflag:s14] =	ssyncset.done $0x0  }
0x232: {  	[sflag:s14] =	ssyncadd.s32 $0xFFFFFD80  }
0x233: {  	_ =	sfence.sel $0x180000  }
0x234: {  	[bflag:$0x0] =	sbarrier.arrive $0xFFFF  }
0x235: {  	p0 =	sne.s32 s3, $0x0;
	_ =	strace $0x90000047  }
0x236: {  	s0 =	sadd.s32 @!p0 $0x100000, s0;
	[bflag:$0x2] =	sbarrier.arrive $0xFFFF  }
0x237: {  	[sflag:s0] =	ssyncadd.tile.s32 @!p0 $0x1;
	_ =	shalt  }
.Lfunc_end2:
_tile_overlayer_lowered:
.L_overlay_start_2:
0x238: {  	(tag) =	ssettag $0x2  }
0x239: {  	s0 =	rddreg [dreg:$0x0];
	s2 =	stileid.u32  }
0x23a: {  	s1 =	rddreg [dreg:$0x1];
	p0 =	sne.s32 s2, $0x0  }
0x23b: {  	s3 =	rddreg [dreg:$0x2];
	[bflag:$0x3] =	sbarrier.arrive $0xFFFF;
	s2 =	simm.s32 @!p0 $0x1C03  }
0x23c: {  	[timem:s3], [sflag:s2] =	dma.local @!p0 [hbm:s0], s1  }
0x23d: {  	s0 =	simm.s32 @!p0 $0x3  }
0x23e: {  	_ =	swait.ge @!p0 [sflag:s0], s1  }
0x23f: {  	s1 =	ssub.s32 @!p0 $0x0, s1;
	[sflag:s0] =	ssyncset.done @!p0 $0x0  }
0x240: {  	[sflag:s0] =	ssyncadd.s32 @!p0 s1  }
0x241: {  	[bflag:$0x3] =	sbarrier.arrive $0xFFFF  }
0x242: {  	_ =	shalt  }

</sc_bundles>
